<compile_context>
chip_gen: v7x
topology: tpu7x:2x2x1
jax: 0.10.2.dev20260603
libtpu: 0.0.44.dev20260713+nightly
codegen_flags: <defaults>
</compile_context>

<pallas_src>
import functools

import jax
import jax.numpy as jnp
from jax import lax
from jax.experimental import pallas as pl
from jax.experimental.pallas import tpu as pltpu
from jax.experimental.pallas import tpu_sc as plsc

_BN = 1024
_BE = 1600
_NW = 32
_NT = 16
_CH = 128


def _rup(x, m):
    return (x + m - 1) // m * m



def _matmul_bias_body(x_ref, wt_ref, b_ref, o_ref):
    o_ref[...] = (jnp.dot(x_ref[...], wt_ref[...],
                          preferred_element_type=jnp.float32) + b_ref[...])


def _tc_matmul_bias(x, wt, b):
    n, d1 = x.shape
    d2 = wt.shape[1]
    bn = min(_BN, n)
    return pl.pallas_call(
        _matmul_bias_body,
        grid=(n // bn,),
        in_specs=[pl.BlockSpec((bn, d1), lambda i: (i, 0)),
                  pl.BlockSpec((d1, d2), lambda i: (0, 0)),
                  pl.BlockSpec((1, d2), lambda i: (0, 0))],
        out_specs=pl.BlockSpec((bn, d2), lambda i: (i, 0)),
        out_shape=jax.ShapeDtypeStruct((n, d2), jnp.float32),
    )(x, wt, b.reshape(1, -1))


def _edge_mlp_body_pre(pres_ref, pred_ref, ea_ref, w1et_ref, b1_ref, w2t_ref,
                       b2_ref, w3t_ref, b3_ref, w4t_ref, b4_ref, o_ref):
    x = (jnp.dot(ea_ref[...], w1et_ref[...], preferred_element_type=jnp.float32)
         + b1_ref[...] + pres_ref[...] + pred_ref[...])
    hh = jax.nn.relu(x)
    hh = jax.nn.relu(jnp.dot(hh, w2t_ref[...], preferred_element_type=jnp.float32)
                     + b2_ref[...])
    hh = jax.nn.relu(jnp.dot(hh, w3t_ref[...], preferred_element_type=jnp.float32)
                     + b3_ref[...])
    o_ref[...] = (jnp.dot(hh, w4t_ref[...], preferred_element_type=jnp.float32)
                  + b4_ref[...])


def _edge_mlp_body_nopre(ea_ref, w1et_ref, b1_ref, w2t_ref, b2_ref,
                         w3t_ref, b3_ref, w4t_ref, b4_ref, o_ref):
    x = (jnp.dot(ea_ref[...], w1et_ref[...], preferred_element_type=jnp.float32)
         + b1_ref[...])
    hh = jax.nn.relu(x)
    hh = jax.nn.relu(jnp.dot(hh, w2t_ref[...], preferred_element_type=jnp.float32)
                     + b2_ref[...])
    hh = jax.nn.relu(jnp.dot(hh, w3t_ref[...], preferred_element_type=jnp.float32)
                     + b3_ref[...])
    o_ref[...] = (jnp.dot(hh, w4t_ref[...], preferred_element_type=jnp.float32)
                  + b4_ref[...])


def _tc_edge_mlp(pres, pred, ea, w1et, b1, w2t, b2, w3t, b3, w4t, b4):
    e, ef = ea.shape
    msg = w1et.shape[1]
    be = min(_BE, e)
    grid = (e // be,)
    wspecs = [
        pl.BlockSpec((ef, msg), lambda i: (0, 0)),
        pl.BlockSpec((1, msg), lambda i: (0, 0)),
        pl.BlockSpec((msg, msg), lambda i: (0, 0)),
        pl.BlockSpec((1, msg), lambda i: (0, 0)),
        pl.BlockSpec((msg, msg), lambda i: (0, 0)),
        pl.BlockSpec((1, msg), lambda i: (0, 0)),
        pl.BlockSpec((msg, ef), lambda i: (0, 0)),
        pl.BlockSpec((1, ef), lambda i: (0, 0)),
    ]
    wargs = (w1et, b1.reshape(1, -1), w2t, b2.reshape(1, -1),
             w3t, b3.reshape(1, -1), w4t, b4.reshape(1, -1))
    out_spec = pl.BlockSpec((be, ef), lambda i: (i, 0))
    out_shape = jax.ShapeDtypeStruct((e, ef), jnp.float32)
    if pres is None:
        return pl.pallas_call(
            _edge_mlp_body_nopre,
            grid=grid,
            in_specs=[pl.BlockSpec((be, ef), lambda i: (i, 0))] + wspecs,
            out_specs=out_spec, out_shape=out_shape,
        )(ea, *wargs)
    hdim = pres.shape[1]
    return pl.pallas_call(
        _edge_mlp_body_pre,
        grid=grid,
        in_specs=[pl.BlockSpec((be, hdim), lambda i: (i, 0)),
                  pl.BlockSpec((be, hdim), lambda i: (i, 0)),
                  pl.BlockSpec((be, ef), lambda i: (i, 0))] + wspecs,
        out_specs=out_spec, out_shape=out_shape,
    )(pres, pred, ea, *wargs)


def _gru_core(agg_ref, gx0_ref, st_ref, wat_ref, whht_ref, bhh_ref):
    h = st_ref.shape[1]
    agg = jnp.sum(agg_ref[...], axis=0)
    gx = (jnp.dot(agg, wat_ref[...], preferred_element_type=jnp.float32)
          + gx0_ref[...])
    gh = (jnp.dot(st_ref[...], whht_ref[...], preferred_element_type=jnp.float32)
          + bhh_ref[...])
    r = jax.nn.sigmoid(gx[:, :h] + gh[:, :h])
    z = jax.nn.sigmoid(gx[:, h:2 * h] + gh[:, h:2 * h])
    nn_ = jnp.tanh(gx[:, 2 * h:] + r * gh[:, 2 * h:])
    return (1.0 - z) * nn_ + z * st_ref[...]


def _gru_proj_body(agg_ref, gx0_ref, st_ref, wat_ref, whht_ref, bhh_ref,
                   w1st_ref, w1dt_ref, ns_ref, ps_ref, pd_ref):
    ns = _gru_core(agg_ref, gx0_ref, st_ref, wat_ref, whht_ref, bhh_ref)
    ns_ref[...] = ns
    ps_ref[...] = jnp.dot(ns, w1st_ref[...], preferred_element_type=jnp.float32)
    pd_ref[...] = jnp.dot(ns, w1dt_ref[...], preferred_element_type=jnp.float32)


def _gru_final_body(agg_ref, gx0_ref, st_ref, wat_ref, whht_ref, bhh_ref,
                    wft_ref, bf_ref, lg_ref):
    ns = _gru_core(agg_ref, gx0_ref, st_ref, wat_ref, whht_ref, bhh_ref)
    lg_ref[...] = (jnp.dot(ns, wft_ref[...], preferred_element_type=jnp.float32)
                   + bf_ref[...])


def _tc_gru(agg, gx0, states, wat, whht, bhh, final, w1st=None, w1dt=None,
            wft=None, bf=None):
    p, n, ef = agg.shape
    h = states.shape[1]
    bn = min(_BN, n)
    grid = (n // bn,)
    base_specs = [
        pl.BlockSpec((p, bn, ef), lambda i: (0, i, 0)),
        pl.BlockSpec((bn, 3 * h), lambda i: (i, 0)),
        pl.BlockSpec((bn, h), lambda i: (i, 0)),
        pl.BlockSpec((ef, 3 * h), lambda i: (0, 0)),
        pl.BlockSpec((h, 3 * h), lambda i: (0, 0)),
        pl.BlockSpec((1, 3 * h), lambda i: (0, 0)),
    ]
    if not final:
        msg = w1st.shape[1]
        return pl.pallas_call(
            _gru_proj_body,
            grid=grid,
            in_specs=base_specs + [pl.BlockSpec((h, msg), lambda i: (0, 0)),
                                   pl.BlockSpec((h, msg), lambda i: (0, 0))],
            out_specs=[pl.BlockSpec((bn, h), lambda i: (i, 0)),
                       pl.BlockSpec((bn, msg), lambda i: (i, 0)),
                       pl.BlockSpec((bn, msg), lambda i: (i, 0))],
            out_shape=[jax.ShapeDtypeStruct((n, h), jnp.float32),
                       jax.ShapeDtypeStruct((n, msg), jnp.float32),
                       jax.ShapeDtypeStruct((n, msg), jnp.float32)],
        )(agg, gx0, states, wat, whht, bhh.reshape(1, -1), w1st, w1dt)
    nl = wft.shape[1]
    return pl.pallas_call(
        _gru_final_body,
        grid=grid,
        in_specs=base_specs + [pl.BlockSpec((h, nl), lambda i: (0, 0)),
                               pl.BlockSpec((1, nl), lambda i: (0, 0))],
        out_specs=pl.BlockSpec((bn, nl), lambda i: (i, 0)),
        out_shape=jax.ShapeDtypeStruct((n, nl), jnp.float32),
    )(agg, gx0, states, wat, whht, bhh.reshape(1, -1), wft, bf.reshape(1, -1))



def _sc_gather(ps, pd, srcc, dstc, e):
    h = ps.shape[1]
    n_chunks = e // _CH
    k_max = (n_chunks + _NW - 1) // _NW
    mesh = plsc.VectorSubcoreMesh(core_axis_name="c", subcore_axis_name="s")

    @functools.partial(
        pl.kernel, mesh=mesh,
        out_type=[jax.ShapeDtypeStruct((e, h), jnp.float32),
                  jax.ShapeDtypeStruct((e, h), jnp.float32)],
        scratch_types=[pltpu.VMEM((_CH,), jnp.int32),
                       pltpu.VMEM((_CH,), jnp.int32),
                       pltpu.VMEM((_CH, h), jnp.float32),
                       pltpu.VMEM((_CH, h), jnp.float32),
                       pltpu.SemaphoreType.DMA,
                       pltpu.SemaphoreType.DMA],
    )
    def g(ps_hbm, pd_hbm, srcc_hbm, dstc_hbm, os_hbm, od_hbm,
          idx_s, idx_d, rows_s, rows_d, sem_s, sem_d):
        w = lax.axis_index("s") * 2 + lax.axis_index("c")

        def body(k, carry):
            c = w + _NW * k

            @pl.when(c < n_chunks)
            def _():
                pltpu.sync_copy(srcc_hbm.at[pl.ds(c * _CH, _CH)], idx_s)
                pltpu.sync_copy(dstc_hbm.at[pl.ds(c * _CH, _CH)], idx_d)
                cp1 = pltpu.async_copy(ps_hbm.at[idx_s], rows_s, sem_s)
                cp2 = pltpu.async_copy(pd_hbm.at[idx_d], rows_d, sem_d)
                cp1.wait()
                cp2.wait()
                pltpu.sync_copy(rows_s, os_hbm.at[pl.ds(c * _CH, _CH)])
                pltpu.sync_copy(rows_d, od_hbm.at[pl.ds(c * _CH, _CH)])
            return carry

        lax.fori_loop(0, k_max, body, 0)

    return g(ps, pd, srcc, dstc)


def _sc_scatter(msgs, dstc, np_):
    e, ef = msgs.shape
    n_chunks = e // _CH
    k_max = (n_chunks + _NW - 1) // _NW
    rows_per_tile = np_ // _NT
    mesh = plsc.VectorSubcoreMesh(core_axis_name="c", subcore_axis_name="s")

    @functools.partial(
        pl.kernel, mesh=mesh,
        out_type=jax.ShapeDtypeStruct((2 * np_, ef), jnp.float32),
        compiler_params=pltpu.CompilerParams(use_tc_tiling_on_sc=False),
        scratch_types=[pltpu.VMEM((_CH,), jnp.int32),
                       pltpu.VMEM((_CH, ef), jnp.float32),
                       pltpu.VMEM_SHARED((np_, ef), jnp.float32)],
    )
    def s(msgs_hbm, zeros_hbm, dstc_hbm, out_hbm, idx_d, msg_v, shared):
        cid = lax.axis_index("c")
        sid = lax.axis_index("s")
        w = sid * 2 + cid

        @pl.when(sid == 0)
        def _():
            pltpu.sync_copy(zeros_hbm, shared)

        plsc.subcore_barrier()

        def body(k, carry):
            c = w + _NW * k

            @pl.when(c < n_chunks)
            def _():
                pltpu.sync_copy(dstc_hbm.at[pl.ds(c * _CH, _CH)], idx_d)
                pltpu.sync_copy(msgs_hbm.at[pl.ds(c * _CH, _CH)], msg_v)
                pltpu.sync_copy(msg_v, shared.at[idx_d], add=True)
            return carry

        lax.fori_loop(0, k_max, body, 0)
        plsc.subcore_barrier()

        @pl.when(sid == 0)
        def _():
            pltpu.sync_copy(shared, out_hbm.at[pl.ds(cid * np_, np_)])

    return s(msgs, jnp.zeros((np_, ef), jnp.float32),
             dstc).reshape(2, np_, ef)



def kernel(x_nodes, edge_index, edge_attr, node_mask, edge_mask,
           W1, b1, W2, b2, W3, b3, W4, b4, W_ih, b_ih, W_hh, b_hh, Wf, bf):
    n, h = x_nodes.shape
    e, ef = edge_attr.shape
    t_iters = 7
    src = edge_index[0].astype(jnp.int32)
    dst = edge_index[1].astype(jnp.int32)
    np_ = _rup(n, _BN)
    xp = jnp.pad(x_nodes, ((0, np_ - n), (0, 0)))

    w1st = W1[:, :h].T
    w1dt = W1[:, h:2 * h].T
    w1et = W1[:, 2 * h:].T
    wat = W_ih[:, :ef].T
    wxt = W_ih[:, ef:].T
    whht = W_hh.T
    wft = Wf.T

    gx0 = _tc_matmul_bias(xp, wxt, b_ih)

    srcc = src
    dstc = dst

    states = jnp.zeros((np_, h), jnp.float32)
    ps = pd = None
    out = None
    for t in range(t_iters):
        if t == 0:
            msgs = _tc_edge_mlp(None, None, edge_attr, w1et, b1, W2.T, b2,
                                W3.T, b3, W4.T, b4)
        else:
            pres, pred = _sc_gather(ps, pd, srcc, dstc, e)
            msgs = _tc_edge_mlp(pres, pred, edge_attr, w1et, b1, W2.T, b2,
                                W3.T, b3, W4.T, b4)
        agg = _sc_scatter(msgs, dstc, np_)
        if t < t_iters - 1:
            states, ps, pd = _tc_gru(agg, gx0, states, wat, whht, b_hh,
                                     final=False, w1st=w1st, w1dt=w1dt)
        else:
            out = _tc_gru(agg, gx0, states, wat, whht, b_hh,
                          final=True, wft=wft, bf=bf)
    return out[:n]

# --- scband reference (transcript-rebuilt; emitter-appended) ---
"""Pipeline reference for scband-mghdv2-88012469829881 (READ-ONLY COPY).

The authoritative reference and input builder live on the scoring server;
editing this copy changes nothing except your own understanding.
"""

import jax, jax.numpy as jnp
import numpy as np

H = 256
EF = 16
MSG = 256  # max(96, hidden_dim)
T = 7
N_NODES = 10000
N_EDGES = 160000


def setup_inputs(seed: int = 0) -> dict:
    key = jax.random.key(seed)
    ks = jax.random.split(key, 20)
    inp = {}
    inp['x_nodes'] = jax.random.normal(ks[0], (N_NODES, H), dtype=jnp.float32)
    inp['edge_index'] = jax.random.randint(ks[1], (2, N_EDGES), 0, N_NODES, dtype=jnp.int64)
    inp['edge_attr'] = jax.random.normal(ks[2], (N_EDGES, EF), dtype=jnp.float32)
    inp['node_mask'] = jnp.ones((N_NODES,), dtype=bool)
    inp['edge_mask'] = jnp.ones((N_EDGES,), dtype=bool)
    # msg_net: Linear(2H+EF, MSG) -> ReLU -> Linear(MSG, MSG) -> ReLU -> Linear(MSG, MSG) -> ReLU -> Linear(MSG, EF)
    d_in = 2 * H + EF
    inp['W1'] = jax.random.normal(ks[3], (MSG, d_in), dtype=jnp.float32) / np.sqrt(d_in)
    inp['b1'] = jnp.zeros((MSG,), dtype=jnp.float32)
    inp['W2'] = jax.random.normal(ks[4], (MSG, MSG), dtype=jnp.float32) / np.sqrt(MSG)
    inp['b2'] = jnp.zeros((MSG,), dtype=jnp.float32)
    inp['W3'] = jax.random.normal(ks[5], (MSG, MSG), dtype=jnp.float32) / np.sqrt(MSG)
    inp['b3'] = jnp.zeros((MSG,), dtype=jnp.float32)
    inp['W4'] = jax.random.normal(ks[6], (EF, MSG), dtype=jnp.float32) / np.sqrt(MSG)
    inp['b4'] = jnp.zeros((EF,), dtype=jnp.float32)
    # GRU: input_size = EF + H, hidden_size = H
    gi = EF + H
    inp['W_ih'] = jax.random.normal(ks[7], (3 * H, gi), dtype=jnp.float32) / np.sqrt(gi)
    inp['b_ih'] = jnp.zeros((3 * H,), dtype=jnp.float32)
    inp['W_hh'] = jax.random.normal(ks[8], (3 * H, H), dtype=jnp.float32) / np.sqrt(H)
    inp['b_hh'] = jnp.zeros((3 * H,), dtype=jnp.float32)
    # final_digits: Linear(H, 2)
    inp['Wf'] = jax.random.normal(ks[9], (2, H), dtype=jnp.float32) / np.sqrt(H)
    inp['bf'] = jnp.zeros((2,), dtype=jnp.float32)
    return inp


def _core(x_nodes, edge_attr, W1, b1, W2, b2, W3, b3, W4, b4, W_ih, b_ih, W_hh, b_hh, Wf, bf, src, dst, edge_mask):
    n = x_nodes.shape[0]
    states = jnp.zeros((n, H), dtype=x_nodes.dtype)
    out_last = None
    for _ in range(T):
        msg_in = jnp.concatenate([states[src], states[dst], edge_attr], axis=1)
        h = jax.nn.relu(msg_in @ W1.T + b1)
        h = jax.nn.relu(h @ W2.T + b2)
        h = jax.nn.relu(h @ W3.T + b3)
        messages = h @ W4.T + b4
        messages = jnp.where(edge_mask[:, None], messages, jnp.zeros_like(messages))
        agg = jnp.zeros((n, EF), dtype=messages.dtype).at[dst].add(messages)
        gru_in = jnp.concatenate([agg, x_nodes], axis=1)
        gx = gru_in @ W_ih.T + b_ih
        gh = states @ W_hh.T + b_hh
        xr, xz, xn = jnp.split(gx, 3, axis=1)
        hr, hz, hn = jnp.split(gh, 3, axis=1)
        r = jax.nn.sigmoid(xr + hr)
        z = jax.nn.sigmoid(xz + hz)
        nn_ = jnp.tanh(xn + r * hn)
        states = (1.0 - z) * nn_ + z * states
        out_last = states @ Wf.T + bf
    return out_last


def reference(x_nodes, edge_index, edge_attr, node_mask, edge_mask, W1, b1, W2, b2, W3, b3, W4, b4, W_ih, b_ih, W_hh, b_hh, Wf, bf):
    # GraphDecoderAdapter.forward: mask edges, run core for T iters, return last-iteration logits [N, 2]
    src = edge_index[0]
    dst = edge_index[1]
    attr = edge_attr
    return _core(x_nodes, attr, W1, b1, W2, b2, W3, b3, W4, b4, W_ih, b_ih, W_hh, b_hh, Wf, bf, src, dst, edge_mask)

if __name__ == "__main__":
    import jax
    _d = setup_inputs()
    print(jax.jit(kernel)(*tuple(_d.values())))

</pallas_src>

<mosaic_0001>
#map = affine_map<(d0, d1) -> (0, 0)>
#map1 = affine_map<(d0, d1) -> (0)>
module attributes {stable_mosaic.version = 14 : i64} {
  func.func @s(%arg0: i32, %arg1: i32, %arg2: memref<160000x16xf32, #tpu.memory_space<hbm>>, %arg3: memref<10240x16xf32, #tpu.memory_space<hbm>>, %arg4: memref<160000xi32, #tpu.memory_space<hbm>>, %arg5: memref<20480x16xf32, #tpu.memory_space<hbm>>, %arg6: memref<128xi32, #tpu.memory_space<vmem>>, %arg7: memref<128x16xf32, #tpu.memory_space<vmem>>, %arg8: memref<10240x16xf32, #tpu.memory_space<vmem_shared>>) attributes {dimension_semantics = [#tpu.dimension_semantics<core_parallel>, #tpu.dimension_semantics<subcore_parallel>], iteration_bounds = array<i64: 2, 16>, scalar_prefetch = 0 : i64, scratch_operands = 3 : i64, tpu.core_type = #tpu.core_type<sc_vector_subcore>, window_params = [{transform_indices = #map}, {transform_indices = #map}, {transform_indices = #map1}, {transform_indices = #map}]} {
    %mul3A = arith.constant 2 : i32
    %mul3A_0 = arith.muli %arg1, %mul3A : i32
    %add3A = arith.addi %mul3A_0, %arg0 : i32
    %eq3A = arith.constant 0 : i32
    %eq3A_1 = arith.cmpi eq, %arg1, %eq3A : i32
    %convert_element_type3A = arith.extui %eq3A_1 : i1 to i32
    %cond3A = arith.constant 0 : i32
    %cond3A_2 = arith.cmpi ne, %convert_element_type3A, %cond3A : i32
    scf.if %cond3A_2 {
      "tpu.region"() ({
        %run_scoped3A = tpu.sem_alloc : memref<!tpu.dma_semaphore, #tpu.memory_space<semaphore_mem>>
        tpu.enqueue_dma source(%arg3 : memref<10240x16xf32, #tpu.memory_space<hbm>>) target(%arg8 : memref<10240x16xf32, #tpu.memory_space<vmem_shared>>) target_semaphore(%run_scoped3A : memref<!tpu.dma_semaphore, #tpu.memory_space<semaphore_mem>>)
        tpu.wait_dma2 semaphore(%run_scoped3A : memref<!tpu.dma_semaphore, #tpu.memory_space<semaphore_mem>>) src(%arg3 : memref<10240x16xf32, #tpu.memory_space<hbm>>) dst(%arg8 : memref<10240x16xf32, #tpu.memory_space<vmem_shared>>)
        tpu.yield
      }) : () -> ()
    } else {
    }
    %barrier3A = arith.constant 0 : index
    tpu.barrier barrier_id(%barrier3A)
    %scan3A = arith.constant 0 : i32
    %scan3A_3 = arith.constant 0 : i32
    %scan3A_4 = arith.constant 40 : i32
    %scan3A_5 = arith.addi %scan3A_3, %scan3A_4 : i32
    %scan3A_6 = arith.constant 1 : i32
    scf.for %scan3A_14 = %scan3A_3 to %scan3A_5 step %scan3A_6  : i32 {
      %mul3A_15 = arith.constant 32 : i32
      %mul3A_16 = arith.muli %mul3A_15, %scan3A_14 : i32
      %add3A_17 = arith.addi %add3A, %mul3A_16 : i32
      %lt3A = arith.constant 1250 : i32
      %lt3A_18 = arith.cmpi slt, %add3A_17, %lt3A : i32
      %convert_element_type3A_19 = arith.extui %lt3A_18 : i1 to i32
      %cond3A_20 = arith.constant 0 : i32
      %cond3A_21 = arith.cmpi ne, %convert_element_type3A_19, %cond3A_20 : i32
      scf.if %cond3A_21 {
        %mul3A_22 = arith.constant 128 : i32
        %mul3A_23 = arith.muli %add3A_17, %mul3A_22 : i32
        "tpu.region"() ({
          %run_scoped3A = tpu.sem_alloc : memref<!tpu.dma_semaphore, #tpu.memory_space<semaphore_mem>>
          %dma_start3A = tpu.memref_slice %arg4[%mul3A_23] : memref<160000xi32, #tpu.memory_space<hbm>> -> memref<128xi32, #tpu.memory_space<hbm>>
          %dma_start3A_26 = tpu.memref_slice %arg4[%mul3A_23] : memref<160000xi32, #tpu.memory_space<hbm>> -> memref<128xi32, #tpu.memory_space<hbm>>
          tpu.enqueue_dma source(%dma_start3A_26 : memref<128xi32, #tpu.memory_space<hbm>>) target(%arg6 : memref<128xi32, #tpu.memory_space<vmem>>) target_semaphore(%run_scoped3A : memref<!tpu.dma_semaphore, #tpu.memory_space<semaphore_mem>>)
          %dma_wait3A = tpu.memref_slice %arg4[%mul3A_23] : memref<160000xi32, #tpu.memory_space<hbm>> -> memref<128xi32, #tpu.memory_space<hbm>>
          %dma_wait3A_27 = tpu.memref_slice %arg4[%mul3A_23] : memref<160000xi32, #tpu.memory_space<hbm>> -> memref<128xi32, #tpu.memory_space<hbm>>
          tpu.wait_dma2 semaphore(%run_scoped3A : memref<!tpu.dma_semaphore, #tpu.memory_space<semaphore_mem>>) src(%dma_wait3A_27 : memref<128xi32, #tpu.memory_space<hbm>>) dst(%arg6 : memref<128xi32, #tpu.memory_space<vmem>>)
          tpu.yield
        }) : () -> ()
        %mul3A_24 = arith.constant 128 : i32
        %mul3A_25 = arith.muli %add3A_17, %mul3A_24 : i32
        "tpu.region"() ({
          %run_scoped3A = tpu.sem_alloc : memref<!tpu.dma_semaphore, #tpu.memory_space<semaphore_mem>>
          %dma_start3A = arith.constant 0 : i32
          %dma_start3A_26 = tpu.memref_slice %arg2[%mul3A_25, %dma_start3A] : memref<160000x16xf32, #tpu.memory_space<hbm>> -> memref<128x16xf32, #tpu.memory_space<hbm>>
          %dma_start3A_27 = arith.constant 0 : i32
          %dma_start3A_28 = tpu.memref_slice %arg2[%mul3A_25, %dma_start3A_27] : memref<160000x16xf32, #tpu.memory_space<hbm>> -> memref<128x16xf32, #tpu.memory_space<hbm>>
          tpu.enqueue_dma source(%dma_start3A_28 : memref<128x16xf32, #tpu.memory_space<hbm>>) target(%arg7 : memref<128x16xf32, #tpu.memory_space<vmem>>) target_semaphore(%run_scoped3A : memref<!tpu.dma_semaphore, #tpu.memory_space<semaphore_mem>>)
          %dma_wait3A = arith.constant 0 : i32
          %dma_wait3A_29 = tpu.memref_slice %arg2[%mul3A_25, %dma_wait3A] : memref<160000x16xf32, #tpu.memory_space<hbm>> -> memref<128x16xf32, #tpu.memory_space<hbm>>
          %dma_wait3A_30 = arith.constant 0 : i32
          %dma_wait3A_31 = tpu.memref_slice %arg2[%mul3A_25, %dma_wait3A_30] : memref<160000x16xf32, #tpu.memory_space<hbm>> -> memref<128x16xf32, #tpu.memory_space<hbm>>
          tpu.wait_dma2 semaphore(%run_scoped3A : memref<!tpu.dma_semaphore, #tpu.memory_space<semaphore_mem>>) src(%dma_wait3A_31 : memref<128x16xf32, #tpu.memory_space<hbm>>) dst(%arg7 : memref<128x16xf32, #tpu.memory_space<vmem>>)
          tpu.yield
        }) : () -> ()
        "tpu.region"() ({
          %run_scoped3A = tpu.sem_alloc : memref<!tpu.dma_semaphore, #tpu.memory_space<semaphore_mem>>
          %dma_start3A = arith.constant 0 : i32
          %dma_start3A_26 = arith.constant 0 : i32
          %dma_start3A_27 = tpu.memref_slice %arg8[%dma_start3A, %dma_start3A_26] : memref<10240x16xf32, #tpu.memory_space<vmem_shared>> -> memref<10240x16xf32, #tpu.memory_space<vmem_shared>>
          tpu.enqueue_indirect_dma source(%arg7 : memref<128x16xf32, #tpu.memory_space<vmem>>) target(%dma_start3A_27 : memref<10240x16xf32, #tpu.memory_space<vmem_shared>>) offsets(%arg6 : memref<128xi32, #tpu.memory_space<vmem>>) semaphore(%run_scoped3A : memref<!tpu.dma_semaphore, #tpu.memory_space<semaphore_mem>>) {add = true}
          %dma_wait3A = arith.constant 0 : i32
          %dma_wait3A_28 = arith.constant 0 : i32
          %dma_wait3A_29 = tpu.memref_slice %arg8[%dma_wait3A, %dma_wait3A_28] : memref<10240x16xf32, #tpu.memory_space<vmem_shared>> -> memref<10240x16xf32, #tpu.memory_space<vmem_shared>>
          tpu.wait_indirect_dma semaphore(%run_scoped3A : memref<!tpu.dma_semaphore, #tpu.memory_space<semaphore_mem>>) src(%arg7 : memref<128x16xf32, #tpu.memory_space<vmem>>) dst(%dma_wait3A_29 : memref<10240x16xf32, #tpu.memory_space<vmem_shared>>)
          tpu.yield
        }) : () -> ()
      } else {
      }
    }
    %scan3A_7 = arith.constant 40 : i32
    %barrier3A_8 = arith.constant 0 : index
    tpu.barrier barrier_id(%barrier3A_8)
    %eq3A_9 = arith.constant 0 : i32
    %eq3A_10 = arith.cmpi eq, %arg1, %eq3A_9 : i32
    %convert_element_type3A_11 = arith.extui %eq3A_10 : i1 to i32
    %cond3A_12 = arith.constant 0 : i32
    %cond3A_13 = arith.cmpi ne, %convert_element_type3A_11, %cond3A_12 : i32
    scf.if %cond3A_13 {
      %mul3A_14 = arith.constant 10240 : i32
      %mul3A_15 = arith.muli %arg0, %mul3A_14 : i32
      "tpu.region"() ({
        %run_scoped3A = tpu.sem_alloc : memref<!tpu.dma_semaphore, #tpu.memory_space<semaphore_mem>>
        %dma_start3A = arith.constant 0 : i32
        %dma_start3A_16 = tpu.memref_slice %arg5[%mul3A_15, %dma_start3A] : memref<20480x16xf32, #tpu.memory_space<hbm>> -> memref<10240x16xf32, #tpu.memory_space<hbm>>
        tpu.enqueue_dma source(%arg8 : memref<10240x16xf32, #tpu.memory_space<vmem_shared>>) target(%dma_start3A_16 : memref<10240x16xf32, #tpu.memory_space<hbm>>) target_semaphore(%run_scoped3A : memref<!tpu.dma_semaphore, #tpu.memory_space<semaphore_mem>>)
        %dma_wait3A = arith.constant 0 : i32
        %dma_wait3A_17 = tpu.memref_slice %arg5[%mul3A_15, %dma_wait3A] : memref<20480x16xf32, #tpu.memory_space<hbm>> -> memref<10240x16xf32, #tpu.memory_space<hbm>>
        tpu.wait_dma2 semaphore(%run_scoped3A : memref<!tpu.dma_semaphore, #tpu.memory_space<semaphore_mem>>) src(%arg8 : memref<10240x16xf32, #tpu.memory_space<vmem_shared>>) dst(%dma_wait3A_17 : memref<10240x16xf32, #tpu.memory_space<hbm>>)
        tpu.yield
      }) : () -> ()
    } else {
    }
    return
  }
}

#map = affine_map<(d0, d1) -> (0, 0)>
#map1 = affine_map<(d0, d1) -> (0)>
module attributes {stable_mosaic.version = 14 : i64} {
  func.func @s(%arg0: i32, %arg1: i32, %arg2: memref<160000x16xf32, #tpu.memory_space<hbm>>, %arg3: memref<10240x16xf32, #tpu.memory_space<hbm>>, %arg4: memref<160000xi32, #tpu.memory_space<hbm>>, %arg5: memref<20480x16xf32, #tpu.memory_space<hbm>>, %arg6: memref<128xi32, #tpu.memory_space<vmem>>, %arg7: memref<128x16xf32, #tpu.memory_space<vmem>>, %arg8: memref<10240x16xf32, #tpu.memory_space<vmem_shared>>) attributes {dimension_semantics = [#tpu.dimension_semantics<core_parallel>, #tpu.dimension_semantics<subcore_parallel>], iteration_bounds = array<i64: 2, 16>, scalar_prefetch = 0 : i64, scratch_operands = 3 : i64, tpu.core_type = #tpu.core_type<sc_vector_subcore>, window_params = [{transform_indices = #map}, {transform_indices = #map}, {transform_indices = #map1}, {transform_indices = #map}]} {
    %mul3A = arith.constant 2 : i32
    %mul3A_0 = arith.muli %arg1, %mul3A : i32
    %add3A = arith.addi %mul3A_0, %arg0 : i32
    %eq3A = arith.constant 0 : i32
    %eq3A_1 = arith.cmpi eq, %arg1, %eq3A : i32
    %convert_element_type3A = arith.extui %eq3A_1 : i1 to i32
    %cond3A = arith.constant 0 : i32
    %cond3A_2 = arith.cmpi ne, %convert_element_type3A, %cond3A : i32
    scf.if %cond3A_2 {
      "tpu.region"() ({
        %run_scoped3A = tpu.sem_alloc : memref<!tpu.dma_semaphore, #tpu.memory_space<semaphore_mem>>
        tpu.enqueue_dma source(%arg3 : memref<10240x16xf32, #tpu.memory_space<hbm>>) target(%arg8 : memref<10240x16xf32, #tpu.memory_space<vmem_shared>>) target_semaphore(%run_scoped3A : memref<!tpu.dma_semaphore, #tpu.memory_space<semaphore_mem>>)
        tpu.wait_dma2 semaphore(%run_scoped3A : memref<!tpu.dma_semaphore, #tpu.memory_space<semaphore_mem>>) src(%arg3 : memref<10240x16xf32, #tpu.memory_space<hbm>>) dst(%arg8 : memref<10240x16xf32, #tpu.memory_space<vmem_shared>>)
        tpu.yield
      }) : () -> ()
    } else {
    }
    %barrier3A = arith.constant 0 : index
    tpu.barrier barrier_id(%barrier3A)
    %scan3A = arith.constant 0 : i32
    %scan3A_3 = arith.constant 0 : i32
    %scan3A_4 = arith.constant 40 : i32
    %scan3A_5 = arith.addi %scan3A_3, %scan3A_4 : i32
    %scan3A_6 = arith.constant 1 : i32
    scf.for %scan3A_14 = %scan3A_3 to %scan3A_5 step %scan3A_6  : i32 {
      %mul3A_15 = arith.constant 32 : i32
      %mul3A_16 = arith.muli %mul3A_15, %scan3A_14 : i32
      %add3A_17 = arith.addi %add3A, %mul3A_16 : i32
      %lt3A = arith.constant 1250 : i32
      %lt3A_18 = arith.cmpi slt, %add3A_17, %lt3A : i32
      %convert_element_type3A_19 = arith.extui %lt3A_18 : i1 to i32
      %cond3A_20 = arith.constant 0 : i32
      %cond3A_21 = arith.cmpi ne, %convert_element_type3A_19, %cond3A_20 : i32
      scf.if %cond3A_21 {
        %mul3A_22 = arith.constant 128 : i32
        %mul3A_23 = arith.muli %add3A_17, %mul3A_22 : i32
        "tpu.region"() ({
          %run_scoped3A = tpu.sem_alloc : memref<!tpu.dma_semaphore, #tpu.memory_space<semaphore_mem>>
          %dma_start3A = tpu.memref_slice %arg4[%mul3A_23] : memref<160000xi32, #tpu.memory_space<hbm>> -> memref<128xi32, #tpu.memory_space<hbm>>
          %dma_start3A_26 = tpu.memref_slice %arg4[%mul3A_23] : memref<160000xi32, #tpu.memory_space<hbm>> -> memref<128xi32, #tpu.memory_space<hbm>>
          tpu.enqueue_dma source(%dma_start3A_26 : memref<128xi32, #tpu.memory_space<hbm>>) target(%arg6 : memref<128xi32, #tpu.memory_space<vmem>>) target_semaphore(%run_scoped3A : memref<!tpu.dma_semaphore, #tpu.memory_space<semaphore_mem>>)
          %dma_wait3A = tpu.memref_slice %arg4[%mul3A_23] : memref<160000xi32, #tpu.memory_space<hbm>> -> memref<128xi32, #tpu.memory_space<hbm>>
          %dma_wait3A_27 = tpu.memref_slice %arg4[%mul3A_23] : memref<160000xi32, #tpu.memory_space<hbm>> -> memref<128xi32, #tpu.memory_space<hbm>>
          tpu.wait_dma2 semaphore(%run_scoped3A : memref<!tpu.dma_semaphore, #tpu.memory_space<semaphore_mem>>) src(%dma_wait3A_27 : memref<128xi32, #tpu.memory_space<hbm>>) dst(%arg6 : memref<128xi32, #tpu.memory_space<vmem>>)
          tpu.yield
        }) : () -> ()
        %mul3A_24 = arith.constant 128 : i32
        %mul3A_25 = arith.muli %add3A_17, %mul3A_24 : i32
        "tpu.region"() ({
          %run_scoped3A = tpu.sem_alloc : memref<!tpu.dma_semaphore, #tpu.memory_space<semaphore_mem>>
          %dma_start3A = arith.constant 0 : i32
          %dma_start3A_26 = tpu.memref_slice %arg2[%mul3A_25, %dma_start3A] : memref<160000x16xf32, #tpu.memory_space<hbm>> -> memref<128x16xf32, #tpu.memory_space<hbm>>
          %dma_start3A_27 = arith.constant 0 : i32
          %dma_start3A_28 = tpu.memref_slice %arg2[%mul3A_25, %dma_start3A_27] : memref<160000x16xf32, #tpu.memory_space<hbm>> -> memref<128x16xf32, #tpu.memory_space<hbm>>
          tpu.enqueue_dma source(%dma_start3A_28 : memref<128x16xf32, #tpu.memory_space<hbm>>) target(%arg7 : memref<128x16xf32, #tpu.memory_space<vmem>>) target_semaphore(%run_scoped3A : memref<!tpu.dma_semaphore, #tpu.memory_space<semaphore_mem>>)
          %dma_wait3A = arith.constant 0 : i32
          %dma_wait3A_29 = tpu.memref_slice %arg2[%mul3A_25, %dma_wait3A] : memref<160000x16xf32, #tpu.memory_space<hbm>> -> memref<128x16xf32, #tpu.memory_space<hbm>>
          %dma_wait3A_30 = arith.constant 0 : i32
          %dma_wait3A_31 = tpu.memref_slice %arg2[%mul3A_25, %dma_wait3A_30] : memref<160000x16xf32, #tpu.memory_space<hbm>> -> memref<128x16xf32, #tpu.memory_space<hbm>>
          tpu.wait_dma2 semaphore(%run_scoped3A : memref<!tpu.dma_semaphore, #tpu.memory_space<semaphore_mem>>) src(%dma_wait3A_31 : memref<128x16xf32, #tpu.memory_space<hbm>>) dst(%arg7 : memref<128x16xf32, #tpu.memory_space<vmem>>)
          tpu.yield
        }) : () -> ()
        "tpu.region"() ({
          %run_scoped3A = tpu.sem_alloc : memref<!tpu.dma_semaphore, #tpu.memory_space<semaphore_mem>>
          %dma_start3A = arith.constant 0 : i32
          %dma_start3A_26 = arith.constant 0 : i32
          %dma_start3A_27 = tpu.memref_slice %arg8[%dma_start3A, %dma_start3A_26] : memref<10240x16xf32, #tpu.memory_space<vmem_shared>> -> memref<10240x16xf32, #tpu.memory_space<vmem_shared>>
          tpu.enqueue_indirect_dma source(%arg7 : memref<128x16xf32, #tpu.memory_space<vmem>>) target(%dma_start3A_27 : memref<10240x16xf32, #tpu.memory_space<vmem_shared>>) offsets(%arg6 : memref<128xi32, #tpu.memory_space<vmem>>) semaphore(%run_scoped3A : memref<!tpu.dma_semaphore, #tpu.memory_space<semaphore_mem>>) {add = true}
          %dma_wait3A = arith.constant 0 : i32
          %dma_wait3A_28 = arith.constant 0 : i32
          %dma_wait3A_29 = tpu.memref_slice %arg8[%dma_wait3A, %dma_wait3A_28] : memref<10240x16xf32, #tpu.memory_space<vmem_shared>> -> memref<10240x16xf32, #tpu.memory_space<vmem_shared>>
          tpu.wait_indirect_dma semaphore(%run_scoped3A : memref<!tpu.dma_semaphore, #tpu.memory_space<semaphore_mem>>) src(%arg7 : memref<128x16xf32, #tpu.memory_space<vmem>>) dst(%dma_wait3A_29 : memref<10240x16xf32, #tpu.memory_space<vmem_shared>>)
          tpu.yield
        }) : () -> ()
      } else {
      }
    }
    %scan3A_7 = arith.constant 40 : i32
    %barrier3A_8 = arith.constant 0 : index
    tpu.barrier barrier_id(%barrier3A_8)
    %eq3A_9 = arith.constant 0 : i32
    %eq3A_10 = arith.cmpi eq, %arg1, %eq3A_9 : i32
    %convert_element_type3A_11 = arith.extui %eq3A_10 : i1 to i32
    %cond3A_12 = arith.constant 0 : i32
    %cond3A_13 = arith.cmpi ne, %convert_element_type3A_11, %cond3A_12 : i32
    scf.if %cond3A_13 {
      %mul3A_14 = arith.constant 10240 : i32
      %mul3A_15 = arith.muli %arg0, %mul3A_14 : i32
      "tpu.region"() ({
        %run_scoped3A = tpu.sem_alloc : memref<!tpu.dma_semaphore, #tpu.memory_space<semaphore_mem>>
        %dma_start3A = arith.constant 0 : i32
        %dma_start3A_16 = tpu.memref_slice %arg5[%mul3A_15, %dma_start3A] : memref<20480x16xf32, #tpu.memory_space<hbm>> -> memref<10240x16xf32, #tpu.memory_space<hbm>>
        tpu.enqueue_dma source(%arg8 : memref<10240x16xf32, #tpu.memory_space<vmem_shared>>) target(%dma_start3A_16 : memref<10240x16xf32, #tpu.memory_space<hbm>>) target_semaphore(%run_scoped3A : memref<!tpu.dma_semaphore, #tpu.memory_space<semaphore_mem>>)
        %dma_wait3A = arith.constant 0 : i32
        %dma_wait3A_17 = tpu.memref_slice %arg5[%mul3A_15, %dma_wait3A] : memref<20480x16xf32, #tpu.memory_space<hbm>> -> memref<10240x16xf32, #tpu.memory_space<hbm>>
        tpu.wait_dma2 semaphore(%run_scoped3A : memref<!tpu.dma_semaphore, #tpu.memory_space<semaphore_mem>>) src(%arg8 : memref<10240x16xf32, #tpu.memory_space<vmem_shared>>) dst(%dma_wait3A_17 : memref<10240x16xf32, #tpu.memory_space<hbm>>)
        tpu.yield
      }) : () -> ()
    } else {
    }
    return
  }
}

#map = affine_map<(d0, d1) -> (0, 0)>
#map1 = affine_map<(d0, d1) -> (0)>
module attributes {stable_mosaic.version = 14 : i64} {
  func.func @g(%arg0: i32, %arg1: i32, %arg2: memref<10240x256xf32, #tpu.memory_space<hbm>>, %arg3: memref<10240x256xf32, #tpu.memory_space<hbm>>, %arg4: memref<160000xi32, #tpu.memory_space<hbm>>, %arg5: memref<160000xi32, #tpu.memory_space<hbm>>, %arg6: memref<160000x256xf32, #tpu.memory_space<hbm>>, %arg7: memref<160000x256xf32, #tpu.memory_space<hbm>>, %arg8: memref<128xi32, #tpu.memory_space<vmem>>, %arg9: memref<128xi32, #tpu.memory_space<vmem>>, %arg10: memref<128x256xf32, #tpu.memory_space<vmem>>, %arg11: memref<128x256xf32, #tpu.memory_space<vmem>>, %arg12: memref<!tpu.dma_semaphore, #tpu.memory_space<semaphore_mem>>, %arg13: memref<!tpu.dma_semaphore, #tpu.memory_space<semaphore_mem>>) attributes {dimension_semantics = [#tpu.dimension_semantics<core_parallel>, #tpu.dimension_semantics<subcore_parallel>], iteration_bounds = array<i64: 2, 16>, scalar_prefetch = 0 : i64, scratch_operands = 6 : i64, tpu.core_type = #tpu.core_type<sc_vector_subcore>, window_params = [{transform_indices = #map}, {transform_indices = #map}, {transform_indices = #map1}, {transform_indices = #map1}, {transform_indices = #map}, {transform_indices = #map}]} {
    %mul3A = arith.constant 2 : i32
    %mul3A_0 = arith.muli %arg1, %mul3A : i32
    %add3A = arith.addi %mul3A_0, %arg0 : i32
    %scan3A = arith.constant 0 : i32
    %scan3A_1 = arith.constant 0 : i32
    %scan3A_2 = arith.constant 40 : i32
    %scan3A_3 = arith.addi %scan3A_1, %scan3A_2 : i32
    %scan3A_4 = arith.constant 1 : i32
    scf.for %scan3A_6 = %scan3A_1 to %scan3A_3 step %scan3A_4  : i32 {
      %mul3A_7 = arith.constant 32 : i32
      %mul3A_8 = arith.muli %mul3A_7, %scan3A_6 : i32
      %add3A_9 = arith.addi %add3A, %mul3A_8 : i32
      %lt3A = arith.constant 1250 : i32
      %lt3A_10 = arith.cmpi slt, %add3A_9, %lt3A : i32
      %convert_element_type3A = arith.extui %lt3A_10 : i1 to i32
      %cond3A = arith.constant 0 : i32
      %cond3A_11 = arith.cmpi ne, %convert_element_type3A, %cond3A : i32
      scf.if %cond3A_11 {
        %mul3A_12 = arith.constant 128 : i32
        %mul3A_13 = arith.muli %add3A_9, %mul3A_12 : i32
        "tpu.region"() ({
          %run_scoped3A = tpu.sem_alloc : memref<!tpu.dma_semaphore, #tpu.memory_space<semaphore_mem>>
          %dma_start3A_30 = tpu.memref_slice %arg4[%mul3A_13] : memref<160000xi32, #tpu.memory_space<hbm>> -> memref<128xi32, #tpu.memory_space<hbm>>
          %dma_start3A_31 = tpu.memref_slice %arg4[%mul3A_13] : memref<160000xi32, #tpu.memory_space<hbm>> -> memref<128xi32, #tpu.memory_space<hbm>>
          tpu.enqueue_dma source(%dma_start3A_31 : memref<128xi32, #tpu.memory_space<hbm>>) target(%arg8 : memref<128xi32, #tpu.memory_space<vmem>>) target_semaphore(%run_scoped3A : memref<!tpu.dma_semaphore, #tpu.memory_space<semaphore_mem>>)
          %dma_wait3A_32 = tpu.memref_slice %arg4[%mul3A_13] : memref<160000xi32, #tpu.memory_space<hbm>> -> memref<128xi32, #tpu.memory_space<hbm>>
          %dma_wait3A_33 = tpu.memref_slice %arg4[%mul3A_13] : memref<160000xi32, #tpu.memory_space<hbm>> -> memref<128xi32, #tpu.memory_space<hbm>>
          tpu.wait_dma2 semaphore(%run_scoped3A : memref<!tpu.dma_semaphore, #tpu.memory_space<semaphore_mem>>) src(%dma_wait3A_33 : memref<128xi32, #tpu.memory_space<hbm>>) dst(%arg8 : memref<128xi32, #tpu.memory_space<vmem>>)
          tpu.yield
        }) : () -> ()
        %mul3A_14 = arith.constant 128 : i32
        %mul3A_15 = arith.muli %add3A_9, %mul3A_14 : i32
        "tpu.region"() ({
          %run_scoped3A = tpu.sem_alloc : memref<!tpu.dma_semaphore, #tpu.memory_space<semaphore_mem>>
          %dma_start3A_30 = tpu.memref_slice %arg5[%mul3A_15] : memref<160000xi32, #tpu.memory_space<hbm>> -> memref<128xi32, #tpu.memory_space<hbm>>
          %dma_start3A_31 = tpu.memref_slice %arg5[%mul3A_15] : memref<160000xi32, #tpu.memory_space<hbm>> -> memref<128xi32, #tpu.memory_space<hbm>>
          tpu.enqueue_dma source(%dma_start3A_31 : memref<128xi32, #tpu.memory_space<hbm>>) target(%arg9 : memref<128xi32, #tpu.memory_space<vmem>>) target_semaphore(%run_scoped3A : memref<!tpu.dma_semaphore, #tpu.memory_space<semaphore_mem>>)
          %dma_wait3A_32 = tpu.memref_slice %arg5[%mul3A_15] : memref<160000xi32, #tpu.memory_space<hbm>> -> memref<128xi32, #tpu.memory_space<hbm>>
          %dma_wait3A_33 = tpu.memref_slice %arg5[%mul3A_15] : memref<160000xi32, #tpu.memory_space<hbm>> -> memref<128xi32, #tpu.memory_space<hbm>>
          tpu.wait_dma2 semaphore(%run_scoped3A : memref<!tpu.dma_semaphore, #tpu.memory_space<semaphore_mem>>) src(%dma_wait3A_33 : memref<128xi32, #tpu.memory_space<hbm>>) dst(%arg9 : memref<128xi32, #tpu.memory_space<vmem>>)
          tpu.yield
        }) : () -> ()
        %dma_start3A = arith.constant 0 : i32
        %dma_start3A_16 = arith.constant 0 : i32
        %dma_start3A_17 = tpu.memref_slice %arg2[%dma_start3A, %dma_start3A_16] : memref<10240x256xf32, #tpu.memory_space<hbm>> -> memref<10240x256xf32, #tpu.memory_space<hbm>>
        tpu.enqueue_indirect_dma source(%dma_start3A_17 : memref<10240x256xf32, #tpu.memory_space<hbm>>) target(%arg10 : memref<128x256xf32, #tpu.memory_space<vmem>>) offsets(%arg8 : memref<128xi32, #tpu.memory_space<vmem>>) semaphore(%arg12 : memref<!tpu.dma_semaphore, #tpu.memory_space<semaphore_mem>>)
        %dma_start3A_18 = arith.constant 0 : i32
        %dma_start3A_19 = arith.constant 0 : i32
        %dma_start3A_20 = tpu.memref_slice %arg3[%dma_start3A_18, %dma_start3A_19] : memref<10240x256xf32, #tpu.memory_space<hbm>> -> memref<10240x256xf32, #tpu.memory_space<hbm>>
        tpu.enqueue_indirect_dma source(%dma_start3A_20 : memref<10240x256xf32, #tpu.memory_space<hbm>>) target(%arg11 : memref<128x256xf32, #tpu.memory_space<vmem>>) offsets(%arg9 : memref<128xi32, #tpu.memory_space<vmem>>) semaphore(%arg13 : memref<!tpu.dma_semaphore, #tpu.memory_space<semaphore_mem>>)
        %dma_wait3A = arith.constant 0 : i32
        %dma_wait3A_21 = arith.constant 0 : i32
        %dma_wait3A_22 = tpu.memref_slice %arg2[%dma_wait3A, %dma_wait3A_21] : memref<10240x256xf32, #tpu.memory_space<hbm>> -> memref<10240x256xf32, #tpu.memory_space<hbm>>
        tpu.wait_indirect_dma semaphore(%arg12 : memref<!tpu.dma_semaphore, #tpu.memory_space<semaphore_mem>>) src(%dma_wait3A_22 : memref<10240x256xf32, #tpu.memory_space<hbm>>) dst(%arg10 : memref<128x256xf32, #tpu.memory_space<vmem>>)
        %dma_wait3A_23 = arith.constant 0 : i32
        %dma_wait3A_24 = arith.constant 0 : i32
        %dma_wait3A_25 = tpu.memref_slice %arg3[%dma_wait3A_23, %dma_wait3A_24] : memref<10240x256xf32, #tpu.memory_space<hbm>> -> memref<10240x256xf32, #tpu.memory_space<hbm>>
        tpu.wait_indirect_dma semaphore(%arg13 : memref<!tpu.dma_semaphore, #tpu.memory_space<semaphore_mem>>) src(%dma_wait3A_25 : memref<10240x256xf32, #tpu.memory_space<hbm>>) dst(%arg11 : memref<128x256xf32, #tpu.memory_space<vmem>>)
        %mul3A_26 = arith.constant 128 : i32
        %mul3A_27 = arith.muli %add3A_9, %mul3A_26 : i32
        "tpu.region"() ({
          %run_scoped3A = tpu.sem_alloc : memref<!tpu.dma_semaphore, #tpu.memory_space<semaphore_mem>>
          %dma_start3A_30 = arith.constant 0 : i32
          %dma_start3A_31 = tpu.memref_slice %arg6[%mul3A_27, %dma_start3A_30] : memref<160000x256xf32, #tpu.memory_space<hbm>> -> memref<128x256xf32, #tpu.memory_space<hbm>>
          %dma_start3A_32 = arith.constant 0 : i32
          %dma_start3A_33 = tpu.memref_slice %arg6[%mul3A_27, %dma_start3A_32] : memref<160000x256xf32, #tpu.memory_space<hbm>> -> memref<128x256xf32, #tpu.memory_space<hbm>>
          tpu.enqueue_dma source(%arg10 : memref<128x256xf32, #tpu.memory_space<vmem>>) target(%dma_start3A_33 : memref<128x256xf32, #tpu.memory_space<hbm>>) target_semaphore(%run_scoped3A : memref<!tpu.dma_semaphore, #tpu.memory_space<semaphore_mem>>)
          %dma_wait3A_34 = arith.constant 0 : i32
          %dma_wait3A_35 = tpu.memref_slice %arg6[%mul3A_27, %dma_wait3A_34] : memref<160000x256xf32, #tpu.memory_space<hbm>> -> memref<128x256xf32, #tpu.memory_space<hbm>>
          %dma_wait3A_36 = arith.constant 0 : i32
          %dma_wait3A_37 = tpu.memref_slice %arg6[%mul3A_27, %dma_wait3A_36] : memref<160000x256xf32, #tpu.memory_space<hbm>> -> memref<128x256xf32, #tpu.memory_space<hbm>>
          tpu.wait_dma2 semaphore(%run_scoped3A : memref<!tpu.dma_semaphore, #tpu.memory_space<semaphore_mem>>) src(%arg10 : memref<128x256xf32, #tpu.memory_space<vmem>>) dst(%dma_wait3A_37 : memref<128x256xf32, #tpu.memory_space<hbm>>)
          tpu.yield
        }) : () -> ()
        %mul3A_28 = arith.constant 128 : i32
        %mul3A_29 = arith.muli %add3A_9, %mul3A_28 : i32
        "tpu.region"() ({
          %run_scoped3A = tpu.sem_alloc : memref<!tpu.dma_semaphore, #tpu.memory_space<semaphore_mem>>
          %dma_start3A_30 = arith.constant 0 : i32
          %dma_start3A_31 = tpu.memref_slice %arg7[%mul3A_29, %dma_start3A_30] : memref<160000x256xf32, #tpu.memory_space<hbm>> -> memref<128x256xf32, #tpu.memory_space<hbm>>
          %dma_start3A_32 = arith.constant 0 : i32
          %dma_start3A_33 = tpu.memref_slice %arg7[%mul3A_29, %dma_start3A_32] : memref<160000x256xf32, #tpu.memory_space<hbm>> -> memref<128x256xf32, #tpu.memory_space<hbm>>
          tpu.enqueue_dma source(%arg11 : memref<128x256xf32, #tpu.memory_space<vmem>>) target(%dma_start3A_33 : memref<128x256xf32, #tpu.memory_space<hbm>>) target_semaphore(%run_scoped3A : memref<!tpu.dma_semaphore, #tpu.memory_space<semaphore_mem>>)
          %dma_wait3A_34 = arith.constant 0 : i32
          %dma_wait3A_35 = tpu.memref_slice %arg7[%mul3A_29, %dma_wait3A_34] : memref<160000x256xf32, #tpu.memory_space<hbm>> -> memref<128x256xf32, #tpu.memory_space<hbm>>
          %dma_wait3A_36 = arith.constant 0 : i32
          %dma_wait3A_37 = tpu.memref_slice %arg7[%mul3A_29, %dma_wait3A_36] : memref<160000x256xf32, #tpu.memory_space<hbm>> -> memref<128x256xf32, #tpu.memory_space<hbm>>
          tpu.wait_dma2 semaphore(%run_scoped3A : memref<!tpu.dma_semaphore, #tpu.memory_space<semaphore_mem>>) src(%arg11 : memref<128x256xf32, #tpu.memory_space<vmem>>) dst(%dma_wait3A_37 : memref<128x256xf32, #tpu.memory_space<hbm>>)
          tpu.yield
        }) : () -> ()
      } else {
      }
    }
    %scan3A_5 = arith.constant 40 : i32
    return
  }
}

#map = affine_map<(d0, d1) -> (0, 0)>
#map1 = affine_map<(d0, d1) -> (0)>
module attributes {stable_mosaic.version = 14 : i64} {
  func.func @g(%arg0: i32, %arg1: i32, %arg2: memref<10240x256xf32, #tpu.memory_space<hbm>>, %arg3: memref<10240x256xf32, #tpu.memory_space<hbm>>, %arg4: memref<160000xi32, #tpu.memory_space<hbm>>, %arg5: memref<160000xi32, #tpu.memory_space<hbm>>, %arg6: memref<160000x256xf32, #tpu.memory_space<hbm>>, %arg7: memref<160000x256xf32, #tpu.memory_space<hbm>>, %arg8: memref<128xi32, #tpu.memory_space<vmem>>, %arg9: memref<128xi32, #tpu.memory_space<vmem>>, %arg10: memref<128x256xf32, #tpu.memory_space<vmem>>, %arg11: memref<128x256xf32, #tpu.memory_space<vmem>>, %arg12: memref<!tpu.dma_semaphore, #tpu.memory_space<semaphore_mem>>, %arg13: memref<!tpu.dma_semaphore, #tpu.memory_space<semaphore_mem>>) attributes {dimension_semantics = [#tpu.dimension_semantics<core_parallel>, #tpu.dimension_semantics<subcore_parallel>], iteration_bounds = array<i64: 2, 16>, scalar_prefetch = 0 : i64, scratch_operands = 6 : i64, tpu.core_type = #tpu.core_type<sc_vector_subcore>, window_params = [{transform_indices = #map}, {transform_indices = #map}, {transform_indices = #map1}, {transform_indices = #map1}, {transform_indices = #map}, {transform_indices = #map}]} {
    %mul3A = arith.constant 2 : i32
    %mul3A_0 = arith.muli %arg1, %mul3A : i32
    %add3A = arith.addi %mul3A_0, %arg0 : i32
    %scan3A = arith.constant 0 : i32
    %scan3A_1 = arith.constant 0 : i32
    %scan3A_2 = arith.constant 40 : i32
    %scan3A_3 = arith.addi %scan3A_1, %scan3A_2 : i32
    %scan3A_4 = arith.constant 1 : i32
    scf.for %scan3A_6 = %scan3A_1 to %scan3A_3 step %scan3A_4  : i32 {
      %mul3A_7 = arith.constant 32 : i32
      %mul3A_8 = arith.muli %mul3A_7, %scan3A_6 : i32
      %add3A_9 = arith.addi %add3A, %mul3A_8 : i32
      %lt3A = arith.constant 1250 : i32
      %lt3A_10 = arith.cmpi slt, %add3A_9, %lt3A : i32
      %convert_element_type3A = arith.extui %lt3A_10 : i1 to i32
      %cond3A = arith.constant 0 : i32
      %cond3A_11 = arith.cmpi ne, %convert_element_type3A, %cond3A : i32
      scf.if %cond3A_11 {
        %mul3A_12 = arith.constant 128 : i32
        %mul3A_13 = arith.muli %add3A_9, %mul3A_12 : i32
        "tpu.region"() ({
          %run_scoped3A = tpu.sem_alloc : memref<!tpu.dma_semaphore, #tpu.memory_space<semaphore_mem>>
          %dma_start3A_30 = tpu.memref_slice %arg4[%mul3A_13] : memref<160000xi32, #tpu.memory_space<hbm>> -> memref<128xi32, #tpu.memory_space<hbm>>
          %dma_start3A_31 = tpu.memref_slice %arg4[%mul3A_13] : memref<160000xi32, #tpu.memory_space<hbm>> -> memref<128xi32, #tpu.memory_space<hbm>>
          tpu.enqueue_dma source(%dma_start3A_31 : memref<128xi32, #tpu.memory_space<hbm>>) target(%arg8 : memref<128xi32, #tpu.memory_space<vmem>>) target_semaphore(%run_scoped3A : memref<!tpu.dma_semaphore, #tpu.memory_space<semaphore_mem>>)
          %dma_wait3A_32 = tpu.memref_slice %arg4[%mul3A_13] : memref<160000xi32, #tpu.memory_space<hbm>> -> memref<128xi32, #tpu.memory_space<hbm>>
          %dma_wait3A_33 = tpu.memref_slice %arg4[%mul3A_13] : memref<160000xi32, #tpu.memory_space<hbm>> -> memref<128xi32, #tpu.memory_space<hbm>>
          tpu.wait_dma2 semaphore(%run_scoped3A : memref<!tpu.dma_semaphore, #tpu.memory_space<semaphore_mem>>) src(%dma_wait3A_33 : memref<128xi32, #tpu.memory_space<hbm>>) dst(%arg8 : memref<128xi32, #tpu.memory_space<vmem>>)
          tpu.yield
        }) : () -> ()
        %mul3A_14 = arith.constant 128 : i32
        %mul3A_15 = arith.muli %add3A_9, %mul3A_14 : i32
        "tpu.region"() ({
          %run_scoped3A = tpu.sem_alloc : memref<!tpu.dma_semaphore, #tpu.memory_space<semaphore_mem>>
          %dma_start3A_30 = tpu.memref_slice %arg5[%mul3A_15] : memref<160000xi32, #tpu.memory_space<hbm>> -> memref<128xi32, #tpu.memory_space<hbm>>
          %dma_start3A_31 = tpu.memref_slice %arg5[%mul3A_15] : memref<160000xi32, #tpu.memory_space<hbm>> -> memref<128xi32, #tpu.memory_space<hbm>>
          tpu.enqueue_dma source(%dma_start3A_31 : memref<128xi32, #tpu.memory_space<hbm>>) target(%arg9 : memref<128xi32, #tpu.memory_space<vmem>>) target_semaphore(%run_scoped3A : memref<!tpu.dma_semaphore, #tpu.memory_space<semaphore_mem>>)
          %dma_wait3A_32 = tpu.memref_slice %arg5[%mul3A_15] : memref<160000xi32, #tpu.memory_space<hbm>> -> memref<128xi32, #tpu.memory_space<hbm>>
          %dma_wait3A_33 = tpu.memref_slice %arg5[%mul3A_15] : memref<160000xi32, #tpu.memory_space<hbm>> -> memref<128xi32, #tpu.memory_space<hbm>>
          tpu.wait_dma2 semaphore(%run_scoped3A : memref<!tpu.dma_semaphore, #tpu.memory_space<semaphore_mem>>) src(%dma_wait3A_33 : memref<128xi32, #tpu.memory_space<hbm>>) dst(%arg9 : memref<128xi32, #tpu.memory_space<vmem>>)
          tpu.yield
        }) : () -> ()
        %dma_start3A = arith.constant 0 : i32
        %dma_start3A_16 = arith.constant 0 : i32
        %dma_start3A_17 = tpu.memref_slice %arg2[%dma_start3A, %dma_start3A_16] : memref<10240x256xf32, #tpu.memory_space<hbm>> -> memref<10240x256xf32, #tpu.memory_space<hbm>>
        tpu.enqueue_indirect_dma source(%dma_start3A_17 : memref<10240x256xf32, #tpu.memory_space<hbm>>) target(%arg10 : memref<128x256xf32, #tpu.memory_space<vmem>>) offsets(%arg8 : memref<128xi32, #tpu.memory_space<vmem>>) semaphore(%arg12 : memref<!tpu.dma_semaphore, #tpu.memory_space<semaphore_mem>>)
        %dma_start3A_18 = arith.constant 0 : i32
        %dma_start3A_19 = arith.constant 0 : i32
        %dma_start3A_20 = tpu.memref_slice %arg3[%dma_start3A_18, %dma_start3A_19] : memref<10240x256xf32, #tpu.memory_space<hbm>> -> memref<10240x256xf32, #tpu.memory_space<hbm>>
        tpu.enqueue_indirect_dma source(%dma_start3A_20 : memref<10240x256xf32, #tpu.memory_space<hbm>>) target(%arg11 : memref<128x256xf32, #tpu.memory_space<vmem>>) offsets(%arg9 : memref<128xi32, #tpu.memory_space<vmem>>) semaphore(%arg13 : memref<!tpu.dma_semaphore, #tpu.memory_space<semaphore_mem>>)
        %dma_wait3A = arith.constant 0 : i32
        %dma_wait3A_21 = arith.constant 0 : i32
        %dma_wait3A_22 = tpu.memref_slice %arg2[%dma_wait3A, %dma_wait3A_21] : memref<10240x256xf32, #tpu.memory_space<hbm>> -> memref<10240x256xf32, #tpu.memory_space<hbm>>
        tpu.wait_indirect_dma semaphore(%arg12 : memref<!tpu.dma_semaphore, #tpu.memory_space<semaphore_mem>>) src(%dma_wait3A_22 : memref<10240x256xf32, #tpu.memory_space<hbm>>) dst(%arg10 : memref<128x256xf32, #tpu.memory_space<vmem>>)
        %dma_wait3A_23 = arith.constant 0 : i32
        %dma_wait3A_24 = arith.constant 0 : i32
        %dma_wait3A_25 = tpu.memref_slice %arg3[%dma_wait3A_23, %dma_wait3A_24] : memref<10240x256xf32, #tpu.memory_space<hbm>> -> memref<10240x256xf32, #tpu.memory_space<hbm>>
        tpu.wait_indirect_dma semaphore(%arg13 : memref<!tpu.dma_semaphore, #tpu.memory_space<semaphore_mem>>) src(%dma_wait3A_25 : memref<10240x256xf32, #tpu.memory_space<hbm>>) dst(%arg11 : memref<128x256xf32, #tpu.memory_space<vmem>>)
        %mul3A_26 = arith.constant 128 : i32
        %mul3A_27 = arith.muli %add3A_9, %mul3A_26 : i32
        "tpu.region"() ({
          %run_scoped3A = tpu.sem_alloc : memref<!tpu.dma_semaphore, #tpu.memory_space<semaphore_mem>>
          %dma_start3A_30 = arith.constant 0 : i32
          %dma_start3A_31 = tpu.memref_slice %arg6[%mul3A_27, %dma_start3A_30] : memref<160000x256xf32, #tpu.memory_space<hbm>> -> memref<128x256xf32, #tpu.memory_space<hbm>>
          %dma_start3A_32 = arith.constant 0 : i32
          %dma_start3A_33 = tpu.memref_slice %arg6[%mul3A_27, %dma_start3A_32] : memref<160000x256xf32, #tpu.memory_space<hbm>> -> memref<128x256xf32, #tpu.memory_space<hbm>>
          tpu.enqueue_dma source(%arg10 : memref<128x256xf32, #tpu.memory_space<vmem>>) target(%dma_start3A_33 : memref<128x256xf32, #tpu.memory_space<hbm>>) target_semaphore(%run_scoped3A : memref<!tpu.dma_semaphore, #tpu.memory_space<semaphore_mem>>)
          %dma_wait3A_34 = arith.constant 0 : i32
          %dma_wait3A_35 = tpu.memref_slice %arg6[%mul3A_27, %dma_wait3A_34] : memref<160000x256xf32, #tpu.memory_space<hbm>> -> memref<128x256xf32, #tpu.memory_space<hbm>>
          %dma_wait3A_36 = arith.constant 0 : i32
          %dma_wait3A_37 = tpu.memref_slice %arg6[%mul3A_27, %dma_wait3A_36] : memref<160000x256xf32, #tpu.memory_space<hbm>> -> memref<128x256xf32, #tpu.memory_space<hbm>>
          tpu.wait_dma2 semaphore(%run_scoped3A : memref<!tpu.dma_semaphore, #tpu.memory_space<semaphore_mem>>) src(%arg10 : memref<128x256xf32, #tpu.memory_space<vmem>>) dst(%dma_wait3A_37 : memref<128x256xf32, #tpu.memory_space<hbm>>)
          tpu.yield
        }) : () -> ()
        %mul3A_28 = arith.constant 128 : i32
        %mul3A_29 = arith.muli %add3A_9, %mul3A_28 : i32
        "tpu.region"() ({
          %run_scoped3A = tpu.sem_alloc : memref<!tpu.dma_semaphore, #tpu.memory_space<semaphore_mem>>
          %dma_start3A_30 = arith.constant 0 : i32
          %dma_start3A_31 = tpu.memref_slice %arg7[%mul3A_29, %dma_start3A_30] : memref<160000x256xf32, #tpu.memory_space<hbm>> -> memref<128x256xf32, #tpu.memory_space<hbm>>
          %dma_start3A_32 = arith.constant 0 : i32
          %dma_start3A_33 = tpu.memref_slice %arg7[%mul3A_29, %dma_start3A_32] : memref<160000x256xf32, #tpu.memory_space<hbm>> -> memref<128x256xf32, #tpu.memory_space<hbm>>
          tpu.enqueue_dma source(%arg11 : memref<128x256xf32, #tpu.memory_space<vmem>>) target(%dma_start3A_33 : memref<128x256xf32, #tpu.memory_space<hbm>>) target_semaphore(%run_scoped3A : memref<!tpu.dma_semaphore, #tpu.memory_space<semaphore_mem>>)
          %dma_wait3A_34 = arith.constant 0 : i32
          %dma_wait3A_35 = tpu.memref_slice %arg7[%mul3A_29, %dma_wait3A_34] : memref<160000x256xf32, #tpu.memory_space<hbm>> -> memref<128x256xf32, #tpu.memory_space<hbm>>
          %dma_wait3A_36 = arith.constant 0 : i32
          %dma_wait3A_37 = tpu.memref_slice %arg7[%mul3A_29, %dma_wait3A_36] : memref<160000x256xf32, #tpu.memory_space<hbm>> -> memref<128x256xf32, #tpu.memory_space<hbm>>
          tpu.wait_dma2 semaphore(%run_scoped3A : memref<!tpu.dma_semaphore, #tpu.memory_space<semaphore_mem>>) src(%arg11 : memref<128x256xf32, #tpu.memory_space<vmem>>) dst(%dma_wait3A_37 : memref<128x256xf32, #tpu.memory_space<hbm>>)
          tpu.yield
        }) : () -> ()
      } else {
      }
    }
    %scan3A_5 = arith.constant 40 : i32
    return
  }
}

#map = affine_map<(d0, d1) -> (0, 0)>
#map1 = affine_map<(d0, d1) -> (0)>
module attributes {stable_mosaic.version = 14 : i64} {
  func.func @s(%arg0: i32, %arg1: i32, %arg2: memref<160000x16xf32, #tpu.memory_space<hbm>>, %arg3: memref<10240x16xf32, #tpu.memory_space<hbm>>, %arg4: memref<160000xi32, #tpu.memory_space<hbm>>, %arg5: memref<20480x16xf32, #tpu.memory_space<hbm>>, %arg6: memref<128xi32, #tpu.memory_space<vmem>>, %arg7: memref<128x16xf32, #tpu.memory_space<vmem>>, %arg8: memref<10240x16xf32, #tpu.memory_space<vmem_shared>>) attributes {dimension_semantics = [#tpu.dimension_semantics<core_parallel>, #tpu.dimension_semantics<subcore_parallel>], iteration_bounds = array<i64: 2, 16>, scalar_prefetch = 0 : i64, scratch_operands = 3 : i64, tpu.core_type = #tpu.core_type<sc_vector_subcore>, window_params = [{transform_indices = #map}, {transform_indices = #map}, {transform_indices = #map1}, {transform_indices = #map}]} {
    %mul3A = arith.constant 2 : i32
    %mul3A_0 = arith.muli %arg1, %mul3A : i32
    %add3A = arith.addi %mul3A_0, %arg0 : i32
    %eq3A = arith.constant 0 : i32
    %eq3A_1 = arith.cmpi eq, %arg1, %eq3A : i32
    %convert_element_type3A = arith.extui %eq3A_1 : i1 to i32
    %cond3A = arith.constant 0 : i32
    %cond3A_2 = arith.cmpi ne, %convert_element_type3A, %cond3A : i32
    scf.if %cond3A_2 {
      "tpu.region"() ({
        %run_scoped3A = tpu.sem_alloc : memref<!tpu.dma_semaphore, #tpu.memory_space<semaphore_mem>>
        tpu.enqueue_dma source(%arg3 : memref<10240x16xf32, #tpu.memory_space<hbm>>) target(%arg8 : memref<10240x16xf32, #tpu.memory_space<vmem_shared>>) target_semaphore(%run_scoped3A : memref<!tpu.dma_semaphore, #tpu.memory_space<semaphore_mem>>)
        tpu.wait_dma2 semaphore(%run_scoped3A : memref<!tpu.dma_semaphore, #tpu.memory_space<semaphore_mem>>) src(%arg3 : memref<10240x16xf32, #tpu.memory_space<hbm>>) dst(%arg8 : memref<10240x16xf32, #tpu.memory_space<vmem_shared>>)
        tpu.yield
      }) : () -> ()
    } else {
    }
    %barrier3A = arith.constant 0 : index
    tpu.barrier barrier_id(%barrier3A)
    %scan3A = arith.constant 0 : i32
    %scan3A_3 = arith.constant 0 : i32
    %scan3A_4 = arith.constant 40 : i32
    %scan3A_5 = arith.addi %scan3A_3, %scan3A_4 : i32
    %scan3A_6 = arith.constant 1 : i32
    scf.for %scan3A_14 = %scan3A_3 to %scan3A_5 step %scan3A_6  : i32 {
      %mul3A_15 = arith.constant 32 : i32
      %mul3A_16 = arith.muli %mul3A_15, %scan3A_14 : i32
      %add3A_17 = arith.addi %add3A, %mul3A_16 : i32
      %lt3A = arith.constant 1250 : i32
      %lt3A_18 = arith.cmpi slt, %add3A_17, %lt3A : i32
      %convert_element_type3A_19 = arith.extui %lt3A_18 : i1 to i32
      %cond3A_20 = arith.constant 0 : i32
      %cond3A_21 = arith.cmpi ne, %convert_element_type3A_19, %cond3A_20 : i32
      scf.if %cond3A_21 {
        %mul3A_22 = arith.constant 128 : i32
        %mul3A_23 = arith.muli %add3A_17, %mul3A_22 : i32
        "tpu.region"() ({
          %run_scoped3A = tpu.sem_alloc : memref<!tpu.dma_semaphore, #tpu.memory_space<semaphore_mem>>
          %dma_start3A = tpu.memref_slice %arg4[%mul3A_23] : memref<160000xi32, #tpu.memory_space<hbm>> -> memref<128xi32, #tpu.memory_space<hbm>>
          %dma_start3A_26 = tpu.memref_slice %arg4[%mul3A_23] : memref<160000xi32, #tpu.memory_space<hbm>> -> memref<128xi32, #tpu.memory_space<hbm>>
          tpu.enqueue_dma source(%dma_start3A_26 : memref<128xi32, #tpu.memory_space<hbm>>) target(%arg6 : memref<128xi32, #tpu.memory_space<vmem>>) target_semaphore(%run_scoped3A : memref<!tpu.dma_semaphore, #tpu.memory_space<semaphore_mem>>)
          %dma_wait3A = tpu.memref_slice %arg4[%mul3A_23] : memref<160000xi32, #tpu.memory_space<hbm>> -> memref<128xi32, #tpu.memory_space<hbm>>
          %dma_wait3A_27 = tpu.memref_slice %arg4[%mul3A_23] : memref<160000xi32, #tpu.memory_space<hbm>> -> memref<128xi32, #tpu.memory_space<hbm>>
          tpu.wait_dma2 semaphore(%run_scoped3A : memref<!tpu.dma_semaphore, #tpu.memory_space<semaphore_mem>>) src(%dma_wait3A_27 : memref<128xi32, #tpu.memory_space<hbm>>) dst(%arg6 : memref<128xi32, #tpu.memory_space<vmem>>)
          tpu.yield
        }) : () -> ()
        %mul3A_24 = arith.constant 128 : i32
        %mul3A_25 = arith.muli %add3A_17, %mul3A_24 : i32
        "tpu.region"() ({
          %run_scoped3A = tpu.sem_alloc : memref<!tpu.dma_semaphore, #tpu.memory_space<semaphore_mem>>
          %dma_start3A = arith.constant 0 : i32
          %dma_start3A_26 = tpu.memref_slice %arg2[%mul3A_25, %dma_start3A] : memref<160000x16xf32, #tpu.memory_space<hbm>> -> memref<128x16xf32, #tpu.memory_space<hbm>>
          %dma_start3A_27 = arith.constant 0 : i32
          %dma_start3A_28 = tpu.memref_slice %arg2[%mul3A_25, %dma_start3A_27] : memref<160000x16xf32, #tpu.memory_space<hbm>> -> memref<128x16xf32, #tpu.memory_space<hbm>>
          tpu.enqueue_dma source(%dma_start3A_28 : memref<128x16xf32, #tpu.memory_space<hbm>>) target(%arg7 : memref<128x16xf32, #tpu.memory_space<vmem>>) target_semaphore(%run_scoped3A : memref<!tpu.dma_semaphore, #tpu.memory_space<semaphore_mem>>)
          %dma_wait3A = arith.constant 0 : i32
          %dma_wait3A_29 = tpu.memref_slice %arg2[%mul3A_25, %dma_wait3A] : memref<160000x16xf32, #tpu.memory_space<hbm>> -> memref<128x16xf32, #tpu.memory_space<hbm>>
          %dma_wait3A_30 = arith.constant 0 : i32
          %dma_wait3A_31 = tpu.memref_slice %arg2[%mul3A_25, %dma_wait3A_30] : memref<160000x16xf32, #tpu.memory_space<hbm>> -> memref<128x16xf32, #tpu.memory_space<hbm>>
          tpu.wait_dma2 semaphore(%run_scoped3A : memref<!tpu.dma_semaphore, #tpu.memory_space<semaphore_mem>>) src(%dma_wait3A_31 : memref<128x16xf32, #tpu.memory_space<hbm>>) dst(%arg7 : memref<128x16xf32, #tpu.memory_space<vmem>>)
          tpu.yield
        }) : () -> ()
        "tpu.region"() ({
          %run_scoped3A = tpu.sem_alloc : memref<!tpu.dma_semaphore, #tpu.memory_space<semaphore_mem>>
          %dma_start3A = arith.constant 0 : i32
          %dma_start3A_26 = arith.constant 0 : i32
          %dma_start3A_27 = tpu.memref_slice %arg8[%dma_start3A, %dma_start3A_26] : memref<10240x16xf32, #tpu.memory_space<vmem_shared>> -> memref<10240x16xf32, #tpu.memory_space<vmem_shared>>
          tpu.enqueue_indirect_dma source(%arg7 : memref<128x16xf32, #tpu.memory_space<vmem>>) target(%dma_start3A_27 : memref<10240x16xf32, #tpu.memory_space<vmem_shared>>) offsets(%arg6 : memref<128xi32, #tpu.memory_space<vmem>>) semaphore(%run_scoped3A : memref<!tpu.dma_semaphore, #tpu.memory_space<semaphore_mem>>) {add = true}
          %dma_wait3A = arith.constant 0 : i32
          %dma_wait3A_28 = arith.constant 0 : i32
          %dma_wait3A_29 = tpu.memref_slice %arg8[%dma_wait3A, %dma_wait3A_28] : memref<10240x16xf32, #tpu.memory_space<vmem_shared>> -> memref<10240x16xf32, #tpu.memory_space<vmem_shared>>
          tpu.wait_indirect_dma semaphore(%run_scoped3A : memref<!tpu.dma_semaphore, #tpu.memory_space<semaphore_mem>>) src(%arg7 : memref<128x16xf32, #tpu.memory_space<vmem>>) dst(%dma_wait3A_29 : memref<10240x16xf32, #tpu.memory_space<vmem_shared>>)
          tpu.yield
        }) : () -> ()
      } else {
      }
    }
    %scan3A_7 = arith.constant 40 : i32
    %barrier3A_8 = arith.constant 0 : index
    tpu.barrier barrier_id(%barrier3A_8)
    %eq3A_9 = arith.constant 0 : i32
    %eq3A_10 = arith.cmpi eq, %arg1, %eq3A_9 : i32
    %convert_element_type3A_11 = arith.extui %eq3A_10 : i1 to i32
    %cond3A_12 = arith.constant 0 : i32
    %cond3A_13 = arith.cmpi ne, %convert_element_type3A_11, %cond3A_12 : i32
    scf.if %cond3A_13 {
      %mul3A_14 = arith.constant 10240 : i32
      %mul3A_15 = arith.muli %arg0, %mul3A_14 : i32
      "tpu.region"() ({
        %run_scoped3A = tpu.sem_alloc : memref<!tpu.dma_semaphore, #tpu.memory_space<semaphore_mem>>
        %dma_start3A = arith.constant 0 : i32
        %dma_start3A_16 = tpu.memref_slice %arg5[%mul3A_15, %dma_start3A] : memref<20480x16xf32, #tpu.memory_space<hbm>> -> memref<10240x16xf32, #tpu.memory_space<hbm>>
        tpu.enqueue_dma source(%arg8 : memref<10240x16xf32, #tpu.memory_space<vmem_shared>>) target(%dma_start3A_16 : memref<10240x16xf32, #tpu.memory_space<hbm>>) target_semaphore(%run_scoped3A : memref<!tpu.dma_semaphore, #tpu.memory_space<semaphore_mem>>)
        %dma_wait3A = arith.constant 0 : i32
        %dma_wait3A_17 = tpu.memref_slice %arg5[%mul3A_15, %dma_wait3A] : memref<20480x16xf32, #tpu.memory_space<hbm>> -> memref<10240x16xf32, #tpu.memory_space<hbm>>
        tpu.wait_dma2 semaphore(%run_scoped3A : memref<!tpu.dma_semaphore, #tpu.memory_space<semaphore_mem>>) src(%arg8 : memref<10240x16xf32, #tpu.memory_space<vmem_shared>>) dst(%dma_wait3A_17 : memref<10240x16xf32, #tpu.memory_space<hbm>>)
        tpu.yield
      }) : () -> ()
    } else {
    }
    return
  }
}

#map = affine_map<(d0, d1) -> (0, 0)>
#map1 = affine_map<(d0, d1) -> (0)>
module attributes {stable_mosaic.version = 14 : i64} {
  func.func @g(%arg0: i32, %arg1: i32, %arg2: memref<10240x256xf32, #tpu.memory_space<hbm>>, %arg3: memref<10240x256xf32, #tpu.memory_space<hbm>>, %arg4: memref<160000xi32, #tpu.memory_space<hbm>>, %arg5: memref<160000xi32, #tpu.memory_space<hbm>>, %arg6: memref<160000x256xf32, #tpu.memory_space<hbm>>, %arg7: memref<160000x256xf32, #tpu.memory_space<hbm>>, %arg8: memref<128xi32, #tpu.memory_space<vmem>>, %arg9: memref<128xi32, #tpu.memory_space<vmem>>, %arg10: memref<128x256xf32, #tpu.memory_space<vmem>>, %arg11: memref<128x256xf32, #tpu.memory_space<vmem>>, %arg12: memref<!tpu.dma_semaphore, #tpu.memory_space<semaphore_mem>>, %arg13: memref<!tpu.dma_semaphore, #tpu.memory_space<semaphore_mem>>) attributes {dimension_semantics = [#tpu.dimension_semantics<core_parallel>, #tpu.dimension_semantics<subcore_parallel>], iteration_bounds = array<i64: 2, 16>, scalar_prefetch = 0 : i64, scratch_operands = 6 : i64, tpu.core_type = #tpu.core_type<sc_vector_subcore>, window_params = [{transform_indices = #map}, {transform_indices = #map}, {transform_indices = #map1}, {transform_indices = #map1}, {transform_indices = #map}, {transform_indices = #map}]} {
    %mul3A = arith.constant 2 : i32
    %mul3A_0 = arith.muli %arg1, %mul3A : i32
    %add3A = arith.addi %mul3A_0, %arg0 : i32
    %scan3A = arith.constant 0 : i32
    %scan3A_1 = arith.constant 0 : i32
    %scan3A_2 = arith.constant 40 : i32
    %scan3A_3 = arith.addi %scan3A_1, %scan3A_2 : i32
    %scan3A_4 = arith.constant 1 : i32
    scf.for %scan3A_6 = %scan3A_1 to %scan3A_3 step %scan3A_4  : i32 {
      %mul3A_7 = arith.constant 32 : i32
      %mul3A_8 = arith.muli %mul3A_7, %scan3A_6 : i32
      %add3A_9 = arith.addi %add3A, %mul3A_8 : i32
      %lt3A = arith.constant 1250 : i32
      %lt3A_10 = arith.cmpi slt, %add3A_9, %lt3A : i32
      %convert_element_type3A = arith.extui %lt3A_10 : i1 to i32
      %cond3A = arith.constant 0 : i32
      %cond3A_11 = arith.cmpi ne, %convert_element_type3A, %cond3A : i32
      scf.if %cond3A_11 {
        %mul3A_12 = arith.constant 128 : i32
        %mul3A_13 = arith.muli %add3A_9, %mul3A_12 : i32
        "tpu.region"() ({
          %run_scoped3A = tpu.sem_alloc : memref<!tpu.dma_semaphore, #tpu.memory_space<semaphore_mem>>
          %dma_start3A_30 = tpu.memref_slice %arg4[%mul3A_13] : memref<160000xi32, #tpu.memory_space<hbm>> -> memref<128xi32, #tpu.memory_space<hbm>>
          %dma_start3A_31 = tpu.memref_slice %arg4[%mul3A_13] : memref<160000xi32, #tpu.memory_space<hbm>> -> memref<128xi32, #tpu.memory_space<hbm>>
          tpu.enqueue_dma source(%dma_start3A_31 : memref<128xi32, #tpu.memory_space<hbm>>) target(%arg8 : memref<128xi32, #tpu.memory_space<vmem>>) target_semaphore(%run_scoped3A : memref<!tpu.dma_semaphore, #tpu.memory_space<semaphore_mem>>)
          %dma_wait3A_32 = tpu.memref_slice %arg4[%mul3A_13] : memref<160000xi32, #tpu.memory_space<hbm>> -> memref<128xi32, #tpu.memory_space<hbm>>
          %dma_wait3A_33 = tpu.memref_slice %arg4[%mul3A_13] : memref<160000xi32, #tpu.memory_space<hbm>> -> memref<128xi32, #tpu.memory_space<hbm>>
          tpu.wait_dma2 semaphore(%run_scoped3A : memref<!tpu.dma_semaphore, #tpu.memory_space<semaphore_mem>>) src(%dma_wait3A_33 : memref<128xi32, #tpu.memory_space<hbm>>) dst(%arg8 : memref<128xi32, #tpu.memory_space<vmem>>)
          tpu.yield
        }) : () -> ()
        %mul3A_14 = arith.constant 128 : i32
        %mul3A_15 = arith.muli %add3A_9, %mul3A_14 : i32
        "tpu.region"() ({
          %run_scoped3A = tpu.sem_alloc : memref<!tpu.dma_semaphore, #tpu.memory_space<semaphore_mem>>
          %dma_start3A_30 = tpu.memref_slice %arg5[%mul3A_15] : memref<160000xi32, #tpu.memory_space<hbm>> -> memref<128xi32, #tpu.memory_space<hbm>>
          %dma_start3A_31 = tpu.memref_slice %arg5[%mul3A_15] : memref<160000xi32, #tpu.memory_space<hbm>> -> memref<128xi32, #tpu.memory_space<hbm>>
          tpu.enqueue_dma source(%dma_start3A_31 : memref<128xi32, #tpu.memory_space<hbm>>) target(%arg9 : memref<128xi32, #tpu.memory_space<vmem>>) target_semaphore(%run_scoped3A : memref<!tpu.dma_semaphore, #tpu.memory_space<semaphore_mem>>)
          %dma_wait3A_32 = tpu.memref_slice %arg5[%mul3A_15] : memref<160000xi32, #tpu.memory_space<hbm>> -> memref<128xi32, #tpu.memory_space<hbm>>
          %dma_wait3A_33 = tpu.memref_slice %arg5[%mul3A_15] : memref<160000xi32, #tpu.memory_space<hbm>> -> memref<128xi32, #tpu.memory_space<hbm>>
          tpu.wait_dma2 semaphore(%run_scoped3A : memref<!tpu.dma_semaphore, #tpu.memory_space<semaphore_mem>>) src(%dma_wait3A_33 : memref<128xi32, #tpu.memory_space<hbm>>) dst(%arg9 : memref<128xi32, #tpu.memory_space<vmem>>)
          tpu.yield
        }) : () -> ()
        %dma_start3A = arith.constant 0 : i32
        %dma_start3A_16 = arith.constant 0 : i32
        %dma_start3A_17 = tpu.memref_slice %arg2[%dma_start3A, %dma_start3A_16] : memref<10240x256xf32, #tpu.memory_space<hbm>> -> memref<10240x256xf32, #tpu.memory_space<hbm>>
        tpu.enqueue_indirect_dma source(%dma_start3A_17 : memref<10240x256xf32, #tpu.memory_space<hbm>>) target(%arg10 : memref<128x256xf32, #tpu.memory_space<vmem>>) offsets(%arg8 : memref<128xi32, #tpu.memory_space<vmem>>) semaphore(%arg12 : memref<!tpu.dma_semaphore, #tpu.memory_space<semaphore_mem>>)
        %dma_start3A_18 = arith.constant 0 : i32
        %dma_start3A_19 = arith.constant 0 : i32
        %dma_start3A_20 = tpu.memref_slice %arg3[%dma_start3A_18, %dma_start3A_19] : memref<10240x256xf32, #tpu.memory_space<hbm>> -> memref<10240x256xf32, #tpu.memory_space<hbm>>
        tpu.enqueue_indirect_dma source(%dma_start3A_20 : memref<10240x256xf32, #tpu.memory_space<hbm>>) target(%arg11 : memref<128x256xf32, #tpu.memory_space<vmem>>) offsets(%arg9 : memref<128xi32, #tpu.memory_space<vmem>>) semaphore(%arg13 : memref<!tpu.dma_semaphore, #tpu.memory_space<semaphore_mem>>)
        %dma_wait3A = arith.constant 0 : i32
        %dma_wait3A_21 = arith.constant 0 : i32
        %dma_wait3A_22 = tpu.memref_slice %arg2[%dma_wait3A, %dma_wait3A_21] : memref<10240x256xf32, #tpu.memory_space<hbm>> -> memref<10240x256xf32, #tpu.memory_space<hbm>>
        tpu.wait_indirect_dma semaphore(%arg12 : memref<!tpu.dma_semaphore, #tpu.memory_space<semaphore_mem>>) src(%dma_wait3A_22 : memref<10240x256xf32, #tpu.memory_space<hbm>>) dst(%arg10 : memref<128x256xf32, #tpu.memory_space<vmem>>)
        %dma_wait3A_23 = arith.constant 0 : i32
        %dma_wait3A_24 = arith.constant 0 : i32
        %dma_wait3A_25 = tpu.memref_slice %arg3[%dma_wait3A_23, %dma_wait3A_24] : memref<10240x256xf32, #tpu.memory_space<hbm>> -> memref<10240x256xf32, #tpu.memory_space<hbm>>
        tpu.wait_indirect_dma semaphore(%arg13 : memref<!tpu.dma_semaphore, #tpu.memory_space<semaphore_mem>>) src(%dma_wait3A_25 : memref<10240x256xf32, #tpu.memory_space<hbm>>) dst(%arg11 : memref<128x256xf32, #tpu.memory_space<vmem>>)
        %mul3A_26 = arith.constant 128 : i32
        %mul3A_27 = arith.muli %add3A_9, %mul3A_26 : i32
        "tpu.region"() ({
          %run_scoped3A = tpu.sem_alloc : memref<!tpu.dma_semaphore, #tpu.memory_space<semaphore_mem>>
          %dma_start3A_30 = arith.constant 0 : i32
          %dma_start3A_31 = tpu.memref_slice %arg6[%mul3A_27, %dma_start3A_30] : memref<160000x256xf32, #tpu.memory_space<hbm>> -> memref<128x256xf32, #tpu.memory_space<hbm>>
          %dma_start3A_32 = arith.constant 0 : i32
          %dma_start3A_33 = tpu.memref_slice %arg6[%mul3A_27, %dma_start3A_32] : memref<160000x256xf32, #tpu.memory_space<hbm>> -> memref<128x256xf32, #tpu.memory_space<hbm>>
          tpu.enqueue_dma source(%arg10 : memref<128x256xf32, #tpu.memory_space<vmem>>) target(%dma_start3A_33 : memref<128x256xf32, #tpu.memory_space<hbm>>) target_semaphore(%run_scoped3A : memref<!tpu.dma_semaphore, #tpu.memory_space<semaphore_mem>>)
          %dma_wait3A_34 = arith.constant 0 : i32
          %dma_wait3A_35 = tpu.memref_slice %arg6[%mul3A_27, %dma_wait3A_34] : memref<160000x256xf32, #tpu.memory_space<hbm>> -> memref<128x256xf32, #tpu.memory_space<hbm>>
          %dma_wait3A_36 = arith.constant 0 : i32
          %dma_wait3A_37 = tpu.memref_slice %arg6[%mul3A_27, %dma_wait3A_36] : memref<160000x256xf32, #tpu.memory_space<hbm>> -> memref<128x256xf32, #tpu.memory_space<hbm>>
          tpu.wait_dma2 semaphore(%run_scoped3A : memref<!tpu.dma_semaphore, #tpu.memory_space<semaphore_mem>>) src(%arg10 : memref<128x256xf32, #tpu.memory_space<vmem>>) dst(%dma_wait3A_37 : memref<128x256xf32, #tpu.memory_space<hbm>>)
          tpu.yield
        }) : () -> ()
        %mul3A_28 = arith.constant 128 : i32
        %mul3A_29 = arith.muli %add3A_9, %mul3A_28 : i32
        "tpu.region"() ({
          %run_scoped3A = tpu.sem_alloc : memref<!tpu.dma_semaphore, #tpu.memory_space<semaphore_mem>>
          %dma_start3A_30 = arith.constant 0 : i32
          %dma_start3A_31 = tpu.memref_slice %arg7[%mul3A_29, %dma_start3A_30] : memref<160000x256xf32, #tpu.memory_space<hbm>> -> memref<128x256xf32, #tpu.memory_space<hbm>>
          %dma_start3A_32 = arith.constant 0 : i32
          %dma_start3A_33 = tpu.memref_slice %arg7[%mul3A_29, %dma_start3A_32] : memref<160000x256xf32, #tpu.memory_space<hbm>> -> memref<128x256xf32, #tpu.memory_space<hbm>>
          tpu.enqueue_dma source(%arg11 : memref<128x256xf32, #tpu.memory_space<vmem>>) target(%dma_start3A_33 : memref<128x256xf32, #tpu.memory_space<hbm>>) target_semaphore(%run_scoped3A : memref<!tpu.dma_semaphore, #tpu.memory_space<semaphore_mem>>)
          %dma_wait3A_34 = arith.constant 0 : i32
          %dma_wait3A_35 = tpu.memref_slice %arg7[%mul3A_29, %dma_wait3A_34] : memref<160000x256xf32, #tpu.memory_space<hbm>> -> memref<128x256xf32, #tpu.memory_space<hbm>>
          %dma_wait3A_36 = arith.constant 0 : i32
          %dma_wait3A_37 = tpu.memref_slice %arg7[%mul3A_29, %dma_wait3A_36] : memref<160000x256xf32, #tpu.memory_space<hbm>> -> memref<128x256xf32, #tpu.memory_space<hbm>>
          tpu.wait_dma2 semaphore(%run_scoped3A : memref<!tpu.dma_semaphore, #tpu.memory_space<semaphore_mem>>) src(%arg11 : memref<128x256xf32, #tpu.memory_space<vmem>>) dst(%dma_wait3A_37 : memref<128x256xf32, #tpu.memory_space<hbm>>)
          tpu.yield
        }) : () -> ()
      } else {
      }
    }
    %scan3A_5 = arith.constant 40 : i32
    return
  }
}

#map = affine_map<(d0, d1) -> (0, 0)>
#map1 = affine_map<(d0, d1) -> (0)>
module attributes {stable_mosaic.version = 14 : i64} {
  func.func @s(%arg0: i32, %arg1: i32, %arg2: memref<160000x16xf32, #tpu.memory_space<hbm>>, %arg3: memref<10240x16xf32, #tpu.memory_space<hbm>>, %arg4: memref<160000xi32, #tpu.memory_space<hbm>>, %arg5: memref<20480x16xf32, #tpu.memory_space<hbm>>, %arg6: memref<128xi32, #tpu.memory_space<vmem>>, %arg7: memref<128x16xf32, #tpu.memory_space<vmem>>, %arg8: memref<10240x16xf32, #tpu.memory_space<vmem_shared>>) attributes {dimension_semantics = [#tpu.dimension_semantics<core_parallel>, #tpu.dimension_semantics<subcore_parallel>], iteration_bounds = array<i64: 2, 16>, scalar_prefetch = 0 : i64, scratch_operands = 3 : i64, tpu.core_type = #tpu.core_type<sc_vector_subcore>, window_params = [{transform_indices = #map}, {transform_indices = #map}, {transform_indices = #map1}, {transform_indices = #map}]} {
    %mul3A = arith.constant 2 : i32
    %mul3A_0 = arith.muli %arg1, %mul3A : i32
    %add3A = arith.addi %mul3A_0, %arg0 : i32
    %eq3A = arith.constant 0 : i32
    %eq3A_1 = arith.cmpi eq, %arg1, %eq3A : i32
    %convert_element_type3A = arith.extui %eq3A_1 : i1 to i32
    %cond3A = arith.constant 0 : i32
    %cond3A_2 = arith.cmpi ne, %convert_element_type3A, %cond3A : i32
    scf.if %cond3A_2 {
      "tpu.region"() ({
        %run_scoped3A = tpu.sem_alloc : memref<!tpu.dma_semaphore, #tpu.memory_space<semaphore_mem>>
        tpu.enqueue_dma source(%arg3 : memref<10240x16xf32, #tpu.memory_space<hbm>>) target(%arg8 : memref<10240x16xf32, #tpu.memory_space<vmem_shared>>) target_semaphore(%run_scoped3A : memref<!tpu.dma_semaphore, #tpu.memory_space<semaphore_mem>>)
        tpu.wait_dma2 semaphore(%run_scoped3A : memref<!tpu.dma_semaphore, #tpu.memory_space<semaphore_mem>>) src(%arg3 : memref<10240x16xf32, #tpu.memory_space<hbm>>) dst(%arg8 : memref<10240x16xf32, #tpu.memory_space<vmem_shared>>)
        tpu.yield
      }) : () -> ()
    } else {
    }
    %barrier3A = arith.constant 0 : index
    tpu.barrier barrier_id(%barrier3A)
    %scan3A = arith.constant 0 : i32
    %scan3A_3 = arith.constant 0 : i32
    %scan3A_4 = arith.constant 40 : i32
    %scan3A_5 = arith.addi %scan3A_3, %scan3A_4 : i32
    %scan3A_6 = arith.constant 1 : i32
    scf.for %scan3A_14 = %scan3A_3 to %scan3A_5 step %scan3A_6  : i32 {
      %mul3A_15 = arith.constant 32 : i32
      %mul3A_16 = arith.muli %mul3A_15, %scan3A_14 : i32
      %add3A_17 = arith.addi %add3A, %mul3A_16 : i32
      %lt3A = arith.constant 1250 : i32
      %lt3A_18 = arith.cmpi slt, %add3A_17, %lt3A : i32
      %convert_element_type3A_19 = arith.extui %lt3A_18 : i1 to i32
      %cond3A_20 = arith.constant 0 : i32
      %cond3A_21 = arith.cmpi ne, %convert_element_type3A_19, %cond3A_20 : i32
      scf.if %cond3A_21 {
        %mul3A_22 = arith.constant 128 : i32
        %mul3A_23 = arith.muli %add3A_17, %mul3A_22 : i32
        "tpu.region"() ({
          %run_scoped3A = tpu.sem_alloc : memref<!tpu.dma_semaphore, #tpu.memory_space<semaphore_mem>>
          %dma_start3A = tpu.memref_slice %arg4[%mul3A_23] : memref<160000xi32, #tpu.memory_space<hbm>> -> memref<128xi32, #tpu.memory_space<hbm>>
          %dma_start3A_26 = tpu.memref_slice %arg4[%mul3A_23] : memref<160000xi32, #tpu.memory_space<hbm>> -> memref<128xi32, #tpu.memory_space<hbm>>
          tpu.enqueue_dma source(%dma_start3A_26 : memref<128xi32, #tpu.memory_space<hbm>>) target(%arg6 : memref<128xi32, #tpu.memory_space<vmem>>) target_semaphore(%run_scoped3A : memref<!tpu.dma_semaphore, #tpu.memory_space<semaphore_mem>>)
          %dma_wait3A = tpu.memref_slice %arg4[%mul3A_23] : memref<160000xi32, #tpu.memory_space<hbm>> -> memref<128xi32, #tpu.memory_space<hbm>>
          %dma_wait3A_27 = tpu.memref_slice %arg4[%mul3A_23] : memref<160000xi32, #tpu.memory_space<hbm>> -> memref<128xi32, #tpu.memory_space<hbm>>
          tpu.wait_dma2 semaphore(%run_scoped3A : memref<!tpu.dma_semaphore, #tpu.memory_space<semaphore_mem>>) src(%dma_wait3A_27 : memref<128xi32, #tpu.memory_space<hbm>>) dst(%arg6 : memref<128xi32, #tpu.memory_space<vmem>>)
          tpu.yield
        }) : () -> ()
        %mul3A_24 = arith.constant 128 : i32
        %mul3A_25 = arith.muli %add3A_17, %mul3A_24 : i32
        "tpu.region"() ({
          %run_scoped3A = tpu.sem_alloc : memref<!tpu.dma_semaphore, #tpu.memory_space<semaphore_mem>>
          %dma_start3A = arith.constant 0 : i32
          %dma_start3A_26 = tpu.memref_slice %arg2[%mul3A_25, %dma_start3A] : memref<160000x16xf32, #tpu.memory_space<hbm>> -> memref<128x16xf32, #tpu.memory_space<hbm>>
          %dma_start3A_27 = arith.constant 0 : i32
          %dma_start3A_28 = tpu.memref_slice %arg2[%mul3A_25, %dma_start3A_27] : memref<160000x16xf32, #tpu.memory_space<hbm>> -> memref<128x16xf32, #tpu.memory_space<hbm>>
          tpu.enqueue_dma source(%dma_start3A_28 : memref<128x16xf32, #tpu.memory_space<hbm>>) target(%arg7 : memref<128x16xf32, #tpu.memory_space<vmem>>) target_semaphore(%run_scoped3A : memref<!tpu.dma_semaphore, #tpu.memory_space<semaphore_mem>>)
          %dma_wait3A = arith.constant 0 : i32
          %dma_wait3A_29 = tpu.memref_slice %arg2[%mul3A_25, %dma_wait3A] : memref<160000x16xf32, #tpu.memory_space<hbm>> -> memref<128x16xf32, #tpu.memory_space<hbm>>
          %dma_wait3A_30 = arith.constant 0 : i32
          %dma_wait3A_31 = tpu.memref_slice %arg2[%mul3A_25, %dma_wait3A_30] : memref<160000x16xf32, #tpu.memory_space<hbm>> -> memref<128x16xf32, #tpu.memory_space<hbm>>
          tpu.wait_dma2 semaphore(%run_scoped3A : memref<!tpu.dma_semaphore, #tpu.memory_space<semaphore_mem>>) src(%dma_wait3A_31 : memref<128x16xf32, #tpu.memory_space<hbm>>) dst(%arg7 : memref<128x16xf32, #tpu.memory_space<vmem>>)
          tpu.yield
        }) : () -> ()
        "tpu.region"() ({
          %run_scoped3A = tpu.sem_alloc : memref<!tpu.dma_semaphore, #tpu.memory_space<semaphore_mem>>
          %dma_start3A = arith.constant 0 : i32
          %dma_start3A_26 = arith.constant 0 : i32
          %dma_start3A_27 = tpu.memref_slice %arg8[%dma_start3A, %dma_start3A_26] : memref<10240x16xf32, #tpu.memory_space<vmem_shared>> -> memref<10240x16xf32, #tpu.memory_space<vmem_shared>>
          tpu.enqueue_indirect_dma source(%arg7 : memref<128x16xf32, #tpu.memory_space<vmem>>) target(%dma_start3A_27 : memref<10240x16xf32, #tpu.memory_space<vmem_shared>>) offsets(%arg6 : memref<128xi32, #tpu.memory_space<vmem>>) semaphore(%run_scoped3A : memref<!tpu.dma_semaphore, #tpu.memory_space<semaphore_mem>>) {add = true}
          %dma_wait3A = arith.constant 0 : i32
          %dma_wait3A_28 = arith.constant 0 : i32
          %dma_wait3A_29 = tpu.memref_slice %arg8[%dma_wait3A, %dma_wait3A_28] : memref<10240x16xf32, #tpu.memory_space<vmem_shared>> -> memref<10240x16xf32, #tpu.memory_space<vmem_shared>>
          tpu.wait_indirect_dma semaphore(%run_scoped3A : memref<!tpu.dma_semaphore, #tpu.memory_space<semaphore_mem>>) src(%arg7 : memref<128x16xf32, #tpu.memory_space<vmem>>) dst(%dma_wait3A_29 : memref<10240x16xf32, #tpu.memory_space<vmem_shared>>)
          tpu.yield
        }) : () -> ()
      } else {
      }
    }
    %scan3A_7 = arith.constant 40 : i32
    %barrier3A_8 = arith.constant 0 : index
    tpu.barrier barrier_id(%barrier3A_8)
    %eq3A_9 = arith.constant 0 : i32
    %eq3A_10 = arith.cmpi eq, %arg1, %eq3A_9 : i32
    %convert_element_type3A_11 = arith.extui %eq3A_10 : i1 to i32
    %cond3A_12 = arith.constant 0 : i32
    %cond3A_13 = arith.cmpi ne, %convert_element_type3A_11, %cond3A_12 : i32
    scf.if %cond3A_13 {
      %mul3A_14 = arith.constant 10240 : i32
      %mul3A_15 = arith.muli %arg0, %mul3A_14 : i32
      "tpu.region"() ({
        %run_scoped3A = tpu.sem_alloc : memref<!tpu.dma_semaphore, #tpu.memory_space<semaphore_mem>>
        %dma_start3A = arith.constant 0 : i32
        %dma_start3A_16 = tpu.memref_slice %arg5[%mul3A_15, %dma_start3A] : memref<20480x16xf32, #tpu.memory_space<hbm>> -> memref<10240x16xf32, #tpu.memory_space<hbm>>
        tpu.enqueue_dma source(%arg8 : memref<10240x16xf32, #tpu.memory_space<vmem_shared>>) target(%dma_start3A_16 : memref<10240x16xf32, #tpu.memory_space<hbm>>) target_semaphore(%run_scoped3A : memref<!tpu.dma_semaphore, #tpu.memory_space<semaphore_mem>>)
        %dma_wait3A = arith.constant 0 : i32
        %dma_wait3A_17 = tpu.memref_slice %arg5[%mul3A_15, %dma_wait3A] : memref<20480x16xf32, #tpu.memory_space<hbm>> -> memref<10240x16xf32, #tpu.memory_space<hbm>>
        tpu.wait_dma2 semaphore(%run_scoped3A : memref<!tpu.dma_semaphore, #tpu.memory_space<semaphore_mem>>) src(%arg8 : memref<10240x16xf32, #tpu.memory_space<vmem_shared>>) dst(%dma_wait3A_17 : memref<10240x16xf32, #tpu.memory_space<hbm>>)
        tpu.yield
      }) : () -> ()
    } else {
    }
    return
  }
}

#map = affine_map<(d0, d1) -> (0, 0)>
#map1 = affine_map<(d0, d1) -> (0)>
module attributes {stable_mosaic.version = 14 : i64} {
  func.func @s(%arg0: i32, %arg1: i32, %arg2: memref<160000x16xf32, #tpu.memory_space<hbm>>, %arg3: memref<10240x16xf32, #tpu.memory_space<hbm>>, %arg4: memref<160000xi32, #tpu.memory_space<hbm>>, %arg5: memref<20480x16xf32, #tpu.memory_space<hbm>>, %arg6: memref<128xi32, #tpu.memory_space<vmem>>, %arg7: memref<128x16xf32, #tpu.memory_space<vmem>>, %arg8: memref<10240x16xf32, #tpu.memory_space<vmem_shared>>) attributes {dimension_semantics = [#tpu.dimension_semantics<core_parallel>, #tpu.dimension_semantics<subcore_parallel>], iteration_bounds = array<i64: 2, 16>, scalar_prefetch = 0 : i64, scratch_operands = 3 : i64, tpu.core_type = #tpu.core_type<sc_vector_subcore>, window_params = [{transform_indices = #map}, {transform_indices = #map}, {transform_indices = #map1}, {transform_indices = #map}]} {
    %mul3A = arith.constant 2 : i32
    %mul3A_0 = arith.muli %arg1, %mul3A : i32
    %add3A = arith.addi %mul3A_0, %arg0 : i32
    %eq3A = arith.constant 0 : i32
    %eq3A_1 = arith.cmpi eq, %arg1, %eq3A : i32
    %convert_element_type3A = arith.extui %eq3A_1 : i1 to i32
    %cond3A = arith.constant 0 : i32
    %cond3A_2 = arith.cmpi ne, %convert_element_type3A, %cond3A : i32
    scf.if %cond3A_2 {
      "tpu.region"() ({
        %run_scoped3A = tpu.sem_alloc : memref<!tpu.dma_semaphore, #tpu.memory_space<semaphore_mem>>
        tpu.enqueue_dma source(%arg3 : memref<10240x16xf32, #tpu.memory_space<hbm>>) target(%arg8 : memref<10240x16xf32, #tpu.memory_space<vmem_shared>>) target_semaphore(%run_scoped3A : memref<!tpu.dma_semaphore, #tpu.memory_space<semaphore_mem>>)
        tpu.wait_dma2 semaphore(%run_scoped3A : memref<!tpu.dma_semaphore, #tpu.memory_space<semaphore_mem>>) src(%arg3 : memref<10240x16xf32, #tpu.memory_space<hbm>>) dst(%arg8 : memref<10240x16xf32, #tpu.memory_space<vmem_shared>>)
        tpu.yield
      }) : () -> ()
    } else {
    }
    %barrier3A = arith.constant 0 : index
    tpu.barrier barrier_id(%barrier3A)
    %scan3A = arith.constant 0 : i32
    %scan3A_3 = arith.constant 0 : i32
    %scan3A_4 = arith.constant 40 : i32
    %scan3A_5 = arith.addi %scan3A_3, %scan3A_4 : i32
    %scan3A_6 = arith.constant 1 : i32
    scf.for %scan3A_14 = %scan3A_3 to %scan3A_5 step %scan3A_6  : i32 {
      %mul3A_15 = arith.constant 32 : i32
      %mul3A_16 = arith.muli %mul3A_15, %scan3A_14 : i32
      %add3A_17 = arith.addi %add3A, %mul3A_16 : i32
      %lt3A = arith.constant 1250 : i32
      %lt3A_18 = arith.cmpi slt, %add3A_17, %lt3A : i32
      %convert_element_type3A_19 = arith.extui %lt3A_18 : i1 to i32
      %cond3A_20 = arith.constant 0 : i32
      %cond3A_21 = arith.cmpi ne, %convert_element_type3A_19, %cond3A_20 : i32
      scf.if %cond3A_21 {
        %mul3A_22 = arith.constant 128 : i32
        %mul3A_23 = arith.muli %add3A_17, %mul3A_22 : i32
        "tpu.region"() ({
          %run_scoped3A = tpu.sem_alloc : memref<!tpu.dma_semaphore, #tpu.memory_space<semaphore_mem>>
          %dma_start3A = tpu.memref_slice %arg4[%mul3A_23] : memref<160000xi32, #tpu.memory_space<hbm>> -> memref<128xi32, #tpu.memory_space<hbm>>
          %dma_start3A_26 = tpu.memref_slice %arg4[%mul3A_23] : memref<160000xi32, #tpu.memory_space<hbm>> -> memref<128xi32, #tpu.memory_space<hbm>>
          tpu.enqueue_dma source(%dma_start3A_26 : memref<128xi32, #tpu.memory_space<hbm>>) target(%arg6 : memref<128xi32, #tpu.memory_space<vmem>>) target_semaphore(%run_scoped3A : memref<!tpu.dma_semaphore, #tpu.memory_space<semaphore_mem>>)
          %dma_wait3A = tpu.memref_slice %arg4[%mul3A_23] : memref<160000xi32, #tpu.memory_space<hbm>> -> memref<128xi32, #tpu.memory_space<hbm>>
          %dma_wait3A_27 = tpu.memref_slice %arg4[%mul3A_23] : memref<160000xi32, #tpu.memory_space<hbm>> -> memref<128xi32, #tpu.memory_space<hbm>>
          tpu.wait_dma2 semaphore(%run_scoped3A : memref<!tpu.dma_semaphore, #tpu.memory_space<semaphore_mem>>) src(%dma_wait3A_27 : memref<128xi32, #tpu.memory_space<hbm>>) dst(%arg6 : memref<128xi32, #tpu.memory_space<vmem>>)
          tpu.yield
        }) : () -> ()
        %mul3A_24 = arith.constant 128 : i32
        %mul3A_25 = arith.muli %add3A_17, %mul3A_24 : i32
        "tpu.region"() ({
          %run_scoped3A = tpu.sem_alloc : memref<!tpu.dma_semaphore, #tpu.memory_space<semaphore_mem>>
          %dma_start3A = arith.constant 0 : i32
          %dma_start3A_26 = tpu.memref_slice %arg2[%mul3A_25, %dma_start3A] : memref<160000x16xf32, #tpu.memory_space<hbm>> -> memref<128x16xf32, #tpu.memory_space<hbm>>
          %dma_start3A_27 = arith.constant 0 : i32
          %dma_start3A_28 = tpu.memref_slice %arg2[%mul3A_25, %dma_start3A_27] : memref<160000x16xf32, #tpu.memory_space<hbm>> -> memref<128x16xf32, #tpu.memory_space<hbm>>
          tpu.enqueue_dma source(%dma_start3A_28 : memref<128x16xf32, #tpu.memory_space<hbm>>) target(%arg7 : memref<128x16xf32, #tpu.memory_space<vmem>>) target_semaphore(%run_scoped3A : memref<!tpu.dma_semaphore, #tpu.memory_space<semaphore_mem>>)
          %dma_wait3A = arith.constant 0 : i32
          %dma_wait3A_29 = tpu.memref_slice %arg2[%mul3A_25, %dma_wait3A] : memref<160000x16xf32, #tpu.memory_space<hbm>> -> memref<128x16xf32, #tpu.memory_space<hbm>>
          %dma_wait3A_30 = arith.constant 0 : i32
          %dma_wait3A_31 = tpu.memref_slice %arg2[%mul3A_25, %dma_wait3A_30] : memref<160000x16xf32, #tpu.memory_space<hbm>> -> memref<128x16xf32, #tpu.memory_space<hbm>>
          tpu.wait_dma2 semaphore(%run_scoped3A : memref<!tpu.dma_semaphore, #tpu.memory_space<semaphore_mem>>) src(%dma_wait3A_31 : memref<128x16xf32, #tpu.memory_space<hbm>>) dst(%arg7 : memref<128x16xf32, #tpu.memory_space<vmem>>)
          tpu.yield
        }) : () -> ()
        "tpu.region"() ({
          %run_scoped3A = tpu.sem_alloc : memref<!tpu.dma_semaphore, #tpu.memory_space<semaphore_mem>>
          %dma_start3A = arith.constant 0 : i32
          %dma_start3A_26 = arith.constant 0 : i32
          %dma_start3A_27 = tpu.memref_slice %arg8[%dma_start3A, %dma_start3A_26] : memref<10240x16xf32, #tpu.memory_space<vmem_shared>> -> memref<10240x16xf32, #tpu.memory_space<vmem_shared>>
          tpu.enqueue_indirect_dma source(%arg7 : memref<128x16xf32, #tpu.memory_space<vmem>>) target(%dma_start3A_27 : memref<10240x16xf32, #tpu.memory_space<vmem_shared>>) offsets(%arg6 : memref<128xi32, #tpu.memory_space<vmem>>) semaphore(%run_scoped3A : memref<!tpu.dma_semaphore, #tpu.memory_space<semaphore_mem>>) {add = true}
          %dma_wait3A = arith.constant 0 : i32
          %dma_wait3A_28 = arith.constant 0 : i32
          %dma_wait3A_29 = tpu.memref_slice %arg8[%dma_wait3A, %dma_wait3A_28] : memref<10240x16xf32, #tpu.memory_space<vmem_shared>> -> memref<10240x16xf32, #tpu.memory_space<vmem_shared>>
          tpu.wait_indirect_dma semaphore(%run_scoped3A : memref<!tpu.dma_semaphore, #tpu.memory_space<semaphore_mem>>) src(%arg7 : memref<128x16xf32, #tpu.memory_space<vmem>>) dst(%dma_wait3A_29 : memref<10240x16xf32, #tpu.memory_space<vmem_shared>>)
          tpu.yield
        }) : () -> ()
      } else {
      }
    }
    %scan3A_7 = arith.constant 40 : i32
    %barrier3A_8 = arith.constant 0 : index
    tpu.barrier barrier_id(%barrier3A_8)
    %eq3A_9 = arith.constant 0 : i32
    %eq3A_10 = arith.cmpi eq, %arg1, %eq3A_9 : i32
    %convert_element_type3A_11 = arith.extui %eq3A_10 : i1 to i32
    %cond3A_12 = arith.constant 0 : i32
    %cond3A_13 = arith.cmpi ne, %convert_element_type3A_11, %cond3A_12 : i32
    scf.if %cond3A_13 {
      %mul3A_14 = arith.constant 10240 : i32
      %mul3A_15 = arith.muli %arg0, %mul3A_14 : i32
      "tpu.region"() ({
        %run_scoped3A = tpu.sem_alloc : memref<!tpu.dma_semaphore, #tpu.memory_space<semaphore_mem>>
        %dma_start3A = arith.constant 0 : i32
        %dma_start3A_16 = tpu.memref_slice %arg5[%mul3A_15, %dma_start3A] : memref<20480x16xf32, #tpu.memory_space<hbm>> -> memref<10240x16xf32, #tpu.memory_space<hbm>>
        tpu.enqueue_dma source(%arg8 : memref<10240x16xf32, #tpu.memory_space<vmem_shared>>) target(%dma_start3A_16 : memref<10240x16xf32, #tpu.memory_space<hbm>>) target_semaphore(%run_scoped3A : memref<!tpu.dma_semaphore, #tpu.memory_space<semaphore_mem>>)
        %dma_wait3A = arith.constant 0 : i32
        %dma_wait3A_17 = tpu.memref_slice %arg5[%mul3A_15, %dma_wait3A] : memref<20480x16xf32, #tpu.memory_space<hbm>> -> memref<10240x16xf32, #tpu.memory_space<hbm>>
        tpu.wait_dma2 semaphore(%run_scoped3A : memref<!tpu.dma_semaphore, #tpu.memory_space<semaphore_mem>>) src(%arg8 : memref<10240x16xf32, #tpu.memory_space<vmem_shared>>) dst(%dma_wait3A_17 : memref<10240x16xf32, #tpu.memory_space<hbm>>)
        tpu.yield
      }) : () -> ()
    } else {
    }
    return
  }
}

#map = affine_map<(d0, d1) -> (0, 0)>
#map1 = affine_map<(d0, d1) -> (0)>
module attributes {stable_mosaic.version = 14 : i64} {
  func.func @g(%arg0: i32, %arg1: i32, %arg2: memref<10240x256xf32, #tpu.memory_space<hbm>>, %arg3: memref<10240x256xf32, #tpu.memory_space<hbm>>, %arg4: memref<160000xi32, #tpu.memory_space<hbm>>, %arg5: memref<160000xi32, #tpu.memory_space<hbm>>, %arg6: memref<160000x256xf32, #tpu.memory_space<hbm>>, %arg7: memref<160000x256xf32, #tpu.memory_space<hbm>>, %arg8: memref<128xi32, #tpu.memory_space<vmem>>, %arg9: memref<128xi32, #tpu.memory_space<vmem>>, %arg10: memref<128x256xf32, #tpu.memory_space<vmem>>, %arg11: memref<128x256xf32, #tpu.memory_space<vmem>>, %arg12: memref<!tpu.dma_semaphore, #tpu.memory_space<semaphore_mem>>, %arg13: memref<!tpu.dma_semaphore, #tpu.memory_space<semaphore_mem>>) attributes {dimension_semantics = [#tpu.dimension_semantics<core_parallel>, #tpu.dimension_semantics<subcore_parallel>], iteration_bounds = array<i64: 2, 16>, scalar_prefetch = 0 : i64, scratch_operands = 6 : i64, tpu.core_type = #tpu.core_type<sc_vector_subcore>, window_params = [{transform_indices = #map}, {transform_indices = #map}, {transform_indices = #map1}, {transform_indices = #map1}, {transform_indices = #map}, {transform_indices = #map}]} {
    %mul3A = arith.constant 2 : i32
    %mul3A_0 = arith.muli %arg1, %mul3A : i32
    %add3A = arith.addi %mul3A_0, %arg0 : i32
    %scan3A = arith.constant 0 : i32
    %scan3A_1 = arith.constant 0 : i32
    %scan3A_2 = arith.constant 40 : i32
    %scan3A_3 = arith.addi %scan3A_1, %scan3A_2 : i32
    %scan3A_4 = arith.constant 1 : i32
    scf.for %scan3A_6 = %scan3A_1 to %scan3A_3 step %scan3A_4  : i32 {
      %mul3A_7 = arith.constant 32 : i32
      %mul3A_8 = arith.muli %mul3A_7, %scan3A_6 : i32
      %add3A_9 = arith.addi %add3A, %mul3A_8 : i32
      %lt3A = arith.constant 1250 : i32
      %lt3A_10 = arith.cmpi slt, %add3A_9, %lt3A : i32
      %convert_element_type3A = arith.extui %lt3A_10 : i1 to i32
      %cond3A = arith.constant 0 : i32
      %cond3A_11 = arith.cmpi ne, %convert_element_type3A, %cond3A : i32
      scf.if %cond3A_11 {
        %mul3A_12 = arith.constant 128 : i32
        %mul3A_13 = arith.muli %add3A_9, %mul3A_12 : i32
        "tpu.region"() ({
          %run_scoped3A = tpu.sem_alloc : memref<!tpu.dma_semaphore, #tpu.memory_space<semaphore_mem>>
          %dma_start3A_30 = tpu.memref_slice %arg4[%mul3A_13] : memref<160000xi32, #tpu.memory_space<hbm>> -> memref<128xi32, #tpu.memory_space<hbm>>
          %dma_start3A_31 = tpu.memref_slice %arg4[%mul3A_13] : memref<160000xi32, #tpu.memory_space<hbm>> -> memref<128xi32, #tpu.memory_space<hbm>>
          tpu.enqueue_dma source(%dma_start3A_31 : memref<128xi32, #tpu.memory_space<hbm>>) target(%arg8 : memref<128xi32, #tpu.memory_space<vmem>>) target_semaphore(%run_scoped3A : memref<!tpu.dma_semaphore, #tpu.memory_space<semaphore_mem>>)
          %dma_wait3A_32 = tpu.memref_slice %arg4[%mul3A_13] : memref<160000xi32, #tpu.memory_space<hbm>> -> memref<128xi32, #tpu.memory_space<hbm>>
          %dma_wait3A_33 = tpu.memref_slice %arg4[%mul3A_13] : memref<160000xi32, #tpu.memory_space<hbm>> -> memref<128xi32, #tpu.memory_space<hbm>>
          tpu.wait_dma2 semaphore(%run_scoped3A : memref<!tpu.dma_semaphore, #tpu.memory_space<semaphore_mem>>) src(%dma_wait3A_33 : memref<128xi32, #tpu.memory_space<hbm>>) dst(%arg8 : memref<128xi32, #tpu.memory_space<vmem>>)
          tpu.yield
        }) : () -> ()
        %mul3A_14 = arith.constant 128 : i32
        %mul3A_15 = arith.muli %add3A_9, %mul3A_14 : i32
        "tpu.region"() ({
          %run_scoped3A = tpu.sem_alloc : memref<!tpu.dma_semaphore, #tpu.memory_space<semaphore_mem>>
          %dma_start3A_30 = tpu.memref_slice %arg5[%mul3A_15] : memref<160000xi32, #tpu.memory_space<hbm>> -> memref<128xi32, #tpu.memory_space<hbm>>
          %dma_start3A_31 = tpu.memref_slice %arg5[%mul3A_15] : memref<160000xi32, #tpu.memory_space<hbm>> -> memref<128xi32, #tpu.memory_space<hbm>>
          tpu.enqueue_dma source(%dma_start3A_31 : memref<128xi32, #tpu.memory_space<hbm>>) target(%arg9 : memref<128xi32, #tpu.memory_space<vmem>>) target_semaphore(%run_scoped3A : memref<!tpu.dma_semaphore, #tpu.memory_space<semaphore_mem>>)
          %dma_wait3A_32 = tpu.memref_slice %arg5[%mul3A_15] : memref<160000xi32, #tpu.memory_space<hbm>> -> memref<128xi32, #tpu.memory_space<hbm>>
          %dma_wait3A_33 = tpu.memref_slice %arg5[%mul3A_15] : memref<160000xi32, #tpu.memory_space<hbm>> -> memref<128xi32, #tpu.memory_space<hbm>>
          tpu.wait_dma2 semaphore(%run_scoped3A : memref<!tpu.dma_semaphore, #tpu.memory_space<semaphore_mem>>) src(%dma_wait3A_33 : memref<128xi32, #tpu.memory_space<hbm>>) dst(%arg9 : memref<128xi32, #tpu.memory_space<vmem>>)
          tpu.yield
        }) : () -> ()
        %dma_start3A = arith.constant 0 : i32
        %dma_start3A_16 = arith.constant 0 : i32
        %dma_start3A_17 = tpu.memref_slice %arg2[%dma_start3A, %dma_start3A_16] : memref<10240x256xf32, #tpu.memory_space<hbm>> -> memref<10240x256xf32, #tpu.memory_space<hbm>>
        tpu.enqueue_indirect_dma source(%dma_start3A_17 : memref<10240x256xf32, #tpu.memory_space<hbm>>) target(%arg10 : memref<128x256xf32, #tpu.memory_space<vmem>>) offsets(%arg8 : memref<128xi32, #tpu.memory_space<vmem>>) semaphore(%arg12 : memref<!tpu.dma_semaphore, #tpu.memory_space<semaphore_mem>>)
        %dma_start3A_18 = arith.constant 0 : i32
        %dma_start3A_19 = arith.constant 0 : i32
        %dma_start3A_20 = tpu.memref_slice %arg3[%dma_start3A_18, %dma_start3A_19] : memref<10240x256xf32, #tpu.memory_space<hbm>> -> memref<10240x256xf32, #tpu.memory_space<hbm>>
        tpu.enqueue_indirect_dma source(%dma_start3A_20 : memref<10240x256xf32, #tpu.memory_space<hbm>>) target(%arg11 : memref<128x256xf32, #tpu.memory_space<vmem>>) offsets(%arg9 : memref<128xi32, #tpu.memory_space<vmem>>) semaphore(%arg13 : memref<!tpu.dma_semaphore, #tpu.memory_space<semaphore_mem>>)
        %dma_wait3A = arith.constant 0 : i32
        %dma_wait3A_21 = arith.constant 0 : i32
        %dma_wait3A_22 = tpu.memref_slice %arg2[%dma_wait3A, %dma_wait3A_21] : memref<10240x256xf32, #tpu.memory_space<hbm>> -> memref<10240x256xf32, #tpu.memory_space<hbm>>
        tpu.wait_indirect_dma semaphore(%arg12 : memref<!tpu.dma_semaphore, #tpu.memory_space<semaphore_mem>>) src(%dma_wait3A_22 : memref<10240x256xf32, #tpu.memory_space<hbm>>) dst(%arg10 : memref<128x256xf32, #tpu.memory_space<vmem>>)
        %dma_wait3A_23 = arith.constant 0 : i32
        %dma_wait3A_24 = arith.constant 0 : i32
        %dma_wait3A_25 = tpu.memref_slice %arg3[%dma_wait3A_23, %dma_wait3A_24] : memref<10240x256xf32, #tpu.memory_space<hbm>> -> memref<10240x256xf32, #tpu.memory_space<hbm>>
        tpu.wait_indirect_dma semaphore(%arg13 : memref<!tpu.dma_semaphore, #tpu.memory_space<semaphore_mem>>) src(%dma_wait3A_25 : memref<10240x256xf32, #tpu.memory_space<hbm>>) dst(%arg11 : memref<128x256xf32, #tpu.memory_space<vmem>>)
        %mul3A_26 = arith.constant 128 : i32
        %mul3A_27 = arith.muli %add3A_9, %mul3A_26 : i32
        "tpu.region"() ({
          %run_scoped3A = tpu.sem_alloc : memref<!tpu.dma_semaphore, #tpu.memory_space<semaphore_mem>>
          %dma_start3A_30 = arith.constant 0 : i32
          %dma_start3A_31 = tpu.memref_slice %arg6[%mul3A_27, %dma_start3A_30] : memref<160000x256xf32, #tpu.memory_space<hbm>> -> memref<128x256xf32, #tpu.memory_space<hbm>>
          %dma_start3A_32 = arith.constant 0 : i32
          %dma_start3A_33 = tpu.memref_slice %arg6[%mul3A_27, %dma_start3A_32] : memref<160000x256xf32, #tpu.memory_space<hbm>> -> memref<128x256xf32, #tpu.memory_space<hbm>>
          tpu.enqueue_dma source(%arg10 : memref<128x256xf32, #tpu.memory_space<vmem>>) target(%dma_start3A_33 : memref<128x256xf32, #tpu.memory_space<hbm>>) target_semaphore(%run_scoped3A : memref<!tpu.dma_semaphore, #tpu.memory_space<semaphore_mem>>)
          %dma_wait3A_34 = arith.constant 0 : i32
          %dma_wait3A_35 = tpu.memref_slice %arg6[%mul3A_27, %dma_wait3A_34] : memref<160000x256xf32, #tpu.memory_space<hbm>> -> memref<128x256xf32, #tpu.memory_space<hbm>>
          %dma_wait3A_36 = arith.constant 0 : i32
          %dma_wait3A_37 = tpu.memref_slice %arg6[%mul3A_27, %dma_wait3A_36] : memref<160000x256xf32, #tpu.memory_space<hbm>> -> memref<128x256xf32, #tpu.memory_space<hbm>>
          tpu.wait_dma2 semaphore(%run_scoped3A : memref<!tpu.dma_semaphore, #tpu.memory_space<semaphore_mem>>) src(%arg10 : memref<128x256xf32, #tpu.memory_space<vmem>>) dst(%dma_wait3A_37 : memref<128x256xf32, #tpu.memory_space<hbm>>)
          tpu.yield
        }) : () -> ()
        %mul3A_28 = arith.constant 128 : i32
        %mul3A_29 = arith.muli %add3A_9, %mul3A_28 : i32
        "tpu.region"() ({
          %run_scoped3A = tpu.sem_alloc : memref<!tpu.dma_semaphore, #tpu.memory_space<semaphore_mem>>
          %dma_start3A_30 = arith.constant 0 : i32
          %dma_start3A_31 = tpu.memref_slice %arg7[%mul3A_29, %dma_start3A_30] : memref<160000x256xf32, #tpu.memory_space<hbm>> -> memref<128x256xf32, #tpu.memory_space<hbm>>
          %dma_start3A_32 = arith.constant 0 : i32
          %dma_start3A_33 = tpu.memref_slice %arg7[%mul3A_29, %dma_start3A_32] : memref<160000x256xf32, #tpu.memory_space<hbm>> -> memref<128x256xf32, #tpu.memory_space<hbm>>
          tpu.enqueue_dma source(%arg11 : memref<128x256xf32, #tpu.memory_space<vmem>>) target(%dma_start3A_33 : memref<128x256xf32, #tpu.memory_space<hbm>>) target_semaphore(%run_scoped3A : memref<!tpu.dma_semaphore, #tpu.memory_space<semaphore_mem>>)
          %dma_wait3A_34 = arith.constant 0 : i32
          %dma_wait3A_35 = tpu.memref_slice %arg7[%mul3A_29, %dma_wait3A_34] : memref<160000x256xf32, #tpu.memory_space<hbm>> -> memref<128x256xf32, #tpu.memory_space<hbm>>
          %dma_wait3A_36 = arith.constant 0 : i32
          %dma_wait3A_37 = tpu.memref_slice %arg7[%mul3A_29, %dma_wait3A_36] : memref<160000x256xf32, #tpu.memory_space<hbm>> -> memref<128x256xf32, #tpu.memory_space<hbm>>
          tpu.wait_dma2 semaphore(%run_scoped3A : memref<!tpu.dma_semaphore, #tpu.memory_space<semaphore_mem>>) src(%arg11 : memref<128x256xf32, #tpu.memory_space<vmem>>) dst(%dma_wait3A_37 : memref<128x256xf32, #tpu.memory_space<hbm>>)
          tpu.yield
        }) : () -> ()
      } else {
      }
    }
    %scan3A_5 = arith.constant 40 : i32
    return
  }
}

#map = affine_map<(d0, d1) -> (0, 0)>
#map1 = affine_map<(d0, d1) -> (0)>
module attributes {stable_mosaic.version = 14 : i64} {
  func.func @g(%arg0: i32, %arg1: i32, %arg2: memref<10240x256xf32, #tpu.memory_space<hbm>>, %arg3: memref<10240x256xf32, #tpu.memory_space<hbm>>, %arg4: memref<160000xi32, #tpu.memory_space<hbm>>, %arg5: memref<160000xi32, #tpu.memory_space<hbm>>, %arg6: memref<160000x256xf32, #tpu.memory_space<hbm>>, %arg7: memref<160000x256xf32, #tpu.memory_space<hbm>>, %arg8: memref<128xi32, #tpu.memory_space<vmem>>, %arg9: memref<128xi32, #tpu.memory_space<vmem>>, %arg10: memref<128x256xf32, #tpu.memory_space<vmem>>, %arg11: memref<128x256xf32, #tpu.memory_space<vmem>>, %arg12: memref<!tpu.dma_semaphore, #tpu.memory_space<semaphore_mem>>, %arg13: memref<!tpu.dma_semaphore, #tpu.memory_space<semaphore_mem>>) attributes {dimension_semantics = [#tpu.dimension_semantics<core_parallel>, #tpu.dimension_semantics<subcore_parallel>], iteration_bounds = array<i64: 2, 16>, scalar_prefetch = 0 : i64, scratch_operands = 6 : i64, tpu.core_type = #tpu.core_type<sc_vector_subcore>, window_params = [{transform_indices = #map}, {transform_indices = #map}, {transform_indices = #map1}, {transform_indices = #map1}, {transform_indices = #map}, {transform_indices = #map}]} {
    %mul3A = arith.constant 2 : i32
    %mul3A_0 = arith.muli %arg1, %mul3A : i32
    %add3A = arith.addi %mul3A_0, %arg0 : i32
    %scan3A = arith.constant 0 : i32
    %scan3A_1 = arith.constant 0 : i32
    %scan3A_2 = arith.constant 40 : i32
    %scan3A_3 = arith.addi %scan3A_1, %scan3A_2 : i32
    %scan3A_4 = arith.constant 1 : i32
    scf.for %scan3A_6 = %scan3A_1 to %scan3A_3 step %scan3A_4  : i32 {
      %mul3A_7 = arith.constant 32 : i32
      %mul3A_8 = arith.muli %mul3A_7, %scan3A_6 : i32
      %add3A_9 = arith.addi %add3A, %mul3A_8 : i32
      %lt3A = arith.constant 1250 : i32
      %lt3A_10 = arith.cmpi slt, %add3A_9, %lt3A : i32
      %convert_element_type3A = arith.extui %lt3A_10 : i1 to i32
      %cond3A = arith.constant 0 : i32
      %cond3A_11 = arith.cmpi ne, %convert_element_type3A, %cond3A : i32
      scf.if %cond3A_11 {
        %mul3A_12 = arith.constant 128 : i32
        %mul3A_13 = arith.muli %add3A_9, %mul3A_12 : i32
        "tpu.region"() ({
          %run_scoped3A = tpu.sem_alloc : memref<!tpu.dma_semaphore, #tpu.memory_space<semaphore_mem>>
          %dma_start3A_30 = tpu.memref_slice %arg4[%mul3A_13] : memref<160000xi32, #tpu.memory_space<hbm>> -> memref<128xi32, #tpu.memory_space<hbm>>
          %dma_start3A_31 = tpu.memref_slice %arg4[%mul3A_13] : memref<160000xi32, #tpu.memory_space<hbm>> -> memref<128xi32, #tpu.memory_space<hbm>>
          tpu.enqueue_dma source(%dma_start3A_31 : memref<128xi32, #tpu.memory_space<hbm>>) target(%arg8 : memref<128xi32, #tpu.memory_space<vmem>>) target_semaphore(%run_scoped3A : memref<!tpu.dma_semaphore, #tpu.memory_space<semaphore_mem>>)
          %dma_wait3A_32 = tpu.memref_slice %arg4[%mul3A_13] : memref<160000xi32, #tpu.memory_space<hbm>> -> memref<128xi32, #tpu.memory_space<hbm>>
          %dma_wait3A_33 = tpu.memref_slice %arg4[%mul3A_13] : memref<160000xi32, #tpu.memory_space<hbm>> -> memref<128xi32, #tpu.memory_space<hbm>>
          tpu.wait_dma2 semaphore(%run_scoped3A : memref<!tpu.dma_semaphore, #tpu.memory_space<semaphore_mem>>) src(%dma_wait3A_33 : memref<128xi32, #tpu.memory_space<hbm>>) dst(%arg8 : memref<128xi32, #tpu.memory_space<vmem>>)
          tpu.yield
        }) : () -> ()
        %mul3A_14 = arith.constant 128 : i32
        %mul3A_15 = arith.muli %add3A_9, %mul3A_14 : i32
        "tpu.region"() ({
          %run_scoped3A = tpu.sem_alloc : memref<!tpu.dma_semaphore, #tpu.memory_space<semaphore_mem>>
          %dma_start3A_30 = tpu.memref_slice %arg5[%mul3A_15] : memref<160000xi32, #tpu.memory_space<hbm>> -> memref<128xi32, #tpu.memory_space<hbm>>
          %dma_start3A_31 = tpu.memref_slice %arg5[%mul3A_15] : memref<160000xi32, #tpu.memory_space<hbm>> -> memref<128xi32, #tpu.memory_space<hbm>>
          tpu.enqueue_dma source(%dma_start3A_31 : memref<128xi32, #tpu.memory_space<hbm>>) target(%arg9 : memref<128xi32, #tpu.memory_space<vmem>>) target_semaphore(%run_scoped3A : memref<!tpu.dma_semaphore, #tpu.memory_space<semaphore_mem>>)
          %dma_wait3A_32 = tpu.memref_slice %arg5[%mul3A_15] : memref<160000xi32, #tpu.memory_space<hbm>> -> memref<128xi32, #tpu.memory_space<hbm>>
          %dma_wait3A_33 = tpu.memref_slice %arg5[%mul3A_15] : memref<160000xi32, #tpu.memory_space<hbm>> -> memref<128xi32, #tpu.memory_space<hbm>>
          tpu.wait_dma2 semaphore(%run_scoped3A : memref<!tpu.dma_semaphore, #tpu.memory_space<semaphore_mem>>) src(%dma_wait3A_33 : memref<128xi32, #tpu.memory_space<hbm>>) dst(%arg9 : memref<128xi32, #tpu.memory_space<vmem>>)
          tpu.yield
        }) : () -> ()
        %dma_start3A = arith.constant 0 : i32
        %dma_start3A_16 = arith.constant 0 : i32
        %dma_start3A_17 = tpu.memref_slice %arg2[%dma_start3A, %dma_start3A_16] : memref<10240x256xf32, #tpu.memory_space<hbm>> -> memref<10240x256xf32, #tpu.memory_space<hbm>>
        tpu.enqueue_indirect_dma source(%dma_start3A_17 : memref<10240x256xf32, #tpu.memory_space<hbm>>) target(%arg10 : memref<128x256xf32, #tpu.memory_space<vmem>>) offsets(%arg8 : memref<128xi32, #tpu.memory_space<vmem>>) semaphore(%arg12 : memref<!tpu.dma_semaphore, #tpu.memory_space<semaphore_mem>>)
        %dma_start3A_18 = arith.constant 0 : i32
        %dma_start3A_19 = arith.constant 0 : i32
        %dma_start3A_20 = tpu.memref_slice %arg3[%dma_start3A_18, %dma_start3A_19] : memref<10240x256xf32, #tpu.memory_space<hbm>> -> memref<10240x256xf32, #tpu.memory_space<hbm>>
        tpu.enqueue_indirect_dma source(%dma_start3A_20 : memref<10240x256xf32, #tpu.memory_space<hbm>>) target(%arg11 : memref<128x256xf32, #tpu.memory_space<vmem>>) offsets(%arg9 : memref<128xi32, #tpu.memory_space<vmem>>) semaphore(%arg13 : memref<!tpu.dma_semaphore, #tpu.memory_space<semaphore_mem>>)
        %dma_wait3A = arith.constant 0 : i32
        %dma_wait3A_21 = arith.constant 0 : i32
        %dma_wait3A_22 = tpu.memref_slice %arg2[%dma_wait3A, %dma_wait3A_21] : memref<10240x256xf32, #tpu.memory_space<hbm>> -> memref<10240x256xf32, #tpu.memory_space<hbm>>
        tpu.wait_indirect_dma semaphore(%arg12 : memref<!tpu.dma_semaphore, #tpu.memory_space<semaphore_mem>>) src(%dma_wait3A_22 : memref<10240x256xf32, #tpu.memory_space<hbm>>) dst(%arg10 : memref<128x256xf32, #tpu.memory_space<vmem>>)
        %dma_wait3A_23 = arith.constant 0 : i32
        %dma_wait3A_24 = arith.constant 0 : i32
        %dma_wait3A_25 = tpu.memref_slice %arg3[%dma_wait3A_23, %dma_wait3A_24] : memref<10240x256xf32, #tpu.memory_space<hbm>> -> memref<10240x256xf32, #tpu.memory_space<hbm>>
        tpu.wait_indirect_dma semaphore(%arg13 : memref<!tpu.dma_semaphore, #tpu.memory_space<semaphore_mem>>) src(%dma_wait3A_25 : memref<10240x256xf32, #tpu.memory_space<hbm>>) dst(%arg11 : memref<128x256xf32, #tpu.memory_space<vmem>>)
        %mul3A_26 = arith.constant 128 : i32
        %mul3A_27 = arith.muli %add3A_9, %mul3A_26 : i32
        "tpu.region"() ({
          %run_scoped3A = tpu.sem_alloc : memref<!tpu.dma_semaphore, #tpu.memory_space<semaphore_mem>>
          %dma_start3A_30 = arith.constant 0 : i32
          %dma_start3A_31 = tpu.memref_slice %arg6[%mul3A_27, %dma_start3A_30] : memref<160000x256xf32, #tpu.memory_space<hbm>> -> memref<128x256xf32, #tpu.memory_space<hbm>>
          %dma_start3A_32 = arith.constant 0 : i32
          %dma_start3A_33 = tpu.memref_slice %arg6[%mul3A_27, %dma_start3A_32] : memref<160000x256xf32, #tpu.memory_space<hbm>> -> memref<128x256xf32, #tpu.memory_space<hbm>>
          tpu.enqueue_dma source(%arg10 : memref<128x256xf32, #tpu.memory_space<vmem>>) target(%dma_start3A_33 : memref<128x256xf32, #tpu.memory_space<hbm>>) target_semaphore(%run_scoped3A : memref<!tpu.dma_semaphore, #tpu.memory_space<semaphore_mem>>)
          %dma_wait3A_34 = arith.constant 0 : i32
          %dma_wait3A_35 = tpu.memref_slice %arg6[%mul3A_27, %dma_wait3A_34] : memref<160000x256xf32, #tpu.memory_space<hbm>> -> memref<128x256xf32, #tpu.memory_space<hbm>>
          %dma_wait3A_36 = arith.constant 0 : i32
          %dma_wait3A_37 = tpu.memref_slice %arg6[%mul3A_27, %dma_wait3A_36] : memref<160000x256xf32, #tpu.memory_space<hbm>> -> memref<128x256xf32, #tpu.memory_space<hbm>>
          tpu.wait_dma2 semaphore(%run_scoped3A : memref<!tpu.dma_semaphore, #tpu.memory_space<semaphore_mem>>) src(%arg10 : memref<128x256xf32, #tpu.memory_space<vmem>>) dst(%dma_wait3A_37 : memref<128x256xf32, #tpu.memory_space<hbm>>)
          tpu.yield
        }) : () -> ()
        %mul3A_28 = arith.constant 128 : i32
        %mul3A_29 = arith.muli %add3A_9, %mul3A_28 : i32
        "tpu.region"() ({
          %run_scoped3A = tpu.sem_alloc : memref<!tpu.dma_semaphore, #tpu.memory_space<semaphore_mem>>
          %dma_start3A_30 = arith.constant 0 : i32
          %dma_start3A_31 = tpu.memref_slice %arg7[%mul3A_29, %dma_start3A_30] : memref<160000x256xf32, #tpu.memory_space<hbm>> -> memref<128x256xf32, #tpu.memory_space<hbm>>
          %dma_start3A_32 = arith.constant 0 : i32
          %dma_start3A_33 = tpu.memref_slice %arg7[%mul3A_29, %dma_start3A_32] : memref<160000x256xf32, #tpu.memory_space<hbm>> -> memref<128x256xf32, #tpu.memory_space<hbm>>
          tpu.enqueue_dma source(%arg11 : memref<128x256xf32, #tpu.memory_space<vmem>>) target(%dma_start3A_33 : memref<128x256xf32, #tpu.memory_space<hbm>>) target_semaphore(%run_scoped3A : memref<!tpu.dma_semaphore, #tpu.memory_space<semaphore_mem>>)
          %dma_wait3A_34 = arith.constant 0 : i32
          %dma_wait3A_35 = tpu.memref_slice %arg7[%mul3A_29, %dma_wait3A_34] : memref<160000x256xf32, #tpu.memory_space<hbm>> -> memref<128x256xf32, #tpu.memory_space<hbm>>
          %dma_wait3A_36 = arith.constant 0 : i32
          %dma_wait3A_37 = tpu.memref_slice %arg7[%mul3A_29, %dma_wait3A_36] : memref<160000x256xf32, #tpu.memory_space<hbm>> -> memref<128x256xf32, #tpu.memory_space<hbm>>
          tpu.wait_dma2 semaphore(%run_scoped3A : memref<!tpu.dma_semaphore, #tpu.memory_space<semaphore_mem>>) src(%arg11 : memref<128x256xf32, #tpu.memory_space<vmem>>) dst(%dma_wait3A_37 : memref<128x256xf32, #tpu.memory_space<hbm>>)
          tpu.yield
        }) : () -> ()
      } else {
      }
    }
    %scan3A_5 = arith.constant 40 : i32
    return
  }
}

#map = affine_map<(d0, d1) -> (0, 0)>
#map1 = affine_map<(d0, d1) -> (0)>
module attributes {stable_mosaic.version = 14 : i64} {
  func.func @s(%arg0: i32, %arg1: i32, %arg2: memref<160000x16xf32, #tpu.memory_space<hbm>>, %arg3: memref<10240x16xf32, #tpu.memory_space<hbm>>, %arg4: memref<160000xi32, #tpu.memory_space<hbm>>, %arg5: memref<20480x16xf32, #tpu.memory_space<hbm>>, %arg6: memref<128xi32, #tpu.memory_space<vmem>>, %arg7: memref<128x16xf32, #tpu.memory_space<vmem>>, %arg8: memref<10240x16xf32, #tpu.memory_space<vmem_shared>>) attributes {dimension_semantics = [#tpu.dimension_semantics<core_parallel>, #tpu.dimension_semantics<subcore_parallel>], iteration_bounds = array<i64: 2, 16>, scalar_prefetch = 0 : i64, scratch_operands = 3 : i64, tpu.core_type = #tpu.core_type<sc_vector_subcore>, window_params = [{transform_indices = #map}, {transform_indices = #map}, {transform_indices = #map1}, {transform_indices = #map}]} {
    %mul3A = arith.constant 2 : i32
    %mul3A_0 = arith.muli %arg1, %mul3A : i32
    %add3A = arith.addi %mul3A_0, %arg0 : i32
    %eq3A = arith.constant 0 : i32
    %eq3A_1 = arith.cmpi eq, %arg1, %eq3A : i32
    %convert_element_type3A = arith.extui %eq3A_1 : i1 to i32
    %cond3A = arith.constant 0 : i32
    %cond3A_2 = arith.cmpi ne, %convert_element_type3A, %cond3A : i32
    scf.if %cond3A_2 {
      "tpu.region"() ({
        %run_scoped3A = tpu.sem_alloc : memref<!tpu.dma_semaphore, #tpu.memory_space<semaphore_mem>>
        tpu.enqueue_dma source(%arg3 : memref<10240x16xf32, #tpu.memory_space<hbm>>) target(%arg8 : memref<10240x16xf32, #tpu.memory_space<vmem_shared>>) target_semaphore(%run_scoped3A : memref<!tpu.dma_semaphore, #tpu.memory_space<semaphore_mem>>)
        tpu.wait_dma2 semaphore(%run_scoped3A : memref<!tpu.dma_semaphore, #tpu.memory_space<semaphore_mem>>) src(%arg3 : memref<10240x16xf32, #tpu.memory_space<hbm>>) dst(%arg8 : memref<10240x16xf32, #tpu.memory_space<vmem_shared>>)
        tpu.yield
      }) : () -> ()
    } else {
    }
    %barrier3A = arith.constant 0 : index
    tpu.barrier barrier_id(%barrier3A)
    %scan3A = arith.constant 0 : i32
    %scan3A_3 = arith.constant 0 : i32
    %scan3A_4 = arith.constant 40 : i32
    %scan3A_5 = arith.addi %scan3A_3, %scan3A_4 : i32
    %scan3A_6 = arith.constant 1 : i32
    scf.for %scan3A_14 = %scan3A_3 to %scan3A_5 step %scan3A_6  : i32 {
      %mul3A_15 = arith.constant 32 : i32
      %mul3A_16 = arith.muli %mul3A_15, %scan3A_14 : i32
      %add3A_17 = arith.addi %add3A, %mul3A_16 : i32
      %lt3A = arith.constant 1250 : i32
      %lt3A_18 = arith.cmpi slt, %add3A_17, %lt3A : i32
      %convert_element_type3A_19 = arith.extui %lt3A_18 : i1 to i32
      %cond3A_20 = arith.constant 0 : i32
      %cond3A_21 = arith.cmpi ne, %convert_element_type3A_19, %cond3A_20 : i32
      scf.if %cond3A_21 {
        %mul3A_22 = arith.constant 128 : i32
        %mul3A_23 = arith.muli %add3A_17, %mul3A_22 : i32
        "tpu.region"() ({
          %run_scoped3A = tpu.sem_alloc : memref<!tpu.dma_semaphore, #tpu.memory_space<semaphore_mem>>
          %dma_start3A = tpu.memref_slice %arg4[%mul3A_23] : memref<160000xi32, #tpu.memory_space<hbm>> -> memref<128xi32, #tpu.memory_space<hbm>>
          %dma_start3A_26 = tpu.memref_slice %arg4[%mul3A_23] : memref<160000xi32, #tpu.memory_space<hbm>> -> memref<128xi32, #tpu.memory_space<hbm>>
          tpu.enqueue_dma source(%dma_start3A_26 : memref<128xi32, #tpu.memory_space<hbm>>) target(%arg6 : memref<128xi32, #tpu.memory_space<vmem>>) target_semaphore(%run_scoped3A : memref<!tpu.dma_semaphore, #tpu.memory_space<semaphore_mem>>)
          %dma_wait3A = tpu.memref_slice %arg4[%mul3A_23] : memref<160000xi32, #tpu.memory_space<hbm>> -> memref<128xi32, #tpu.memory_space<hbm>>
          %dma_wait3A_27 = tpu.memref_slice %arg4[%mul3A_23] : memref<160000xi32, #tpu.memory_space<hbm>> -> memref<128xi32, #tpu.memory_space<hbm>>
          tpu.wait_dma2 semaphore(%run_scoped3A : memref<!tpu.dma_semaphore, #tpu.memory_space<semaphore_mem>>) src(%dma_wait3A_27 : memref<128xi32, #tpu.memory_space<hbm>>) dst(%arg6 : memref<128xi32, #tpu.memory_space<vmem>>)
          tpu.yield
        }) : () -> ()
        %mul3A_24 = arith.constant 128 : i32
        %mul3A_25 = arith.muli %add3A_17, %mul3A_24 : i32
        "tpu.region"() ({
          %run_scoped3A = tpu.sem_alloc : memref<!tpu.dma_semaphore, #tpu.memory_space<semaphore_mem>>
          %dma_start3A = arith.constant 0 : i32
          %dma_start3A_26 = tpu.memref_slice %arg2[%mul3A_25, %dma_start3A] : memref<160000x16xf32, #tpu.memory_space<hbm>> -> memref<128x16xf32, #tpu.memory_space<hbm>>
          %dma_start3A_27 = arith.constant 0 : i32
          %dma_start3A_28 = tpu.memref_slice %arg2[%mul3A_25, %dma_start3A_27] : memref<160000x16xf32, #tpu.memory_space<hbm>> -> memref<128x16xf32, #tpu.memory_space<hbm>>
          tpu.enqueue_dma source(%dma_start3A_28 : memref<128x16xf32, #tpu.memory_space<hbm>>) target(%arg7 : memref<128x16xf32, #tpu.memory_space<vmem>>) target_semaphore(%run_scoped3A : memref<!tpu.dma_semaphore, #tpu.memory_space<semaphore_mem>>)
          %dma_wait3A = arith.constant 0 : i32
          %dma_wait3A_29 = tpu.memref_slice %arg2[%mul3A_25, %dma_wait3A] : memref<160000x16xf32, #tpu.memory_space<hbm>> -> memref<128x16xf32, #tpu.memory_space<hbm>>
          %dma_wait3A_30 = arith.constant 0 : i32
          %dma_wait3A_31 = tpu.memref_slice %arg2[%mul3A_25, %dma_wait3A_30] : memref<160000x16xf32, #tpu.memory_space<hbm>> -> memref<128x16xf32, #tpu.memory_space<hbm>>
          tpu.wait_dma2 semaphore(%run_scoped3A : memref<!tpu.dma_semaphore, #tpu.memory_space<semaphore_mem>>) src(%dma_wait3A_31 : memref<128x16xf32, #tpu.memory_space<hbm>>) dst(%arg7 : memref<128x16xf32, #tpu.memory_space<vmem>>)
          tpu.yield
        }) : () -> ()
        "tpu.region"() ({
          %run_scoped3A = tpu.sem_alloc : memref<!tpu.dma_semaphore, #tpu.memory_space<semaphore_mem>>
          %dma_start3A = arith.constant 0 : i32
          %dma_start3A_26 = arith.constant 0 : i32
          %dma_start3A_27 = tpu.memref_slice %arg8[%dma_start3A, %dma_start3A_26] : memref<10240x16xf32, #tpu.memory_space<vmem_shared>> -> memref<10240x16xf32, #tpu.memory_space<vmem_shared>>
          tpu.enqueue_indirect_dma source(%arg7 : memref<128x16xf32, #tpu.memory_space<vmem>>) target(%dma_start3A_27 : memref<10240x16xf32, #tpu.memory_space<vmem_shared>>) offsets(%arg6 : memref<128xi32, #tpu.memory_space<vmem>>) semaphore(%run_scoped3A : memref<!tpu.dma_semaphore, #tpu.memory_space<semaphore_mem>>) {add = true}
          %dma_wait3A = arith.constant 0 : i32
          %dma_wait3A_28 = arith.constant 0 : i32
          %dma_wait3A_29 = tpu.memref_slice %arg8[%dma_wait3A, %dma_wait3A_28] : memref<10240x16xf32, #tpu.memory_space<vmem_shared>> -> memref<10240x16xf32, #tpu.memory_space<vmem_shared>>
          tpu.wait_indirect_dma semaphore(%run_scoped3A : memref<!tpu.dma_semaphore, #tpu.memory_space<semaphore_mem>>) src(%arg7 : memref<128x16xf32, #tpu.memory_space<vmem>>) dst(%dma_wait3A_29 : memref<10240x16xf32, #tpu.memory_space<vmem_shared>>)
          tpu.yield
        }) : () -> ()
      } else {
      }
    }
    %scan3A_7 = arith.constant 40 : i32
    %barrier3A_8 = arith.constant 0 : index
    tpu.barrier barrier_id(%barrier3A_8)
    %eq3A_9 = arith.constant 0 : i32
    %eq3A_10 = arith.cmpi eq, %arg1, %eq3A_9 : i32
    %convert_element_type3A_11 = arith.extui %eq3A_10 : i1 to i32
    %cond3A_12 = arith.constant 0 : i32
    %cond3A_13 = arith.cmpi ne, %convert_element_type3A_11, %cond3A_12 : i32
    scf.if %cond3A_13 {
      %mul3A_14 = arith.constant 10240 : i32
      %mul3A_15 = arith.muli %arg0, %mul3A_14 : i32
      "tpu.region"() ({
        %run_scoped3A = tpu.sem_alloc : memref<!tpu.dma_semaphore, #tpu.memory_space<semaphore_mem>>
        %dma_start3A = arith.constant 0 : i32
        %dma_start3A_16 = tpu.memref_slice %arg5[%mul3A_15, %dma_start3A] : memref<20480x16xf32, #tpu.memory_space<hbm>> -> memref<10240x16xf32, #tpu.memory_space<hbm>>
        tpu.enqueue_dma source(%arg8 : memref<10240x16xf32, #tpu.memory_space<vmem_shared>>) target(%dma_start3A_16 : memref<10240x16xf32, #tpu.memory_space<hbm>>) target_semaphore(%run_scoped3A : memref<!tpu.dma_semaphore, #tpu.memory_space<semaphore_mem>>)
        %dma_wait3A = arith.constant 0 : i32
        %dma_wait3A_17 = tpu.memref_slice %arg5[%mul3A_15, %dma_wait3A] : memref<20480x16xf32, #tpu.memory_space<hbm>> -> memref<10240x16xf32, #tpu.memory_space<hbm>>
        tpu.wait_dma2 semaphore(%run_scoped3A : memref<!tpu.dma_semaphore, #tpu.memory_space<semaphore_mem>>) src(%arg8 : memref<10240x16xf32, #tpu.memory_space<vmem_shared>>) dst(%dma_wait3A_17 : memref<10240x16xf32, #tpu.memory_space<hbm>>)
        tpu.yield
      }) : () -> ()
    } else {
    }
    return
  }
}

#map = affine_map<(d0, d1) -> (0, 0)>
#map1 = affine_map<(d0, d1) -> (0)>
module attributes {stable_mosaic.version = 14 : i64} {
  func.func @g(%arg0: i32, %arg1: i32, %arg2: memref<10240x256xf32, #tpu.memory_space<hbm>>, %arg3: memref<10240x256xf32, #tpu.memory_space<hbm>>, %arg4: memref<160000xi32, #tpu.memory_space<hbm>>, %arg5: memref<160000xi32, #tpu.memory_space<hbm>>, %arg6: memref<160000x256xf32, #tpu.memory_space<hbm>>, %arg7: memref<160000x256xf32, #tpu.memory_space<hbm>>, %arg8: memref<128xi32, #tpu.memory_space<vmem>>, %arg9: memref<128xi32, #tpu.memory_space<vmem>>, %arg10: memref<128x256xf32, #tpu.memory_space<vmem>>, %arg11: memref<128x256xf32, #tpu.memory_space<vmem>>, %arg12: memref<!tpu.dma_semaphore, #tpu.memory_space<semaphore_mem>>, %arg13: memref<!tpu.dma_semaphore, #tpu.memory_space<semaphore_mem>>) attributes {dimension_semantics = [#tpu.dimension_semantics<core_parallel>, #tpu.dimension_semantics<subcore_parallel>], iteration_bounds = array<i64: 2, 16>, scalar_prefetch = 0 : i64, scratch_operands = 6 : i64, tpu.core_type = #tpu.core_type<sc_vector_subcore>, window_params = [{transform_indices = #map}, {transform_indices = #map}, {transform_indices = #map1}, {transform_indices = #map1}, {transform_indices = #map}, {transform_indices = #map}]} {
    %mul3A = arith.constant 2 : i32
    %mul3A_0 = arith.muli %arg1, %mul3A : i32
    %add3A = arith.addi %mul3A_0, %arg0 : i32
    %scan3A = arith.constant 0 : i32
    %scan3A_1 = arith.constant 0 : i32
    %scan3A_2 = arith.constant 40 : i32
    %scan3A_3 = arith.addi %scan3A_1, %scan3A_2 : i32
    %scan3A_4 = arith.constant 1 : i32
    scf.for %scan3A_6 = %scan3A_1 to %scan3A_3 step %scan3A_4  : i32 {
      %mul3A_7 = arith.constant 32 : i32
      %mul3A_8 = arith.muli %mul3A_7, %scan3A_6 : i32
      %add3A_9 = arith.addi %add3A, %mul3A_8 : i32
      %lt3A = arith.constant 1250 : i32
      %lt3A_10 = arith.cmpi slt, %add3A_9, %lt3A : i32
      %convert_element_type3A = arith.extui %lt3A_10 : i1 to i32
      %cond3A = arith.constant 0 : i32
      %cond3A_11 = arith.cmpi ne, %convert_element_type3A, %cond3A : i32
      scf.if %cond3A_11 {
        %mul3A_12 = arith.constant 128 : i32
        %mul3A_13 = arith.muli %add3A_9, %mul3A_12 : i32
        "tpu.region"() ({
          %run_scoped3A = tpu.sem_alloc : memref<!tpu.dma_semaphore, #tpu.memory_space<semaphore_mem>>
          %dma_start3A_30 = tpu.memref_slice %arg4[%mul3A_13] : memref<160000xi32, #tpu.memory_space<hbm>> -> memref<128xi32, #tpu.memory_space<hbm>>
          %dma_start3A_31 = tpu.memref_slice %arg4[%mul3A_13] : memref<160000xi32, #tpu.memory_space<hbm>> -> memref<128xi32, #tpu.memory_space<hbm>>
          tpu.enqueue_dma source(%dma_start3A_31 : memref<128xi32, #tpu.memory_space<hbm>>) target(%arg8 : memref<128xi32, #tpu.memory_space<vmem>>) target_semaphore(%run_scoped3A : memref<!tpu.dma_semaphore, #tpu.memory_space<semaphore_mem>>)
          %dma_wait3A_32 = tpu.memref_slice %arg4[%mul3A_13] : memref<160000xi32, #tpu.memory_space<hbm>> -> memref<128xi32, #tpu.memory_space<hbm>>
          %dma_wait3A_33 = tpu.memref_slice %arg4[%mul3A_13] : memref<160000xi32, #tpu.memory_space<hbm>> -> memref<128xi32, #tpu.memory_space<hbm>>
          tpu.wait_dma2 semaphore(%run_scoped3A : memref<!tpu.dma_semaphore, #tpu.memory_space<semaphore_mem>>) src(%dma_wait3A_33 : memref<128xi32, #tpu.memory_space<hbm>>) dst(%arg8 : memref<128xi32, #tpu.memory_space<vmem>>)
          tpu.yield
        }) : () -> ()
        %mul3A_14 = arith.constant 128 : i32
        %mul3A_15 = arith.muli %add3A_9, %mul3A_14 : i32
        "tpu.region"() ({
          %run_scoped3A = tpu.sem_alloc : memref<!tpu.dma_semaphore, #tpu.memory_space<semaphore_mem>>
          %dma_start3A_30 = tpu.memref_slice %arg5[%mul3A_15] : memref<160000xi32, #tpu.memory_space<hbm>> -> memref<128xi32, #tpu.memory_space<hbm>>
          %dma_start3A_31 = tpu.memref_slice %arg5[%mul3A_15] : memref<160000xi32, #tpu.memory_space<hbm>> -> memref<128xi32, #tpu.memory_space<hbm>>
          tpu.enqueue_dma source(%dma_start3A_31 : memref<128xi32, #tpu.memory_space<hbm>>) target(%arg9 : memref<128xi32, #tpu.memory_space<vmem>>) target_semaphore(%run_scoped3A : memref<!tpu.dma_semaphore, #tpu.memory_space<semaphore_mem>>)
          %dma_wait3A_32 = tpu.memref_slice %arg5[%mul3A_15] : memref<160000xi32, #tpu.memory_space<hbm>> -> memref<128xi32, #tpu.memory_space<hbm>>
          %dma_wait3A_33 = tpu.memref_slice %arg5[%mul3A_15] : memref<160000xi32, #tpu.memory_space<hbm>> -> memref<128xi32, #tpu.memory_space<hbm>>
          tpu.wait_dma2 semaphore(%run_scoped3A : memref<!tpu.dma_semaphore, #tpu.memory_space<semaphore_mem>>) src(%dma_wait3A_33 : memref<128xi32, #tpu.memory_space<hbm>>) dst(%arg9 : memref<128xi32, #tpu.memory_space<vmem>>)
          tpu.yield
        }) : () -> ()
        %dma_start3A = arith.constant 0 : i32
        %dma_start3A_16 = arith.constant 0 : i32
        %dma_start3A_17 = tpu.memref_slice %arg2[%dma_start3A, %dma_start3A_16] : memref<10240x256xf32, #tpu.memory_space<hbm>> -> memref<10240x256xf32, #tpu.memory_space<hbm>>
        tpu.enqueue_indirect_dma source(%dma_start3A_17 : memref<10240x256xf32, #tpu.memory_space<hbm>>) target(%arg10 : memref<128x256xf32, #tpu.memory_space<vmem>>) offsets(%arg8 : memref<128xi32, #tpu.memory_space<vmem>>) semaphore(%arg12 : memref<!tpu.dma_semaphore, #tpu.memory_space<semaphore_mem>>)
        %dma_start3A_18 = arith.constant 0 : i32
        %dma_start3A_19 = arith.constant 0 : i32
        %dma_start3A_20 = tpu.memref_slice %arg3[%dma_start3A_18, %dma_start3A_19] : memref<10240x256xf32, #tpu.memory_space<hbm>> -> memref<10240x256xf32, #tpu.memory_space<hbm>>
        tpu.enqueue_indirect_dma source(%dma_start3A_20 : memref<10240x256xf32, #tpu.memory_space<hbm>>) target(%arg11 : memref<128x256xf32, #tpu.memory_space<vmem>>) offsets(%arg9 : memref<128xi32, #tpu.memory_space<vmem>>) semaphore(%arg13 : memref<!tpu.dma_semaphore, #tpu.memory_space<semaphore_mem>>)
        %dma_wait3A = arith.constant 0 : i32
        %dma_wait3A_21 = arith.constant 0 : i32
        %dma_wait3A_22 = tpu.memref_slice %arg2[%dma_wait3A, %dma_wait3A_21] : memref<10240x256xf32, #tpu.memory_space<hbm>> -> memref<10240x256xf32, #tpu.memory_space<hbm>>
        tpu.wait_indirect_dma semaphore(%arg12 : memref<!tpu.dma_semaphore, #tpu.memory_space<semaphore_mem>>) src(%dma_wait3A_22 : memref<10240x256xf32, #tpu.memory_space<hbm>>) dst(%arg10 : memref<128x256xf32, #tpu.memory_space<vmem>>)
        %dma_wait3A_23 = arith.constant 0 : i32
        %dma_wait3A_24 = arith.constant 0 : i32
        %dma_wait3A_25 = tpu.memref_slice %arg3[%dma_wait3A_23, %dma_wait3A_24] : memref<10240x256xf32, #tpu.memory_space<hbm>> -> memref<10240x256xf32, #tpu.memory_space<hbm>>
        tpu.wait_indirect_dma semaphore(%arg13 : memref<!tpu.dma_semaphore, #tpu.memory_space<semaphore_mem>>) src(%dma_wait3A_25 : memref<10240x256xf32, #tpu.memory_space<hbm>>) dst(%arg11 : memref<128x256xf32, #tpu.memory_space<vmem>>)
        %mul3A_26 = arith.constant 128 : i32
        %mul3A_27 = arith.muli %add3A_9, %mul3A_26 : i32
        "tpu.region"() ({
          %run_scoped3A = tpu.sem_alloc : memref<!tpu.dma_semaphore, #tpu.memory_space<semaphore_mem>>
          %dma_start3A_30 = arith.constant 0 : i32
          %dma_start3A_31 = tpu.memref_slice %arg6[%mul3A_27, %dma_start3A_30] : memref<160000x256xf32, #tpu.memory_space<hbm>> -> memref<128x256xf32, #tpu.memory_space<hbm>>
          %dma_start3A_32 = arith.constant 0 : i32
          %dma_start3A_33 = tpu.memref_slice %arg6[%mul3A_27, %dma_start3A_32] : memref<160000x256xf32, #tpu.memory_space<hbm>> -> memref<128x256xf32, #tpu.memory_space<hbm>>
          tpu.enqueue_dma source(%arg10 : memref<128x256xf32, #tpu.memory_space<vmem>>) target(%dma_start3A_33 : memref<128x256xf32, #tpu.memory_space<hbm>>) target_semaphore(%run_scoped3A : memref<!tpu.dma_semaphore, #tpu.memory_space<semaphore_mem>>)
          %dma_wait3A_34 = arith.constant 0 : i32
          %dma_wait3A_35 = tpu.memref_slice %arg6[%mul3A_27, %dma_wait3A_34] : memref<160000x256xf32, #tpu.memory_space<hbm>> -> memref<128x256xf32, #tpu.memory_space<hbm>>
          %dma_wait3A_36 = arith.constant 0 : i32
          %dma_wait3A_37 = tpu.memref_slice %arg6[%mul3A_27, %dma_wait3A_36] : memref<160000x256xf32, #tpu.memory_space<hbm>> -> memref<128x256xf32, #tpu.memory_space<hbm>>
          tpu.wait_dma2 semaphore(%run_scoped3A : memref<!tpu.dma_semaphore, #tpu.memory_space<semaphore_mem>>) src(%arg10 : memref<128x256xf32, #tpu.memory_space<vmem>>) dst(%dma_wait3A_37 : memref<128x256xf32, #tpu.memory_space<hbm>>)
          tpu.yield
        }) : () -> ()
        %mul3A_28 = arith.constant 128 : i32
        %mul3A_29 = arith.muli %add3A_9, %mul3A_28 : i32
        "tpu.region"() ({
          %run_scoped3A = tpu.sem_alloc : memref<!tpu.dma_semaphore, #tpu.memory_space<semaphore_mem>>
          %dma_start3A_30 = arith.constant 0 : i32
          %dma_start3A_31 = tpu.memref_slice %arg7[%mul3A_29, %dma_start3A_30] : memref<160000x256xf32, #tpu.memory_space<hbm>> -> memref<128x256xf32, #tpu.memory_space<hbm>>
          %dma_start3A_32 = arith.constant 0 : i32
          %dma_start3A_33 = tpu.memref_slice %arg7[%mul3A_29, %dma_start3A_32] : memref<160000x256xf32, #tpu.memory_space<hbm>> -> memref<128x256xf32, #tpu.memory_space<hbm>>
          tpu.enqueue_dma source(%arg11 : memref<128x256xf32, #tpu.memory_space<vmem>>) target(%dma_start3A_33 : memref<128x256xf32, #tpu.memory_space<hbm>>) target_semaphore(%run_scoped3A : memref<!tpu.dma_semaphore, #tpu.memory_space<semaphore_mem>>)
          %dma_wait3A_34 = arith.constant 0 : i32
          %dma_wait3A_35 = tpu.memref_slice %arg7[%mul3A_29, %dma_wait3A_34] : memref<160000x256xf32, #tpu.memory_space<hbm>> -> memref<128x256xf32, #tpu.memory_space<hbm>>
          %dma_wait3A_36 = arith.constant 0 : i32
          %dma_wait3A_37 = tpu.memref_slice %arg7[%mul3A_29, %dma_wait3A_36] : memref<160000x256xf32, #tpu.memory_space<hbm>> -> memref<128x256xf32, #tpu.memory_space<hbm>>
          tpu.wait_dma2 semaphore(%run_scoped3A : memref<!tpu.dma_semaphore, #tpu.memory_space<semaphore_mem>>) src(%arg11 : memref<128x256xf32, #tpu.memory_space<vmem>>) dst(%dma_wait3A_37 : memref<128x256xf32, #tpu.memory_space<hbm>>)
          tpu.yield
        }) : () -> ()
      } else {
      }
    }
    %scan3A_5 = arith.constant 40 : i32
    return
  }
}

#map = affine_map<(d0, d1) -> (0, 0)>
#map1 = affine_map<(d0, d1) -> (0)>
module attributes {stable_mosaic.version = 14 : i64} {
  func.func @s(%arg0: i32, %arg1: i32, %arg2: memref<160000x16xf32, #tpu.memory_space<hbm>>, %arg3: memref<10240x16xf32, #tpu.memory_space<hbm>>, %arg4: memref<160000xi32, #tpu.memory_space<hbm>>, %arg5: memref<20480x16xf32, #tpu.memory_space<hbm>>, %arg6: memref<128xi32, #tpu.memory_space<vmem>>, %arg7: memref<128x16xf32, #tpu.memory_space<vmem>>, %arg8: memref<10240x16xf32, #tpu.memory_space<vmem_shared>>) attributes {dimension_semantics = [#tpu.dimension_semantics<core_parallel>, #tpu.dimension_semantics<subcore_parallel>], iteration_bounds = array<i64: 2, 16>, scalar_prefetch = 0 : i64, scratch_operands = 3 : i64, tpu.core_type = #tpu.core_type<sc_vector_subcore>, window_params = [{transform_indices = #map}, {transform_indices = #map}, {transform_indices = #map1}, {transform_indices = #map}]} {
    %mul3A = arith.constant 2 : i32
    %mul3A_0 = arith.muli %arg1, %mul3A : i32
    %add3A = arith.addi %mul3A_0, %arg0 : i32
    %eq3A = arith.constant 0 : i32
    %eq3A_1 = arith.cmpi eq, %arg1, %eq3A : i32
    %convert_element_type3A = arith.extui %eq3A_1 : i1 to i32
    %cond3A = arith.constant 0 : i32
    %cond3A_2 = arith.cmpi ne, %convert_element_type3A, %cond3A : i32
    scf.if %cond3A_2 {
      "tpu.region"() ({
        %run_scoped3A = tpu.sem_alloc : memref<!tpu.dma_semaphore, #tpu.memory_space<semaphore_mem>>
        tpu.enqueue_dma source(%arg3 : memref<10240x16xf32, #tpu.memory_space<hbm>>) target(%arg8 : memref<10240x16xf32, #tpu.memory_space<vmem_shared>>) target_semaphore(%run_scoped3A : memref<!tpu.dma_semaphore, #tpu.memory_space<semaphore_mem>>)
        tpu.wait_dma2 semaphore(%run_scoped3A : memref<!tpu.dma_semaphore, #tpu.memory_space<semaphore_mem>>) src(%arg3 : memref<10240x16xf32, #tpu.memory_space<hbm>>) dst(%arg8 : memref<10240x16xf32, #tpu.memory_space<vmem_shared>>)
        tpu.yield
      }) : () -> ()
    } else {
    }
    %barrier3A = arith.constant 0 : index
    tpu.barrier barrier_id(%barrier3A)
    %scan3A = arith.constant 0 : i32
    %scan3A_3 = arith.constant 0 : i32
    %scan3A_4 = arith.constant 40 : i32
    %scan3A_5 = arith.addi %scan3A_3, %scan3A_4 : i32
    %scan3A_6 = arith.constant 1 : i32
    scf.for %scan3A_14 = %scan3A_3 to %scan3A_5 step %scan3A_6  : i32 {
      %mul3A_15 = arith.constant 32 : i32
      %mul3A_16 = arith.muli %mul3A_15, %scan3A_14 : i32
      %add3A_17 = arith.addi %add3A, %mul3A_16 : i32
      %lt3A = arith.constant 1250 : i32
      %lt3A_18 = arith.cmpi slt, %add3A_17, %lt3A : i32
      %convert_element_type3A_19 = arith.extui %lt3A_18 : i1 to i32
      %cond3A_20 = arith.constant 0 : i32
      %cond3A_21 = arith.cmpi ne, %convert_element_type3A_19, %cond3A_20 : i32
      scf.if %cond3A_21 {
        %mul3A_22 = arith.constant 128 : i32
        %mul3A_23 = arith.muli %add3A_17, %mul3A_22 : i32
        "tpu.region"() ({
          %run_scoped3A = tpu.sem_alloc : memref<!tpu.dma_semaphore, #tpu.memory_space<semaphore_mem>>
          %dma_start3A = tpu.memref_slice %arg4[%mul3A_23] : memref<160000xi32, #tpu.memory_space<hbm>> -> memref<128xi32, #tpu.memory_space<hbm>>
          %dma_start3A_26 = tpu.memref_slice %arg4[%mul3A_23] : memref<160000xi32, #tpu.memory_space<hbm>> -> memref<128xi32, #tpu.memory_space<hbm>>
          tpu.enqueue_dma source(%dma_start3A_26 : memref<128xi32, #tpu.memory_space<hbm>>) target(%arg6 : memref<128xi32, #tpu.memory_space<vmem>>) target_semaphore(%run_scoped3A : memref<!tpu.dma_semaphore, #tpu.memory_space<semaphore_mem>>)
          %dma_wait3A = tpu.memref_slice %arg4[%mul3A_23] : memref<160000xi32, #tpu.memory_space<hbm>> -> memref<128xi32, #tpu.memory_space<hbm>>
          %dma_wait3A_27 = tpu.memref_slice %arg4[%mul3A_23] : memref<160000xi32, #tpu.memory_space<hbm>> -> memref<128xi32, #tpu.memory_space<hbm>>
          tpu.wait_dma2 semaphore(%run_scoped3A : memref<!tpu.dma_semaphore, #tpu.memory_space<semaphore_mem>>) src(%dma_wait3A_27 : memref<128xi32, #tpu.memory_space<hbm>>) dst(%arg6 : memref<128xi32, #tpu.memory_space<vmem>>)
          tpu.yield
        }) : () -> ()
        %mul3A_24 = arith.constant 128 : i32
        %mul3A_25 = arith.muli %add3A_17, %mul3A_24 : i32
        "tpu.region"() ({
          %run_scoped3A = tpu.sem_alloc : memref<!tpu.dma_semaphore, #tpu.memory_space<semaphore_mem>>
          %dma_start3A = arith.constant 0 : i32
          %dma_start3A_26 = tpu.memref_slice %arg2[%mul3A_25, %dma_start3A] : memref<160000x16xf32, #tpu.memory_space<hbm>> -> memref<128x16xf32, #tpu.memory_space<hbm>>
          %dma_start3A_27 = arith.constant 0 : i32
          %dma_start3A_28 = tpu.memref_slice %arg2[%mul3A_25, %dma_start3A_27] : memref<160000x16xf32, #tpu.memory_space<hbm>> -> memref<128x16xf32, #tpu.memory_space<hbm>>
          tpu.enqueue_dma source(%dma_start3A_28 : memref<128x16xf32, #tpu.memory_space<hbm>>) target(%arg7 : memref<128x16xf32, #tpu.memory_space<vmem>>) target_semaphore(%run_scoped3A : memref<!tpu.dma_semaphore, #tpu.memory_space<semaphore_mem>>)
          %dma_wait3A = arith.constant 0 : i32
          %dma_wait3A_29 = tpu.memref_slice %arg2[%mul3A_25, %dma_wait3A] : memref<160000x16xf32, #tpu.memory_space<hbm>> -> memref<128x16xf32, #tpu.memory_space<hbm>>
          %dma_wait3A_30 = arith.constant 0 : i32
          %dma_wait3A_31 = tpu.memref_slice %arg2[%mul3A_25, %dma_wait3A_30] : memref<160000x16xf32, #tpu.memory_space<hbm>> -> memref<128x16xf32, #tpu.memory_space<hbm>>
          tpu.wait_dma2 semaphore(%run_scoped3A : memref<!tpu.dma_semaphore, #tpu.memory_space<semaphore_mem>>) src(%dma_wait3A_31 : memref<128x16xf32, #tpu.memory_space<hbm>>) dst(%arg7 : memref<128x16xf32, #tpu.memory_space<vmem>>)
          tpu.yield
        }) : () -> ()
        "tpu.region"() ({
          %run_scoped3A = tpu.sem_alloc : memref<!tpu.dma_semaphore, #tpu.memory_space<semaphore_mem>>
          %dma_start3A = arith.constant 0 : i32
          %dma_start3A_26 = arith.constant 0 : i32
          %dma_start3A_27 = tpu.memref_slice %arg8[%dma_start3A, %dma_start3A_26] : memref<10240x16xf32, #tpu.memory_space<vmem_shared>> -> memref<10240x16xf32, #tpu.memory_space<vmem_shared>>
          tpu.enqueue_indirect_dma source(%arg7 : memref<128x16xf32, #tpu.memory_space<vmem>>) target(%dma_start3A_27 : memref<10240x16xf32, #tpu.memory_space<vmem_shared>>) offsets(%arg6 : memref<128xi32, #tpu.memory_space<vmem>>) semaphore(%run_scoped3A : memref<!tpu.dma_semaphore, #tpu.memory_space<semaphore_mem>>) {add = true}
          %dma_wait3A = arith.constant 0 : i32
          %dma_wait3A_28 = arith.constant 0 : i32
          %dma_wait3A_29 = tpu.memref_slice %arg8[%dma_wait3A, %dma_wait3A_28] : memref<10240x16xf32, #tpu.memory_space<vmem_shared>> -> memref<10240x16xf32, #tpu.memory_space<vmem_shared>>
          tpu.wait_indirect_dma semaphore(%run_scoped3A : memref<!tpu.dma_semaphore, #tpu.memory_space<semaphore_mem>>) src(%arg7 : memref<128x16xf32, #tpu.memory_space<vmem>>) dst(%dma_wait3A_29 : memref<10240x16xf32, #tpu.memory_space<vmem_shared>>)
          tpu.yield
        }) : () -> ()
      } else {
      }
    }
    %scan3A_7 = arith.constant 40 : i32
    %barrier3A_8 = arith.constant 0 : index
    tpu.barrier barrier_id(%barrier3A_8)
    %eq3A_9 = arith.constant 0 : i32
    %eq3A_10 = arith.cmpi eq, %arg1, %eq3A_9 : i32
    %convert_element_type3A_11 = arith.extui %eq3A_10 : i1 to i32
    %cond3A_12 = arith.constant 0 : i32
    %cond3A_13 = arith.cmpi ne, %convert_element_type3A_11, %cond3A_12 : i32
    scf.if %cond3A_13 {
      %mul3A_14 = arith.constant 10240 : i32
      %mul3A_15 = arith.muli %arg0, %mul3A_14 : i32
      "tpu.region"() ({
        %run_scoped3A = tpu.sem_alloc : memref<!tpu.dma_semaphore, #tpu.memory_space<semaphore_mem>>
        %dma_start3A = arith.constant 0 : i32
        %dma_start3A_16 = tpu.memref_slice %arg5[%mul3A_15, %dma_start3A] : memref<20480x16xf32, #tpu.memory_space<hbm>> -> memref<10240x16xf32, #tpu.memory_space<hbm>>
        tpu.enqueue_dma source(%arg8 : memref<10240x16xf32, #tpu.memory_space<vmem_shared>>) target(%dma_start3A_16 : memref<10240x16xf32, #tpu.memory_space<hbm>>) target_semaphore(%run_scoped3A : memref<!tpu.dma_semaphore, #tpu.memory_space<semaphore_mem>>)
        %dma_wait3A = arith.constant 0 : i32
        %dma_wait3A_17 = tpu.memref_slice %arg5[%mul3A_15, %dma_wait3A] : memref<20480x16xf32, #tpu.memory_space<hbm>> -> memref<10240x16xf32, #tpu.memory_space<hbm>>
        tpu.wait_dma2 semaphore(%run_scoped3A : memref<!tpu.dma_semaphore, #tpu.memory_space<semaphore_mem>>) src(%arg8 : memref<10240x16xf32, #tpu.memory_space<vmem_shared>>) dst(%dma_wait3A_17 : memref<10240x16xf32, #tpu.memory_space<hbm>>)
        tpu.yield
      }) : () -> ()
    } else {
    }
    return
  }
}

module attributes {stable_mosaic.version = 14 : i64} {
  func.func @_edge_mlp_body_nopre(%arg0: i32, %arg1: memref<1600x16xf32, #tpu.memory_space<vmem>>, %arg2: memref<16x256xf32, #tpu.memory_space<vmem>>, %arg3: memref<1x256xf32, #tpu.memory_space<vmem>>, %arg4: memref<256x256xf32, #tpu.memory_space<vmem>>, %arg5: memref<1x256xf32, #tpu.memory_space<vmem>>, %arg6: memref<256x256xf32, #tpu.memory_space<vmem>>, %arg7: memref<1x256xf32, #tpu.memory_space<vmem>>, %arg8: memref<256x16xf32, #tpu.memory_space<vmem>>, %arg9: memref<1x16xf32, #tpu.memory_space<vmem>>, %arg10: memref<1600x16xf32, #tpu.memory_space<vmem>>) attributes {dimension_semantics = [#tpu.dimension_semantics<arbitrary>], iteration_bounds = array<i64: 100>, scalar_prefetch = 0 : i64, scratch_operands = 0 : i64, tpu.core_type = #tpu.core_type<tc>, window_params = [{transform_indices = @transform_0, window_bounds = array<i64: 1600, 16>}, {pipeline_mode = #tpu.pipeline_mode<synchronous>, transform_indices = @transform_1, window_bounds = array<i64: 16, 256>}, {pipeline_mode = #tpu.pipeline_mode<synchronous>, transform_indices = @transform_2, window_bounds = array<i64: 1, 256>}, {pipeline_mode = #tpu.pipeline_mode<synchronous>, transform_indices = @transform_3, window_bounds = array<i64: 256, 256>}, {pipeline_mode = #tpu.pipeline_mode<synchronous>, transform_indices = @transform_4, window_bounds = array<i64: 1, 256>}, {pipeline_mode = #tpu.pipeline_mode<synchronous>, transform_indices = @transform_5, window_bounds = array<i64: 256, 256>}, {pipeline_mode = #tpu.pipeline_mode<synchronous>, transform_indices = @transform_6, window_bounds = array<i64: 1, 256>}, {pipeline_mode = #tpu.pipeline_mode<synchronous>, transform_indices = @transform_7, window_bounds = array<i64: 256, 16>}, {pipeline_mode = #tpu.pipeline_mode<synchronous>, transform_indices = @transform_8, window_bounds = array<i64: 1, 16>}, {transform_indices = @transform_9, window_bounds = array<i64: 1600, 16>}]} {
    %get3A = arith.constant 0 : index
    %get3A_0 = arith.constant 0 : index
    %get3A_1 = vector.load %arg1[%get3A, %get3A_0] : memref<1600x16xf32, #tpu.memory_space<vmem>>, vector<1600x16xf32>
    %get3A_2 = arith.constant 0 : index
    %get3A_3 = arith.constant 0 : index
    %get3A_4 = vector.load %arg2[%get3A_2, %get3A_3] : memref<16x256xf32, #tpu.memory_space<vmem>>, vector<16x256xf32>
    %dot_general3A = arith.constant dense<0.000000e+00> : vector<1600x256xf32>
    %dot_general3A_5 = tpu.matmul %get3A_1, %get3A_4, %dot_general3A {dimension_numbers = #tpu.dot_dimension_numbers<[1], [0], [0], [1], [0, 0, 1, 1], [], []>, transpose_lhs_hint = false} : vector<1600x16xf32>, vector<16x256xf32>, vector<1600x256xf32> -> vector<1600x256xf32>
    %get3A_6 = arith.constant 0 : index
    %get3A_7 = arith.constant 0 : index
    %get3A_8 = vector.load %arg3[%get3A_6, %get3A_7] : memref<1x256xf32, #tpu.memory_space<vmem>>, vector<1x256xf32>
    %add3A = vector.broadcast %get3A_8 : vector<1x256xf32> to vector<1600x256xf32>
    %add3A_9 = arith.addf %dot_general3A_5, %add3A : vector<1600x256xf32>
    %max3A = arith.constant 0.000000e+00 : f32
    %max3A_10 = vector.broadcast %max3A : f32 to vector<1600x256xf32>
    %max3A_11 = arith.maximumf %add3A_9, %max3A_10 : vector<1600x256xf32>
    %get3A_12 = arith.constant 0 : index
    %get3A_13 = arith.constant 0 : index
    %get3A_14 = vector.load %arg4[%get3A_12, %get3A_13] : memref<256x256xf32, #tpu.memory_space<vmem>>, vector<256x256xf32>
    %dot_general3A_15 = arith.constant dense<0.000000e+00> : vector<1600x256xf32>
    %dot_general3A_16 = tpu.matmul %max3A_11, %get3A_14, %dot_general3A_15 {dimension_numbers = #tpu.dot_dimension_numbers<[1], [0], [0], [1], [0, 0, 1, 1], [], []>, transpose_lhs_hint = false} : vector<1600x256xf32>, vector<256x256xf32>, vector<1600x256xf32> -> vector<1600x256xf32>
    %get3A_17 = arith.constant 0 : index
    %get3A_18 = arith.constant 0 : index
    %get3A_19 = vector.load %arg5[%get3A_17, %get3A_18] : memref<1x256xf32, #tpu.memory_space<vmem>>, vector<1x256xf32>
    %add3A_20 = vector.broadcast %get3A_19 : vector<1x256xf32> to vector<1600x256xf32>
    %add3A_21 = arith.addf %dot_general3A_16, %add3A_20 : vector<1600x256xf32>
    %max3A_22 = arith.constant 0.000000e+00 : f32
    %max3A_23 = vector.broadcast %max3A_22 : f32 to vector<1600x256xf32>
    %max3A_24 = arith.maximumf %add3A_21, %max3A_23 : vector<1600x256xf32>
    %get3A_25 = arith.constant 0 : index
    %get3A_26 = arith.constant 0 : index
    %get3A_27 = vector.load %arg6[%get3A_25, %get3A_26] : memref<256x256xf32, #tpu.memory_space<vmem>>, vector<256x256xf32>
    %dot_general3A_28 = arith.constant dense<0.000000e+00> : vector<1600x256xf32>
    %dot_general3A_29 = tpu.matmul %max3A_24, %get3A_27, %dot_general3A_28 {dimension_numbers = #tpu.dot_dimension_numbers<[1], [0], [0], [1], [0, 0, 1, 1], [], []>, transpose_lhs_hint = false} : vector<1600x256xf32>, vector<256x256xf32>, vector<1600x256xf32> -> vector<1600x256xf32>
    %get3A_30 = arith.constant 0 : index
    %get3A_31 = arith.constant 0 : index
    %get3A_32 = vector.load %arg7[%get3A_30, %get3A_31] : memref<1x256xf32, #tpu.memory_space<vmem>>, vector<1x256xf32>
    %add3A_33 = vector.broadcast %get3A_32 : vector<1x256xf32> to vector<1600x256xf32>
    %add3A_34 = arith.addf %dot_general3A_29, %add3A_33 : vector<1600x256xf32>
    %max3A_35 = arith.constant 0.000000e+00 : f32
    %max3A_36 = vector.broadcast %max3A_35 : f32 to vector<1600x256xf32>
    %max3A_37 = arith.maximumf %add3A_34, %max3A_36 : vector<1600x256xf32>
    %get3A_38 = arith.constant 0 : index
    %get3A_39 = arith.constant 0 : index
    %get3A_40 = vector.load %arg8[%get3A_38, %get3A_39] : memref<256x16xf32, #tpu.memory_space<vmem>>, vector<256x16xf32>
    %dot_general3A_41 = arith.constant dense<0.000000e+00> : vector<1600x16xf32>
    %dot_general3A_42 = tpu.matmul %max3A_37, %get3A_40, %dot_general3A_41 {dimension_numbers = #tpu.dot_dimension_numbers<[1], [0], [0], [1], [0, 0, 1, 1], [], []>, transpose_lhs_hint = false} : vector<1600x256xf32>, vector<256x16xf32>, vector<1600x16xf32> -> vector<1600x16xf32>
    %get3A_43 = arith.constant 0 : index
    %get3A_44 = arith.constant 0 : index
    %get3A_45 = vector.load %arg9[%get3A_43, %get3A_44] : memref<1x16xf32, #tpu.memory_space<vmem>>, vector<1x16xf32>
    %add3A_46 = vector.broadcast %get3A_45 : vector<1x16xf32> to vector<1600x16xf32>
    %add3A_47 = arith.addf %dot_general3A_42, %add3A_46 : vector<1600x16xf32>
    %swap3A = arith.constant 0 : index
    %swap3A_48 = arith.constant 0 : index
    %swap3A_49 = vector.load %arg10[%swap3A, %swap3A_48] : memref<1600x16xf32, #tpu.memory_space<vmem>>, vector<1600x16xf32>
    tpu.vector_store %arg10[%swap3A, %swap3A_48], %add3A_47 {strides = array<i32>} : memref<1600x16xf32, #tpu.memory_space<vmem>>, vector<1600x16xf32>,
    return
  }
  func.func @transform_0(%arg0: i32) -> (i32, i32) {
    %c0_i32 = arith.constant 0 : i32
    %c0_i32_0 = arith.constant 0 : i32
    return %arg0, %c0_i32 : i32, i32
  }
  func.func @transform_1(%arg0: i32) -> (i32, i32) {
    %c0_i32 = arith.constant 0 : i32
    %c0_i32_0 = arith.constant 0 : i32
    %c0_i32_1 = arith.constant 0 : i32
    return %c0_i32, %c0_i32_0 : i32, i32
  }
  func.func @transform_2(%arg0: i32) -> (i32, i32) {
    %c0_i32 = arith.constant 0 : i32
    %c0_i32_0 = arith.constant 0 : i32
    %c0_i32_1 = arith.constant 0 : i32
    return %c0_i32, %c0_i32_0 : i32, i32
  }
  func.func @transform_3(%arg0: i32) -> (i32, i32) {
    %c0_i32 = arith.constant 0 : i32
    %c0_i32_0 = arith.constant 0 : i32
    %c0_i32_1 = arith.constant 0 : i32
    return %c0_i32, %c0_i32_0 : i32, i32
  }
  func.func @transform_4(%arg0: i32) -> (i32, i32) {
    %c0_i32 = arith.constant 0 : i32
    %c0_i32_0 = arith.constant 0 : i32
    %c0_i32_1 = arith.constant 0 : i32
    return %c0_i32, %c0_i32_0 : i32, i32
  }
  func.func @transform_5(%arg0: i32) -> (i32, i32) {
    %c0_i32 = arith.constant 0 : i32
    %c0_i32_0 = arith.constant 0 : i32
    %c0_i32_1 = arith.constant 0 : i32
    return %c0_i32, %c0_i32_0 : i32, i32
  }
  func.func @transform_6(%arg0: i32) -> (i32, i32) {
    %c0_i32 = arith.constant 0 : i32
    %c0_i32_0 = arith.constant 0 : i32
    %c0_i32_1 = arith.constant 0 : i32
    return %c0_i32, %c0_i32_0 : i32, i32
  }
  func.func @transform_7(%arg0: i32) -> (i32, i32) {
    %c0_i32 = arith.constant 0 : i32
    %c0_i32_0 = arith.constant 0 : i32
    %c0_i32_1 = arith.constant 0 : i32
    return %c0_i32, %c0_i32_0 : i32, i32
  }
  func.func @transform_8(%arg0: i32) -> (i32, i32) {
    %c0_i32 = arith.constant 0 : i32
    %c0_i32_0 = arith.constant 0 : i32
    %c0_i32_1 = arith.constant 0 : i32
    return %c0_i32, %c0_i32_0 : i32, i32
  }
  func.func @transform_9(%arg0: i32) -> (i32, i32) {
    %c0_i32 = arith.constant 0 : i32
    %c0_i32_0 = arith.constant 0 : i32
    return %arg0, %c0_i32 : i32, i32
  }
}

module attributes {stable_mosaic.version = 14 : i64} {
  func.func @_matmul_bias_body(%arg0: i32, %arg1: memref<1024x256xf32, #tpu.memory_space<vmem>>, %arg2: memref<256x768xf32, #tpu.memory_space<vmem>>, %arg3: memref<1x768xf32, #tpu.memory_space<vmem>>, %arg4: memref<1024x768xf32, #tpu.memory_space<vmem>>) attributes {dimension_semantics = [#tpu.dimension_semantics<arbitrary>], iteration_bounds = array<i64: 10>, scalar_prefetch = 0 : i64, scratch_operands = 0 : i64, tpu.core_type = #tpu.core_type<tc>, window_params = [{transform_indices = @transform_0, window_bounds = array<i64: 1024, 256>}, {pipeline_mode = #tpu.pipeline_mode<synchronous>, transform_indices = @transform_1, window_bounds = array<i64: 256, 768>}, {pipeline_mode = #tpu.pipeline_mode<synchronous>, transform_indices = @transform_2, window_bounds = array<i64: 1, 768>}, {transform_indices = @transform_3, window_bounds = array<i64: 1024, 768>}]} {
    %get3A = arith.constant 0 : index
    %get3A_0 = arith.constant 0 : index
    %get3A_1 = vector.load %arg1[%get3A, %get3A_0] : memref<1024x256xf32, #tpu.memory_space<vmem>>, vector<1024x256xf32>
    %get3A_2 = arith.constant 0 : index
    %get3A_3 = arith.constant 0 : index
    %get3A_4 = vector.load %arg2[%get3A_2, %get3A_3] : memref<256x768xf32, #tpu.memory_space<vmem>>, vector<256x768xf32>
    %dot_general3A = arith.constant dense<0.000000e+00> : vector<1024x768xf32>
    %dot_general3A_5 = tpu.matmul %get3A_1, %get3A_4, %dot_general3A {dimension_numbers = #tpu.dot_dimension_numbers<[1], [0], [0], [1], [0, 0, 1, 1], [], []>, transpose_lhs_hint = false} : vector<1024x256xf32>, vector<256x768xf32>, vector<1024x768xf32> -> vector<1024x768xf32>
    %get3A_6 = arith.constant 0 : index
    %get3A_7 = arith.constant 0 : index
    %get3A_8 = vector.load %arg3[%get3A_6, %get3A_7] : memref<1x768xf32, #tpu.memory_space<vmem>>, vector<1x768xf32>
    %add3A = vector.broadcast %get3A_8 : vector<1x768xf32> to vector<1024x768xf32>
    %add3A_9 = arith.addf %dot_general3A_5, %add3A : vector<1024x768xf32>
    %swap3A = arith.constant 0 : index
    %swap3A_10 = arith.constant 0 : index
    %swap3A_11 = vector.load %arg4[%swap3A, %swap3A_10] : memref<1024x768xf32, #tpu.memory_space<vmem>>, vector<1024x768xf32>
    tpu.vector_store %arg4[%swap3A, %swap3A_10], %add3A_9 {strides = array<i32>} : memref<1024x768xf32, #tpu.memory_space<vmem>>, vector<1024x768xf32>,
    return
  }
  func.func @transform_0(%arg0: i32) -> (i32, i32) {
    %c0_i32 = arith.constant 0 : i32
    %c0_i32_0 = arith.constant 0 : i32
    return %arg0, %c0_i32 : i32, i32
  }
  func.func @transform_1(%arg0: i32) -> (i32, i32) {
    %c0_i32 = arith.constant 0 : i32
    %c0_i32_0 = arith.constant 0 : i32
    %c0_i32_1 = arith.constant 0 : i32
    return %c0_i32, %c0_i32_0 : i32, i32
  }
  func.func @transform_2(%arg0: i32) -> (i32, i32) {
    %c0_i32 = arith.constant 0 : i32
    %c0_i32_0 = arith.constant 0 : i32
    %c0_i32_1 = arith.constant 0 : i32
    return %c0_i32, %c0_i32_0 : i32, i32
  }
  func.func @transform_3(%arg0: i32) -> (i32, i32) {
    %c0_i32 = arith.constant 0 : i32
    %c0_i32_0 = arith.constant 0 : i32
    return %arg0, %c0_i32 : i32, i32
  }
}

module attributes {stable_mosaic.version = 14 : i64} {
  func.func @_gru_proj_body(%arg0: i32, %arg1: memref<2x1024x16xf32, #tpu.memory_space<vmem>>, %arg2: memref<1024x768xf32, #tpu.memory_space<vmem>>, %arg3: memref<1024x256xf32, #tpu.memory_space<vmem>>, %arg4: memref<16x768xf32, #tpu.memory_space<vmem>>, %arg5: memref<256x768xf32, #tpu.memory_space<vmem>>, %arg6: memref<1x768xf32, #tpu.memory_space<vmem>>, %arg7: memref<256x256xf32, #tpu.memory_space<vmem>>, %arg8: memref<256x256xf32, #tpu.memory_space<vmem>>, %arg9: memref<1024x256xf32, #tpu.memory_space<vmem>>, %arg10: memref<1024x256xf32, #tpu.memory_space<vmem>>, %arg11: memref<1024x256xf32, #tpu.memory_space<vmem>>) attributes {dimension_semantics = [#tpu.dimension_semantics<arbitrary>], iteration_bounds = array<i64: 10>, scalar_prefetch = 0 : i64, scratch_operands = 0 : i64, tpu.core_type = #tpu.core_type<tc>, window_params = [{transform_indices = @transform_0, window_bounds = array<i64: 2, 1024, 16>}, {transform_indices = @transform_1, window_bounds = array<i64: 1024, 768>}, {transform_indices = @transform_2, window_bounds = array<i64: 1024, 256>}, {pipeline_mode = #tpu.pipeline_mode<synchronous>, transform_indices = @transform_3, window_bounds = array<i64: 16, 768>}, {pipeline_mode = #tpu.pipeline_mode<synchronous>, transform_indices = @transform_4, window_bounds = array<i64: 256, 768>}, {pipeline_mode = #tpu.pipeline_mode<synchronous>, transform_indices = @transform_5, window_bounds = array<i64: 1, 768>}, {pipeline_mode = #tpu.pipeline_mode<synchronous>, transform_indices = @transform_6, window_bounds = array<i64: 256, 256>}, {pipeline_mode = #tpu.pipeline_mode<synchronous>, transform_indices = @transform_7, window_bounds = array<i64: 256, 256>}, {transform_indices = @transform_8, window_bounds = array<i64: 1024, 256>}, {transform_indices = @transform_9, window_bounds = array<i64: 1024, 256>}, {transform_indices = @transform_10, window_bounds = array<i64: 1024, 256>}]} {
    %get3A = arith.constant 0 : index
    %get3A_0 = arith.constant 0 : index
    %get3A_1 = arith.constant 0 : index
    %get3A_2 = vector.load %arg1[%get3A, %get3A_0, %get3A_1] : memref<2x1024x16xf32, #tpu.memory_space<vmem>>, vector<2x1024x16xf32>
    %reduce_sum3A = arith.constant dense<0.000000e+00> : vector<1024x16xf32>
    %reduce_sum3A_3 = vector.multi_reduction <add>, %get3A_2, %reduce_sum3A [0] : vector<2x1024x16xf32> to vector<1024x16xf32>
    %get3A_4 = arith.constant 0 : index
    %get3A_5 = arith.constant 0 : index
    %get3A_6 = vector.load %arg4[%get3A_4, %get3A_5] : memref<16x768xf32, #tpu.memory_space<vmem>>, vector<16x768xf32>
    %dot_general3A = arith.constant dense<0.000000e+00> : vector<1024x768xf32>
    %dot_general3A_7 = tpu.matmul %reduce_sum3A_3, %get3A_6, %dot_general3A {dimension_numbers = #tpu.dot_dimension_numbers<[1], [0], [0], [1], [0, 0, 1, 1], [], []>, transpose_lhs_hint = false} : vector<1024x16xf32>, vector<16x768xf32>, vector<1024x768xf32> -> vector<1024x768xf32>
    %get3A_8 = arith.constant 0 : index
    %get3A_9 = arith.constant 0 : index
    %get3A_10 = vector.load %arg2[%get3A_8, %get3A_9] : memref<1024x768xf32, #tpu.memory_space<vmem>>, vector<1024x768xf32>
    %add3A = arith.addf %dot_general3A_7, %get3A_10 : vector<1024x768xf32>
    %get3A_11 = arith.constant 0 : index
    %get3A_12 = arith.constant 0 : index
    %get3A_13 = vector.load %arg3[%get3A_11, %get3A_12] : memref<1024x256xf32, #tpu.memory_space<vmem>>, vector<1024x256xf32>
    %get3A_14 = arith.constant 0 : index
    %get3A_15 = arith.constant 0 : index
    %get3A_16 = vector.load %arg5[%get3A_14, %get3A_15] : memref<256x768xf32, #tpu.memory_space<vmem>>, vector<256x768xf32>
    %dot_general3A_17 = arith.constant dense<0.000000e+00> : vector<1024x768xf32>
    %dot_general3A_18 = tpu.matmul %get3A_13, %get3A_16, %dot_general3A_17 {dimension_numbers = #tpu.dot_dimension_numbers<[1], [0], [0], [1], [0, 0, 1, 1], [], []>, transpose_lhs_hint = false} : vector<1024x256xf32>, vector<256x768xf32>, vector<1024x768xf32> -> vector<1024x768xf32>
    %get3A_19 = arith.constant 0 : index
    %get3A_20 = arith.constant 0 : index
    %get3A_21 = vector.load %arg6[%get3A_19, %get3A_20] : memref<1x768xf32, #tpu.memory_space<vmem>>, vector<1x768xf32>
    %add3A_22 = vector.broadcast %get3A_21 : vector<1x768xf32> to vector<1024x768xf32>
    %add3A_23 = arith.addf %dot_general3A_18, %add3A_22 : vector<1024x768xf32>
    %slice3A = vector.extract_strided_slice %add3A {offsets = [0, 0], sizes = [1024, 256], strides = [1, 1]} : vector<1024x768xf32> to vector<1024x256xf32>
    %slice3A_24 = vector.extract_strided_slice %add3A_23 {offsets = [0, 0], sizes = [1024, 256], strides = [1, 1]} : vector<1024x768xf32> to vector<1024x256xf32>
    %add3A_25 = arith.addf %slice3A, %slice3A_24 : vector<1024x256xf32>
    %logistic3A = arith.negf %add3A_25 : vector<1024x256xf32>
    %logistic3A_26 = math.exp %logistic3A : vector<1024x256xf32>
    %logistic3A_27 = arith.constant 1.000000e+00 : f32
    %logistic3A_28 = vector.broadcast %logistic3A_27 : f32 to vector<1024x256xf32>
    %logistic3A_29 = arith.addf %logistic3A_28, %logistic3A_26 : vector<1024x256xf32>
    %logistic3A_30 = arith.divf %logistic3A_28, %logistic3A_29 : vector<1024x256xf32>
    %slice3A_31 = vector.extract_strided_slice %add3A {offsets = [0, 256], sizes = [1024, 256], strides = [1, 1]} : vector<1024x768xf32> to vector<1024x256xf32>
    %slice3A_32 = vector.extract_strided_slice %add3A_23 {offsets = [0, 256], sizes = [1024, 256], strides = [1, 1]} : vector<1024x768xf32> to vector<1024x256xf32>
    %add3A_33 = arith.addf %slice3A_31, %slice3A_32 : vector<1024x256xf32>
    %logistic3A_34 = arith.negf %add3A_33 : vector<1024x256xf32>
    %logistic3A_35 = math.exp %logistic3A_34 : vector<1024x256xf32>
    %logistic3A_36 = arith.constant 1.000000e+00 : f32
    %logistic3A_37 = vector.broadcast %logistic3A_36 : f32 to vector<1024x256xf32>
    %logistic3A_38 = arith.addf %logistic3A_37, %logistic3A_35 : vector<1024x256xf32>
    %logistic3A_39 = arith.divf %logistic3A_37, %logistic3A_38 : vector<1024x256xf32>
    %slice3A_40 = vector.extract_strided_slice %add3A {offsets = [0, 512], sizes = [1024, 256], strides = [1, 1]} : vector<1024x768xf32> to vector<1024x256xf32>
    %slice3A_41 = vector.extract_strided_slice %add3A_23 {offsets = [0, 512], sizes = [1024, 256], strides = [1, 1]} : vector<1024x768xf32> to vector<1024x256xf32>
    %mul3A = arith.mulf %logistic3A_30, %slice3A_41 : vector<1024x256xf32>
    %add3A_42 = arith.addf %slice3A_40, %mul3A : vector<1024x256xf32>
    %tanh3A = math.tanh %add3A_42 : vector<1024x256xf32>
    %sub3A = arith.constant 1.000000e+00 : f32
    %sub3A_43 = vector.broadcast %sub3A : f32 to vector<1024x256xf32>
    %sub3A_44 = arith.subf %sub3A_43, %logistic3A_39 : vector<1024x256xf32>
    %mul3A_45 = arith.mulf %sub3A_44, %tanh3A : vector<1024x256xf32>
    %get3A_46 = arith.constant 0 : index
    %get3A_47 = arith.constant 0 : index
    %get3A_48 = vector.load %arg3[%get3A_46, %get3A_47] : memref<1024x256xf32, #tpu.memory_space<vmem>>, vector<1024x256xf32>
    %mul3A_49 = arith.mulf %logistic3A_39, %get3A_48 : vector<1024x256xf32>
    %add3A_50 = arith.addf %mul3A_45, %mul3A_49 : vector<1024x256xf32>
    %swap3A = arith.constant 0 : index
    %swap3A_51 = arith.constant 0 : index
    %swap3A_52 = vector.load %arg9[%swap3A, %swap3A_51] : memref<1024x256xf32, #tpu.memory_space<vmem>>, vector<1024x256xf32>
    tpu.vector_store %arg9[%swap3A, %swap3A_51], %add3A_50 {strides = array<i32>} : memref<1024x256xf32, #tpu.memory_space<vmem>>, vector<1024x256xf32>,
    %get3A_53 = arith.constant 0 : index
    %get3A_54 = arith.constant 0 : index
    %get3A_55 = vector.load %arg7[%get3A_53, %get3A_54] : memref<256x256xf32, #tpu.memory_space<vmem>>, vector<256x256xf32>
    %dot_general3A_56 = arith.constant dense<0.000000e+00> : vector<1024x256xf32>
    %dot_general3A_57 = tpu.matmul %add3A_50, %get3A_55, %dot_general3A_56 {dimension_numbers = #tpu.dot_dimension_numbers<[1], [0], [0], [1], [0, 0, 1, 1], [], []>, transpose_lhs_hint = false} : vector<1024x256xf32>, vector<256x256xf32>, vector<1024x256xf32> -> vector<1024x256xf32>
    %swap3A_58 = arith.constant 0 : index
    %swap3A_59 = arith.constant 0 : index
    %swap3A_60 = vector.load %arg10[%swap3A_58, %swap3A_59] : memref<1024x256xf32, #tpu.memory_space<vmem>>, vector<1024x256xf32>
    tpu.vector_store %arg10[%swap3A_58, %swap3A_59], %dot_general3A_57 {strides = array<i32>} : memref<1024x256xf32, #tpu.memory_space<vmem>>, vector<1024x256xf32>,
    %get3A_61 = arith.constant 0 : index
    %get3A_62 = arith.constant 0 : index
    %get3A_63 = vector.load %arg8[%get3A_61, %get3A_62] : memref<256x256xf32, #tpu.memory_space<vmem>>, vector<256x256xf32>
    %dot_general3A_64 = arith.constant dense<0.000000e+00> : vector<1024x256xf32>
    %dot_general3A_65 = tpu.matmul %add3A_50, %get3A_63, %dot_general3A_64 {dimension_numbers = #tpu.dot_dimension_numbers<[1], [0], [0], [1], [0, 0, 1, 1], [], []>, transpose_lhs_hint = false} : vector<1024x256xf32>, vector<256x256xf32>, vector<1024x256xf32> -> vector<1024x256xf32>
    %swap3A_66 = arith.constant 0 : index
    %swap3A_67 = arith.constant 0 : index
    %swap3A_68 = vector.load %arg11[%swap3A_66, %swap3A_67] : memref<1024x256xf32, #tpu.memory_space<vmem>>, vector<1024x256xf32>
    tpu.vector_store %arg11[%swap3A_66, %swap3A_67], %dot_general3A_65 {strides = array<i32>} : memref<1024x256xf32, #tpu.memory_space<vmem>>, vector<1024x256xf32>,
    return
  }
  func.func @transform_0(%arg0: i32) -> (i32, i32, i32) {
    %c0_i32 = arith.constant 0 : i32
    %c0_i32_0 = arith.constant 0 : i32
    %c0_i32_1 = arith.constant 0 : i32
    return %c0_i32, %arg0, %c0_i32_0 : i32, i32, i32
  }
  func.func @transform_1(%arg0: i32) -> (i32, i32) {
    %c0_i32 = arith.constant 0 : i32
    %c0_i32_0 = arith.constant 0 : i32
    return %arg0, %c0_i32 : i32, i32
  }
  func.func @transform_2(%arg0: i32) -> (i32, i32) {
    %c0_i32 = arith.constant 0 : i32
    %c0_i32_0 = arith.constant 0 : i32
    return %arg0, %c0_i32 : i32, i32
  }
  func.func @transform_3(%arg0: i32) -> (i32, i32) {
    %c0_i32 = arith.constant 0 : i32
    %c0_i32_0 = arith.constant 0 : i32
    %c0_i32_1 = arith.constant 0 : i32
    return %c0_i32, %c0_i32_0 : i32, i32
  }
  func.func @transform_4(%arg0: i32) -> (i32, i32) {
    %c0_i32 = arith.constant 0 : i32
    %c0_i32_0 = arith.constant 0 : i32
    %c0_i32_1 = arith.constant 0 : i32
    return %c0_i32, %c0_i32_0 : i32, i32
  }
  func.func @transform_5(%arg0: i32) -> (i32, i32) {
    %c0_i32 = arith.constant 0 : i32
    %c0_i32_0 = arith.constant 0 : i32
    %c0_i32_1 = arith.constant 0 : i32
    return %c0_i32, %c0_i32_0 : i32, i32
  }
  func.func @transform_6(%arg0: i32) -> (i32, i32) {
    %c0_i32 = arith.constant 0 : i32
    %c0_i32_0 = arith.constant 0 : i32
    %c0_i32_1 = arith.constant 0 : i32
    return %c0_i32, %c0_i32_0 : i32, i32
  }
  func.func @transform_7(%arg0: i32) -> (i32, i32) {
    %c0_i32 = arith.constant 0 : i32
    %c0_i32_0 = arith.constant 0 : i32
    %c0_i32_1 = arith.constant 0 : i32
    return %c0_i32, %c0_i32_0 : i32, i32
  }
  func.func @transform_8(%arg0: i32) -> (i32, i32) {
    %c0_i32 = arith.constant 0 : i32
    %c0_i32_0 = arith.constant 0 : i32
    return %arg0, %c0_i32 : i32, i32
  }
  func.func @transform_9(%arg0: i32) -> (i32, i32) {
    %c0_i32 = arith.constant 0 : i32
    %c0_i32_0 = arith.constant 0 : i32
    return %arg0, %c0_i32 : i32, i32
  }
  func.func @transform_10(%arg0: i32) -> (i32, i32) {
    %c0_i32 = arith.constant 0 : i32
    %c0_i32_0 = arith.constant 0 : i32
    return %arg0, %c0_i32 : i32, i32
  }
}

module attributes {stable_mosaic.version = 14 : i64} {
  func.func @_edge_mlp_body_pre(%arg0: i32, %arg1: memref<1600x256xf32, #tpu.memory_space<vmem>>, %arg2: memref<1600x256xf32, #tpu.memory_space<vmem>>, %arg3: memref<1600x16xf32, #tpu.memory_space<vmem>>, %arg4: memref<16x256xf32, #tpu.memory_space<vmem>>, %arg5: memref<1x256xf32, #tpu.memory_space<vmem>>, %arg6: memref<256x256xf32, #tpu.memory_space<vmem>>, %arg7: memref<1x256xf32, #tpu.memory_space<vmem>>, %arg8: memref<256x256xf32, #tpu.memory_space<vmem>>, %arg9: memref<1x256xf32, #tpu.memory_space<vmem>>, %arg10: memref<256x16xf32, #tpu.memory_space<vmem>>, %arg11: memref<1x16xf32, #tpu.memory_space<vmem>>, %arg12: memref<1600x16xf32, #tpu.memory_space<vmem>>) attributes {dimension_semantics = [#tpu.dimension_semantics<arbitrary>], iteration_bounds = array<i64: 100>, scalar_prefetch = 0 : i64, scratch_operands = 0 : i64, tpu.core_type = #tpu.core_type<tc>, window_params = [{transform_indices = @transform_0, window_bounds = array<i64: 1600, 256>}, {transform_indices = @transform_1, window_bounds = array<i64: 1600, 256>}, {transform_indices = @transform_2, window_bounds = array<i64: 1600, 16>}, {pipeline_mode = #tpu.pipeline_mode<synchronous>, transform_indices = @transform_3, window_bounds = array<i64: 16, 256>}, {pipeline_mode = #tpu.pipeline_mode<synchronous>, transform_indices = @transform_4, window_bounds = array<i64: 1, 256>}, {pipeline_mode = #tpu.pipeline_mode<synchronous>, transform_indices = @transform_5, window_bounds = array<i64: 256, 256>}, {pipeline_mode = #tpu.pipeline_mode<synchronous>, transform_indices = @transform_6, window_bounds = array<i64: 1, 256>}, {pipeline_mode = #tpu.pipeline_mode<synchronous>, transform_indices = @transform_7, window_bounds = array<i64: 256, 256>}, {pipeline_mode = #tpu.pipeline_mode<synchronous>, transform_indices = @transform_8, window_bounds = array<i64: 1, 256>}, {pipeline_mode = #tpu.pipeline_mode<synchronous>, transform_indices = @transform_9, window_bounds = array<i64: 256, 16>}, {pipeline_mode = #tpu.pipeline_mode<synchronous>, transform_indices = @transform_10, window_bounds = array<i64: 1, 16>}, {transform_indices = @transform_11, window_bounds = array<i64: 1600, 16>}]} {
    %get3A = arith.constant 0 : index
    %get3A_0 = arith.constant 0 : index
    %get3A_1 = vector.load %arg3[%get3A, %get3A_0] : memref<1600x16xf32, #tpu.memory_space<vmem>>, vector<1600x16xf32>
    %get3A_2 = arith.constant 0 : index
    %get3A_3 = arith.constant 0 : index
    %get3A_4 = vector.load %arg4[%get3A_2, %get3A_3] : memref<16x256xf32, #tpu.memory_space<vmem>>, vector<16x256xf32>
    %dot_general3A = arith.constant dense<0.000000e+00> : vector<1600x256xf32>
    %dot_general3A_5 = tpu.matmul %get3A_1, %get3A_4, %dot_general3A {dimension_numbers = #tpu.dot_dimension_numbers<[1], [0], [0], [1], [0, 0, 1, 1], [], []>, transpose_lhs_hint = false} : vector<1600x16xf32>, vector<16x256xf32>, vector<1600x256xf32> -> vector<1600x256xf32>
    %get3A_6 = arith.constant 0 : index
    %get3A_7 = arith.constant 0 : index
    %get3A_8 = vector.load %arg5[%get3A_6, %get3A_7] : memref<1x256xf32, #tpu.memory_space<vmem>>, vector<1x256xf32>
    %add3A = vector.broadcast %get3A_8 : vector<1x256xf32> to vector<1600x256xf32>
    %add3A_9 = arith.addf %dot_general3A_5, %add3A : vector<1600x256xf32>
    %get3A_10 = arith.constant 0 : index
    %get3A_11 = arith.constant 0 : index
    %get3A_12 = vector.load %arg1[%get3A_10, %get3A_11] : memref<1600x256xf32, #tpu.memory_space<vmem>>, vector<1600x256xf32>
    %add3A_13 = arith.addf %add3A_9, %get3A_12 : vector<1600x256xf32>
    %get3A_14 = arith.constant 0 : index
    %get3A_15 = arith.constant 0 : index
    %get3A_16 = vector.load %arg2[%get3A_14, %get3A_15] : memref<1600x256xf32, #tpu.memory_space<vmem>>, vector<1600x256xf32>
    %add3A_17 = arith.addf %add3A_13, %get3A_16 : vector<1600x256xf32>
    %max3A = arith.constant 0.000000e+00 : f32
    %max3A_18 = vector.broadcast %max3A : f32 to vector<1600x256xf32>
    %max3A_19 = arith.maximumf %add3A_17, %max3A_18 : vector<1600x256xf32>
    %get3A_20 = arith.constant 0 : index
    %get3A_21 = arith.constant 0 : index
    %get3A_22 = vector.load %arg6[%get3A_20, %get3A_21] : memref<256x256xf32, #tpu.memory_space<vmem>>, vector<256x256xf32>
    %dot_general3A_23 = arith.constant dense<0.000000e+00> : vector<1600x256xf32>
    %dot_general3A_24 = tpu.matmul %max3A_19, %get3A_22, %dot_general3A_23 {dimension_numbers = #tpu.dot_dimension_numbers<[1], [0], [0], [1], [0, 0, 1, 1], [], []>, transpose_lhs_hint = false} : vector<1600x256xf32>, vector<256x256xf32>, vector<1600x256xf32> -> vector<1600x256xf32>
    %get3A_25 = arith.constant 0 : index
    %get3A_26 = arith.constant 0 : index
    %get3A_27 = vector.load %arg7[%get3A_25, %get3A_26] : memref<1x256xf32, #tpu.memory_space<vmem>>, vector<1x256xf32>
    %add3A_28 = vector.broadcast %get3A_27 : vector<1x256xf32> to vector<1600x256xf32>
    %add3A_29 = arith.addf %dot_general3A_24, %add3A_28 : vector<1600x256xf32>
    %max3A_30 = arith.constant 0.000000e+00 : f32
    %max3A_31 = vector.broadcast %max3A_30 : f32 to vector<1600x256xf32>
    %max3A_32 = arith.maximumf %add3A_29, %max3A_31 : vector<1600x256xf32>
    %get3A_33 = arith.constant 0 : index
    %get3A_34 = arith.constant 0 : index
    %get3A_35 = vector.load %arg8[%get3A_33, %get3A_34] : memref<256x256xf32, #tpu.memory_space<vmem>>, vector<256x256xf32>
    %dot_general3A_36 = arith.constant dense<0.000000e+00> : vector<1600x256xf32>
    %dot_general3A_37 = tpu.matmul %max3A_32, %get3A_35, %dot_general3A_36 {dimension_numbers = #tpu.dot_dimension_numbers<[1], [0], [0], [1], [0, 0, 1, 1], [], []>, transpose_lhs_hint = false} : vector<1600x256xf32>, vector<256x256xf32>, vector<1600x256xf32> -> vector<1600x256xf32>
    %get3A_38 = arith.constant 0 : index
    %get3A_39 = arith.constant 0 : index
    %get3A_40 = vector.load %arg9[%get3A_38, %get3A_39] : memref<1x256xf32, #tpu.memory_space<vmem>>, vector<1x256xf32>
    %add3A_41 = vector.broadcast %get3A_40 : vector<1x256xf32> to vector<1600x256xf32>
    %add3A_42 = arith.addf %dot_general3A_37, %add3A_41 : vector<1600x256xf32>
    %max3A_43 = arith.constant 0.000000e+00 : f32
    %max3A_44 = vector.broadcast %max3A_43 : f32 to vector<1600x256xf32>
    %max3A_45 = arith.maximumf %add3A_42, %max3A_44 : vector<1600x256xf32>
    %get3A_46 = arith.constant 0 : index
    %get3A_47 = arith.constant 0 : index
    %get3A_48 = vector.load %arg10[%get3A_46, %get3A_47] : memref<256x16xf32, #tpu.memory_space<vmem>>, vector<256x16xf32>
    %dot_general3A_49 = arith.constant dense<0.000000e+00> : vector<1600x16xf32>
    %dot_general3A_50 = tpu.matmul %max3A_45, %get3A_48, %dot_general3A_49 {dimension_numbers = #tpu.dot_dimension_numbers<[1], [0], [0], [1], [0, 0, 1, 1], [], []>, transpose_lhs_hint = false} : vector<1600x256xf32>, vector<256x16xf32>, vector<1600x16xf32> -> vector<1600x16xf32>
    %get3A_51 = arith.constant 0 : index
    %get3A_52 = arith.constant 0 : index
    %get3A_53 = vector.load %arg11[%get3A_51, %get3A_52] : memref<1x16xf32, #tpu.memory_space<vmem>>, vector<1x16xf32>
    %add3A_54 = vector.broadcast %get3A_53 : vector<1x16xf32> to vector<1600x16xf32>
    %add3A_55 = arith.addf %dot_general3A_50, %add3A_54 : vector<1600x16xf32>
    %swap3A = arith.constant 0 : index
    %swap3A_56 = arith.constant 0 : index
    %swap3A_57 = vector.load %arg12[%swap3A, %swap3A_56] : memref<1600x16xf32, #tpu.memory_space<vmem>>, vector<1600x16xf32>
    tpu.vector_store %arg12[%swap3A, %swap3A_56], %add3A_55 {strides = array<i32>} : memref<1600x16xf32, #tpu.memory_space<vmem>>, vector<1600x16xf32>,
    return
  }
  func.func @transform_0(%arg0: i32) -> (i32, i32) {
    %c0_i32 = arith.constant 0 : i32
    %c0_i32_0 = arith.constant 0 : i32
    return %arg0, %c0_i32 : i32, i32
  }
  func.func @transform_1(%arg0: i32) -> (i32, i32) {
    %c0_i32 = arith.constant 0 : i32
    %c0_i32_0 = arith.constant 0 : i32
    return %arg0, %c0_i32 : i32, i32
  }
  func.func @transform_2(%arg0: i32) -> (i32, i32) {
    %c0_i32 = arith.constant 0 : i32
    %c0_i32_0 = arith.constant 0 : i32
    return %arg0, %c0_i32 : i32, i32
  }
  func.func @transform_3(%arg0: i32) -> (i32, i32) {
    %c0_i32 = arith.constant 0 : i32
    %c0_i32_0 = arith.constant 0 : i32
    %c0_i32_1 = arith.constant 0 : i32
    return %c0_i32, %c0_i32_0 : i32, i32
  }
  func.func @transform_4(%arg0: i32) -> (i32, i32) {
    %c0_i32 = arith.constant 0 : i32
    %c0_i32_0 = arith.constant 0 : i32
    %c0_i32_1 = arith.constant 0 : i32
    return %c0_i32, %c0_i32_0 : i32, i32
  }
  func.func @transform_5(%arg0: i32) -> (i32, i32) {
    %c0_i32 = arith.constant 0 : i32
    %c0_i32_0 = arith.constant 0 : i32
    %c0_i32_1 = arith.constant 0 : i32
    return %c0_i32, %c0_i32_0 : i32, i32
  }
  func.func @transform_6(%arg0: i32) -> (i32, i32) {
    %c0_i32 = arith.constant 0 : i32
    %c0_i32_0 = arith.constant 0 : i32
    %c0_i32_1 = arith.constant 0 : i32
    return %c0_i32, %c0_i32_0 : i32, i32
  }
  func.func @transform_7(%arg0: i32) -> (i32, i32) {
    %c0_i32 = arith.constant 0 : i32
    %c0_i32_0 = arith.constant 0 : i32
    %c0_i32_1 = arith.constant 0 : i32
    return %c0_i32, %c0_i32_0 : i32, i32
  }
  func.func @transform_8(%arg0: i32) -> (i32, i32) {
    %c0_i32 = arith.constant 0 : i32
    %c0_i32_0 = arith.constant 0 : i32
    %c0_i32_1 = arith.constant 0 : i32
    return %c0_i32, %c0_i32_0 : i32, i32
  }
  func.func @transform_9(%arg0: i32) -> (i32, i32) {
    %c0_i32 = arith.constant 0 : i32
    %c0_i32_0 = arith.constant 0 : i32
    %c0_i32_1 = arith.constant 0 : i32
    return %c0_i32, %c0_i32_0 : i32, i32
  }
  func.func @transform_10(%arg0: i32) -> (i32, i32) {
    %c0_i32 = arith.constant 0 : i32
    %c0_i32_0 = arith.constant 0 : i32
    %c0_i32_1 = arith.constant 0 : i32
    return %c0_i32, %c0_i32_0 : i32, i32
  }
  func.func @transform_11(%arg0: i32) -> (i32, i32) {
    %c0_i32 = arith.constant 0 : i32
    %c0_i32_0 = arith.constant 0 : i32
    return %arg0, %c0_i32 : i32, i32
  }
}

module attributes {stable_mosaic.version = 14 : i64} {
  func.func @_gru_final_body(%arg0: i32, %arg1: memref<2x1024x16xf32, #tpu.memory_space<vmem>>, %arg2: memref<1024x768xf32, #tpu.memory_space<vmem>>, %arg3: memref<1024x256xf32, #tpu.memory_space<vmem>>, %arg4: memref<16x768xf32, #tpu.memory_space<vmem>>, %arg5: memref<256x768xf32, #tpu.memory_space<vmem>>, %arg6: memref<1x768xf32, #tpu.memory_space<vmem>>, %arg7: memref<256x2xf32, #tpu.memory_space<vmem>>, %arg8: memref<1x2xf32, #tpu.memory_space<vmem>>, %arg9: memref<1024x2xf32, #tpu.memory_space<vmem>>) attributes {dimension_semantics = [#tpu.dimension_semantics<arbitrary>], iteration_bounds = array<i64: 10>, scalar_prefetch = 0 : i64, scratch_operands = 0 : i64, tpu.core_type = #tpu.core_type<tc>, window_params = [{transform_indices = @transform_0, window_bounds = array<i64: 2, 1024, 16>}, {transform_indices = @transform_1, window_bounds = array<i64: 1024, 768>}, {transform_indices = @transform_2, window_bounds = array<i64: 1024, 256>}, {pipeline_mode = #tpu.pipeline_mode<synchronous>, transform_indices = @transform_3, window_bounds = array<i64: 16, 768>}, {pipeline_mode = #tpu.pipeline_mode<synchronous>, transform_indices = @transform_4, window_bounds = array<i64: 256, 768>}, {pipeline_mode = #tpu.pipeline_mode<synchronous>, transform_indices = @transform_5, window_bounds = array<i64: 1, 768>}, {pipeline_mode = #tpu.pipeline_mode<synchronous>, transform_indices = @transform_6, window_bounds = array<i64: 256, 2>}, {pipeline_mode = #tpu.pipeline_mode<synchronous>, transform_indices = @transform_7, window_bounds = array<i64: 1, 2>}, {transform_indices = @transform_8, window_bounds = array<i64: 1024, 2>}]} {
    %get3A = arith.constant 0 : index
    %get3A_0 = arith.constant 0 : index
    %get3A_1 = arith.constant 0 : index
    %get3A_2 = vector.load %arg1[%get3A, %get3A_0, %get3A_1] : memref<2x1024x16xf32, #tpu.memory_space<vmem>>, vector<2x1024x16xf32>
    %reduce_sum3A = arith.constant dense<0.000000e+00> : vector<1024x16xf32>
    %reduce_sum3A_3 = vector.multi_reduction <add>, %get3A_2, %reduce_sum3A [0] : vector<2x1024x16xf32> to vector<1024x16xf32>
    %get3A_4 = arith.constant 0 : index
    %get3A_5 = arith.constant 0 : index
    %get3A_6 = vector.load %arg4[%get3A_4, %get3A_5] : memref<16x768xf32, #tpu.memory_space<vmem>>, vector<16x768xf32>
    %dot_general3A = arith.constant dense<0.000000e+00> : vector<1024x768xf32>
    %dot_general3A_7 = tpu.matmul %reduce_sum3A_3, %get3A_6, %dot_general3A {dimension_numbers = #tpu.dot_dimension_numbers<[1], [0], [0], [1], [0, 0, 1, 1], [], []>, transpose_lhs_hint = false} : vector<1024x16xf32>, vector<16x768xf32>, vector<1024x768xf32> -> vector<1024x768xf32>
    %get3A_8 = arith.constant 0 : index
    %get3A_9 = arith.constant 0 : index
    %get3A_10 = vector.load %arg2[%get3A_8, %get3A_9] : memref<1024x768xf32, #tpu.memory_space<vmem>>, vector<1024x768xf32>
    %add3A = arith.addf %dot_general3A_7, %get3A_10 : vector<1024x768xf32>
    %get3A_11 = arith.constant 0 : index
    %get3A_12 = arith.constant 0 : index
    %get3A_13 = vector.load %arg3[%get3A_11, %get3A_12] : memref<1024x256xf32, #tpu.memory_space<vmem>>, vector<1024x256xf32>
    %get3A_14 = arith.constant 0 : index
    %get3A_15 = arith.constant 0 : index
    %get3A_16 = vector.load %arg5[%get3A_14, %get3A_15] : memref<256x768xf32, #tpu.memory_space<vmem>>, vector<256x768xf32>
    %dot_general3A_17 = arith.constant dense<0.000000e+00> : vector<1024x768xf32>
    %dot_general3A_18 = tpu.matmul %get3A_13, %get3A_16, %dot_general3A_17 {dimension_numbers = #tpu.dot_dimension_numbers<[1], [0], [0], [1], [0, 0, 1, 1], [], []>, transpose_lhs_hint = false} : vector<1024x256xf32>, vector<256x768xf32>, vector<1024x768xf32> -> vector<1024x768xf32>
    %get3A_19 = arith.constant 0 : index
    %get3A_20 = arith.constant 0 : index
    %get3A_21 = vector.load %arg6[%get3A_19, %get3A_20] : memref<1x768xf32, #tpu.memory_space<vmem>>, vector<1x768xf32>
    %add3A_22 = vector.broadcast %get3A_21 : vector<1x768xf32> to vector<1024x768xf32>
    %add3A_23 = arith.addf %dot_general3A_18, %add3A_22 : vector<1024x768xf32>
    %slice3A = vector.extract_strided_slice %add3A {offsets = [0, 0], sizes = [1024, 256], strides = [1, 1]} : vector<1024x768xf32> to vector<1024x256xf32>
    %slice3A_24 = vector.extract_strided_slice %add3A_23 {offsets = [0, 0], sizes = [1024, 256], strides = [1, 1]} : vector<1024x768xf32> to vector<1024x256xf32>
    %add3A_25 = arith.addf %slice3A, %slice3A_24 : vector<1024x256xf32>
    %logistic3A = arith.negf %add3A_25 : vector<1024x256xf32>
    %logistic3A_26 = math.exp %logistic3A : vector<1024x256xf32>
    %logistic3A_27 = arith.constant 1.000000e+00 : f32
    %logistic3A_28 = vector.broadcast %logistic3A_27 : f32 to vector<1024x256xf32>
    %logistic3A_29 = arith.addf %logistic3A_28, %logistic3A_26 : vector<1024x256xf32>
    %logistic3A_30 = arith.divf %logistic3A_28, %logistic3A_29 : vector<1024x256xf32>
    %slice3A_31 = vector.extract_strided_slice %add3A {offsets = [0, 256], sizes = [1024, 256], strides = [1, 1]} : vector<1024x768xf32> to vector<1024x256xf32>
    %slice3A_32 = vector.extract_strided_slice %add3A_23 {offsets = [0, 256], sizes = [1024, 256], strides = [1, 1]} : vector<1024x768xf32> to vector<1024x256xf32>
    %add3A_33 = arith.addf %slice3A_31, %slice3A_32 : vector<1024x256xf32>
    %logistic3A_34 = arith.negf %add3A_33 : vector<1024x256xf32>
    %logistic3A_35 = math.exp %logistic3A_34 : vector<1024x256xf32>
    %logistic3A_36 = arith.constant 1.000000e+00 : f32
    %logistic3A_37 = vector.broadcast %logistic3A_36 : f32 to vector<1024x256xf32>
    %logistic3A_38 = arith.addf %logistic3A_37, %logistic3A_35 : vector<1024x256xf32>
    %logistic3A_39 = arith.divf %logistic3A_37, %logistic3A_38 : vector<1024x256xf32>
    %slice3A_40 = vector.extract_strided_slice %add3A {offsets = [0, 512], sizes = [1024, 256], strides = [1, 1]} : vector<1024x768xf32> to vector<1024x256xf32>
    %slice3A_41 = vector.extract_strided_slice %add3A_23 {offsets = [0, 512], sizes = [1024, 256], strides = [1, 1]} : vector<1024x768xf32> to vector<1024x256xf32>
    %mul3A = arith.mulf %logistic3A_30, %slice3A_41 : vector<1024x256xf32>
    %add3A_42 = arith.addf %slice3A_40, %mul3A : vector<1024x256xf32>
    %tanh3A = math.tanh %add3A_42 : vector<1024x256xf32>
    %sub3A = arith.constant 1.000000e+00 : f32
    %sub3A_43 = vector.broadcast %sub3A : f32 to vector<1024x256xf32>
    %sub3A_44 = arith.subf %sub3A_43, %logistic3A_39 : vector<1024x256xf32>
    %mul3A_45 = arith.mulf %sub3A_44, %tanh3A : vector<1024x256xf32>
    %get3A_46 = arith.constant 0 : index
    %get3A_47 = arith.constant 0 : index
    %get3A_48 = vector.load %arg3[%get3A_46, %get3A_47] : memref<1024x256xf32, #tpu.memory_space<vmem>>, vector<1024x256xf32>
    %mul3A_49 = arith.mulf %logistic3A_39, %get3A_48 : vector<1024x256xf32>
    %add3A_50 = arith.addf %mul3A_45, %mul3A_49 : vector<1024x256xf32>
    %get3A_51 = arith.constant 0 : index
    %get3A_52 = arith.constant 0 : index
    %get3A_53 = vector.load %arg7[%get3A_51, %get3A_52] : memref<256x2xf32, #tpu.memory_space<vmem>>, vector<256x2xf32>
    %dot_general3A_54 = arith.constant dense<0.000000e+00> : vector<1024x2xf32>
    %dot_general3A_55 = tpu.matmul %add3A_50, %get3A_53, %dot_general3A_54 {dimension_numbers = #tpu.dot_dimension_numbers<[1], [0], [0], [1], [0, 0, 1, 1], [], []>, transpose_lhs_hint = false} : vector<1024x256xf32>, vector<256x2xf32>, vector<1024x2xf32> -> vector<1024x2xf32>
    %get3A_56 = arith.constant 0 : index
    %get3A_57 = arith.constant 0 : index
    %get3A_58 = vector.load %arg8[%get3A_56, %get3A_57] : memref<1x2xf32, #tpu.memory_space<vmem>>, vector<1x2xf32>
    %add3A_59 = vector.broadcast %get3A_58 : vector<1x2xf32> to vector<1024x2xf32>
    %add3A_60 = arith.addf %dot_general3A_55, %add3A_59 : vector<1024x2xf32>
    %swap3A = arith.constant 0 : index
    %swap3A_61 = arith.constant 0 : index
    %swap3A_62 = vector.load %arg9[%swap3A, %swap3A_61] : memref<1024x2xf32, #tpu.memory_space<vmem>>, vector<1024x2xf32>
    tpu.vector_store %arg9[%swap3A, %swap3A_61], %add3A_60 {strides = array<i32>} : memref<1024x2xf32, #tpu.memory_space<vmem>>, vector<1024x2xf32>,
    return
  }
  func.func @transform_0(%arg0: i32) -> (i32, i32, i32) {
    %c0_i32 = arith.constant 0 : i32
    %c0_i32_0 = arith.constant 0 : i32
    %c0_i32_1 = arith.constant 0 : i32
    return %c0_i32, %arg0, %c0_i32_0 : i32, i32, i32
  }
  func.func @transform_1(%arg0: i32) -> (i32, i32) {
    %c0_i32 = arith.constant 0 : i32
    %c0_i32_0 = arith.constant 0 : i32
    return %arg0, %c0_i32 : i32, i32
  }
  func.func @transform_2(%arg0: i32) -> (i32, i32) {
    %c0_i32 = arith.constant 0 : i32
    %c0_i32_0 = arith.constant 0 : i32
    return %arg0, %c0_i32 : i32, i32
  }
  func.func @transform_3(%arg0: i32) -> (i32, i32) {
    %c0_i32 = arith.constant 0 : i32
    %c0_i32_0 = arith.constant 0 : i32
    %c0_i32_1 = arith.constant 0 : i32
    return %c0_i32, %c0_i32_0 : i32, i32
  }
  func.func @transform_4(%arg0: i32) -> (i32, i32) {
    %c0_i32 = arith.constant 0 : i32
    %c0_i32_0 = arith.constant 0 : i32
    %c0_i32_1 = arith.constant 0 : i32
    return %c0_i32, %c0_i32_0 : i32, i32
  }
  func.func @transform_5(%arg0: i32) -> (i32, i32) {
    %c0_i32 = arith.constant 0 : i32
    %c0_i32_0 = arith.constant 0 : i32
    %c0_i32_1 = arith.constant 0 : i32
    return %c0_i32, %c0_i32_0 : i32, i32
  }
  func.func @transform_6(%arg0: i32) -> (i32, i32) {
    %c0_i32 = arith.constant 0 : i32
    %c0_i32_0 = arith.constant 0 : i32
    %c0_i32_1 = arith.constant 0 : i32
    return %c0_i32, %c0_i32_0 : i32, i32
  }
  func.func @transform_7(%arg0: i32) -> (i32, i32) {
    %c0_i32 = arith.constant 0 : i32
    %c0_i32_0 = arith.constant 0 : i32
    %c0_i32_1 = arith.constant 0 : i32
    return %c0_i32, %c0_i32_0 : i32, i32
  }
  func.func @transform_8(%arg0: i32) -> (i32, i32) {
    %c0_i32 = arith.constant 0 : i32
    %c0_i32_0 = arith.constant 0 : i32
    return %arg0, %c0_i32 : i32, i32
  }
}

</mosaic_0001>

<sc_bundles>
// kernel: kernel.30.cloned.1.call-start
scs
__scs_entry_jumppad:
0x0: {  	(pc) =	sbr.rel $0x88, $3  }
0x1: {  	(tag) =	ssettag $0x0;
	lr =	simm.s32 $0x1  }
0x2: {  	[smem:$0x3F90] =	sst lr;
	_ =	strace $0xD0000000  }
0x3: {  	_ = 	snop  }
0x4: {  	_ = 	snop  }
0x5: {  	_ = 	snop  }
0x6: {  	_ = 	snop  }
0x7: {  	_ = 	snop  }
__scs_overlays_trampoline_lowered:
0x8: {  	[smem:$0x3F9F] =	sst s0  }
0x9: {  	[smem:$0x3FA0] =	sst s1  }
0xa: {  	[smem:$0x3FA1] =	sst s2  }
0xb: {  	[smem:$0x3FA2] =	sst s3  }
0xc: {  	[smem:$0x3FA3] =	sst s4  }
0xd: {  	[smem:$0x3FA4] =	sst s5  }
0xe: {  	[smem:$0x3FA5] =	sst s6  }
0xf: {  	[smem:$0x3FA6] =	sst s7  }
0x10: {  	[smem:$0x3FA7] =	sst s8  }
0x11: {  	[smem:$0x3FA8] =	sst s9;
	s0 =	simm.s32 @!p0 $0x0  }
0x12: {  	s1 =	sld [smem:$0x3F8E];
	s0 =	simm.s32 @p0 $0x1  }
0x13: {  	[smem:$0x3FA9] =	sst s0;
	s0 =	simm.s32 @!p1 $0x0  }
0x14: {  	s2 =	sld [smem:$0x3F8D];
	s0 =	simm.s32 @p1 $0x1  }
0x15: {  	[smem:$0x3FAA] =	sst s0;
	s0 =	simm.s32 @!p2 $0x0  }
0x16: {  	s3 =	sld [smem:$0x3FDB];
	s0 =	simm.s32 @p2 $0x1  }
0x17: {  	s4 =	simm.s32 $0x1BF5;
	[smem:$0x3FAC] =	sst s0  }
0x18: {  	s0 =	sld [smem:$0x3F8F];
	_ =	swait.ge [sflag:s4], $0x0  }
0x19: {  	s7 =	sld [smem:$0x3F90]  }
0x1a: {  	s8 =	sadd.s32 $0xFFFFE003, lr  }
0x1b: {  	s9 =	sadd.s32 $0xFFFFFEF7, lr;
	s5 =	simm.s32 $0xFFFFFFFF;
	p2 =	slt.u32 s8, $0xFFFFF086  }
0x1c: {  	p1 =	slt.u32 s9, $0xF7A;
	s5 =	simm.s32 @!p2 $0x0  }
0x1d: {  	s5 =	simm.s32 @p1 $0x1;
	p0 =	seq.s32 s7, s2  }
0x1e: {  	s7 =	smul.u32 @!p0 $0xF7A, s2;
	p2 =	seq.s32 @!p0 s5, $0x0  }
0x1f: {  	s9 =	smul.u32 $0xF7A, s1;
	s8 =	simm.s32 @!p0 $0x1BF5;
	p2 =	por !p2, p0  }
0x20: {  	[sflag:s8] =	ssyncset.s32 @!p0 $0xFFFFF086;
	s6 =	sadd.s32 @!p0 s3, s7;
	s7 =	simm.s32 @!p0 $0x108  }
0x21: {  	s3 =	sadd.s32 s3, s9;
	s6 =	sadd.s32 @!p0 $0x88, s6;
	s7 =	simm.s32 @p2 $0x1082  }
0x22: {  	[simem:s7], [sflag:s8] =	dma.local @!p0 [hbm:s6], $0xF7A  }
0x23: {  	s9 =	sor.u32 $0xD0000000, s2;
	s6 =	simm.s32 $0x108;
	_ =	swait.ge @!p0 [sflag:s8], $0x0  }
0x24: {  	s3 =	sadd.s32 $0x88, s3;
	s6 =	simm.s32 @!p1 $0x1082;
	[sflag:s4] =	ssyncset.s32 $0xFFFFF086  }
0x25: {  	[simem:s6], [sflag:s4] =	dma.local [hbm:s3], $0xF7A  }
0x26: {  	[smem:$0x3F90] =	sst s1;
	(tag) =	ssettag s2;
	_ =	strace s9  }
0x27: {  	s1 =	sld [smem:$0x3FA0]  }
0x28: {  	s2 =	sld [smem:$0x3FA1]  }
0x29: {  	s4 =	sld [smem:$0x3FA3]  }
0x2a: {  	p0 =	seq.s32 s5, $0x0;
	s5 =	sld [smem:$0x3FA4]  }
0x2b: {  	s6 =	sld [smem:$0x3FA5]  }
0x2c: {  	s7 =	sld [smem:$0x3FA6]  }
0x2d: {  	s3 =	simm.s32 $0x108;
	s8 =	sld [smem:$0x3FA7]  }
0x2e: {  	s3 =	simm.s32 @!p0 $0x1082;
	s9 =	sld [smem:$0x3FA8]  }
0x2f: {  	lr =	sadd.s32 s0, s3;
	s0 =	sld [smem:$0x3F9F]  }
0x30: {  	s3 =	sld [smem:$0x3FA2]  }
0x31: {  	[smem:$0x3FAB] =	sst s10  }
0x32: {  	s10 =	sld [smem:$0x3FA9];
	_ =	sdelay $0x3  }
0x33: {  	p0 =	seq.s32 s10, $0x1;
	s10 =	sld [smem:$0x3FAB];
	_ =	sdelay $0x3  }
0x34: {  	[smem:$0x3FAB] =	sst s10  }
0x35: {  	s10 =	sld [smem:$0x3FAA];
	_ =	sdelay $0x3  }
0x36: {  	p1 =	seq.s32 s10, $0x1;
	s10 =	sld [smem:$0x3FAB];
	_ =	sdelay $0x3  }
0x37: {  	[smem:$0x3FAB] =	sst s10  }
0x38: {  	s10 =	sld [smem:$0x3FAC]  }
0x39: {  	_ = 	snop;
	(pc) =	sbr.ind lr, $3  }
0x3a: {  	_ = 	snop  }
0x3b: {  	_ = 	snop  }
0x3c: {  	p2 =	seq.s32 s10, $0x1;
	s10 =	sld [smem:$0x3FAB]  }
0x3d: {  	_ =	shalt  }
0x3e: {  	_ =	shalt  }
0x3f: {  	_ =	shalt  }
0x40: {  	_ =	shalt  }
0x41: {  	_ =	shalt  }
0x42: {  	_ =	shalt  }
0x43: {  	_ =	shalt  }
0x44: {  	_ =	shalt  }
0x45: {  	_ =	shalt  }
0x46: {  	_ =	shalt  }
0x47: {  	_ =	shalt  }
0x48: {  	_ =	shalt  }
0x49: {  	_ =	shalt  }
0x4a: {  	_ =	shalt  }
0x4b: {  	_ =	shalt  }
0x4c: {  	_ =	shalt  }
0x4d: {  	_ =	shalt  }
0x4e: {  	_ =	shalt  }
0x4f: {  	_ =	shalt  }
0x50: {  	_ =	shalt  }
0x51: {  	_ =	shalt  }
0x52: {  	_ =	shalt  }
0x53: {  	_ =	shalt  }
0x54: {  	_ =	shalt  }
0x55: {  	_ =	shalt  }
0x56: {  	_ =	shalt  }
0x57: {  	_ =	shalt  }
0x58: {  	_ =	shalt  }
0x59: {  	_ =	shalt  }
0x5a: {  	_ =	shalt  }
0x5b: {  	_ =	shalt  }
0x5c: {  	_ =	shalt  }
0x5d: {  	_ =	shalt  }
0x5e: {  	_ =	shalt  }
0x5f: {  	_ =	shalt  }
0x60: {  	_ =	shalt  }
0x61: {  	_ =	shalt  }
0x62: {  	_ =	shalt  }
0x63: {  	_ =	shalt  }
0x64: {  	_ =	shalt  }
0x65: {  	_ =	shalt  }
0x66: {  	_ =	shalt  }
0x67: {  	_ =	shalt  }
0x68: {  	_ =	shalt  }
0x69: {  	_ =	shalt  }
0x6a: {  	_ =	shalt  }
0x6b: {  	_ =	shalt  }
0x6c: {  	_ =	shalt  }
0x6d: {  	_ =	shalt  }
0x6e: {  	_ =	shalt  }
0x6f: {  	_ =	shalt  }
0x70: {  	_ =	shalt  }
0x71: {  	_ =	shalt  }
0x72: {  	_ =	shalt  }
0x73: {  	_ =	shalt  }
0x74: {  	_ =	shalt  }
0x75: {  	_ =	shalt  }
0x76: {  	_ =	shalt  }
0x77: {  	_ =	shalt  }
0x78: {  	_ =	shalt  }
0x79: {  	_ =	shalt  }
0x7a: {  	_ =	shalt  }
0x7b: {  	_ =	shalt  }
0x7c: {  	_ =	shalt  }
0x7d: {  	_ =	shalt  }
0x7e: {  	_ =	shalt  }
0x7f: {  	_ =	shalt  }
0x80: {  	_ =	shalt  }
0x81: {  	_ =	shalt  }
0x82: {  	_ =	shalt  }
0x83: {  	_ =	shalt  }
0x84: {  	_ =	shalt  }
0x85: {  	_ =	shalt  }
0x86: {  	_ =	shalt  }
0x87: {  	_ =	shalt  }
.Lfunc_end0:
.L_simem_size_0:
called_computation_lowered:
.L_overlay_start_0:
0x88: {  	s2 =	sld [smem:$0x3FD9]  }
0x89: {  	s3 =	sld [smem:$0x3FFE];
	_ =	sdelay $0x1  }
0x8a: {  	s1 =	srdreg.scid  }
0x8b: {  	s0 =	sand.u32 $0x1, s1  }
0x8c: {  	s16 =	sshll.u32 s0, $0xA;
	s2 =	sadd.s32 s3, s2  }
0x8d: {  	s2 =	sadd.s32 s2, s16  }
0x8e: {  	[smem:$0x3FB7] =	sst s2  }
0x8f: {  	_ = 	snop  }
0x90: {  	(tm) =	ssettm $0x1  }
0x91: {  	s17 =	sld [smem:$0x3FFB];
	_ =	sdelay $0x3  }
0x92: {  	_ =	strace s17  }
0x93: {  	s2 =	sld [smem:$0x3FFC];
	_ =	sdelay $0x3  }
0x94: {  	_ =	strace s2  }
0x95: {  	s2 =	sld [smem:$0x3FFD];
	_ =	sdelay $0x3  }
0x96: {  	_ =	strace s2  }
0x97: {  	_ =	strace $0x8FFFFFFF  }
0x98: {  	s18 =	sld [smem:$0x3FDB];
	_ =	sdelay $0x1  }
0x99: {  	s19 =	simm.s32 $_scs_section_size  }
0x9a: {  	s4 =	simm.s32 $_size__tile_overlayer_lowered;
	s5 =	simm.s32 $_tile_overlayer_lowered  }
0x9b: {  	s22 =	simm.s32 $0x1BFF;
	s21 =	sshll.u32 s5, $0x1;
	s2 =	sadd.s32 s19, s18  }
0x9c: {  	s6 =	simm.s32 $0x0;
	s20 =	sshll.u32 s4, $0x1;
	s4 =	sadd.s32 s21, s2  }
0x9d: {  	[timem:s6], [sflag:s22] =	dma.local [hbm:s4], s20  }
0x9e: {  	_ =	swait.ge [sflag:s22], s20  }
0x9f: {  	s3 =	ssub.s32 $0x0, s20;
	[sflag:s22] =	ssyncset.done $0x0  }
0xa0: {  	[sflag:s22] =	ssyncadd.s32 s3;
	_ =	sdelay $0x1  }
0xa1: {  	s23 =	simm.s32 $0x1B8B  }
0xa2: {  	_ =	swait.ge [sflag:s23], $0x1  }
0xa3: {  	[sflag:s23] =	ssyncset.done $0x0  }
0xa4: {  	s25 =	simm.s32 $0x1B8E;
	s24 =	sld [smem:$0x3FFE];
	[sflag:s23] =	ssyncadd.s32 $0xFFFFFFFF  }
0xa5: {  	s26 =	simm.s32 $execute0_lowered;
	[smem:$0x3FD2] =	sst s25  }
0xa6: {  	s4 =	sshll.u32 s26, $0x1;
	_ =	strace $0x80000046;
	[dreg:$0x1] =	wrdreg $0xFFFFFFFF  }
0xa7: {  	s28 =	simm.s32 $_size_execute0_lowered;
	s2 =	sadd.s32 s2, s4;
	[dreg:$0x0] =	wrdreg $0x0  }
0xa8: {  	s4 =	sshll.u32 s28, $0x1;
	[dreg:$0x2] =	wrdreg s2  }
0xa9: {  	[dreg:$0x3] =	wrdreg s4  }
0xaa: {  	[dreg:$0x4] =	wrdreg $0xC0  }
0xab: {  	_ =	task [dreg:s6], $0x5FFFF  }
0xac: {  	[dreg:$0x1] =	wrdreg $0xFFFFFFFF  }
0xad: {  	[dreg:$0x0] =	wrdreg $0x60  }
0xae: {  	[dreg:$0x2] =	wrdreg s24  }
0xaf: {  	[dreg:$0x3] =	wrdreg $0x8800  }
0xb0: {  	[dreg:$0x4] =	wrdreg $0x9  }
0xb1: {  	_ =	task.clear_ibuf [dreg:s6], $0x5FFFF;
	_ =	strace $0x90000046  }
0xb2: {  	s29 =	simm.s32 $0x9;
	_ =	strace $0x80000048  }
0xb3: {  	_ =	swait.ge [sflag:s29], $0x1  }
0xb4: {  	[sflag:s29] =	ssyncadd.s32 $0xFFFFFFFF  }
0xb5: {  	_ =	strace $0x90000048  }
0xb6: {  	_ =	sfence  }
0xb7: {  	s30 =	sld [smem:$0x0];
	_ =	sdelay $0x2  }
0xb8: {  	s31 =	sshll.u32 s1, $0xD;
	s1 =	sshrl.u32 s1, $0x2  }
0xb9: {  	s3 =	sand.u32 $0x4000, s31;
	s1 =	sadd.s32 s1, s30  }
0xba: {  	s0 =	sor.u32 s3, s0;
	s1 =	sshll.u32 s1, $0x11  }
0xbb: {  	s0 =	sor.u32 s1, s0  }
0xbc: {  	s0 =	sadd.s32 $0x8F2B, s0  }
0xbd: {  	[sflag:s0] =	ssyncadd.remote.s32 $0x1  }
0xbe: {  	_ =	sfence.sel $0xFFFF  }
0xbf: {  	[dreg:$0x0] =	wrdreg $0xFFFFFFFF;
	(pc) =	sbr.abs _section_cstart, $3  }
0xc0: {  	[dreg:$0x1] =	wrdreg $0xFFFFFFFF  }
0xc1: {  	_ =	task.clear_ibuf [dreg:s6], $0x2FFFF;
	_ =	strace $0x9FFFFFFF  }
0xc2: {  	(tm) =	ssettm $0x7FFFFFFF  }
0xc3: {  	_ =	shalt  }
tec
execute0_lowered:
.L_overlay_start_1:
0x0: {  	(tag) =	ssettag $0x1  }
0x1: {  	s4 =	rddreg [dreg:$0x0]  }
0x2: {  	s1 =	rddreg [dreg:$0x1]  }
0x3: {  	s0 =	rddreg [dreg:$0x2]  }
0x4: {  	s2 =	simm.s32 $0x0;
	s7 =	stileid.u32;
	s3 =	srdreg.scid  }
0x5: {  	[smem:$0x7FF] =	sst s2;
	s5 =	sshll.u32 s7, $0x9;
	s8 =	sand.u32 $0x1, s3  }
0x6: {  	s3 =	sadd.s32 $0x288600, s4;
	s6 =	sshll.u32 s7, $0x5;
	p0 =	sne.s32 s7, $0x0  }
0x7: {  	_ =	strace $0x80000047;
	s9 =	sadd.s32 s5, s4;
	s28 =	smul.u32 $0x5000, s8  }
0x8: {  	s10 =	ssub.s32 $0x2, s8;
	s11 =	sadd.s32 s6, s4;
	s31 =	sshll.u32 s8, $0x8  }
0x9: {  	s8 =	sshll.u32 s8, $0x4;
	s29 =	sshrl.u32 s10, $0x1;
	s9 =	sadd.s32 s31, s9  }
0xa: {  	s8 =	sadd.s32 s8, s11;
	s5 =	sadd.s32 s28, s4;
	s30 =	ssub.s32 s10, s29  }
0xb: {  	s4 =	sshll.u32 s7, $0x1;
	s7 =	sadd.s32 $0x4EF600, s9;
	s8 =	sadd.s32 $0x283600, s8  }
0xc: {  	s9 =	sshrl.u32 @!p0 s1, $0x3;
	s5 =	sadd.s32 $0x28D600, s5;
	s6 =	smax.u32 s30, $0x1  }
.LBB2_1:
0xd: {  	s10 =	simm.s32 @!p0 $0x1C01  }
0xe: {  	[spmem:s9], [sflag:s10] =	dma.local @!p0 [hbm:s3], $0x5000  }
0xf: {  	s10 =	simm.s32 @!p0 $0x1  }
0x10: {  	_ =	swait.ge @!p0 [sflag:s10], $0x5000  }
0x11: {  	s11 =	sadd.s32 $0x0, s4;
	[sflag:s10] =	ssyncset.done @!p0 $0x0  }
0x12: {  	p1 =	sgt.u32 s11, $0x4E1;
	[sflag:s10] =	ssyncadd.s32 @!p0 $0xFFFFB000  }
0x13: {  	s12 =	simm.s32 @!p1 $0x2;
	s10 =	simm.s32 @!p1 $0x0;
	[bflag:$0x0] =	sbarrier.arrive $0xFFFF  }
0x14: {  	[tilespmem:s10], [sflag:$0x2] =	stream.linear.gather @!p1 [hbm4b:s8+s10], $0x80, $0x38;
	[tilespmem:$0x3080] =	vst v63  }
0x15: {  	_ =	swait.ge @!p1 [sflag:s12], $0x80  }
0x16: {  	[sflag:s12] =	ssyncset.done @!p1 $0x0;
	p1 =	por p1, p1  }
0x17: {  	[sflag:s12] =	ssyncadd.s32 @!p1 $0xFFFFFF80;
	s14 =	simm.s32 @!p1 $0x80  }
0x18: {  	[tilespmem:s14], [sflag:$0x2] =	stream.linear.gather @!p1 [hbm4b:s7+s10], $0x800, $0x38;
	[tilespmem:$0x3080] =	vst v63  }
0x19: {  	_ =	swait.ge @!p1 [sflag:s12], $0x800  }
0x1a: {  	[sflag:s12] =	ssyncset.done @!p1 $0x0  }
0x1b: {  	s31 =	sadd.s32 $0x20, s4;
	s13 =	simm.s32 @!p1 $0x1;
	[sflag:s12] =	ssyncadd.s32 @!p1 $0xFFFFF800  }
0x1c: {  	[spmem:s1] =	stream.indirect.scatter.add.f32 @!p1 [tilespmem:s14], [sflag:$0x1], $0x10, s10, s14, $0xb8;
	[tilespmem:$0x3080] =	vst v63  }
0x1d: {  	s11 =	simm.s32 $0x40;
	p2 =	sgt.u32 s31, $0x4E1;
	_ =	swait.ge @!p1 [sflag:s13], $0x800  }
0x1e: {  	s12 =	sadd.s32 $0x200, s8;
	s10 =	sadd.s32 $0x2000, s7;
	[sflag:s13] =	ssyncset.done @!p1 $0x0  }
.LBB2_2:
0x1f: {  	s14 =	simm.s32 @!p2 $0x0;
	s15 =	simm.s32 @!p2 $0x2;
	[sflag:s13] =	ssyncadd.s32 @!p1 $0xFFFFF800  }
0x20: {  	[tilespmem:s14], [sflag:$0x2] =	stream.linear.gather @!p2 [hbm4b:s12+s14], $0x80, $0x38;
	[tilespmem:$0x3080] =	vst v63  }
0x21: {  	s16 =	smov.u32 s11;
	s11 =	sadd.s32 $0x20, s11;
	_ =	swait.ge @!p2 [sflag:s15], $0x80  }
0x22: {  	p1 =	por p2, p2;
	p3 =	sne.s32 s11, $0x500;
	[sflag:s15] =	ssyncset.done @!p2 $0x0  }
0x23: {  	s17 =	simm.s32 @!p1 $0x80;
	[sflag:s15] =	ssyncadd.s32 @!p1 $0xFFFFFF80  }
0x24: {  	[tilespmem:s17], [sflag:$0x2] =	stream.linear.gather @!p1 [hbm4b:s10+s14], $0x800, $0x38;
	[tilespmem:$0x3080] =	vst v63  }
0x25: {  	_ =	swait.ge @!p1 [sflag:s15], $0x800  }
.Ltmp0:
0x26: {  	[sflag:s15] =	ssyncset.done @!p1 $0x0;
	(pc) =	sbr.rel @p3 .LBB2_2-.Ltmp0, $4  }
0x27: {  	s13 =	simm.s32 @!p1 $0x1;
	[sflag:s15] =	ssyncadd.s32 @!p1 $0xFFFFF800  }
0x28: {  	[spmem:s1] =	stream.indirect.scatter.add.f32 @!p1 [tilespmem:s17], [sflag:$0x1], $0x10, s14, s17, $0xb8;
	[tilespmem:$0x3080] =	vst v63  }
0x29: {  	s12 =	sadd.s32 $0x200, s12;
	s14 =	sadd.s32 s16, s4;
	_ =	swait.ge @!p1 [sflag:s13], $0x800  }
0x2a: {  	s10 =	sadd.s32 $0x2000, s10;
	p2 =	sgt.u32 s14, $0x4E1;
	[sflag:s13] =	ssyncset.done @!p1 $0x0  }
0x2b: {  	s11 =	simm.s32 @!p2 $0x0;
	s14 =	simm.s32 @!p2 $0x2;
	[sflag:s13] =	ssyncadd.s32 @!p1 $0xFFFFF800  }
0x2c: {  	[tilespmem:s11], [sflag:$0x2] =	stream.linear.gather @!p2 [hbm4b:s12+s11], $0x80, $0x38;
	[tilespmem:$0x3080] =	vst v63  }
0x2d: {  	_ =	swait.ge @!p2 [sflag:s14], $0x80  }
0x2e: {  	p1 =	por p2, p2;
	[sflag:s14] =	ssyncset.done @!p2 $0x0  }
0x2f: {  	s12 =	simm.s32 @!p1 $0x80;
	[sflag:s14] =	ssyncadd.s32 @!p1 $0xFFFFFF80  }
0x30: {  	[tilespmem:s12], [sflag:$0x2] =	stream.linear.gather @!p1 [hbm4b:s10+s11], $0x800, $0x38;
	[tilespmem:$0x3080] =	vst v63  }
0x31: {  	_ =	swait.ge @!p1 [sflag:s14], $0x800  }
0x32: {  	[sflag:s14] =	ssyncset.done @!p1 $0x0  }
0x33: {  	s10 =	simm.s32 @!p1 $0x1;
	[sflag:s14] =	ssyncadd.s32 @!p1 $0xFFFFF800  }
0x34: {  	[spmem:s1] =	stream.indirect.scatter.add.f32 @!p1 [tilespmem:s12], [sflag:$0x1], $0x10, s11, s12, $0xb8;
	[tilespmem:$0x3080] =	vst v63  }
0x35: {  	_ =	swait.ge @!p1 [sflag:s10], $0x800  }
0x36: {  	[sflag:s10] =	ssyncset.done @!p1 $0x0  }
0x37: {  	s2 =	sadd.s32 $0x1, s2;
	[sflag:s10] =	ssyncadd.s32 @!p1 $0xFFFFF800  }
0x38: {  	s10 =	simm.s32 @!p0 $0x1C01;
	p1 =	sne.s32 s2, s6;
	[bflag:$0x0] =	sbarrier.arrive $0xFFFF  }
0x39: {  	[hbm:s5], [sflag:s10] =	dma.local @!p0 [spmem:s9], $0x5000  }
.Ltmp1:
0x3a: {  	_ = 	snop;
	(pc) =	sbr.rel @p1 .LBB2_1-.Ltmp1, $4  }
0x3b: {  	s10 =	simm.s32 @!p0 $0x1  }
0x3c: {  	_ =	swait.ge @!p0 [sflag:s10], $0x5000  }
0x3d: {  	[sflag:s10] =	ssyncset.done @!p0 $0x0  }
0x3e: {  	[sflag:s10] =	ssyncadd.s32 @!p0 $0xFFFFB000  }
0x3f: {  	_ =	sfence.sel $0x180000  }
0x40: {  	[bflag:$0x0] =	sbarrier.arrive $0xFFFF  }
0x41: {  	_ =	strace $0x90000047  }
0x42: {  	s0 =	sadd.s32 @!p0 $0x100000, s0;
	[bflag:$0x2] =	sbarrier.arrive $0xFFFF  }
0x43: {  	[sflag:s0] =	ssyncadd.tile.s32 @!p0 $0x1;
	_ =	shalt  }
.Lfunc_end2:
_tile_overlayer_lowered:
.L_overlay_start_2:
0x44: {  	(tag) =	ssettag $0x2  }
0x45: {  	s0 =	rddreg [dreg:$0x0];
	s2 =	stileid.u32  }
0x46: {  	s1 =	rddreg [dreg:$0x1];
	p0 =	sne.s32 s2, $0x0  }
0x47: {  	s3 =	rddreg [dreg:$0x2];
	[bflag:$0x3] =	sbarrier.arrive $0xFFFF;
	s2 =	simm.s32 @!p0 $0x1C01  }
0x48: {  	[timem:s3], [sflag:s2] =	dma.local @!p0 [hbm:s0], s1  }
0x49: {  	s0 =	simm.s32 @!p0 $0x1  }
0x4a: {  	_ =	swait.ge @!p0 [sflag:s0], s1  }
0x4b: {  	s1 =	ssub.s32 @!p0 $0x0, s1;
	[sflag:s0] =	ssyncset.done @!p0 $0x0  }
0x4c: {  	[sflag:s0] =	ssyncadd.s32 @!p0 s1  }
0x4d: {  	[bflag:$0x3] =	sbarrier.arrive $0xFFFF  }
0x4e: {  	_ =	shalt  }

// kernel: kernel.33.cloned.1.call-start
scs
__scs_entry_jumppad:
0x0: {  	(pc) =	sbr.rel $0x88, $3  }
0x1: {  	(tag) =	ssettag $0x0;
	lr =	simm.s32 $0x1  }
0x2: {  	[smem:$0x3F90] =	sst lr;
	_ =	strace $0xD0000000  }
0x3: {  	_ = 	snop  }
0x4: {  	_ = 	snop  }
0x5: {  	_ = 	snop  }
0x6: {  	_ = 	snop  }
0x7: {  	_ = 	snop  }
__scs_overlays_trampoline_lowered:
0x8: {  	[smem:$0x3F9F] =	sst s0  }
0x9: {  	[smem:$0x3FA0] =	sst s1  }
0xa: {  	[smem:$0x3FA1] =	sst s2  }
0xb: {  	[smem:$0x3FA2] =	sst s3  }
0xc: {  	[smem:$0x3FA3] =	sst s4  }
0xd: {  	[smem:$0x3FA4] =	sst s5  }
0xe: {  	[smem:$0x3FA5] =	sst s6  }
0xf: {  	[smem:$0x3FA6] =	sst s7  }
0x10: {  	[smem:$0x3FA7] =	sst s8  }
0x11: {  	[smem:$0x3FA8] =	sst s9;
	s0 =	simm.s32 @!p0 $0x0  }
0x12: {  	s1 =	sld [smem:$0x3F8E];
	s0 =	simm.s32 @p0 $0x1  }
0x13: {  	[smem:$0x3FA9] =	sst s0;
	s0 =	simm.s32 @!p1 $0x0  }
0x14: {  	s2 =	sld [smem:$0x3F8D];
	s0 =	simm.s32 @p1 $0x1  }
0x15: {  	[smem:$0x3FAA] =	sst s0;
	s0 =	simm.s32 @!p2 $0x0  }
0x16: {  	s3 =	sld [smem:$0x3FDB];
	s0 =	simm.s32 @p2 $0x1  }
0x17: {  	s4 =	simm.s32 $0x1BF5;
	[smem:$0x3FAC] =	sst s0  }
0x18: {  	s0 =	sld [smem:$0x3F8F];
	_ =	swait.ge [sflag:s4], $0x0  }
0x19: {  	s7 =	sld [smem:$0x3F90]  }
0x1a: {  	s8 =	sadd.s32 $0xFFFFE003, lr  }
0x1b: {  	s9 =	sadd.s32 $0xFFFFFEF7, lr;
	s5 =	simm.s32 $0xFFFFFFFF;
	p2 =	slt.u32 s8, $0xFFFFF086  }
0x1c: {  	p1 =	slt.u32 s9, $0xF7A;
	s5 =	simm.s32 @!p2 $0x0  }
0x1d: {  	s5 =	simm.s32 @p1 $0x1;
	p0 =	seq.s32 s7, s2  }
0x1e: {  	s7 =	smul.u32 @!p0 $0xF7A, s2;
	p2 =	seq.s32 @!p0 s5, $0x0  }
0x1f: {  	s9 =	smul.u32 $0xF7A, s1;
	s8 =	simm.s32 @!p0 $0x1BF5;
	p2 =	por !p2, p0  }
0x20: {  	[sflag:s8] =	ssyncset.s32 @!p0 $0xFFFFF086;
	s6 =	sadd.s32 @!p0 s3, s7;
	s7 =	simm.s32 @!p0 $0x108  }
0x21: {  	s3 =	sadd.s32 s3, s9;
	s6 =	sadd.s32 @!p0 $0x88, s6;
	s7 =	simm.s32 @p2 $0x1082  }
0x22: {  	[simem:s7], [sflag:s8] =	dma.local @!p0 [hbm:s6], $0xF7A  }
0x23: {  	s9 =	sor.u32 $0xD0000000, s2;
	s6 =	simm.s32 $0x108;
	_ =	swait.ge @!p0 [sflag:s8], $0x0  }
0x24: {  	s3 =	sadd.s32 $0x88, s3;
	s6 =	simm.s32 @!p1 $0x1082;
	[sflag:s4] =	ssyncset.s32 $0xFFFFF086  }
0x25: {  	[simem:s6], [sflag:s4] =	dma.local [hbm:s3], $0xF7A  }
0x26: {  	[smem:$0x3F90] =	sst s1;
	(tag) =	ssettag s2;
	_ =	strace s9  }
0x27: {  	s1 =	sld [smem:$0x3FA0]  }
0x28: {  	s2 =	sld [smem:$0x3FA1]  }
0x29: {  	s4 =	sld [smem:$0x3FA3]  }
0x2a: {  	p0 =	seq.s32 s5, $0x0;
	s5 =	sld [smem:$0x3FA4]  }
0x2b: {  	s6 =	sld [smem:$0x3FA5]  }
0x2c: {  	s7 =	sld [smem:$0x3FA6]  }
0x2d: {  	s3 =	simm.s32 $0x108;
	s8 =	sld [smem:$0x3FA7]  }
0x2e: {  	s3 =	simm.s32 @!p0 $0x1082;
	s9 =	sld [smem:$0x3FA8]  }
0x2f: {  	lr =	sadd.s32 s0, s3;
	s0 =	sld [smem:$0x3F9F]  }
0x30: {  	s3 =	sld [smem:$0x3FA2]  }
0x31: {  	[smem:$0x3FAB] =	sst s10  }
0x32: {  	s10 =	sld [smem:$0x3FA9];
	_ =	sdelay $0x3  }
0x33: {  	p0 =	seq.s32 s10, $0x1;
	s10 =	sld [smem:$0x3FAB];
	_ =	sdelay $0x3  }
0x34: {  	[smem:$0x3FAB] =	sst s10  }
0x35: {  	s10 =	sld [smem:$0x3FAA];
	_ =	sdelay $0x3  }
0x36: {  	p1 =	seq.s32 s10, $0x1;
	s10 =	sld [smem:$0x3FAB];
	_ =	sdelay $0x3  }
0x37: {  	[smem:$0x3FAB] =	sst s10  }
0x38: {  	s10 =	sld [smem:$0x3FAC]  }
0x39: {  	_ = 	snop;
	(pc) =	sbr.ind lr, $3  }
0x3a: {  	_ = 	snop  }
0x3b: {  	_ = 	snop  }
0x3c: {  	p2 =	seq.s32 s10, $0x1;
	s10 =	sld [smem:$0x3FAB]  }
0x3d: {  	_ =	shalt  }
0x3e: {  	_ =	shalt  }
0x3f: {  	_ =	shalt  }
0x40: {  	_ =	shalt  }
0x41: {  	_ =	shalt  }
0x42: {  	_ =	shalt  }
0x43: {  	_ =	shalt  }
0x44: {  	_ =	shalt  }
0x45: {  	_ =	shalt  }
0x46: {  	_ =	shalt  }
0x47: {  	_ =	shalt  }
0x48: {  	_ =	shalt  }
0x49: {  	_ =	shalt  }
0x4a: {  	_ =	shalt  }
0x4b: {  	_ =	shalt  }
0x4c: {  	_ =	shalt  }
0x4d: {  	_ =	shalt  }
0x4e: {  	_ =	shalt  }
0x4f: {  	_ =	shalt  }
0x50: {  	_ =	shalt  }
0x51: {  	_ =	shalt  }
0x52: {  	_ =	shalt  }
0x53: {  	_ =	shalt  }
0x54: {  	_ =	shalt  }
0x55: {  	_ =	shalt  }
0x56: {  	_ =	shalt  }
0x57: {  	_ =	shalt  }
0x58: {  	_ =	shalt  }
0x59: {  	_ =	shalt  }
0x5a: {  	_ =	shalt  }
0x5b: {  	_ =	shalt  }
0x5c: {  	_ =	shalt  }
0x5d: {  	_ =	shalt  }
0x5e: {  	_ =	shalt  }
0x5f: {  	_ =	shalt  }
0x60: {  	_ =	shalt  }
0x61: {  	_ =	shalt  }
0x62: {  	_ =	shalt  }
0x63: {  	_ =	shalt  }
0x64: {  	_ =	shalt  }
0x65: {  	_ =	shalt  }
0x66: {  	_ =	shalt  }
0x67: {  	_ =	shalt  }
0x68: {  	_ =	shalt  }
0x69: {  	_ =	shalt  }
0x6a: {  	_ =	shalt  }
0x6b: {  	_ =	shalt  }
0x6c: {  	_ =	shalt  }
0x6d: {  	_ =	shalt  }
0x6e: {  	_ =	shalt  }
0x6f: {  	_ =	shalt  }
0x70: {  	_ =	shalt  }
0x71: {  	_ =	shalt  }
0x72: {  	_ =	shalt  }
0x73: {  	_ =	shalt  }
0x74: {  	_ =	shalt  }
0x75: {  	_ =	shalt  }
0x76: {  	_ =	shalt  }
0x77: {  	_ =	shalt  }
0x78: {  	_ =	shalt  }
0x79: {  	_ =	shalt  }
0x7a: {  	_ =	shalt  }
0x7b: {  	_ =	shalt  }
0x7c: {  	_ =	shalt  }
0x7d: {  	_ =	shalt  }
0x7e: {  	_ =	shalt  }
0x7f: {  	_ =	shalt  }
0x80: {  	_ =	shalt  }
0x81: {  	_ =	shalt  }
0x82: {  	_ =	shalt  }
0x83: {  	_ =	shalt  }
0x84: {  	_ =	shalt  }
0x85: {  	_ =	shalt  }
0x86: {  	_ =	shalt  }
0x87: {  	_ =	shalt  }
.Lfunc_end0:
.L_simem_size_0:
called_computation.1_lowered:
.L_overlay_start_0:
0x88: {  	s2 =	sld [smem:$0x3FD9]  }
0x89: {  	s3 =	sld [smem:$0x3FFE];
	_ =	sdelay $0x1  }
0x8a: {  	s1 =	srdreg.scid  }
0x8b: {  	s0 =	sand.u32 $0x1, s1  }
0x8c: {  	s16 =	sshll.u32 s0, $0xA;
	s2 =	sadd.s32 s3, s2  }
0x8d: {  	s2 =	sadd.s32 s2, s16  }
0x8e: {  	[smem:$0x3FB7] =	sst s2  }
0x8f: {  	_ = 	snop  }
0x90: {  	(tm) =	ssettm $0x1  }
0x91: {  	s17 =	sld [smem:$0x3FFB];
	_ =	sdelay $0x3  }
0x92: {  	_ =	strace s17  }
0x93: {  	s2 =	sld [smem:$0x3FFC];
	_ =	sdelay $0x3  }
0x94: {  	_ =	strace s2  }
0x95: {  	s2 =	sld [smem:$0x3FFD];
	_ =	sdelay $0x3  }
0x96: {  	_ =	strace s2  }
0x97: {  	_ =	strace $0x8FFFFFFF  }
0x98: {  	s18 =	sld [smem:$0x3FDB];
	_ =	sdelay $0x1  }
0x99: {  	s19 =	simm.s32 $_scs_section_size  }
0x9a: {  	s4 =	simm.s32 $_size__tile_overlayer_lowered;
	s5 =	simm.s32 $_tile_overlayer_lowered  }
0x9b: {  	s22 =	simm.s32 $0x1BFF;
	s21 =	sshll.u32 s5, $0x1;
	s2 =	sadd.s32 s19, s18  }
0x9c: {  	s6 =	simm.s32 $0x0;
	s20 =	sshll.u32 s4, $0x1;
	s4 =	sadd.s32 s21, s2  }
0x9d: {  	[timem:s6], [sflag:s22] =	dma.local [hbm:s4], s20  }
0x9e: {  	_ =	swait.ge [sflag:s22], s20  }
0x9f: {  	s3 =	ssub.s32 $0x0, s20;
	[sflag:s22] =	ssyncset.done $0x0  }
0xa0: {  	[sflag:s22] =	ssyncadd.s32 s3;
	_ =	sdelay $0x1  }
0xa1: {  	s23 =	simm.s32 $0x1B8B  }
0xa2: {  	_ =	swait.ge [sflag:s23], $0x1  }
0xa3: {  	[sflag:s23] =	ssyncset.done $0x0  }
0xa4: {  	s25 =	simm.s32 $0x1B8E;
	s24 =	sld [smem:$0x3FFE];
	[sflag:s23] =	ssyncadd.s32 $0xFFFFFFFF  }
0xa5: {  	s26 =	simm.s32 $execute0_lowered;
	[smem:$0x3FD2] =	sst s25  }
0xa6: {  	s4 =	sshll.u32 s26, $0x1;
	_ =	strace $0x80000049;
	[dreg:$0x1] =	wrdreg $0xFFFFFFFF  }
0xa7: {  	s28 =	simm.s32 $_size_execute0_lowered;
	s2 =	sadd.s32 s2, s4;
	[dreg:$0x0] =	wrdreg $0x0  }
0xa8: {  	s4 =	sshll.u32 s28, $0x1;
	[dreg:$0x2] =	wrdreg s2  }
0xa9: {  	[dreg:$0x3] =	wrdreg s4  }
0xaa: {  	[dreg:$0x4] =	wrdreg $0xC0  }
0xab: {  	_ =	task [dreg:s6], $0x5FFFF  }
0xac: {  	[dreg:$0x1] =	wrdreg $0xFFFFFFFF  }
0xad: {  	[dreg:$0x0] =	wrdreg $0x60  }
0xae: {  	[dreg:$0x2] =	wrdreg s24  }
0xaf: {  	[dreg:$0x3] =	wrdreg $0x9  }
0xb0: {  	_ =	task.clear_ibuf [dreg:s6], $0x4FFFF;
	_ =	strace $0x90000049  }
0xb1: {  	s29 =	simm.s32 $0x9;
	_ =	strace $0x8000004B  }
0xb2: {  	_ =	swait.ge [sflag:s29], $0x1  }
0xb3: {  	[sflag:s29] =	ssyncadd.s32 $0xFFFFFFFF  }
0xb4: {  	_ =	strace $0x9000004B  }
0xb5: {  	_ =	sfence  }
0xb6: {  	s30 =	sld [smem:$0x0];
	_ =	sdelay $0x2  }
0xb7: {  	s31 =	sshll.u32 s1, $0xD;
	s1 =	sshrl.u32 s1, $0x2  }
0xb8: {  	s3 =	sand.u32 $0x4000, s31;
	s1 =	sadd.s32 s1, s30  }
0xb9: {  	s0 =	sor.u32 s3, s0;
	s1 =	sshll.u32 s1, $0x11  }
0xba: {  	s0 =	sor.u32 s1, s0  }
0xbb: {  	s0 =	sadd.s32 $0x8F2B, s0  }
0xbc: {  	[sflag:s0] =	ssyncadd.remote.s32 $0x1  }
0xbd: {  	_ =	sfence.sel $0xFFFF  }
0xbe: {  	[dreg:$0x0] =	wrdreg $0xFFFFFFFF;
	(pc) =	sbr.abs _section_cstart, $3  }
0xbf: {  	[dreg:$0x1] =	wrdreg $0xFFFFFFFF  }
0xc0: {  	_ =	task.clear_ibuf [dreg:s6], $0x2FFFF;
	_ =	strace $0x9FFFFFFF  }
0xc1: {  	(tm) =	ssettm $0x7FFFFFFF  }
tec
execute0_lowered:
.L_overlay_start_1:
0x0: {  	(tag) =	ssettag $0x1  }
0x1: {  	s0 =	rddreg [dreg:$0x0];
	s2 =	simm.s32 $0x0  }
0x2: {  	s9 =	stileid.u32;
	s1 =	srdreg.scid;
	s11 =	simm.s32 $0x4  }
0x3: {  	s13 =	simm.s32 $0x100;
	s30 =	simm.s32 $0x8100;
	s10 =	simm.s32 $0xB900  }
0x4: {  	s12 =	simm.s32 $0xC100;
	s14 =	simm.s32 $0xC900;
	s15 =	simm.s32 $0xD100  }
0x5: {  	s16 =	simm.s32 $0xD900;
	s17 =	simm.s32 $0xE100;
	s18 =	simm.s32 $0xE900  }
0x6: {  	s19 =	simm.s32 $0xF100;
	s20 =	simm.s32 $0xF900;
	s21 =	simm.s32 $0x1  }
0x7: {  	s22 =	simm.s32 $0x2;
	s23 =	simm.s32 $0x3;
	[smem:$0x7FF] =	sst s2  }
0x8: {  	s31 =	simm.s32 $0x80;
	s3 =	sadd.s32 $0x391800, s0;
	s4 =	sadd.s32 $0x431800, s0  }
0x9: {  	s5 =	sshll.u32 s9, $0x5;
	s1 =	sand.u32 $0x1, s1;
	s6 =	sshll.u32 s9, $0xD  }
0xa: {  	s26 =	sshll.u32 s9, $0x1;
	s9 =	simm.s32 $0xB100;
	_ =	strace $0x8000004A  }
0xb: {  	s5 =	sadd.s32 s5, s0;
	s7 =	ssub.s32 $0x2, s1;
	s0 =	sadd.s32 s6, s0  }
0xc: {  	s8 =	sshll.u32 s1, $0x4;
	s1 =	sshll.u32 s1, $0xC;
	[dreg:$0x2] =	wrdreg s26  }
0xd: {  	s25 =	sshrl.u32 s7, $0x1;
	s5 =	sadd.s32 s8, s5;
	s0 =	sadd.s32 s1, s0  }
.Ltmp0:
0xe: {  	s1 =	simm.s32 $0x9900;
	s6 =	sadd.s32 $0x283600, s5;
	(pc) =	sbr.rel .LBB2_1-.Ltmp0, $4  }
0xf: {  	s7 =	ssub.s32 s7, s25;
	s8 =	sadd.s32 $0x27E600, s5;
	s29 =	sadd.s32 $0x963800, s0  }
0x10: {  	v2 =	vlaneseq.u32;
	s0 =	sadd.s32 $0x481800, s0;
	s5 =	simm.s32 $0xA100;
	[dreg:$0x4] =	wrdreg s29  }
0x11: {  	vm0 =	vmmov $0xffff;
	v1 =	vshrl.u32 v2, $0x3;
	s25 =	simm.s32 $0x0;
	s28 =	smax.u32 s7, $0x1;
	[dreg:$0x5] =	wrdreg s0  }
0x12: {  	v0 =	vand.u32 $0x7, v2;
	v2 =	vor.u32 $0x8, v2;
	v1 =	vmul.u32 $0x8, v1;
	s0 =	simm.s32 $0x9100;
	s7 =	simm.s32 $0xA900;
	[dreg:$0x3] =	wrdreg s28  }
.LBB2_5:
0x13: {  	s25 =	rddreg [dreg:$0x6]  }
0x14: {  	s24 =	rddreg [dreg:$0x3];
	s25 =	sadd.s32 $0x1, s25  }
0x15: {  	p0 =	sne.s32 s25, s24  }
.Ltmp1:
0x16: {  	_ = 	snop;
	(pc) =	sbr.rel @!p0 .LBB2_6-.Ltmp1, $1  }
0x17: {  	_ =	sdelay $0x3  }
.LBB2_1:
.Ltmp2:
0x18: {  	(pc) =	sbr.rel .LBB2_2-.Ltmp2, $4  }
0x19: {  	[dreg:$0x6] =	wrdreg s25  }
0x1a: {  	s24 =	rddreg [dreg:$0x2]  }
0x1b: {  	s25 =	rddreg [dreg:$0x5]  }
0x1c: {  	s26 =	rddreg [dreg:$0x4];
	s28 =	simm.s32 $0x0  }
.LBB2_4:
0x1d: {  	s28 =	sadd.s32 $0x200, s28  }
0x1e: {  	p0 =	sne.s32 s28, $0x5000  }
.Ltmp3:
0x1f: {  	_ = 	snop;
	(pc) =	sbr.rel @!p0 .LBB2_5-.Ltmp3, $2  }
0x20: {  	_ =	sdelay $0x2  }
0x21: {  	s26 =	sadd.s32 $0x20000, s26;
	s25 =	sadd.s32 $0x20000, s25;
	s24 =	sadd.s32 $0x20, s24  }
.LBB2_2:
0x22: {  	p0 =	sgt.u32 s24, $0x4E1  }
.Ltmp4:
0x23: {  	_ = 	snop;
	(pc) =	sbr.rel @p0 .LBB2_4-.Ltmp4, $1  }
0x24: {  	_ =	sdelay $0x3  }
0x25: {  	s29 =	sadd.s32 s28, s8  }
0x26: {  	[tilespmem:s2], [sflag:$0x4] =	stream.linear.gather [hbm4b:s29+s2], $0x80, $0x38;
	[tilespmem:$0x10100] =	vst v63  }
0x27: {  	_ =	swait.ge [sflag:s11], $0x80  }
0x28: {  	[sflag:s11] =	ssyncset.done $0x0  }
0x29: {  	s29 =	sadd.s32 s28, s6;
	[sflag:s11] =	ssyncadd.s32 $0xFFFFFF80  }
0x2a: {  	[tilespmem:s31], [sflag:$0x4] =	stream.linear.gather [hbm4b:s29+s2], $0x80, $0x38;
	[tilespmem:$0x10100] =	vst v63  }
0x2b: {  	_ =	swait.ge [sflag:s11], $0x80  }
0x2c: {  	[sflag:s11] =	ssyncset.done $0x0  }
0x2d: {  	[sflag:s11] =	ssyncadd.s32 $0xFFFFFF80  }
0x2e: {  	v3 =	vld [tilespmem:$0x0];
	_ =	sdelay $0x4  }
0x2f: {  	v4 =	vshll.u32 v3, $0x1  }
0x30: {  	v3 =	vand.u32 $0x7, v3;
	v4 =	vand.u32 $0xFFFFFFF0, v4  }
0x31: {  	v3 =	vor.u32 v3, v4  }
0x32: {  	v4 =	vperm.xlane v3, v0;
	_ =	sdelay $0x1  }
0x33: {  	v3 =	vperm.xlane v3, v2;
	v4 =	vadd.s32 v1, v4;
	_ =	sdelay $0x1  }
0x34: {  	v3 =	vadd.s32 v1, v3;
	_ =	sdelay $0x2  }
0x35: {  	[tilespmem:s13], [sflag:$0x1] =	stream.indirect_vreg.gather [hbm4b:s3+s2], $0x80, v4, vm0, $0xb8;
	[tilespmem:$0x10100] =	vst v63  }
0x36: {  	s29 =	simm.s32 $0x900  }
0x37: {  	[tilespmem:s29], [sflag:$0x1] =	stream.indirect_vreg.gather [hbm4b:s3+s2], $0x80, v3, vm0, $0xb8;
	[tilespmem:$0x10100] =	vst v63  }
0x38: {  	v3 =	vld [tilespmem:$0x10];
	_ =	sdelay $0x4  }
0x39: {  	v49 =	vshll.u32 v3, $0x1  }
0x3a: {  	v3 =	vand.u32 $0x7, v3;
	v4 =	vand.u32 $0xFFFFFFF0, v49  }
0x3b: {  	v3 =	vor.u32 v3, v4  }
0x3c: {  	v4 =	vperm.xlane v3, v0;
	_ =	sdelay $0x1  }
0x3d: {  	v3 =	vperm.xlane v3, v2;
	v4 =	vadd.s32 v1, v4;
	_ =	sdelay $0x1  }
0x3e: {  	v3 =	vadd.s32 v1, v3;
	_ =	sdelay $0x1  }
0x3f: {  	s29 =	simm.s32 $0x1100  }
0x40: {  	[tilespmem:s29], [sflag:$0x1] =	stream.indirect_vreg.gather [hbm4b:s3+s2], $0x80, v4, vm0, $0xb8;
	[tilespmem:$0x10100] =	vst v63  }
0x41: {  	s29 =	simm.s32 $0x1900  }
0x42: {  	[tilespmem:s29], [sflag:$0x1] =	stream.indirect_vreg.gather [hbm4b:s3+s2], $0x80, v3, vm0, $0xb8;
	[tilespmem:$0x10100] =	vst v63  }
0x43: {  	v3 =	vld [tilespmem:$0x20];
	_ =	sdelay $0x4  }
0x44: {  	v50 =	vshll.u32 v3, $0x1  }
0x45: {  	v3 =	vand.u32 $0x7, v3;
	v4 =	vand.u32 $0xFFFFFFF0, v50  }
0x46: {  	v3 =	vor.u32 v3, v4  }
0x47: {  	v4 =	vperm.xlane v3, v0;
	_ =	sdelay $0x1  }
0x48: {  	v3 =	vperm.xlane v3, v2;
	v4 =	vadd.s32 v1, v4;
	_ =	sdelay $0x1  }
0x49: {  	v3 =	vadd.s32 v1, v3;
	_ =	sdelay $0x1  }
0x4a: {  	s29 =	simm.s32 $0x2100  }
0x4b: {  	[tilespmem:s29], [sflag:$0x1] =	stream.indirect_vreg.gather [hbm4b:s3+s2], $0x80, v4, vm0, $0xb8;
	[tilespmem:$0x10100] =	vst v63  }
0x4c: {  	s29 =	simm.s32 $0x2900  }
0x4d: {  	[tilespmem:s29], [sflag:$0x1] =	stream.indirect_vreg.gather [hbm4b:s3+s2], $0x80, v3, vm0, $0xb8;
	[tilespmem:$0x10100] =	vst v63  }
0x4e: {  	v3 =	vld [tilespmem:$0x30];
	_ =	sdelay $0x4  }
0x4f: {  	v51 =	vshll.u32 v3, $0x1  }
0x50: {  	v3 =	vand.u32 $0x7, v3;
	v4 =	vand.u32 $0xFFFFFFF0, v51  }
0x51: {  	v3 =	vor.u32 v3, v4  }
0x52: {  	v4 =	vperm.xlane v3, v0;
	_ =	sdelay $0x1  }
0x53: {  	v3 =	vperm.xlane v3, v2;
	v4 =	vadd.s32 v1, v4;
	_ =	sdelay $0x1  }
0x54: {  	v3 =	vadd.s32 v1, v3;
	_ =	sdelay $0x1  }
0x55: {  	s29 =	simm.s32 $0x3100  }
0x56: {  	[tilespmem:s29], [sflag:$0x1] =	stream.indirect_vreg.gather [hbm4b:s3+s2], $0x80, v4, vm0, $0xb8;
	[tilespmem:$0x10100] =	vst v63  }
0x57: {  	s29 =	simm.s32 $0x3900  }
0x58: {  	[tilespmem:s29], [sflag:$0x1] =	stream.indirect_vreg.gather [hbm4b:s3+s2], $0x80, v3, vm0, $0xb8;
	[tilespmem:$0x10100] =	vst v63  }
0x59: {  	v3 =	vld [tilespmem:$0x40];
	_ =	sdelay $0x4  }
0x5a: {  	v52 =	vshll.u32 v3, $0x1  }
0x5b: {  	v3 =	vand.u32 $0x7, v3;
	v4 =	vand.u32 $0xFFFFFFF0, v52  }
0x5c: {  	v3 =	vor.u32 v3, v4  }
0x5d: {  	v4 =	vperm.xlane v3, v0;
	_ =	sdelay $0x1  }
0x5e: {  	v3 =	vperm.xlane v3, v2;
	v4 =	vadd.s32 v1, v4;
	_ =	sdelay $0x1  }
0x5f: {  	v3 =	vadd.s32 v1, v3;
	_ =	sdelay $0x1  }
0x60: {  	s29 =	simm.s32 $0x4100  }
0x61: {  	[tilespmem:s29], [sflag:$0x1] =	stream.indirect_vreg.gather [hbm4b:s3+s2], $0x80, v4, vm0, $0xb8;
	[tilespmem:$0x10100] =	vst v63  }
0x62: {  	s29 =	simm.s32 $0x4900  }
0x63: {  	[tilespmem:s29], [sflag:$0x1] =	stream.indirect_vreg.gather [hbm4b:s3+s2], $0x80, v3, vm0, $0xb8;
	[tilespmem:$0x10100] =	vst v63  }
0x64: {  	v3 =	vld [tilespmem:$0x50];
	_ =	sdelay $0x4  }
0x65: {  	v53 =	vshll.u32 v3, $0x1  }
0x66: {  	v3 =	vand.u32 $0x7, v3;
	v4 =	vand.u32 $0xFFFFFFF0, v53  }
0x67: {  	v3 =	vor.u32 v3, v4  }
0x68: {  	v4 =	vperm.xlane v3, v0;
	_ =	sdelay $0x1  }
0x69: {  	v3 =	vperm.xlane v3, v2;
	v4 =	vadd.s32 v1, v4;
	_ =	sdelay $0x1  }
0x6a: {  	v3 =	vadd.s32 v1, v3;
	_ =	sdelay $0x1  }
0x6b: {  	s29 =	simm.s32 $0x5100  }
0x6c: {  	[tilespmem:s29], [sflag:$0x1] =	stream.indirect_vreg.gather [hbm4b:s3+s2], $0x80, v4, vm0, $0xb8;
	[tilespmem:$0x10100] =	vst v63  }
0x6d: {  	s29 =	simm.s32 $0x5900  }
0x6e: {  	[tilespmem:s29], [sflag:$0x1] =	stream.indirect_vreg.gather [hbm4b:s3+s2], $0x80, v3, vm0, $0xb8;
	[tilespmem:$0x10100] =	vst v63  }
0x6f: {  	v3 =	vld [tilespmem:$0x60];
	_ =	sdelay $0x4  }
0x70: {  	v54 =	vshll.u32 v3, $0x1  }
0x71: {  	v3 =	vand.u32 $0x7, v3;
	v4 =	vand.u32 $0xFFFFFFF0, v54  }
0x72: {  	v3 =	vor.u32 v3, v4  }
0x73: {  	v4 =	vperm.xlane v3, v0;
	_ =	sdelay $0x1  }
0x74: {  	v3 =	vperm.xlane v3, v2;
	v4 =	vadd.s32 v1, v4;
	_ =	sdelay $0x1  }
0x75: {  	v3 =	vadd.s32 v1, v3;
	_ =	sdelay $0x1  }
0x76: {  	s29 =	simm.s32 $0x6100  }
0x77: {  	[tilespmem:s29], [sflag:$0x1] =	stream.indirect_vreg.gather [hbm4b:s3+s2], $0x80, v4, vm0, $0xb8;
	[tilespmem:$0x10100] =	vst v63  }
0x78: {  	s29 =	simm.s32 $0x6900  }
0x79: {  	[tilespmem:s29], [sflag:$0x1] =	stream.indirect_vreg.gather [hbm4b:s3+s2], $0x80, v3, vm0, $0xb8;
	[tilespmem:$0x10100] =	vst v63  }
0x7a: {  	v3 =	vld [tilespmem:$0x70];
	_ =	sdelay $0x4  }
0x7b: {  	v55 =	vshll.u32 v3, $0x1  }
0x7c: {  	v3 =	vand.u32 $0x7, v3;
	v4 =	vand.u32 $0xFFFFFFF0, v55  }
0x7d: {  	v3 =	vor.u32 v3, v4  }
0x7e: {  	v4 =	vperm.xlane v3, v0;
	_ =	sdelay $0x1  }
0x7f: {  	v3 =	vperm.xlane v3, v2;
	v4 =	vadd.s32 v1, v4;
	_ =	sdelay $0x1  }
0x80: {  	v3 =	vadd.s32 v1, v3;
	_ =	sdelay $0x1  }
0x81: {  	s29 =	simm.s32 $0x7100  }
0x82: {  	[tilespmem:s29], [sflag:$0x1] =	stream.indirect_vreg.gather [hbm4b:s3+s2], $0x80, v4, vm0, $0xb8;
	[tilespmem:$0x10100] =	vst v63  }
0x83: {  	s29 =	simm.s32 $0x7900  }
0x84: {  	[tilespmem:s29], [sflag:$0x1] =	stream.indirect_vreg.gather [hbm4b:s3+s2], $0x80, v3, vm0, $0xb8;
	[tilespmem:$0x10100] =	vst v63  }
0x85: {  	v3 =	vld [tilespmem:$0x80];
	_ =	sdelay $0x4  }
0x86: {  	v56 =	vshll.u32 v3, $0x1  }
0x87: {  	v3 =	vand.u32 $0x7, v3;
	v4 =	vand.u32 $0xFFFFFFF0, v56  }
0x88: {  	v3 =	vor.u32 v3, v4  }
0x89: {  	v4 =	vperm.xlane v3, v0;
	_ =	sdelay $0x1  }
0x8a: {  	v3 =	vperm.xlane v3, v2;
	v4 =	vadd.s32 v1, v4;
	_ =	sdelay $0x1  }
0x8b: {  	v3 =	vadd.s32 v1, v3;
	_ =	sdelay $0x2  }
0x8c: {  	[tilespmem:s30], [sflag:$0x2] =	stream.indirect_vreg.gather [hbm4b:s4+s2], $0x80, v4, vm0, $0xb8;
	[tilespmem:$0x10100] =	vst v63  }
0x8d: {  	s29 =	simm.s32 $0x8900  }
0x8e: {  	[tilespmem:s29], [sflag:$0x2] =	stream.indirect_vreg.gather [hbm4b:s4+s2], $0x80, v3, vm0, $0xb8;
	[tilespmem:$0x10100] =	vst v63  }
0x8f: {  	v3 =	vld [tilespmem:$0x90];
	_ =	sdelay $0x4  }
0x90: {  	v57 =	vshll.u32 v3, $0x1  }
0x91: {  	v3 =	vand.u32 $0x7, v3;
	v4 =	vand.u32 $0xFFFFFFF0, v57  }
0x92: {  	v3 =	vor.u32 v3, v4  }
0x93: {  	v4 =	vperm.xlane v3, v0;
	_ =	sdelay $0x1  }
0x94: {  	v3 =	vperm.xlane v3, v2;
	v4 =	vadd.s32 v1, v4;
	_ =	sdelay $0x1  }
0x95: {  	v3 =	vadd.s32 v1, v3;
	_ =	sdelay $0x2  }
0x96: {  	[tilespmem:s0], [sflag:$0x2] =	stream.indirect_vreg.gather [hbm4b:s4+s2], $0x80, v4, vm0, $0xb8;
	[tilespmem:$0x10100] =	vst v63  }
0x97: {  	_ = 	snop  }
0x98: {  	[tilespmem:s1], [sflag:$0x2] =	stream.indirect_vreg.gather [hbm4b:s4+s2], $0x80, v3, vm0, $0xb8;
	[tilespmem:$0x10100] =	vst v63  }
0x99: {  	v3 =	vld [tilespmem:$0xA0];
	_ =	sdelay $0x4  }
0x9a: {  	v58 =	vshll.u32 v3, $0x1  }
0x9b: {  	v3 =	vand.u32 $0x7, v3;
	v4 =	vand.u32 $0xFFFFFFF0, v58  }
0x9c: {  	v3 =	vor.u32 v3, v4  }
0x9d: {  	v4 =	vperm.xlane v3, v0;
	_ =	sdelay $0x1  }
0x9e: {  	v3 =	vperm.xlane v3, v2;
	v4 =	vadd.s32 v1, v4;
	_ =	sdelay $0x1  }
0x9f: {  	v3 =	vadd.s32 v1, v3;
	_ =	sdelay $0x2  }
0xa0: {  	[tilespmem:s5], [sflag:$0x2] =	stream.indirect_vreg.gather [hbm4b:s4+s2], $0x80, v4, vm0, $0xb8;
	[tilespmem:$0x10100] =	vst v63  }
0xa1: {  	_ = 	snop  }
0xa2: {  	[tilespmem:s7], [sflag:$0x2] =	stream.indirect_vreg.gather [hbm4b:s4+s2], $0x80, v3, vm0, $0xb8;
	[tilespmem:$0x10100] =	vst v63  }
0xa3: {  	v3 =	vld [tilespmem:$0xB0];
	_ =	sdelay $0x4  }
0xa4: {  	v59 =	vshll.u32 v3, $0x1  }
0xa5: {  	v3 =	vand.u32 $0x7, v3;
	v4 =	vand.u32 $0xFFFFFFF0, v59  }
0xa6: {  	v3 =	vor.u32 v3, v4  }
0xa7: {  	v4 =	vperm.xlane v3, v0;
	_ =	sdelay $0x1  }
0xa8: {  	v3 =	vperm.xlane v3, v2;
	v4 =	vadd.s32 v1, v4;
	_ =	sdelay $0x1  }
0xa9: {  	v3 =	vadd.s32 v1, v3;
	_ =	sdelay $0x2  }
0xaa: {  	[tilespmem:s9], [sflag:$0x2] =	stream.indirect_vreg.gather [hbm4b:s4+s2], $0x80, v4, vm0, $0xb8;
	[tilespmem:$0x10100] =	vst v63  }
0xab: {  	_ = 	snop  }
0xac: {  	[tilespmem:s10], [sflag:$0x2] =	stream.indirect_vreg.gather [hbm4b:s4+s2], $0x80, v3, vm0, $0xb8;
	[tilespmem:$0x10100] =	vst v63  }
0xad: {  	v3 =	vld [tilespmem:$0xC0];
	_ =	sdelay $0x4  }
0xae: {  	v60 =	vshll.u32 v3, $0x1  }
0xaf: {  	v3 =	vand.u32 $0x7, v3;
	v4 =	vand.u32 $0xFFFFFFF0, v60  }
0xb0: {  	v3 =	vor.u32 v3, v4  }
0xb1: {  	v4 =	vperm.xlane v3, v0;
	_ =	sdelay $0x1  }
0xb2: {  	v3 =	vperm.xlane v3, v2;
	v4 =	vadd.s32 v1, v4;
	_ =	sdelay $0x1  }
0xb3: {  	v3 =	vadd.s32 v1, v3;
	_ =	sdelay $0x2  }
0xb4: {  	[tilespmem:s12], [sflag:$0x2] =	stream.indirect_vreg.gather [hbm4b:s4+s2], $0x80, v4, vm0, $0xb8;
	[tilespmem:$0x10100] =	vst v63  }
0xb5: {  	_ = 	snop  }
0xb6: {  	[tilespmem:s14], [sflag:$0x2] =	stream.indirect_vreg.gather [hbm4b:s4+s2], $0x80, v3, vm0, $0xb8;
	[tilespmem:$0x10100] =	vst v63  }
0xb7: {  	v3 =	vld [tilespmem:$0xD0];
	_ =	sdelay $0x4  }
0xb8: {  	v61 =	vshll.u32 v3, $0x1  }
0xb9: {  	v3 =	vand.u32 $0x7, v3;
	v4 =	vand.u32 $0xFFFFFFF0, v61  }
0xba: {  	v3 =	vor.u32 v3, v4  }
0xbb: {  	v4 =	vperm.xlane v3, v0;
	_ =	sdelay $0x1  }
0xbc: {  	v3 =	vperm.xlane v3, v2;
	v4 =	vadd.s32 v1, v4;
	_ =	sdelay $0x1  }
0xbd: {  	v3 =	vadd.s32 v1, v3;
	_ =	sdelay $0x2  }
0xbe: {  	[tilespmem:s15], [sflag:$0x2] =	stream.indirect_vreg.gather [hbm4b:s4+s2], $0x80, v4, vm0, $0xb8;
	[tilespmem:$0x10100] =	vst v63  }
0xbf: {  	_ = 	snop  }
0xc0: {  	[tilespmem:s16], [sflag:$0x2] =	stream.indirect_vreg.gather [hbm4b:s4+s2], $0x80, v3, vm0, $0xb8;
	[tilespmem:$0x10100] =	vst v63  }
0xc1: {  	v3 =	vld [tilespmem:$0xE0];
	_ =	sdelay $0x4  }
0xc2: {  	v62 =	vshll.u32 v3, $0x1  }
0xc3: {  	v3 =	vand.u32 $0x7, v3;
	v4 =	vand.u32 $0xFFFFFFF0, v62  }
0xc4: {  	v3 =	vor.u32 v3, v4  }
0xc5: {  	v4 =	vperm.xlane v3, v0;
	_ =	sdelay $0x1  }
0xc6: {  	v3 =	vperm.xlane v3, v2;
	v4 =	vadd.s32 v1, v4;
	_ =	sdelay $0x1  }
0xc7: {  	v3 =	vadd.s32 v1, v3;
	_ =	sdelay $0x2  }
0xc8: {  	[tilespmem:s17], [sflag:$0x2] =	stream.indirect_vreg.gather [hbm4b:s4+s2], $0x80, v4, vm0, $0xb8;
	[tilespmem:$0x10100] =	vst v63  }
0xc9: {  	_ = 	snop  }
0xca: {  	[tilespmem:s18], [sflag:$0x2] =	stream.indirect_vreg.gather [hbm4b:s4+s2], $0x80, v3, vm0, $0xb8;
	[tilespmem:$0x10100] =	vst v63  }
0xcb: {  	v3 =	vld [tilespmem:$0xF0];
	_ =	sdelay $0x4  }
0xcc: {  	v63 =	vshll.u32 v3, $0x1  }
0xcd: {  	v3 =	vand.u32 $0x7, v3;
	v4 =	vand.u32 $0xFFFFFFF0, v63  }
0xce: {  	v3 =	vor.u32 v3, v4  }
0xcf: {  	v4 =	vperm.xlane v3, v0;
	_ =	sdelay $0x1  }
0xd0: {  	v3 =	vperm.xlane v3, v2;
	v4 =	vadd.s32 v1, v4;
	_ =	sdelay $0x1  }
0xd1: {  	v3 =	vadd.s32 v1, v3;
	_ =	sdelay $0x2  }
0xd2: {  	[tilespmem:s19], [sflag:$0x2] =	stream.indirect_vreg.gather [hbm4b:s4+s2], $0x80, v4, vm0, $0xb8;
	[tilespmem:$0x10100] =	vst v63  }
0xd3: {  	_ = 	snop  }
0xd4: {  	[tilespmem:s20], [sflag:$0x2] =	stream.indirect_vreg.gather [hbm4b:s4+s2], $0x80, v3, vm0, $0xb8;
	[tilespmem:$0x10100] =	vst v63  }
0xd5: {  	_ =	swait.ge [sflag:s21], $0x8000  }
0xd6: {  	[sflag:s21] =	ssyncset.done $0x0  }
0xd7: {  	[sflag:s21] =	ssyncadd.s32 $0xFFFF8000  }
0xd8: {  	_ =	swait.ge [sflag:s22], $0x8000  }
0xd9: {  	[sflag:s22] =	ssyncset.done $0x0  }
0xda: {  	[sflag:s22] =	ssyncadd.s32 $0xFFFF8000  }
0xdb: {  	[hbm4b:s25+s2] =	stream.linear.scatter [tilespmem:s13], [sflag:$0x4], $0x8000, $0x38;
	[tilespmem:$0x10100] =	vst v63  }
0xdc: {  	_ =	swait.ge [sflag:s11], $0x8000  }
0xdd: {  	[sflag:s11] =	ssyncset.done $0x0  }
.Ltmp5:
0xde: {  	[sflag:s11] =	ssyncadd.s32 $0xFFFF8000;
	(pc) =	sbr.rel .LBB2_4-.Ltmp5, $4  }
0xdf: {  	[hbm4b:s26+s2] =	stream.linear.scatter [tilespmem:s30], [sflag:$0x3], $0x8000, $0x38;
	[tilespmem:$0x10100] =	vst v63  }
0xe0: {  	_ =	swait.ge [sflag:s23], $0x8000  }
0xe1: {  	[sflag:s23] =	ssyncset.done $0x0  }
0xe2: {  	[sflag:s23] =	ssyncadd.s32 $0xFFFF8000  }
.LBB2_6:
0xe3: {  	_ =	sfence.sel $0x180000  }
0xe4: {  	[bflag:$0x0] =	sbarrier.arrive $0xFFFF  }
0xe5: {  	_ =	strace $0x9000004A  }
0xe6: {  	s0 =	stileid.u32;
	[bflag:$0x2] =	sbarrier.arrive $0xFFFF  }
0xe7: {  	p0 =	sne.s32 s0, $0x0;
	s0 =	rddreg [dreg:$0x1]  }
0xe8: {  	s0 =	sadd.s32 @!p0 $0x100000, s0  }
0xe9: {  	[sflag:s0] =	ssyncadd.tile.s32 @!p0 $0x1;
	_ =	shalt  }
.Lfunc_end2:
_tile_overlayer_lowered:
.L_overlay_start_2:
0xea: {  	(tag) =	ssettag $0x2  }
0xeb: {  	s0 =	rddreg [dreg:$0x0];
	s2 =	stileid.u32  }
0xec: {  	s1 =	rddreg [dreg:$0x1];
	p0 =	sne.s32 s2, $0x0  }
0xed: {  	s3 =	rddreg [dreg:$0x2];
	[bflag:$0x3] =	sbarrier.arrive $0xFFFF;
	s2 =	simm.s32 @!p0 $0x1C03  }
0xee: {  	[timem:s3], [sflag:s2] =	dma.local @!p0 [hbm:s0], s1  }
0xef: {  	s0 =	simm.s32 @!p0 $0x3  }
0xf0: {  	_ =	swait.ge @!p0 [sflag:s0], s1  }
0xf1: {  	s1 =	ssub.s32 @!p0 $0x0, s1;
	[sflag:s0] =	ssyncset.done @!p0 $0x0  }
0xf2: {  	[sflag:s0] =	ssyncadd.s32 @!p0 s1  }
0xf3: {  	[bflag:$0x3] =	sbarrier.arrive $0xFFFF  }
0xf4: {  	_ =	shalt  }

// kernel: kernel.36.cloned.1.call-start
scs
__scs_entry_jumppad:
0x0: {  	(pc) =	sbr.rel $0x88, $3  }
0x1: {  	(tag) =	ssettag $0x0;
	lr =	simm.s32 $0x1  }
0x2: {  	[smem:$0x3F90] =	sst lr;
	_ =	strace $0xD0000000  }
0x3: {  	_ = 	snop  }
0x4: {  	_ = 	snop  }
0x5: {  	_ = 	snop  }
0x6: {  	_ = 	snop  }
0x7: {  	_ = 	snop  }
__scs_overlays_trampoline_lowered:
0x8: {  	[smem:$0x3F9F] =	sst s0  }
0x9: {  	[smem:$0x3FA0] =	sst s1  }
0xa: {  	[smem:$0x3FA1] =	sst s2  }
0xb: {  	[smem:$0x3FA2] =	sst s3  }
0xc: {  	[smem:$0x3FA3] =	sst s4  }
0xd: {  	[smem:$0x3FA4] =	sst s5  }
0xe: {  	[smem:$0x3FA5] =	sst s6  }
0xf: {  	[smem:$0x3FA6] =	sst s7  }
0x10: {  	[smem:$0x3FA7] =	sst s8  }
0x11: {  	[smem:$0x3FA8] =	sst s9;
	s0 =	simm.s32 @!p0 $0x0  }
0x12: {  	s1 =	sld [smem:$0x3F8E];
	s0 =	simm.s32 @p0 $0x1  }
0x13: {  	[smem:$0x3FA9] =	sst s0;
	s0 =	simm.s32 @!p1 $0x0  }
0x14: {  	s2 =	sld [smem:$0x3F8D];
	s0 =	simm.s32 @p1 $0x1  }
0x15: {  	[smem:$0x3FAA] =	sst s0;
	s0 =	simm.s32 @!p2 $0x0  }
0x16: {  	s3 =	sld [smem:$0x3FDB];
	s0 =	simm.s32 @p2 $0x1  }
0x17: {  	s4 =	simm.s32 $0x1BF5;
	[smem:$0x3FAC] =	sst s0  }
0x18: {  	s0 =	sld [smem:$0x3F8F];
	_ =	swait.ge [sflag:s4], $0x0  }
0x19: {  	s7 =	sld [smem:$0x3F90]  }
0x1a: {  	s8 =	sadd.s32 $0xFFFFE003, lr  }
0x1b: {  	s9 =	sadd.s32 $0xFFFFFEF7, lr;
	s5 =	simm.s32 $0xFFFFFFFF;
	p2 =	slt.u32 s8, $0xFFFFF086  }
0x1c: {  	p1 =	slt.u32 s9, $0xF7A;
	s5 =	simm.s32 @!p2 $0x0  }
0x1d: {  	s5 =	simm.s32 @p1 $0x1;
	p0 =	seq.s32 s7, s2  }
0x1e: {  	s7 =	smul.u32 @!p0 $0xF7A, s2;
	p2 =	seq.s32 @!p0 s5, $0x0  }
0x1f: {  	s9 =	smul.u32 $0xF7A, s1;
	s8 =	simm.s32 @!p0 $0x1BF5;
	p2 =	por !p2, p0  }
0x20: {  	[sflag:s8] =	ssyncset.s32 @!p0 $0xFFFFF086;
	s6 =	sadd.s32 @!p0 s3, s7;
	s7 =	simm.s32 @!p0 $0x108  }
0x21: {  	s3 =	sadd.s32 s3, s9;
	s6 =	sadd.s32 @!p0 $0x88, s6;
	s7 =	simm.s32 @p2 $0x1082  }
0x22: {  	[simem:s7], [sflag:s8] =	dma.local @!p0 [hbm:s6], $0xF7A  }
0x23: {  	s9 =	sor.u32 $0xD0000000, s2;
	s6 =	simm.s32 $0x108;
	_ =	swait.ge @!p0 [sflag:s8], $0x0  }
0x24: {  	s3 =	sadd.s32 $0x88, s3;
	s6 =	simm.s32 @!p1 $0x1082;
	[sflag:s4] =	ssyncset.s32 $0xFFFFF086  }
0x25: {  	[simem:s6], [sflag:s4] =	dma.local [hbm:s3], $0xF7A  }
0x26: {  	[smem:$0x3F90] =	sst s1;
	(tag) =	ssettag s2;
	_ =	strace s9  }
0x27: {  	s1 =	sld [smem:$0x3FA0]  }
0x28: {  	s2 =	sld [smem:$0x3FA1]  }
0x29: {  	s4 =	sld [smem:$0x3FA3]  }
0x2a: {  	p0 =	seq.s32 s5, $0x0;
	s5 =	sld [smem:$0x3FA4]  }
0x2b: {  	s6 =	sld [smem:$0x3FA5]  }
0x2c: {  	s7 =	sld [smem:$0x3FA6]  }
0x2d: {  	s3 =	simm.s32 $0x108;
	s8 =	sld [smem:$0x3FA7]  }
0x2e: {  	s3 =	simm.s32 @!p0 $0x1082;
	s9 =	sld [smem:$0x3FA8]  }
0x2f: {  	lr =	sadd.s32 s0, s3;
	s0 =	sld [smem:$0x3F9F]  }
0x30: {  	s3 =	sld [smem:$0x3FA2]  }
0x31: {  	[smem:$0x3FAB] =	sst s10  }
0x32: {  	s10 =	sld [smem:$0x3FA9];
	_ =	sdelay $0x3  }
0x33: {  	p0 =	seq.s32 s10, $0x1;
	s10 =	sld [smem:$0x3FAB];
	_ =	sdelay $0x3  }
0x34: {  	[smem:$0x3FAB] =	sst s10  }
0x35: {  	s10 =	sld [smem:$0x3FAA];
	_ =	sdelay $0x3  }
0x36: {  	p1 =	seq.s32 s10, $0x1;
	s10 =	sld [smem:$0x3FAB];
	_ =	sdelay $0x3  }
0x37: {  	[smem:$0x3FAB] =	sst s10  }
0x38: {  	s10 =	sld [smem:$0x3FAC]  }
0x39: {  	_ = 	snop;
	(pc) =	sbr.ind lr, $3  }
0x3a: {  	_ = 	snop  }
0x3b: {  	_ = 	snop  }
0x3c: {  	p2 =	seq.s32 s10, $0x1;
	s10 =	sld [smem:$0x3FAB]  }
0x3d: {  	_ =	shalt  }
0x3e: {  	_ =	shalt  }
0x3f: {  	_ =	shalt  }
0x40: {  	_ =	shalt  }
0x41: {  	_ =	shalt  }
0x42: {  	_ =	shalt  }
0x43: {  	_ =	shalt  }
0x44: {  	_ =	shalt  }
0x45: {  	_ =	shalt  }
0x46: {  	_ =	shalt  }
0x47: {  	_ =	shalt  }
0x48: {  	_ =	shalt  }
0x49: {  	_ =	shalt  }
0x4a: {  	_ =	shalt  }
0x4b: {  	_ =	shalt  }
0x4c: {  	_ =	shalt  }
0x4d: {  	_ =	shalt  }
0x4e: {  	_ =	shalt  }
0x4f: {  	_ =	shalt  }
0x50: {  	_ =	shalt  }
0x51: {  	_ =	shalt  }
0x52: {  	_ =	shalt  }
0x53: {  	_ =	shalt  }
0x54: {  	_ =	shalt  }
0x55: {  	_ =	shalt  }
0x56: {  	_ =	shalt  }
0x57: {  	_ =	shalt  }
0x58: {  	_ =	shalt  }
0x59: {  	_ =	shalt  }
0x5a: {  	_ =	shalt  }
0x5b: {  	_ =	shalt  }
0x5c: {  	_ =	shalt  }
0x5d: {  	_ =	shalt  }
0x5e: {  	_ =	shalt  }
0x5f: {  	_ =	shalt  }
0x60: {  	_ =	shalt  }
0x61: {  	_ =	shalt  }
0x62: {  	_ =	shalt  }
0x63: {  	_ =	shalt  }
0x64: {  	_ =	shalt  }
0x65: {  	_ =	shalt  }
0x66: {  	_ =	shalt  }
0x67: {  	_ =	shalt  }
0x68: {  	_ =	shalt  }
0x69: {  	_ =	shalt  }
0x6a: {  	_ =	shalt  }
0x6b: {  	_ =	shalt  }
0x6c: {  	_ =	shalt  }
0x6d: {  	_ =	shalt  }
0x6e: {  	_ =	shalt  }
0x6f: {  	_ =	shalt  }
0x70: {  	_ =	shalt  }
0x71: {  	_ =	shalt  }
0x72: {  	_ =	shalt  }
0x73: {  	_ =	shalt  }
0x74: {  	_ =	shalt  }
0x75: {  	_ =	shalt  }
0x76: {  	_ =	shalt  }
0x77: {  	_ =	shalt  }
0x78: {  	_ =	shalt  }
0x79: {  	_ =	shalt  }
0x7a: {  	_ =	shalt  }
0x7b: {  	_ =	shalt  }
0x7c: {  	_ =	shalt  }
0x7d: {  	_ =	shalt  }
0x7e: {  	_ =	shalt  }
0x7f: {  	_ =	shalt  }
0x80: {  	_ =	shalt  }
0x81: {  	_ =	shalt  }
0x82: {  	_ =	shalt  }
0x83: {  	_ =	shalt  }
0x84: {  	_ =	shalt  }
0x85: {  	_ =	shalt  }
0x86: {  	_ =	shalt  }
0x87: {  	_ =	shalt  }
.Lfunc_end0:
.L_simem_size_0:
called_computation.2_lowered:
.L_overlay_start_0:
0x88: {  	s2 =	sld [smem:$0x3FD9]  }
0x89: {  	s3 =	sld [smem:$0x3FFE];
	_ =	sdelay $0x1  }
0x8a: {  	s1 =	srdreg.scid  }
0x8b: {  	s0 =	sand.u32 $0x1, s1  }
0x8c: {  	s16 =	sshll.u32 s0, $0xA;
	s2 =	sadd.s32 s3, s2  }
0x8d: {  	s2 =	sadd.s32 s2, s16  }
0x8e: {  	[smem:$0x3FB7] =	sst s2  }
0x8f: {  	_ = 	snop  }
0x90: {  	(tm) =	ssettm $0x1  }
0x91: {  	s17 =	sld [smem:$0x3FFB];
	_ =	sdelay $0x3  }
0x92: {  	_ =	strace s17  }
0x93: {  	s2 =	sld [smem:$0x3FFC];
	_ =	sdelay $0x3  }
0x94: {  	_ =	strace s2  }
0x95: {  	s2 =	sld [smem:$0x3FFD];
	_ =	sdelay $0x3  }
0x96: {  	_ =	strace s2  }
0x97: {  	_ =	strace $0x8FFFFFFF  }
0x98: {  	s18 =	sld [smem:$0x3FDB];
	_ =	sdelay $0x1  }
0x99: {  	s19 =	simm.s32 $_scs_section_size  }
0x9a: {  	s4 =	simm.s32 $_size__tile_overlayer_lowered;
	s5 =	simm.s32 $_tile_overlayer_lowered  }
0x9b: {  	s22 =	simm.s32 $0x1BFF;
	s21 =	sshll.u32 s5, $0x1;
	s2 =	sadd.s32 s19, s18  }
0x9c: {  	s6 =	simm.s32 $0x0;
	s20 =	sshll.u32 s4, $0x1;
	s4 =	sadd.s32 s21, s2  }
0x9d: {  	[timem:s6], [sflag:s22] =	dma.local [hbm:s4], s20  }
0x9e: {  	_ =	swait.ge [sflag:s22], s20  }
0x9f: {  	s3 =	ssub.s32 $0x0, s20;
	[sflag:s22] =	ssyncset.done $0x0  }
0xa0: {  	[sflag:s22] =	ssyncadd.s32 s3;
	_ =	sdelay $0x1  }
0xa1: {  	s23 =	simm.s32 $0x1B8B  }
0xa2: {  	_ =	swait.ge [sflag:s23], $0x1  }
0xa3: {  	[sflag:s23] =	ssyncset.done $0x0  }
0xa4: {  	s25 =	simm.s32 $0x1B8E;
	s24 =	sld [smem:$0x3FFE];
	[sflag:s23] =	ssyncadd.s32 $0xFFFFFFFF  }
0xa5: {  	s26 =	simm.s32 $execute0_lowered;
	[smem:$0x3FD2] =	sst s25  }
0xa6: {  	s4 =	sshll.u32 s26, $0x1;
	_ =	strace $0x8000004C;
	[dreg:$0x1] =	wrdreg $0xFFFFFFFF  }
0xa7: {  	s28 =	simm.s32 $_size_execute0_lowered;
	s2 =	sadd.s32 s2, s4;
	[dreg:$0x0] =	wrdreg $0x0  }
0xa8: {  	s4 =	sshll.u32 s28, $0x1;
	[dreg:$0x2] =	wrdreg s2  }
0xa9: {  	[dreg:$0x3] =	wrdreg s4  }
0xaa: {  	[dreg:$0x4] =	wrdreg $0xC0  }
0xab: {  	_ =	task [dreg:s6], $0x5FFFF  }
0xac: {  	[dreg:$0x1] =	wrdreg $0xFFFFFFFF  }
0xad: {  	[dreg:$0x0] =	wrdreg $0x60  }
0xae: {  	[dreg:$0x2] =	wrdreg s24  }
0xaf: {  	[dreg:$0x3] =	wrdreg $0x8800  }
0xb0: {  	[dreg:$0x4] =	wrdreg $0x9  }
0xb1: {  	_ =	task.clear_ibuf [dreg:s6], $0x5FFFF;
	_ =	strace $0x9000004C  }
0xb2: {  	s29 =	simm.s32 $0x9;
	_ =	strace $0x8000004E  }
0xb3: {  	_ =	swait.ge [sflag:s29], $0x1  }
0xb4: {  	[sflag:s29] =	ssyncadd.s32 $0xFFFFFFFF  }
0xb5: {  	_ =	strace $0x9000004E  }
0xb6: {  	_ =	sfence  }
0xb7: {  	s30 =	sld [smem:$0x0];
	_ =	sdelay $0x2  }
0xb8: {  	s31 =	sshll.u32 s1, $0xD;
	s1 =	sshrl.u32 s1, $0x2  }
0xb9: {  	s3 =	sand.u32 $0x4000, s31;
	s1 =	sadd.s32 s1, s30  }
0xba: {  	s0 =	sor.u32 s3, s0;
	s1 =	sshll.u32 s1, $0x11  }
0xbb: {  	s0 =	sor.u32 s1, s0  }
0xbc: {  	s0 =	sadd.s32 $0x8F2B, s0  }
0xbd: {  	[sflag:s0] =	ssyncadd.remote.s32 $0x1  }
0xbe: {  	_ =	sfence.sel $0xFFFF  }
0xbf: {  	[dreg:$0x0] =	wrdreg $0xFFFFFFFF;
	(pc) =	sbr.abs _section_cstart, $3  }
0xc0: {  	[dreg:$0x1] =	wrdreg $0xFFFFFFFF  }
0xc1: {  	_ =	task.clear_ibuf [dreg:s6], $0x2FFFF;
	_ =	strace $0x9FFFFFFF  }
0xc2: {  	(tm) =	ssettm $0x7FFFFFFF  }
0xc3: {  	_ =	shalt  }
tec
execute0_lowered:
.L_overlay_start_1:
0x0: {  	(tag) =	ssettag $0x1  }
0x1: {  	s4 =	rddreg [dreg:$0x0]  }
0x2: {  	s1 =	rddreg [dreg:$0x1]  }
0x3: {  	s0 =	rddreg [dreg:$0x2]  }
0x4: {  	s2 =	simm.s32 $0x0;
	s7 =	stileid.u32;
	s3 =	srdreg.scid  }
0x5: {  	[smem:$0x7FF] =	sst s2;
	s5 =	sshll.u32 s7, $0x9;
	s8 =	sand.u32 $0x1, s3  }
0x6: {  	s3 =	sadd.s32 $0x288600, s4;
	s6 =	sshll.u32 s7, $0x5;
	p0 =	sne.s32 s7, $0x0  }
0x7: {  	_ =	strace $0x8000004D;
	s9 =	sadd.s32 s5, s4;
	s28 =	smul.u32 $0x5000, s8  }
0x8: {  	s10 =	ssub.s32 $0x2, s8;
	s11 =	sadd.s32 s6, s4;
	s31 =	sshll.u32 s8, $0x8  }
0x9: {  	s8 =	sshll.u32 s8, $0x4;
	s29 =	sshrl.u32 s10, $0x1;
	s9 =	sadd.s32 s31, s9  }
0xa: {  	s8 =	sadd.s32 s8, s11;
	s5 =	sadd.s32 s28, s4;
	s30 =	ssub.s32 s10, s29  }
0xb: {  	s4 =	sshll.u32 s7, $0x1;
	s7 =	sadd.s32 $0x391800, s9;
	s8 =	sadd.s32 $0x283600, s8  }
0xc: {  	s9 =	sshrl.u32 @!p0 s1, $0x3;
	s5 =	sadd.s32 $0x28D600, s5;
	s6 =	smax.u32 s30, $0x1  }
.LBB2_1:
0xd: {  	s10 =	simm.s32 @!p0 $0x1C01  }
0xe: {  	[spmem:s9], [sflag:s10] =	dma.local @!p0 [hbm:s3], $0x5000  }
0xf: {  	s10 =	simm.s32 @!p0 $0x1  }
0x10: {  	_ =	swait.ge @!p0 [sflag:s10], $0x5000  }
0x11: {  	s11 =	sadd.s32 $0x0, s4;
	[sflag:s10] =	ssyncset.done @!p0 $0x0  }
0x12: {  	p1 =	sgt.u32 s11, $0x4E1;
	[sflag:s10] =	ssyncadd.s32 @!p0 $0xFFFFB000  }
0x13: {  	s12 =	simm.s32 @!p1 $0x2;
	s10 =	simm.s32 @!p1 $0x0;
	[bflag:$0x0] =	sbarrier.arrive $0xFFFF  }
0x14: {  	[tilespmem:s10], [sflag:$0x2] =	stream.linear.gather @!p1 [hbm4b:s8+s10], $0x80, $0x38;
	[tilespmem:$0x3080] =	vst v63  }
0x15: {  	_ =	swait.ge @!p1 [sflag:s12], $0x80  }
0x16: {  	[sflag:s12] =	ssyncset.done @!p1 $0x0;
	p1 =	por p1, p1  }
0x17: {  	[sflag:s12] =	ssyncadd.s32 @!p1 $0xFFFFFF80;
	s14 =	simm.s32 @!p1 $0x80  }
0x18: {  	[tilespmem:s14], [sflag:$0x2] =	stream.linear.gather @!p1 [hbm4b:s7+s10], $0x800, $0x38;
	[tilespmem:$0x3080] =	vst v63  }
0x19: {  	_ =	swait.ge @!p1 [sflag:s12], $0x800  }
0x1a: {  	[sflag:s12] =	ssyncset.done @!p1 $0x0  }
0x1b: {  	s31 =	sadd.s32 $0x20, s4;
	s13 =	simm.s32 @!p1 $0x1;
	[sflag:s12] =	ssyncadd.s32 @!p1 $0xFFFFF800  }
0x1c: {  	[spmem:s1] =	stream.indirect.scatter.add.f32 @!p1 [tilespmem:s14], [sflag:$0x1], $0x10, s10, s14, $0xb8;
	[tilespmem:$0x3080] =	vst v63  }
0x1d: {  	s11 =	simm.s32 $0x40;
	p2 =	sgt.u32 s31, $0x4E1;
	_ =	swait.ge @!p1 [sflag:s13], $0x800  }
0x1e: {  	s12 =	sadd.s32 $0x200, s8;
	s10 =	sadd.s32 $0x2000, s7;
	[sflag:s13] =	ssyncset.done @!p1 $0x0  }
.LBB2_2:
0x1f: {  	s14 =	simm.s32 @!p2 $0x0;
	s15 =	simm.s32 @!p2 $0x2;
	[sflag:s13] =	ssyncadd.s32 @!p1 $0xFFFFF800  }
0x20: {  	[tilespmem:s14], [sflag:$0x2] =	stream.linear.gather @!p2 [hbm4b:s12+s14], $0x80, $0x38;
	[tilespmem:$0x3080] =	vst v63  }
0x21: {  	s16 =	smov.u32 s11;
	s11 =	sadd.s32 $0x20, s11;
	_ =	swait.ge @!p2 [sflag:s15], $0x80  }
0x22: {  	p1 =	por p2, p2;
	p3 =	sne.s32 s11, $0x500;
	[sflag:s15] =	ssyncset.done @!p2 $0x0  }
0x23: {  	s17 =	simm.s32 @!p1 $0x80;
	[sflag:s15] =	ssyncadd.s32 @!p1 $0xFFFFFF80  }
0x24: {  	[tilespmem:s17], [sflag:$0x2] =	stream.linear.gather @!p1 [hbm4b:s10+s14], $0x800, $0x38;
	[tilespmem:$0x3080] =	vst v63  }
0x25: {  	_ =	swait.ge @!p1 [sflag:s15], $0x800  }
.Ltmp0:
0x26: {  	[sflag:s15] =	ssyncset.done @!p1 $0x0;
	(pc) =	sbr.rel @p3 .LBB2_2-.Ltmp0, $4  }
0x27: {  	s13 =	simm.s32 @!p1 $0x1;
	[sflag:s15] =	ssyncadd.s32 @!p1 $0xFFFFF800  }
0x28: {  	[spmem:s1] =	stream.indirect.scatter.add.f32 @!p1 [tilespmem:s17], [sflag:$0x1], $0x10, s14, s17, $0xb8;
	[tilespmem:$0x3080] =	vst v63  }
0x29: {  	s12 =	sadd.s32 $0x200, s12;
	s14 =	sadd.s32 s16, s4;
	_ =	swait.ge @!p1 [sflag:s13], $0x800  }
0x2a: {  	s10 =	sadd.s32 $0x2000, s10;
	p2 =	sgt.u32 s14, $0x4E1;
	[sflag:s13] =	ssyncset.done @!p1 $0x0  }
0x2b: {  	s11 =	simm.s32 @!p2 $0x0;
	s14 =	simm.s32 @!p2 $0x2;
	[sflag:s13] =	ssyncadd.s32 @!p1 $0xFFFFF800  }
0x2c: {  	[tilespmem:s11], [sflag:$0x2] =	stream.linear.gather @!p2 [hbm4b:s12+s11], $0x80, $0x38;
	[tilespmem:$0x3080] =	vst v63  }
0x2d: {  	_ =	swait.ge @!p2 [sflag:s14], $0x80  }
0x2e: {  	p1 =	por p2, p2;
	[sflag:s14] =	ssyncset.done @!p2 $0x0  }
0x2f: {  	s12 =	simm.s32 @!p1 $0x80;
	[sflag:s14] =	ssyncadd.s32 @!p1 $0xFFFFFF80  }
0x30: {  	[tilespmem:s12], [sflag:$0x2] =	stream.linear.gather @!p1 [hbm4b:s10+s11], $0x800, $0x38;
	[tilespmem:$0x3080] =	vst v63  }
0x31: {  	_ =	swait.ge @!p1 [sflag:s14], $0x800  }
0x32: {  	[sflag:s14] =	ssyncset.done @!p1 $0x0  }
0x33: {  	s10 =	simm.s32 @!p1 $0x1;
	[sflag:s14] =	ssyncadd.s32 @!p1 $0xFFFFF800  }
0x34: {  	[spmem:s1] =	stream.indirect.scatter.add.f32 @!p1 [tilespmem:s12], [sflag:$0x1], $0x10, s11, s12, $0xb8;
	[tilespmem:$0x3080] =	vst v63  }
0x35: {  	_ =	swait.ge @!p1 [sflag:s10], $0x800  }
0x36: {  	[sflag:s10] =	ssyncset.done @!p1 $0x0  }
0x37: {  	s2 =	sadd.s32 $0x1, s2;
	[sflag:s10] =	ssyncadd.s32 @!p1 $0xFFFFF800  }
0x38: {  	s10 =	simm.s32 @!p0 $0x1C01;
	p1 =	sne.s32 s2, s6;
	[bflag:$0x0] =	sbarrier.arrive $0xFFFF  }
0x39: {  	[hbm:s5], [sflag:s10] =	dma.local @!p0 [spmem:s9], $0x5000  }
.Ltmp1:
0x3a: {  	_ = 	snop;
	(pc) =	sbr.rel @p1 .LBB2_1-.Ltmp1, $4  }
0x3b: {  	s10 =	simm.s32 @!p0 $0x1  }
0x3c: {  	_ =	swait.ge @!p0 [sflag:s10], $0x5000  }
0x3d: {  	[sflag:s10] =	ssyncset.done @!p0 $0x0  }
0x3e: {  	[sflag:s10] =	ssyncadd.s32 @!p0 $0xFFFFB000  }
0x3f: {  	_ =	sfence.sel $0x180000  }
0x40: {  	[bflag:$0x0] =	sbarrier.arrive $0xFFFF  }
0x41: {  	_ =	strace $0x9000004D  }
0x42: {  	s0 =	sadd.s32 @!p0 $0x100000, s0;
	[bflag:$0x2] =	sbarrier.arrive $0xFFFF  }
0x43: {  	[sflag:s0] =	ssyncadd.tile.s32 @!p0 $0x1;
	_ =	shalt  }
.Lfunc_end2:
_tile_overlayer_lowered:
.L_overlay_start_2:
0x44: {  	(tag) =	ssettag $0x2  }
0x45: {  	s0 =	rddreg [dreg:$0x0];
	s2 =	stileid.u32  }
0x46: {  	s1 =	rddreg [dreg:$0x1];
	p0 =	sne.s32 s2, $0x0  }
0x47: {  	s3 =	rddreg [dreg:$0x2];
	[bflag:$0x3] =	sbarrier.arrive $0xFFFF;
	s2 =	simm.s32 @!p0 $0x1C01  }
0x48: {  	[timem:s3], [sflag:s2] =	dma.local @!p0 [hbm:s0], s1  }
0x49: {  	s0 =	simm.s32 @!p0 $0x1  }
0x4a: {  	_ =	swait.ge @!p0 [sflag:s0], s1  }
0x4b: {  	s1 =	ssub.s32 @!p0 $0x0, s1;
	[sflag:s0] =	ssyncset.done @!p0 $0x0  }
0x4c: {  	[sflag:s0] =	ssyncadd.s32 @!p0 s1  }
0x4d: {  	[bflag:$0x3] =	sbarrier.arrive $0xFFFF  }
0x4e: {  	_ =	shalt  }

// kernel: kernel.39.cloned.1.call-start
scs
__scs_entry_jumppad:
0x0: {  	(pc) =	sbr.rel $0x88, $3  }
0x1: {  	(tag) =	ssettag $0x0;
	lr =	simm.s32 $0x1  }
0x2: {  	[smem:$0x3F90] =	sst lr;
	_ =	strace $0xD0000000  }
0x3: {  	_ = 	snop  }
0x4: {  	_ = 	snop  }
0x5: {  	_ = 	snop  }
0x6: {  	_ = 	snop  }
0x7: {  	_ = 	snop  }
__scs_overlays_trampoline_lowered:
0x8: {  	[smem:$0x3F9F] =	sst s0  }
0x9: {  	[smem:$0x3FA0] =	sst s1  }
0xa: {  	[smem:$0x3FA1] =	sst s2  }
0xb: {  	[smem:$0x3FA2] =	sst s3  }
0xc: {  	[smem:$0x3FA3] =	sst s4  }
0xd: {  	[smem:$0x3FA4] =	sst s5  }
0xe: {  	[smem:$0x3FA5] =	sst s6  }
0xf: {  	[smem:$0x3FA6] =	sst s7  }
0x10: {  	[smem:$0x3FA7] =	sst s8  }
0x11: {  	[smem:$0x3FA8] =	sst s9;
	s0 =	simm.s32 @!p0 $0x0  }
0x12: {  	s1 =	sld [smem:$0x3F8E];
	s0 =	simm.s32 @p0 $0x1  }
0x13: {  	[smem:$0x3FA9] =	sst s0;
	s0 =	simm.s32 @!p1 $0x0  }
0x14: {  	s2 =	sld [smem:$0x3F8D];
	s0 =	simm.s32 @p1 $0x1  }
0x15: {  	[smem:$0x3FAA] =	sst s0;
	s0 =	simm.s32 @!p2 $0x0  }
0x16: {  	s3 =	sld [smem:$0x3FDB];
	s0 =	simm.s32 @p2 $0x1  }
0x17: {  	s4 =	simm.s32 $0x1BF5;
	[smem:$0x3FAC] =	sst s0  }
0x18: {  	s0 =	sld [smem:$0x3F8F];
	_ =	swait.ge [sflag:s4], $0x0  }
0x19: {  	s7 =	sld [smem:$0x3F90]  }
0x1a: {  	s8 =	sadd.s32 $0xFFFFE003, lr  }
0x1b: {  	s9 =	sadd.s32 $0xFFFFFEF7, lr;
	s5 =	simm.s32 $0xFFFFFFFF;
	p2 =	slt.u32 s8, $0xFFFFF086  }
0x1c: {  	p1 =	slt.u32 s9, $0xF7A;
	s5 =	simm.s32 @!p2 $0x0  }
0x1d: {  	s5 =	simm.s32 @p1 $0x1;
	p0 =	seq.s32 s7, s2  }
0x1e: {  	s7 =	smul.u32 @!p0 $0xF7A, s2;
	p2 =	seq.s32 @!p0 s5, $0x0  }
0x1f: {  	s9 =	smul.u32 $0xF7A, s1;
	s8 =	simm.s32 @!p0 $0x1BF5;
	p2 =	por !p2, p0  }
0x20: {  	[sflag:s8] =	ssyncset.s32 @!p0 $0xFFFFF086;
	s6 =	sadd.s32 @!p0 s3, s7;
	s7 =	simm.s32 @!p0 $0x108  }
0x21: {  	s3 =	sadd.s32 s3, s9;
	s6 =	sadd.s32 @!p0 $0x88, s6;
	s7 =	simm.s32 @p2 $0x1082  }
0x22: {  	[simem:s7], [sflag:s8] =	dma.local @!p0 [hbm:s6], $0xF7A  }
0x23: {  	s9 =	sor.u32 $0xD0000000, s2;
	s6 =	simm.s32 $0x108;
	_ =	swait.ge @!p0 [sflag:s8], $0x0  }
0x24: {  	s3 =	sadd.s32 $0x88, s3;
	s6 =	simm.s32 @!p1 $0x1082;
	[sflag:s4] =	ssyncset.s32 $0xFFFFF086  }
0x25: {  	[simem:s6], [sflag:s4] =	dma.local [hbm:s3], $0xF7A  }
0x26: {  	[smem:$0x3F90] =	sst s1;
	(tag) =	ssettag s2;
	_ =	strace s9  }
0x27: {  	s1 =	sld [smem:$0x3FA0]  }
0x28: {  	s2 =	sld [smem:$0x3FA1]  }
0x29: {  	s4 =	sld [smem:$0x3FA3]  }
0x2a: {  	p0 =	seq.s32 s5, $0x0;
	s5 =	sld [smem:$0x3FA4]  }
0x2b: {  	s6 =	sld [smem:$0x3FA5]  }
0x2c: {  	s7 =	sld [smem:$0x3FA6]  }
0x2d: {  	s3 =	simm.s32 $0x108;
	s8 =	sld [smem:$0x3FA7]  }
0x2e: {  	s3 =	simm.s32 @!p0 $0x1082;
	s9 =	sld [smem:$0x3FA8]  }
0x2f: {  	lr =	sadd.s32 s0, s3;
	s0 =	sld [smem:$0x3F9F]  }
0x30: {  	s3 =	sld [smem:$0x3FA2]  }
0x31: {  	[smem:$0x3FAB] =	sst s10  }
0x32: {  	s10 =	sld [smem:$0x3FA9];
	_ =	sdelay $0x3  }
0x33: {  	p0 =	seq.s32 s10, $0x1;
	s10 =	sld [smem:$0x3FAB];
	_ =	sdelay $0x3  }
0x34: {  	[smem:$0x3FAB] =	sst s10  }
0x35: {  	s10 =	sld [smem:$0x3FAA];
	_ =	sdelay $0x3  }
0x36: {  	p1 =	seq.s32 s10, $0x1;
	s10 =	sld [smem:$0x3FAB];
	_ =	sdelay $0x3  }
0x37: {  	[smem:$0x3FAB] =	sst s10  }
0x38: {  	s10 =	sld [smem:$0x3FAC]  }
0x39: {  	_ = 	snop;
	(pc) =	sbr.ind lr, $3  }
0x3a: {  	_ = 	snop  }
0x3b: {  	_ = 	snop  }
0x3c: {  	p2 =	seq.s32 s10, $0x1;
	s10 =	sld [smem:$0x3FAB]  }
0x3d: {  	_ =	shalt  }
0x3e: {  	_ =	shalt  }
0x3f: {  	_ =	shalt  }
0x40: {  	_ =	shalt  }
0x41: {  	_ =	shalt  }
0x42: {  	_ =	shalt  }
0x43: {  	_ =	shalt  }
0x44: {  	_ =	shalt  }
0x45: {  	_ =	shalt  }
0x46: {  	_ =	shalt  }
0x47: {  	_ =	shalt  }
0x48: {  	_ =	shalt  }
0x49: {  	_ =	shalt  }
0x4a: {  	_ =	shalt  }
0x4b: {  	_ =	shalt  }
0x4c: {  	_ =	shalt  }
0x4d: {  	_ =	shalt  }
0x4e: {  	_ =	shalt  }
0x4f: {  	_ =	shalt  }
0x50: {  	_ =	shalt  }
0x51: {  	_ =	shalt  }
0x52: {  	_ =	shalt  }
0x53: {  	_ =	shalt  }
0x54: {  	_ =	shalt  }
0x55: {  	_ =	shalt  }
0x56: {  	_ =	shalt  }
0x57: {  	_ =	shalt  }
0x58: {  	_ =	shalt  }
0x59: {  	_ =	shalt  }
0x5a: {  	_ =	shalt  }
0x5b: {  	_ =	shalt  }
0x5c: {  	_ =	shalt  }
0x5d: {  	_ =	shalt  }
0x5e: {  	_ =	shalt  }
0x5f: {  	_ =	shalt  }
0x60: {  	_ =	shalt  }
0x61: {  	_ =	shalt  }
0x62: {  	_ =	shalt  }
0x63: {  	_ =	shalt  }
0x64: {  	_ =	shalt  }
0x65: {  	_ =	shalt  }
0x66: {  	_ =	shalt  }
0x67: {  	_ =	shalt  }
0x68: {  	_ =	shalt  }
0x69: {  	_ =	shalt  }
0x6a: {  	_ =	shalt  }
0x6b: {  	_ =	shalt  }
0x6c: {  	_ =	shalt  }
0x6d: {  	_ =	shalt  }
0x6e: {  	_ =	shalt  }
0x6f: {  	_ =	shalt  }
0x70: {  	_ =	shalt  }
0x71: {  	_ =	shalt  }
0x72: {  	_ =	shalt  }
0x73: {  	_ =	shalt  }
0x74: {  	_ =	shalt  }
0x75: {  	_ =	shalt  }
0x76: {  	_ =	shalt  }
0x77: {  	_ =	shalt  }
0x78: {  	_ =	shalt  }
0x79: {  	_ =	shalt  }
0x7a: {  	_ =	shalt  }
0x7b: {  	_ =	shalt  }
0x7c: {  	_ =	shalt  }
0x7d: {  	_ =	shalt  }
0x7e: {  	_ =	shalt  }
0x7f: {  	_ =	shalt  }
0x80: {  	_ =	shalt  }
0x81: {  	_ =	shalt  }
0x82: {  	_ =	shalt  }
0x83: {  	_ =	shalt  }
0x84: {  	_ =	shalt  }
0x85: {  	_ =	shalt  }
0x86: {  	_ =	shalt  }
0x87: {  	_ =	shalt  }
.Lfunc_end0:
.L_simem_size_0:
called_computation.3_lowered:
.L_overlay_start_0:
0x88: {  	s2 =	sld [smem:$0x3FD9]  }
0x89: {  	s3 =	sld [smem:$0x3FFE];
	_ =	sdelay $0x1  }
0x8a: {  	s1 =	srdreg.scid  }
0x8b: {  	s0 =	sand.u32 $0x1, s1  }
0x8c: {  	s16 =	sshll.u32 s0, $0xA;
	s2 =	sadd.s32 s3, s2  }
0x8d: {  	s2 =	sadd.s32 s2, s16  }
0x8e: {  	[smem:$0x3FB7] =	sst s2  }
0x8f: {  	_ = 	snop  }
0x90: {  	(tm) =	ssettm $0x1  }
0x91: {  	s17 =	sld [smem:$0x3FFB];
	_ =	sdelay $0x3  }
0x92: {  	_ =	strace s17  }
0x93: {  	s2 =	sld [smem:$0x3FFC];
	_ =	sdelay $0x3  }
0x94: {  	_ =	strace s2  }
0x95: {  	s2 =	sld [smem:$0x3FFD];
	_ =	sdelay $0x3  }
0x96: {  	_ =	strace s2  }
0x97: {  	_ =	strace $0x8FFFFFFF  }
0x98: {  	s18 =	sld [smem:$0x3FDB];
	_ =	sdelay $0x1  }
0x99: {  	s19 =	simm.s32 $_scs_section_size  }
0x9a: {  	s4 =	simm.s32 $_size__tile_overlayer_lowered;
	s5 =	simm.s32 $_tile_overlayer_lowered  }
0x9b: {  	s22 =	simm.s32 $0x1BFF;
	s21 =	sshll.u32 s5, $0x1;
	s2 =	sadd.s32 s19, s18  }
0x9c: {  	s6 =	simm.s32 $0x0;
	s20 =	sshll.u32 s4, $0x1;
	s4 =	sadd.s32 s21, s2  }
0x9d: {  	[timem:s6], [sflag:s22] =	dma.local [hbm:s4], s20  }
0x9e: {  	_ =	swait.ge [sflag:s22], s20  }
0x9f: {  	s3 =	ssub.s32 $0x0, s20;
	[sflag:s22] =	ssyncset.done $0x0  }
0xa0: {  	[sflag:s22] =	ssyncadd.s32 s3;
	_ =	sdelay $0x1  }
0xa1: {  	s23 =	simm.s32 $0x1B8B  }
0xa2: {  	_ =	swait.ge [sflag:s23], $0x1  }
0xa3: {  	[sflag:s23] =	ssyncset.done $0x0  }
0xa4: {  	s25 =	simm.s32 $0x1B8E;
	s24 =	sld [smem:$0x3FFE];
	[sflag:s23] =	ssyncadd.s32 $0xFFFFFFFF  }
0xa5: {  	s26 =	simm.s32 $execute0_lowered;
	[smem:$0x3FD2] =	sst s25  }
0xa6: {  	s4 =	sshll.u32 s26, $0x1;
	_ =	strace $0x8000004F;
	[dreg:$0x1] =	wrdreg $0xFFFFFFFF  }
0xa7: {  	s28 =	simm.s32 $_size_execute0_lowered;
	s2 =	sadd.s32 s2, s4;
	[dreg:$0x0] =	wrdreg $0x0  }
0xa8: {  	s4 =	sshll.u32 s28, $0x1;
	[dreg:$0x2] =	wrdreg s2  }
0xa9: {  	[dreg:$0x3] =	wrdreg s4  }
0xaa: {  	[dreg:$0x4] =	wrdreg $0xC0  }
0xab: {  	_ =	task [dreg:s6], $0x5FFFF  }
0xac: {  	[dreg:$0x1] =	wrdreg $0xFFFFFFFF  }
0xad: {  	[dreg:$0x0] =	wrdreg $0x60  }
0xae: {  	[dreg:$0x2] =	wrdreg s24  }
0xaf: {  	[dreg:$0x3] =	wrdreg $0x9  }
0xb0: {  	_ =	task.clear_ibuf [dreg:s6], $0x4FFFF;
	_ =	strace $0x9000004F  }
0xb1: {  	s29 =	simm.s32 $0x9;
	_ =	strace $0x80000051  }
0xb2: {  	_ =	swait.ge [sflag:s29], $0x1  }
0xb3: {  	[sflag:s29] =	ssyncadd.s32 $0xFFFFFFFF  }
0xb4: {  	_ =	strace $0x90000051  }
0xb5: {  	_ =	sfence  }
0xb6: {  	s30 =	sld [smem:$0x0];
	_ =	sdelay $0x2  }
0xb7: {  	s31 =	sshll.u32 s1, $0xD;
	s1 =	sshrl.u32 s1, $0x2  }
0xb8: {  	s3 =	sand.u32 $0x4000, s31;
	s1 =	sadd.s32 s1, s30  }
0xb9: {  	s0 =	sor.u32 s3, s0;
	s1 =	sshll.u32 s1, $0x11  }
0xba: {  	s0 =	sor.u32 s1, s0  }
0xbb: {  	s0 =	sadd.s32 $0x8F2B, s0  }
0xbc: {  	[sflag:s0] =	ssyncadd.remote.s32 $0x1  }
0xbd: {  	_ =	sfence.sel $0xFFFF  }
0xbe: {  	[dreg:$0x0] =	wrdreg $0xFFFFFFFF;
	(pc) =	sbr.abs _section_cstart, $3  }
0xbf: {  	[dreg:$0x1] =	wrdreg $0xFFFFFFFF  }
0xc0: {  	_ =	task.clear_ibuf [dreg:s6], $0x2FFFF;
	_ =	strace $0x9FFFFFFF  }
0xc1: {  	(tm) =	ssettm $0x7FFFFFFF  }
tec
execute0_lowered:
.L_overlay_start_1:
0x0: {  	(tag) =	ssettag $0x1  }
0x1: {  	s0 =	rddreg [dreg:$0x0];
	s2 =	simm.s32 $0x0  }
0x2: {  	s9 =	stileid.u32;
	s1 =	srdreg.scid;
	s11 =	simm.s32 $0x4  }
0x3: {  	s13 =	simm.s32 $0x100;
	s30 =	simm.s32 $0x8100;
	s10 =	simm.s32 $0xB900  }
0x4: {  	s12 =	simm.s32 $0xC100;
	s14 =	simm.s32 $0xC900;
	s15 =	simm.s32 $0xD100  }
0x5: {  	s16 =	simm.s32 $0xD900;
	s17 =	simm.s32 $0xE100;
	s18 =	simm.s32 $0xE900  }
0x6: {  	s19 =	simm.s32 $0xF100;
	s20 =	simm.s32 $0xF900;
	s21 =	simm.s32 $0x1  }
0x7: {  	s22 =	simm.s32 $0x2;
	s23 =	simm.s32 $0x3;
	[smem:$0x7FF] =	sst s2  }
0x8: {  	s31 =	simm.s32 $0x80;
	s3 =	sadd.s32 $0x391800, s0;
	s4 =	sadd.s32 $0x431800, s0  }
0x9: {  	s5 =	sshll.u32 s9, $0x5;
	s1 =	sand.u32 $0x1, s1;
	s6 =	sshll.u32 s9, $0xD  }
0xa: {  	s26 =	sshll.u32 s9, $0x1;
	s9 =	simm.s32 $0xB100;
	_ =	strace $0x80000050  }
0xb: {  	s5 =	sadd.s32 s5, s0;
	s7 =	ssub.s32 $0x2, s1;
	s0 =	sadd.s32 s6, s0  }
0xc: {  	s8 =	sshll.u32 s1, $0x4;
	s1 =	sshll.u32 s1, $0xC;
	[dreg:$0x2] =	wrdreg s26  }
0xd: {  	s25 =	sshrl.u32 s7, $0x1;
	s5 =	sadd.s32 s8, s5;
	s0 =	sadd.s32 s1, s0  }
.Ltmp0:
0xe: {  	s1 =	simm.s32 $0x9900;
	s6 =	sadd.s32 $0x283600, s5;
	(pc) =	sbr.rel .LBB2_1-.Ltmp0, $4  }
0xf: {  	s7 =	ssub.s32 s7, s25;
	s8 =	sadd.s32 $0x27E600, s5;
	s29 =	sadd.s32 $0x963800, s0  }
0x10: {  	v2 =	vlaneseq.u32;
	s0 =	sadd.s32 $0x481800, s0;
	s5 =	simm.s32 $0xA100;
	[dreg:$0x4] =	wrdreg s29  }
0x11: {  	vm0 =	vmmov $0xffff;
	v1 =	vshrl.u32 v2, $0x3;
	s25 =	simm.s32 $0x0;
	s28 =	smax.u32 s7, $0x1;
	[dreg:$0x5] =	wrdreg s0  }
0x12: {  	v0 =	vand.u32 $0x7, v2;
	v2 =	vor.u32 $0x8, v2;
	v1 =	vmul.u32 $0x8, v1;
	s0 =	simm.s32 $0x9100;
	s7 =	simm.s32 $0xA900;
	[dreg:$0x3] =	wrdreg s28  }
.LBB2_5:
0x13: {  	s25 =	rddreg [dreg:$0x6]  }
0x14: {  	s24 =	rddreg [dreg:$0x3];
	s25 =	sadd.s32 $0x1, s25  }
0x15: {  	p0 =	sne.s32 s25, s24  }
.Ltmp1:
0x16: {  	_ = 	snop;
	(pc) =	sbr.rel @!p0 .LBB2_6-.Ltmp1, $1  }
0x17: {  	_ =	sdelay $0x3  }
.LBB2_1:
.Ltmp2:
0x18: {  	(pc) =	sbr.rel .LBB2_2-.Ltmp2, $4  }
0x19: {  	[dreg:$0x6] =	wrdreg s25  }
0x1a: {  	s24 =	rddreg [dreg:$0x2]  }
0x1b: {  	s25 =	rddreg [dreg:$0x5]  }
0x1c: {  	s26 =	rddreg [dreg:$0x4];
	s28 =	simm.s32 $0x0  }
.LBB2_4:
0x1d: {  	s28 =	sadd.s32 $0x200, s28  }
0x1e: {  	p0 =	sne.s32 s28, $0x5000  }
.Ltmp3:
0x1f: {  	_ = 	snop;
	(pc) =	sbr.rel @!p0 .LBB2_5-.Ltmp3, $2  }
0x20: {  	_ =	sdelay $0x2  }
0x21: {  	s26 =	sadd.s32 $0x20000, s26;
	s25 =	sadd.s32 $0x20000, s25;
	s24 =	sadd.s32 $0x20, s24  }
.LBB2_2:
0x22: {  	p0 =	sgt.u32 s24, $0x4E1  }
.Ltmp4:
0x23: {  	_ = 	snop;
	(pc) =	sbr.rel @p0 .LBB2_4-.Ltmp4, $1  }
0x24: {  	_ =	sdelay $0x3  }
0x25: {  	s29 =	sadd.s32 s28, s8  }
0x26: {  	[tilespmem:s2], [sflag:$0x4] =	stream.linear.gather [hbm4b:s29+s2], $0x80, $0x38;
	[tilespmem:$0x10100] =	vst v63  }
0x27: {  	_ =	swait.ge [sflag:s11], $0x80  }
0x28: {  	[sflag:s11] =	ssyncset.done $0x0  }
0x29: {  	s29 =	sadd.s32 s28, s6;
	[sflag:s11] =	ssyncadd.s32 $0xFFFFFF80  }
0x2a: {  	[tilespmem:s31], [sflag:$0x4] =	stream.linear.gather [hbm4b:s29+s2], $0x80, $0x38;
	[tilespmem:$0x10100] =	vst v63  }
0x2b: {  	_ =	swait.ge [sflag:s11], $0x80  }
0x2c: {  	[sflag:s11] =	ssyncset.done $0x0  }
0x2d: {  	[sflag:s11] =	ssyncadd.s32 $0xFFFFFF80  }
0x2e: {  	v3 =	vld [tilespmem:$0x0];
	_ =	sdelay $0x4  }
0x2f: {  	v4 =	vshll.u32 v3, $0x1  }
0x30: {  	v3 =	vand.u32 $0x7, v3;
	v4 =	vand.u32 $0xFFFFFFF0, v4  }
0x31: {  	v3 =	vor.u32 v3, v4  }
0x32: {  	v4 =	vperm.xlane v3, v0;
	_ =	sdelay $0x1  }
0x33: {  	v3 =	vperm.xlane v3, v2;
	v4 =	vadd.s32 v1, v4;
	_ =	sdelay $0x1  }
0x34: {  	v3 =	vadd.s32 v1, v3;
	_ =	sdelay $0x2  }
0x35: {  	[tilespmem:s13], [sflag:$0x1] =	stream.indirect_vreg.gather [hbm4b:s3+s2], $0x80, v4, vm0, $0xb8;
	[tilespmem:$0x10100] =	vst v63  }
0x36: {  	s29 =	simm.s32 $0x900  }
0x37: {  	[tilespmem:s29], [sflag:$0x1] =	stream.indirect_vreg.gather [hbm4b:s3+s2], $0x80, v3, vm0, $0xb8;
	[tilespmem:$0x10100] =	vst v63  }
0x38: {  	v3 =	vld [tilespmem:$0x10];
	_ =	sdelay $0x4  }
0x39: {  	v49 =	vshll.u32 v3, $0x1  }
0x3a: {  	v3 =	vand.u32 $0x7, v3;
	v4 =	vand.u32 $0xFFFFFFF0, v49  }
0x3b: {  	v3 =	vor.u32 v3, v4  }
0x3c: {  	v4 =	vperm.xlane v3, v0;
	_ =	sdelay $0x1  }
0x3d: {  	v3 =	vperm.xlane v3, v2;
	v4 =	vadd.s32 v1, v4;
	_ =	sdelay $0x1  }
0x3e: {  	v3 =	vadd.s32 v1, v3;
	_ =	sdelay $0x1  }
0x3f: {  	s29 =	simm.s32 $0x1100  }
0x40: {  	[tilespmem:s29], [sflag:$0x1] =	stream.indirect_vreg.gather [hbm4b:s3+s2], $0x80, v4, vm0, $0xb8;
	[tilespmem:$0x10100] =	vst v63  }
0x41: {  	s29 =	simm.s32 $0x1900  }
0x42: {  	[tilespmem:s29], [sflag:$0x1] =	stream.indirect_vreg.gather [hbm4b:s3+s2], $0x80, v3, vm0, $0xb8;
	[tilespmem:$0x10100] =	vst v63  }
0x43: {  	v3 =	vld [tilespmem:$0x20];
	_ =	sdelay $0x4  }
0x44: {  	v50 =	vshll.u32 v3, $0x1  }
0x45: {  	v3 =	vand.u32 $0x7, v3;
	v4 =	vand.u32 $0xFFFFFFF0, v50  }
0x46: {  	v3 =	vor.u32 v3, v4  }
0x47: {  	v4 =	vperm.xlane v3, v0;
	_ =	sdelay $0x1  }
0x48: {  	v3 =	vperm.xlane v3, v2;
	v4 =	vadd.s32 v1, v4;
	_ =	sdelay $0x1  }
0x49: {  	v3 =	vadd.s32 v1, v3;
	_ =	sdelay $0x1  }
0x4a: {  	s29 =	simm.s32 $0x2100  }
0x4b: {  	[tilespmem:s29], [sflag:$0x1] =	stream.indirect_vreg.gather [hbm4b:s3+s2], $0x80, v4, vm0, $0xb8;
	[tilespmem:$0x10100] =	vst v63  }
0x4c: {  	s29 =	simm.s32 $0x2900  }
0x4d: {  	[tilespmem:s29], [sflag:$0x1] =	stream.indirect_vreg.gather [hbm4b:s3+s2], $0x80, v3, vm0, $0xb8;
	[tilespmem:$0x10100] =	vst v63  }
0x4e: {  	v3 =	vld [tilespmem:$0x30];
	_ =	sdelay $0x4  }
0x4f: {  	v51 =	vshll.u32 v3, $0x1  }
0x50: {  	v3 =	vand.u32 $0x7, v3;
	v4 =	vand.u32 $0xFFFFFFF0, v51  }
0x51: {  	v3 =	vor.u32 v3, v4  }
0x52: {  	v4 =	vperm.xlane v3, v0;
	_ =	sdelay $0x1  }
0x53: {  	v3 =	vperm.xlane v3, v2;
	v4 =	vadd.s32 v1, v4;
	_ =	sdelay $0x1  }
0x54: {  	v3 =	vadd.s32 v1, v3;
	_ =	sdelay $0x1  }
0x55: {  	s29 =	simm.s32 $0x3100  }
0x56: {  	[tilespmem:s29], [sflag:$0x1] =	stream.indirect_vreg.gather [hbm4b:s3+s2], $0x80, v4, vm0, $0xb8;
	[tilespmem:$0x10100] =	vst v63  }
0x57: {  	s29 =	simm.s32 $0x3900  }
0x58: {  	[tilespmem:s29], [sflag:$0x1] =	stream.indirect_vreg.gather [hbm4b:s3+s2], $0x80, v3, vm0, $0xb8;
	[tilespmem:$0x10100] =	vst v63  }
0x59: {  	v3 =	vld [tilespmem:$0x40];
	_ =	sdelay $0x4  }
0x5a: {  	v52 =	vshll.u32 v3, $0x1  }
0x5b: {  	v3 =	vand.u32 $0x7, v3;
	v4 =	vand.u32 $0xFFFFFFF0, v52  }
0x5c: {  	v3 =	vor.u32 v3, v4  }
0x5d: {  	v4 =	vperm.xlane v3, v0;
	_ =	sdelay $0x1  }
0x5e: {  	v3 =	vperm.xlane v3, v2;
	v4 =	vadd.s32 v1, v4;
	_ =	sdelay $0x1  }
0x5f: {  	v3 =	vadd.s32 v1, v3;
	_ =	sdelay $0x1  }
0x60: {  	s29 =	simm.s32 $0x4100  }
0x61: {  	[tilespmem:s29], [sflag:$0x1] =	stream.indirect_vreg.gather [hbm4b:s3+s2], $0x80, v4, vm0, $0xb8;
	[tilespmem:$0x10100] =	vst v63  }
0x62: {  	s29 =	simm.s32 $0x4900  }
0x63: {  	[tilespmem:s29], [sflag:$0x1] =	stream.indirect_vreg.gather [hbm4b:s3+s2], $0x80, v3, vm0, $0xb8;
	[tilespmem:$0x10100] =	vst v63  }
0x64: {  	v3 =	vld [tilespmem:$0x50];
	_ =	sdelay $0x4  }
0x65: {  	v53 =	vshll.u32 v3, $0x1  }
0x66: {  	v3 =	vand.u32 $0x7, v3;
	v4 =	vand.u32 $0xFFFFFFF0, v53  }
0x67: {  	v3 =	vor.u32 v3, v4  }
0x68: {  	v4 =	vperm.xlane v3, v0;
	_ =	sdelay $0x1  }
0x69: {  	v3 =	vperm.xlane v3, v2;
	v4 =	vadd.s32 v1, v4;
	_ =	sdelay $0x1  }
0x6a: {  	v3 =	vadd.s32 v1, v3;
	_ =	sdelay $0x1  }
0x6b: {  	s29 =	simm.s32 $0x5100  }
0x6c: {  	[tilespmem:s29], [sflag:$0x1] =	stream.indirect_vreg.gather [hbm4b:s3+s2], $0x80, v4, vm0, $0xb8;
	[tilespmem:$0x10100] =	vst v63  }
0x6d: {  	s29 =	simm.s32 $0x5900  }
0x6e: {  	[tilespmem:s29], [sflag:$0x1] =	stream.indirect_vreg.gather [hbm4b:s3+s2], $0x80, v3, vm0, $0xb8;
	[tilespmem:$0x10100] =	vst v63  }
0x6f: {  	v3 =	vld [tilespmem:$0x60];
	_ =	sdelay $0x4  }
0x70: {  	v54 =	vshll.u32 v3, $0x1  }
0x71: {  	v3 =	vand.u32 $0x7, v3;
	v4 =	vand.u32 $0xFFFFFFF0, v54  }
0x72: {  	v3 =	vor.u32 v3, v4  }
0x73: {  	v4 =	vperm.xlane v3, v0;
	_ =	sdelay $0x1  }
0x74: {  	v3 =	vperm.xlane v3, v2;
	v4 =	vadd.s32 v1, v4;
	_ =	sdelay $0x1  }
0x75: {  	v3 =	vadd.s32 v1, v3;
	_ =	sdelay $0x1  }
0x76: {  	s29 =	simm.s32 $0x6100  }
0x77: {  	[tilespmem:s29], [sflag:$0x1] =	stream.indirect_vreg.gather [hbm4b:s3+s2], $0x80, v4, vm0, $0xb8;
	[tilespmem:$0x10100] =	vst v63  }
0x78: {  	s29 =	simm.s32 $0x6900  }
0x79: {  	[tilespmem:s29], [sflag:$0x1] =	stream.indirect_vreg.gather [hbm4b:s3+s2], $0x80, v3, vm0, $0xb8;
	[tilespmem:$0x10100] =	vst v63  }
0x7a: {  	v3 =	vld [tilespmem:$0x70];
	_ =	sdelay $0x4  }
0x7b: {  	v55 =	vshll.u32 v3, $0x1  }
0x7c: {  	v3 =	vand.u32 $0x7, v3;
	v4 =	vand.u32 $0xFFFFFFF0, v55  }
0x7d: {  	v3 =	vor.u32 v3, v4  }
0x7e: {  	v4 =	vperm.xlane v3, v0;
	_ =	sdelay $0x1  }
0x7f: {  	v3 =	vperm.xlane v3, v2;
	v4 =	vadd.s32 v1, v4;
	_ =	sdelay $0x1  }
0x80: {  	v3 =	vadd.s32 v1, v3;
	_ =	sdelay $0x1  }
0x81: {  	s29 =	simm.s32 $0x7100  }
0x82: {  	[tilespmem:s29], [sflag:$0x1] =	stream.indirect_vreg.gather [hbm4b:s3+s2], $0x80, v4, vm0, $0xb8;
	[tilespmem:$0x10100] =	vst v63  }
0x83: {  	s29 =	simm.s32 $0x7900  }
0x84: {  	[tilespmem:s29], [sflag:$0x1] =	stream.indirect_vreg.gather [hbm4b:s3+s2], $0x80, v3, vm0, $0xb8;
	[tilespmem:$0x10100] =	vst v63  }
0x85: {  	v3 =	vld [tilespmem:$0x80];
	_ =	sdelay $0x4  }
0x86: {  	v56 =	vshll.u32 v3, $0x1  }
0x87: {  	v3 =	vand.u32 $0x7, v3;
	v4 =	vand.u32 $0xFFFFFFF0, v56  }
0x88: {  	v3 =	vor.u32 v3, v4  }
0x89: {  	v4 =	vperm.xlane v3, v0;
	_ =	sdelay $0x1  }
0x8a: {  	v3 =	vperm.xlane v3, v2;
	v4 =	vadd.s32 v1, v4;
	_ =	sdelay $0x1  }
0x8b: {  	v3 =	vadd.s32 v1, v3;
	_ =	sdelay $0x2  }
0x8c: {  	[tilespmem:s30], [sflag:$0x2] =	stream.indirect_vreg.gather [hbm4b:s4+s2], $0x80, v4, vm0, $0xb8;
	[tilespmem:$0x10100] =	vst v63  }
0x8d: {  	s29 =	simm.s32 $0x8900  }
0x8e: {  	[tilespmem:s29], [sflag:$0x2] =	stream.indirect_vreg.gather [hbm4b:s4+s2], $0x80, v3, vm0, $0xb8;
	[tilespmem:$0x10100] =	vst v63  }
0x8f: {  	v3 =	vld [tilespmem:$0x90];
	_ =	sdelay $0x4  }
0x90: {  	v57 =	vshll.u32 v3, $0x1  }
0x91: {  	v3 =	vand.u32 $0x7, v3;
	v4 =	vand.u32 $0xFFFFFFF0, v57  }
0x92: {  	v3 =	vor.u32 v3, v4  }
0x93: {  	v4 =	vperm.xlane v3, v0;
	_ =	sdelay $0x1  }
0x94: {  	v3 =	vperm.xlane v3, v2;
	v4 =	vadd.s32 v1, v4;
	_ =	sdelay $0x1  }
0x95: {  	v3 =	vadd.s32 v1, v3;
	_ =	sdelay $0x2  }
0x96: {  	[tilespmem:s0], [sflag:$0x2] =	stream.indirect_vreg.gather [hbm4b:s4+s2], $0x80, v4, vm0, $0xb8;
	[tilespmem:$0x10100] =	vst v63  }
0x97: {  	_ = 	snop  }
0x98: {  	[tilespmem:s1], [sflag:$0x2] =	stream.indirect_vreg.gather [hbm4b:s4+s2], $0x80, v3, vm0, $0xb8;
	[tilespmem:$0x10100] =	vst v63  }
0x99: {  	v3 =	vld [tilespmem:$0xA0];
	_ =	sdelay $0x4  }
0x9a: {  	v58 =	vshll.u32 v3, $0x1  }
0x9b: {  	v3 =	vand.u32 $0x7, v3;
	v4 =	vand.u32 $0xFFFFFFF0, v58  }
0x9c: {  	v3 =	vor.u32 v3, v4  }
0x9d: {  	v4 =	vperm.xlane v3, v0;
	_ =	sdelay $0x1  }
0x9e: {  	v3 =	vperm.xlane v3, v2;
	v4 =	vadd.s32 v1, v4;
	_ =	sdelay $0x1  }
0x9f: {  	v3 =	vadd.s32 v1, v3;
	_ =	sdelay $0x2  }
0xa0: {  	[tilespmem:s5], [sflag:$0x2] =	stream.indirect_vreg.gather [hbm4b:s4+s2], $0x80, v4, vm0, $0xb8;
	[tilespmem:$0x10100] =	vst v63  }
0xa1: {  	_ = 	snop  }
0xa2: {  	[tilespmem:s7], [sflag:$0x2] =	stream.indirect_vreg.gather [hbm4b:s4+s2], $0x80, v3, vm0, $0xb8;
	[tilespmem:$0x10100] =	vst v63  }
0xa3: {  	v3 =	vld [tilespmem:$0xB0];
	_ =	sdelay $0x4  }
0xa4: {  	v59 =	vshll.u32 v3, $0x1  }
0xa5: {  	v3 =	vand.u32 $0x7, v3;
	v4 =	vand.u32 $0xFFFFFFF0, v59  }
0xa6: {  	v3 =	vor.u32 v3, v4  }
0xa7: {  	v4 =	vperm.xlane v3, v0;
	_ =	sdelay $0x1  }
0xa8: {  	v3 =	vperm.xlane v3, v2;
	v4 =	vadd.s32 v1, v4;
	_ =	sdelay $0x1  }
0xa9: {  	v3 =	vadd.s32 v1, v3;
	_ =	sdelay $0x2  }
0xaa: {  	[tilespmem:s9], [sflag:$0x2] =	stream.indirect_vreg.gather [hbm4b:s4+s2], $0x80, v4, vm0, $0xb8;
	[tilespmem:$0x10100] =	vst v63  }
0xab: {  	_ = 	snop  }
0xac: {  	[tilespmem:s10], [sflag:$0x2] =	stream.indirect_vreg.gather [hbm4b:s4+s2], $0x80, v3, vm0, $0xb8;
	[tilespmem:$0x10100] =	vst v63  }
0xad: {  	v3 =	vld [tilespmem:$0xC0];
	_ =	sdelay $0x4  }
0xae: {  	v60 =	vshll.u32 v3, $0x1  }
0xaf: {  	v3 =	vand.u32 $0x7, v3;
	v4 =	vand.u32 $0xFFFFFFF0, v60  }
0xb0: {  	v3 =	vor.u32 v3, v4  }
0xb1: {  	v4 =	vperm.xlane v3, v0;
	_ =	sdelay $0x1  }
0xb2: {  	v3 =	vperm.xlane v3, v2;
	v4 =	vadd.s32 v1, v4;
	_ =	sdelay $0x1  }
0xb3: {  	v3 =	vadd.s32 v1, v3;
	_ =	sdelay $0x2  }
0xb4: {  	[tilespmem:s12], [sflag:$0x2] =	stream.indirect_vreg.gather [hbm4b:s4+s2], $0x80, v4, vm0, $0xb8;
	[tilespmem:$0x10100] =	vst v63  }
0xb5: {  	_ = 	snop  }
0xb6: {  	[tilespmem:s14], [sflag:$0x2] =	stream.indirect_vreg.gather [hbm4b:s4+s2], $0x80, v3, vm0, $0xb8;
	[tilespmem:$0x10100] =	vst v63  }
0xb7: {  	v3 =	vld [tilespmem:$0xD0];
	_ =	sdelay $0x4  }
0xb8: {  	v61 =	vshll.u32 v3, $0x1  }
0xb9: {  	v3 =	vand.u32 $0x7, v3;
	v4 =	vand.u32 $0xFFFFFFF0, v61  }
0xba: {  	v3 =	vor.u32 v3, v4  }
0xbb: {  	v4 =	vperm.xlane v3, v0;
	_ =	sdelay $0x1  }
0xbc: {  	v3 =	vperm.xlane v3, v2;
	v4 =	vadd.s32 v1, v4;
	_ =	sdelay $0x1  }
0xbd: {  	v3 =	vadd.s32 v1, v3;
	_ =	sdelay $0x2  }
0xbe: {  	[tilespmem:s15], [sflag:$0x2] =	stream.indirect_vreg.gather [hbm4b:s4+s2], $0x80, v4, vm0, $0xb8;
	[tilespmem:$0x10100] =	vst v63  }
0xbf: {  	_ = 	snop  }
0xc0: {  	[tilespmem:s16], [sflag:$0x2] =	stream.indirect_vreg.gather [hbm4b:s4+s2], $0x80, v3, vm0, $0xb8;
	[tilespmem:$0x10100] =	vst v63  }
0xc1: {  	v3 =	vld [tilespmem:$0xE0];
	_ =	sdelay $0x4  }
0xc2: {  	v62 =	vshll.u32 v3, $0x1  }
0xc3: {  	v3 =	vand.u32 $0x7, v3;
	v4 =	vand.u32 $0xFFFFFFF0, v62  }
0xc4: {  	v3 =	vor.u32 v3, v4  }
0xc5: {  	v4 =	vperm.xlane v3, v0;
	_ =	sdelay $0x1  }
0xc6: {  	v3 =	vperm.xlane v3, v2;
	v4 =	vadd.s32 v1, v4;
	_ =	sdelay $0x1  }
0xc7: {  	v3 =	vadd.s32 v1, v3;
	_ =	sdelay $0x2  }
0xc8: {  	[tilespmem:s17], [sflag:$0x2] =	stream.indirect_vreg.gather [hbm4b:s4+s2], $0x80, v4, vm0, $0xb8;
	[tilespmem:$0x10100] =	vst v63  }
0xc9: {  	_ = 	snop  }
0xca: {  	[tilespmem:s18], [sflag:$0x2] =	stream.indirect_vreg.gather [hbm4b:s4+s2], $0x80, v3, vm0, $0xb8;
	[tilespmem:$0x10100] =	vst v63  }
0xcb: {  	v3 =	vld [tilespmem:$0xF0];
	_ =	sdelay $0x4  }
0xcc: {  	v63 =	vshll.u32 v3, $0x1  }
0xcd: {  	v3 =	vand.u32 $0x7, v3;
	v4 =	vand.u32 $0xFFFFFFF0, v63  }
0xce: {  	v3 =	vor.u32 v3, v4  }
0xcf: {  	v4 =	vperm.xlane v3, v0;
	_ =	sdelay $0x1  }
0xd0: {  	v3 =	vperm.xlane v3, v2;
	v4 =	vadd.s32 v1, v4;
	_ =	sdelay $0x1  }
0xd1: {  	v3 =	vadd.s32 v1, v3;
	_ =	sdelay $0x2  }
0xd2: {  	[tilespmem:s19], [sflag:$0x2] =	stream.indirect_vreg.gather [hbm4b:s4+s2], $0x80, v4, vm0, $0xb8;
	[tilespmem:$0x10100] =	vst v63  }
0xd3: {  	_ = 	snop  }
0xd4: {  	[tilespmem:s20], [sflag:$0x2] =	stream.indirect_vreg.gather [hbm4b:s4+s2], $0x80, v3, vm0, $0xb8;
	[tilespmem:$0x10100] =	vst v63  }
0xd5: {  	_ =	swait.ge [sflag:s21], $0x8000  }
0xd6: {  	[sflag:s21] =	ssyncset.done $0x0  }
0xd7: {  	[sflag:s21] =	ssyncadd.s32 $0xFFFF8000  }
0xd8: {  	_ =	swait.ge [sflag:s22], $0x8000  }
0xd9: {  	[sflag:s22] =	ssyncset.done $0x0  }
0xda: {  	[sflag:s22] =	ssyncadd.s32 $0xFFFF8000  }
0xdb: {  	[hbm4b:s25+s2] =	stream.linear.scatter [tilespmem:s13], [sflag:$0x4], $0x8000, $0x38;
	[tilespmem:$0x10100] =	vst v63  }
0xdc: {  	_ =	swait.ge [sflag:s11], $0x8000  }
0xdd: {  	[sflag:s11] =	ssyncset.done $0x0  }
.Ltmp5:
0xde: {  	[sflag:s11] =	ssyncadd.s32 $0xFFFF8000;
	(pc) =	sbr.rel .LBB2_4-.Ltmp5, $4  }
0xdf: {  	[hbm4b:s26+s2] =	stream.linear.scatter [tilespmem:s30], [sflag:$0x3], $0x8000, $0x38;
	[tilespmem:$0x10100] =	vst v63  }
0xe0: {  	_ =	swait.ge [sflag:s23], $0x8000  }
0xe1: {  	[sflag:s23] =	ssyncset.done $0x0  }
0xe2: {  	[sflag:s23] =	ssyncadd.s32 $0xFFFF8000  }
.LBB2_6:
0xe3: {  	_ =	sfence.sel $0x180000  }
0xe4: {  	[bflag:$0x0] =	sbarrier.arrive $0xFFFF  }
0xe5: {  	_ =	strace $0x90000050  }
0xe6: {  	s0 =	stileid.u32;
	[bflag:$0x2] =	sbarrier.arrive $0xFFFF  }
0xe7: {  	p0 =	sne.s32 s0, $0x0;
	s0 =	rddreg [dreg:$0x1]  }
0xe8: {  	s0 =	sadd.s32 @!p0 $0x100000, s0  }
0xe9: {  	[sflag:s0] =	ssyncadd.tile.s32 @!p0 $0x1;
	_ =	shalt  }
.Lfunc_end2:
_tile_overlayer_lowered:
.L_overlay_start_2:
0xea: {  	(tag) =	ssettag $0x2  }
0xeb: {  	s0 =	rddreg [dreg:$0x0];
	s2 =	stileid.u32  }
0xec: {  	s1 =	rddreg [dreg:$0x1];
	p0 =	sne.s32 s2, $0x0  }
0xed: {  	s3 =	rddreg [dreg:$0x2];
	[bflag:$0x3] =	sbarrier.arrive $0xFFFF;
	s2 =	simm.s32 @!p0 $0x1C03  }
0xee: {  	[timem:s3], [sflag:s2] =	dma.local @!p0 [hbm:s0], s1  }
0xef: {  	s0 =	simm.s32 @!p0 $0x3  }
0xf0: {  	_ =	swait.ge @!p0 [sflag:s0], s1  }
0xf1: {  	s1 =	ssub.s32 @!p0 $0x0, s1;
	[sflag:s0] =	ssyncset.done @!p0 $0x0  }
0xf2: {  	[sflag:s0] =	ssyncadd.s32 @!p0 s1  }
0xf3: {  	[bflag:$0x3] =	sbarrier.arrive $0xFFFF  }
0xf4: {  	_ =	shalt  }

// kernel: kernel.42.cloned.1.call-start
scs
__scs_entry_jumppad:
0x0: {  	(pc) =	sbr.rel $0x88, $3  }
0x1: {  	(tag) =	ssettag $0x0;
	lr =	simm.s32 $0x1  }
0x2: {  	[smem:$0x3F90] =	sst lr;
	_ =	strace $0xD0000000  }
0x3: {  	_ = 	snop  }
0x4: {  	_ = 	snop  }
0x5: {  	_ = 	snop  }
0x6: {  	_ = 	snop  }
0x7: {  	_ = 	snop  }
__scs_overlays_trampoline_lowered:
0x8: {  	[smem:$0x3F9F] =	sst s0  }
0x9: {  	[smem:$0x3FA0] =	sst s1  }
0xa: {  	[smem:$0x3FA1] =	sst s2  }
0xb: {  	[smem:$0x3FA2] =	sst s3  }
0xc: {  	[smem:$0x3FA3] =	sst s4  }
0xd: {  	[smem:$0x3FA4] =	sst s5  }
0xe: {  	[smem:$0x3FA5] =	sst s6  }
0xf: {  	[smem:$0x3FA6] =	sst s7  }
0x10: {  	[smem:$0x3FA7] =	sst s8  }
0x11: {  	[smem:$0x3FA8] =	sst s9;
	s0 =	simm.s32 @!p0 $0x0  }
0x12: {  	s1 =	sld [smem:$0x3F8E];
	s0 =	simm.s32 @p0 $0x1  }
0x13: {  	[smem:$0x3FA9] =	sst s0;
	s0 =	simm.s32 @!p1 $0x0  }
0x14: {  	s2 =	sld [smem:$0x3F8D];
	s0 =	simm.s32 @p1 $0x1  }
0x15: {  	[smem:$0x3FAA] =	sst s0;
	s0 =	simm.s32 @!p2 $0x0  }
0x16: {  	s3 =	sld [smem:$0x3FDB];
	s0 =	simm.s32 @p2 $0x1  }
0x17: {  	s4 =	simm.s32 $0x1BF5;
	[smem:$0x3FAC] =	sst s0  }
0x18: {  	s0 =	sld [smem:$0x3F8F];
	_ =	swait.ge [sflag:s4], $0x0  }
0x19: {  	s7 =	sld [smem:$0x3F90]  }
0x1a: {  	s8 =	sadd.s32 $0xFFFFE003, lr  }
0x1b: {  	s9 =	sadd.s32 $0xFFFFFEF7, lr;
	s5 =	simm.s32 $0xFFFFFFFF;
	p2 =	slt.u32 s8, $0xFFFFF086  }
0x1c: {  	p1 =	slt.u32 s9, $0xF7A;
	s5 =	simm.s32 @!p2 $0x0  }
0x1d: {  	s5 =	simm.s32 @p1 $0x1;
	p0 =	seq.s32 s7, s2  }
0x1e: {  	s7 =	smul.u32 @!p0 $0xF7A, s2;
	p2 =	seq.s32 @!p0 s5, $0x0  }
0x1f: {  	s9 =	smul.u32 $0xF7A, s1;
	s8 =	simm.s32 @!p0 $0x1BF5;
	p2 =	por !p2, p0  }
0x20: {  	[sflag:s8] =	ssyncset.s32 @!p0 $0xFFFFF086;
	s6 =	sadd.s32 @!p0 s3, s7;
	s7 =	simm.s32 @!p0 $0x108  }
0x21: {  	s3 =	sadd.s32 s3, s9;
	s6 =	sadd.s32 @!p0 $0x88, s6;
	s7 =	simm.s32 @p2 $0x1082  }
0x22: {  	[simem:s7], [sflag:s8] =	dma.local @!p0 [hbm:s6], $0xF7A  }
0x23: {  	s9 =	sor.u32 $0xD0000000, s2;
	s6 =	simm.s32 $0x108;
	_ =	swait.ge @!p0 [sflag:s8], $0x0  }
0x24: {  	s3 =	sadd.s32 $0x88, s3;
	s6 =	simm.s32 @!p1 $0x1082;
	[sflag:s4] =	ssyncset.s32 $0xFFFFF086  }
0x25: {  	[simem:s6], [sflag:s4] =	dma.local [hbm:s3], $0xF7A  }
0x26: {  	[smem:$0x3F90] =	sst s1;
	(tag) =	ssettag s2;
	_ =	strace s9  }
0x27: {  	s1 =	sld [smem:$0x3FA0]  }
0x28: {  	s2 =	sld [smem:$0x3FA1]  }
0x29: {  	s4 =	sld [smem:$0x3FA3]  }
0x2a: {  	p0 =	seq.s32 s5, $0x0;
	s5 =	sld [smem:$0x3FA4]  }
0x2b: {  	s6 =	sld [smem:$0x3FA5]  }
0x2c: {  	s7 =	sld [smem:$0x3FA6]  }
0x2d: {  	s3 =	simm.s32 $0x108;
	s8 =	sld [smem:$0x3FA7]  }
0x2e: {  	s3 =	simm.s32 @!p0 $0x1082;
	s9 =	sld [smem:$0x3FA8]  }
0x2f: {  	lr =	sadd.s32 s0, s3;
	s0 =	sld [smem:$0x3F9F]  }
0x30: {  	s3 =	sld [smem:$0x3FA2]  }
0x31: {  	[smem:$0x3FAB] =	sst s10  }
0x32: {  	s10 =	sld [smem:$0x3FA9];
	_ =	sdelay $0x3  }
0x33: {  	p0 =	seq.s32 s10, $0x1;
	s10 =	sld [smem:$0x3FAB];
	_ =	sdelay $0x3  }
0x34: {  	[smem:$0x3FAB] =	sst s10  }
0x35: {  	s10 =	sld [smem:$0x3FAA];
	_ =	sdelay $0x3  }
0x36: {  	p1 =	seq.s32 s10, $0x1;
	s10 =	sld [smem:$0x3FAB];
	_ =	sdelay $0x3  }
0x37: {  	[smem:$0x3FAB] =	sst s10  }
0x38: {  	s10 =	sld [smem:$0x3FAC]  }
0x39: {  	_ = 	snop;
	(pc) =	sbr.ind lr, $3  }
0x3a: {  	_ = 	snop  }
0x3b: {  	_ = 	snop  }
0x3c: {  	p2 =	seq.s32 s10, $0x1;
	s10 =	sld [smem:$0x3FAB]  }
0x3d: {  	_ =	shalt  }
0x3e: {  	_ =	shalt  }
0x3f: {  	_ =	shalt  }
0x40: {  	_ =	shalt  }
0x41: {  	_ =	shalt  }
0x42: {  	_ =	shalt  }
0x43: {  	_ =	shalt  }
0x44: {  	_ =	shalt  }
0x45: {  	_ =	shalt  }
0x46: {  	_ =	shalt  }
0x47: {  	_ =	shalt  }
0x48: {  	_ =	shalt  }
0x49: {  	_ =	shalt  }
0x4a: {  	_ =	shalt  }
0x4b: {  	_ =	shalt  }
0x4c: {  	_ =	shalt  }
0x4d: {  	_ =	shalt  }
0x4e: {  	_ =	shalt  }
0x4f: {  	_ =	shalt  }
0x50: {  	_ =	shalt  }
0x51: {  	_ =	shalt  }
0x52: {  	_ =	shalt  }
0x53: {  	_ =	shalt  }
0x54: {  	_ =	shalt  }
0x55: {  	_ =	shalt  }
0x56: {  	_ =	shalt  }
0x57: {  	_ =	shalt  }
0x58: {  	_ =	shalt  }
0x59: {  	_ =	shalt  }
0x5a: {  	_ =	shalt  }
0x5b: {  	_ =	shalt  }
0x5c: {  	_ =	shalt  }
0x5d: {  	_ =	shalt  }
0x5e: {  	_ =	shalt  }
0x5f: {  	_ =	shalt  }
0x60: {  	_ =	shalt  }
0x61: {  	_ =	shalt  }
0x62: {  	_ =	shalt  }
0x63: {  	_ =	shalt  }
0x64: {  	_ =	shalt  }
0x65: {  	_ =	shalt  }
0x66: {  	_ =	shalt  }
0x67: {  	_ =	shalt  }
0x68: {  	_ =	shalt  }
0x69: {  	_ =	shalt  }
0x6a: {  	_ =	shalt  }
0x6b: {  	_ =	shalt  }
0x6c: {  	_ =	shalt  }
0x6d: {  	_ =	shalt  }
0x6e: {  	_ =	shalt  }
0x6f: {  	_ =	shalt  }
0x70: {  	_ =	shalt  }
0x71: {  	_ =	shalt  }
0x72: {  	_ =	shalt  }
0x73: {  	_ =	shalt  }
0x74: {  	_ =	shalt  }
0x75: {  	_ =	shalt  }
0x76: {  	_ =	shalt  }
0x77: {  	_ =	shalt  }
0x78: {  	_ =	shalt  }
0x79: {  	_ =	shalt  }
0x7a: {  	_ =	shalt  }
0x7b: {  	_ =	shalt  }
0x7c: {  	_ =	shalt  }
0x7d: {  	_ =	shalt  }
0x7e: {  	_ =	shalt  }
0x7f: {  	_ =	shalt  }
0x80: {  	_ =	shalt  }
0x81: {  	_ =	shalt  }
0x82: {  	_ =	shalt  }
0x83: {  	_ =	shalt  }
0x84: {  	_ =	shalt  }
0x85: {  	_ =	shalt  }
0x86: {  	_ =	shalt  }
0x87: {  	_ =	shalt  }
.Lfunc_end0:
.L_simem_size_0:
called_computation.4_lowered:
.L_overlay_start_0:
0x88: {  	s2 =	sld [smem:$0x3FD9]  }
0x89: {  	s3 =	sld [smem:$0x3FFE];
	_ =	sdelay $0x1  }
0x8a: {  	s1 =	srdreg.scid  }
0x8b: {  	s0 =	sand.u32 $0x1, s1  }
0x8c: {  	s16 =	sshll.u32 s0, $0xA;
	s2 =	sadd.s32 s3, s2  }
0x8d: {  	s2 =	sadd.s32 s2, s16  }
0x8e: {  	[smem:$0x3FB7] =	sst s2  }
0x8f: {  	_ = 	snop  }
0x90: {  	(tm) =	ssettm $0x1  }
0x91: {  	s17 =	sld [smem:$0x3FFB];
	_ =	sdelay $0x3  }
0x92: {  	_ =	strace s17  }
0x93: {  	s2 =	sld [smem:$0x3FFC];
	_ =	sdelay $0x3  }
0x94: {  	_ =	strace s2  }
0x95: {  	s2 =	sld [smem:$0x3FFD];
	_ =	sdelay $0x3  }
0x96: {  	_ =	strace s2  }
0x97: {  	_ =	strace $0x8FFFFFFF  }
0x98: {  	s18 =	sld [smem:$0x3FDB];
	_ =	sdelay $0x1  }
0x99: {  	s19 =	simm.s32 $_scs_section_size  }
0x9a: {  	s4 =	simm.s32 $_size__tile_overlayer_lowered;
	s5 =	simm.s32 $_tile_overlayer_lowered  }
0x9b: {  	s22 =	simm.s32 $0x1BFF;
	s21 =	sshll.u32 s5, $0x1;
	s2 =	sadd.s32 s19, s18  }
0x9c: {  	s6 =	simm.s32 $0x0;
	s20 =	sshll.u32 s4, $0x1;
	s4 =	sadd.s32 s21, s2  }
0x9d: {  	[timem:s6], [sflag:s22] =	dma.local [hbm:s4], s20  }
0x9e: {  	_ =	swait.ge [sflag:s22], s20  }
0x9f: {  	s3 =	ssub.s32 $0x0, s20;
	[sflag:s22] =	ssyncset.done $0x0  }
0xa0: {  	[sflag:s22] =	ssyncadd.s32 s3;
	_ =	sdelay $0x1  }
0xa1: {  	s23 =	simm.s32 $0x1B8B  }
0xa2: {  	_ =	swait.ge [sflag:s23], $0x1  }
0xa3: {  	[sflag:s23] =	ssyncset.done $0x0  }
0xa4: {  	s25 =	simm.s32 $0x1B8E;
	s24 =	sld [smem:$0x3FFE];
	[sflag:s23] =	ssyncadd.s32 $0xFFFFFFFF  }
0xa5: {  	s26 =	simm.s32 $execute0_lowered;
	[smem:$0x3FD2] =	sst s25  }
0xa6: {  	s4 =	sshll.u32 s26, $0x1;
	_ =	strace $0x80000052;
	[dreg:$0x1] =	wrdreg $0xFFFFFFFF  }
0xa7: {  	s28 =	simm.s32 $_size_execute0_lowered;
	s2 =	sadd.s32 s2, s4;
	[dreg:$0x0] =	wrdreg $0x0  }
0xa8: {  	s4 =	sshll.u32 s28, $0x1;
	[dreg:$0x2] =	wrdreg s2  }
0xa9: {  	[dreg:$0x3] =	wrdreg s4  }
0xaa: {  	[dreg:$0x4] =	wrdreg $0xC0  }
0xab: {  	_ =	task [dreg:s6], $0x5FFFF  }
0xac: {  	[dreg:$0x1] =	wrdreg $0xFFFFFFFF  }
0xad: {  	[dreg:$0x0] =	wrdreg $0x60  }
0xae: {  	[dreg:$0x2] =	wrdreg s24  }
0xaf: {  	[dreg:$0x3] =	wrdreg $0x8800  }
0xb0: {  	[dreg:$0x4] =	wrdreg $0x9  }
0xb1: {  	_ =	task.clear_ibuf [dreg:s6], $0x5FFFF;
	_ =	strace $0x90000052  }
0xb2: {  	s29 =	simm.s32 $0x9;
	_ =	strace $0x80000054  }
0xb3: {  	_ =	swait.ge [sflag:s29], $0x1  }
0xb4: {  	[sflag:s29] =	ssyncadd.s32 $0xFFFFFFFF  }
0xb5: {  	_ =	strace $0x90000054  }
0xb6: {  	_ =	sfence  }
0xb7: {  	s30 =	sld [smem:$0x0];
	_ =	sdelay $0x2  }
0xb8: {  	s31 =	sshll.u32 s1, $0xD;
	s1 =	sshrl.u32 s1, $0x2  }
0xb9: {  	s3 =	sand.u32 $0x4000, s31;
	s1 =	sadd.s32 s1, s30  }
0xba: {  	s0 =	sor.u32 s3, s0;
	s1 =	sshll.u32 s1, $0x11  }
0xbb: {  	s0 =	sor.u32 s1, s0  }
0xbc: {  	s0 =	sadd.s32 $0x8F2B, s0  }
0xbd: {  	[sflag:s0] =	ssyncadd.remote.s32 $0x1  }
0xbe: {  	_ =	sfence.sel $0xFFFF  }
0xbf: {  	[dreg:$0x0] =	wrdreg $0xFFFFFFFF;
	(pc) =	sbr.abs _section_cstart, $3  }
0xc0: {  	[dreg:$0x1] =	wrdreg $0xFFFFFFFF  }
0xc1: {  	_ =	task.clear_ibuf [dreg:s6], $0x2FFFF;
	_ =	strace $0x9FFFFFFF  }
0xc2: {  	(tm) =	ssettm $0x7FFFFFFF  }
0xc3: {  	_ =	shalt  }
tec
execute0_lowered:
.L_overlay_start_1:
0x0: {  	(tag) =	ssettag $0x1  }
0x1: {  	s4 =	rddreg [dreg:$0x0]  }
0x2: {  	s1 =	rddreg [dreg:$0x1]  }
0x3: {  	s0 =	rddreg [dreg:$0x2]  }
0x4: {  	s2 =	simm.s32 $0x0;
	s7 =	stileid.u32;
	s3 =	srdreg.scid  }
0x5: {  	[smem:$0x7FF] =	sst s2;
	s5 =	sshll.u32 s7, $0x9;
	s8 =	sand.u32 $0x1, s3  }
0x6: {  	s3 =	sadd.s32 $0x288600, s4;
	s6 =	sshll.u32 s7, $0x5;
	p0 =	sne.s32 s7, $0x0  }
0x7: {  	_ =	strace $0x80000053;
	s9 =	sadd.s32 s5, s4;
	s28 =	smul.u32 $0x5000, s8  }
0x8: {  	s10 =	ssub.s32 $0x2, s8;
	s11 =	sadd.s32 s6, s4;
	s31 =	sshll.u32 s8, $0x8  }
0x9: {  	s8 =	sshll.u32 s8, $0x4;
	s29 =	sshrl.u32 s10, $0x1;
	s9 =	sadd.s32 s31, s9  }
0xa: {  	s8 =	sadd.s32 s8, s11;
	s5 =	sadd.s32 s28, s4;
	s30 =	ssub.s32 s10, s29  }
0xb: {  	s4 =	sshll.u32 s7, $0x1;
	s7 =	sadd.s32 $0x391800, s9;
	s8 =	sadd.s32 $0x283600, s8  }
0xc: {  	s9 =	sshrl.u32 @!p0 s1, $0x3;
	s5 =	sadd.s32 $0x28D600, s5;
	s6 =	smax.u32 s30, $0x1  }
.LBB2_1:
0xd: {  	s10 =	simm.s32 @!p0 $0x1C01  }
0xe: {  	[spmem:s9], [sflag:s10] =	dma.local @!p0 [hbm:s3], $0x5000  }
0xf: {  	s10 =	simm.s32 @!p0 $0x1  }
0x10: {  	_ =	swait.ge @!p0 [sflag:s10], $0x5000  }
0x11: {  	s11 =	sadd.s32 $0x0, s4;
	[sflag:s10] =	ssyncset.done @!p0 $0x0  }
0x12: {  	p1 =	sgt.u32 s11, $0x4E1;
	[sflag:s10] =	ssyncadd.s32 @!p0 $0xFFFFB000  }
0x13: {  	s12 =	simm.s32 @!p1 $0x2;
	s10 =	simm.s32 @!p1 $0x0;
	[bflag:$0x0] =	sbarrier.arrive $0xFFFF  }
0x14: {  	[tilespmem:s10], [sflag:$0x2] =	stream.linear.gather @!p1 [hbm4b:s8+s10], $0x80, $0x38;
	[tilespmem:$0x3080] =	vst v63  }
0x15: {  	_ =	swait.ge @!p1 [sflag:s12], $0x80  }
0x16: {  	[sflag:s12] =	ssyncset.done @!p1 $0x0;
	p1 =	por p1, p1  }
0x17: {  	[sflag:s12] =	ssyncadd.s32 @!p1 $0xFFFFFF80;
	s14 =	simm.s32 @!p1 $0x80  }
0x18: {  	[tilespmem:s14], [sflag:$0x2] =	stream.linear.gather @!p1 [hbm4b:s7+s10], $0x800, $0x38;
	[tilespmem:$0x3080] =	vst v63  }
0x19: {  	_ =	swait.ge @!p1 [sflag:s12], $0x800  }
0x1a: {  	[sflag:s12] =	ssyncset.done @!p1 $0x0  }
0x1b: {  	s31 =	sadd.s32 $0x20, s4;
	s13 =	simm.s32 @!p1 $0x1;
	[sflag:s12] =	ssyncadd.s32 @!p1 $0xFFFFF800  }
0x1c: {  	[spmem:s1] =	stream.indirect.scatter.add.f32 @!p1 [tilespmem:s14], [sflag:$0x1], $0x10, s10, s14, $0xb8;
	[tilespmem:$0x3080] =	vst v63  }
0x1d: {  	s11 =	simm.s32 $0x40;
	p2 =	sgt.u32 s31, $0x4E1;
	_ =	swait.ge @!p1 [sflag:s13], $0x800  }
0x1e: {  	s12 =	sadd.s32 $0x200, s8;
	s10 =	sadd.s32 $0x2000, s7;
	[sflag:s13] =	ssyncset.done @!p1 $0x0  }
.LBB2_2:
0x1f: {  	s14 =	simm.s32 @!p2 $0x0;
	s15 =	simm.s32 @!p2 $0x2;
	[sflag:s13] =	ssyncadd.s32 @!p1 $0xFFFFF800  }
0x20: {  	[tilespmem:s14], [sflag:$0x2] =	stream.linear.gather @!p2 [hbm4b:s12+s14], $0x80, $0x38;
	[tilespmem:$0x3080] =	vst v63  }
0x21: {  	s16 =	smov.u32 s11;
	s11 =	sadd.s32 $0x20, s11;
	_ =	swait.ge @!p2 [sflag:s15], $0x80  }
0x22: {  	p1 =	por p2, p2;
	p3 =	sne.s32 s11, $0x500;
	[sflag:s15] =	ssyncset.done @!p2 $0x0  }
0x23: {  	s17 =	simm.s32 @!p1 $0x80;
	[sflag:s15] =	ssyncadd.s32 @!p1 $0xFFFFFF80  }
0x24: {  	[tilespmem:s17], [sflag:$0x2] =	stream.linear.gather @!p1 [hbm4b:s10+s14], $0x800, $0x38;
	[tilespmem:$0x3080] =	vst v63  }
0x25: {  	_ =	swait.ge @!p1 [sflag:s15], $0x800  }
.Ltmp0:
0x26: {  	[sflag:s15] =	ssyncset.done @!p1 $0x0;
	(pc) =	sbr.rel @p3 .LBB2_2-.Ltmp0, $4  }
0x27: {  	s13 =	simm.s32 @!p1 $0x1;
	[sflag:s15] =	ssyncadd.s32 @!p1 $0xFFFFF800  }
0x28: {  	[spmem:s1] =	stream.indirect.scatter.add.f32 @!p1 [tilespmem:s17], [sflag:$0x1], $0x10, s14, s17, $0xb8;
	[tilespmem:$0x3080] =	vst v63  }
0x29: {  	s12 =	sadd.s32 $0x200, s12;
	s14 =	sadd.s32 s16, s4;
	_ =	swait.ge @!p1 [sflag:s13], $0x800  }
0x2a: {  	s10 =	sadd.s32 $0x2000, s10;
	p2 =	sgt.u32 s14, $0x4E1;
	[sflag:s13] =	ssyncset.done @!p1 $0x0  }
0x2b: {  	s11 =	simm.s32 @!p2 $0x0;
	s14 =	simm.s32 @!p2 $0x2;
	[sflag:s13] =	ssyncadd.s32 @!p1 $0xFFFFF800  }
0x2c: {  	[tilespmem:s11], [sflag:$0x2] =	stream.linear.gather @!p2 [hbm4b:s12+s11], $0x80, $0x38;
	[tilespmem:$0x3080] =	vst v63  }
0x2d: {  	_ =	swait.ge @!p2 [sflag:s14], $0x80  }
0x2e: {  	p1 =	por p2, p2;
	[sflag:s14] =	ssyncset.done @!p2 $0x0  }
0x2f: {  	s12 =	simm.s32 @!p1 $0x80;
	[sflag:s14] =	ssyncadd.s32 @!p1 $0xFFFFFF80  }
0x30: {  	[tilespmem:s12], [sflag:$0x2] =	stream.linear.gather @!p1 [hbm4b:s10+s11], $0x800, $0x38;
	[tilespmem:$0x3080] =	vst v63  }
0x31: {  	_ =	swait.ge @!p1 [sflag:s14], $0x800  }
0x32: {  	[sflag:s14] =	ssyncset.done @!p1 $0x0  }
0x33: {  	s10 =	simm.s32 @!p1 $0x1;
	[sflag:s14] =	ssyncadd.s32 @!p1 $0xFFFFF800  }
0x34: {  	[spmem:s1] =	stream.indirect.scatter.add.f32 @!p1 [tilespmem:s12], [sflag:$0x1], $0x10, s11, s12, $0xb8;
	[tilespmem:$0x3080] =	vst v63  }
0x35: {  	_ =	swait.ge @!p1 [sflag:s10], $0x800  }
0x36: {  	[sflag:s10] =	ssyncset.done @!p1 $0x0  }
0x37: {  	s2 =	sadd.s32 $0x1, s2;
	[sflag:s10] =	ssyncadd.s32 @!p1 $0xFFFFF800  }
0x38: {  	s10 =	simm.s32 @!p0 $0x1C01;
	p1 =	sne.s32 s2, s6;
	[bflag:$0x0] =	sbarrier.arrive $0xFFFF  }
0x39: {  	[hbm:s5], [sflag:s10] =	dma.local @!p0 [spmem:s9], $0x5000  }
.Ltmp1:
0x3a: {  	_ = 	snop;
	(pc) =	sbr.rel @p1 .LBB2_1-.Ltmp1, $4  }
0x3b: {  	s10 =	simm.s32 @!p0 $0x1  }
0x3c: {  	_ =	swait.ge @!p0 [sflag:s10], $0x5000  }
0x3d: {  	[sflag:s10] =	ssyncset.done @!p0 $0x0  }
0x3e: {  	[sflag:s10] =	ssyncadd.s32 @!p0 $0xFFFFB000  }
0x3f: {  	_ =	sfence.sel $0x180000  }
0x40: {  	[bflag:$0x0] =	sbarrier.arrive $0xFFFF  }
0x41: {  	_ =	strace $0x90000053  }
0x42: {  	s0 =	sadd.s32 @!p0 $0x100000, s0;
	[bflag:$0x2] =	sbarrier.arrive $0xFFFF  }
0x43: {  	[sflag:s0] =	ssyncadd.tile.s32 @!p0 $0x1;
	_ =	shalt  }
.Lfunc_end2:
_tile_overlayer_lowered:
.L_overlay_start_2:
0x44: {  	(tag) =	ssettag $0x2  }
0x45: {  	s0 =	rddreg [dreg:$0x0];
	s2 =	stileid.u32  }
0x46: {  	s1 =	rddreg [dreg:$0x1];
	p0 =	sne.s32 s2, $0x0  }
0x47: {  	s3 =	rddreg [dreg:$0x2];
	[bflag:$0x3] =	sbarrier.arrive $0xFFFF;
	s2 =	simm.s32 @!p0 $0x1C01  }
0x48: {  	[timem:s3], [sflag:s2] =	dma.local @!p0 [hbm:s0], s1  }
0x49: {  	s0 =	simm.s32 @!p0 $0x1  }
0x4a: {  	_ =	swait.ge @!p0 [sflag:s0], s1  }
0x4b: {  	s1 =	ssub.s32 @!p0 $0x0, s1;
	[sflag:s0] =	ssyncset.done @!p0 $0x0  }
0x4c: {  	[sflag:s0] =	ssyncadd.s32 @!p0 s1  }
0x4d: {  	[bflag:$0x3] =	sbarrier.arrive $0xFFFF  }
0x4e: {  	_ =	shalt  }

// kernel: kernel.45.cloned.1.call-start
scs
__scs_entry_jumppad:
0x0: {  	(pc) =	sbr.rel $0x88, $3  }
0x1: {  	(tag) =	ssettag $0x0;
	lr =	simm.s32 $0x1  }
0x2: {  	[smem:$0x3F90] =	sst lr;
	_ =	strace $0xD0000000  }
0x3: {  	_ = 	snop  }
0x4: {  	_ = 	snop  }
0x5: {  	_ = 	snop  }
0x6: {  	_ = 	snop  }
0x7: {  	_ = 	snop  }
__scs_overlays_trampoline_lowered:
0x8: {  	[smem:$0x3F9F] =	sst s0  }
0x9: {  	[smem:$0x3FA0] =	sst s1  }
0xa: {  	[smem:$0x3FA1] =	sst s2  }
0xb: {  	[smem:$0x3FA2] =	sst s3  }
0xc: {  	[smem:$0x3FA3] =	sst s4  }
0xd: {  	[smem:$0x3FA4] =	sst s5  }
0xe: {  	[smem:$0x3FA5] =	sst s6  }
0xf: {  	[smem:$0x3FA6] =	sst s7  }
0x10: {  	[smem:$0x3FA7] =	sst s8  }
0x11: {  	[smem:$0x3FA8] =	sst s9;
	s0 =	simm.s32 @!p0 $0x0  }
0x12: {  	s1 =	sld [smem:$0x3F8E];
	s0 =	simm.s32 @p0 $0x1  }
0x13: {  	[smem:$0x3FA9] =	sst s0;
	s0 =	simm.s32 @!p1 $0x0  }
0x14: {  	s2 =	sld [smem:$0x3F8D];
	s0 =	simm.s32 @p1 $0x1  }
0x15: {  	[smem:$0x3FAA] =	sst s0;
	s0 =	simm.s32 @!p2 $0x0  }
0x16: {  	s3 =	sld [smem:$0x3FDB];
	s0 =	simm.s32 @p2 $0x1  }
0x17: {  	s4 =	simm.s32 $0x1BF5;
	[smem:$0x3FAC] =	sst s0  }
0x18: {  	s0 =	sld [smem:$0x3F8F];
	_ =	swait.ge [sflag:s4], $0x0  }
0x19: {  	s7 =	sld [smem:$0x3F90]  }
0x1a: {  	s8 =	sadd.s32 $0xFFFFE003, lr  }
0x1b: {  	s9 =	sadd.s32 $0xFFFFFEF7, lr;
	s5 =	simm.s32 $0xFFFFFFFF;
	p2 =	slt.u32 s8, $0xFFFFF086  }
0x1c: {  	p1 =	slt.u32 s9, $0xF7A;
	s5 =	simm.s32 @!p2 $0x0  }
0x1d: {  	s5 =	simm.s32 @p1 $0x1;
	p0 =	seq.s32 s7, s2  }
0x1e: {  	s7 =	smul.u32 @!p0 $0xF7A, s2;
	p2 =	seq.s32 @!p0 s5, $0x0  }
0x1f: {  	s9 =	smul.u32 $0xF7A, s1;
	s8 =	simm.s32 @!p0 $0x1BF5;
	p2 =	por !p2, p0  }
0x20: {  	[sflag:s8] =	ssyncset.s32 @!p0 $0xFFFFF086;
	s6 =	sadd.s32 @!p0 s3, s7;
	s7 =	simm.s32 @!p0 $0x108  }
0x21: {  	s3 =	sadd.s32 s3, s9;
	s6 =	sadd.s32 @!p0 $0x88, s6;
	s7 =	simm.s32 @p2 $0x1082  }
0x22: {  	[simem:s7], [sflag:s8] =	dma.local @!p0 [hbm:s6], $0xF7A  }
0x23: {  	s9 =	sor.u32 $0xD0000000, s2;
	s6 =	simm.s32 $0x108;
	_ =	swait.ge @!p0 [sflag:s8], $0x0  }
0x24: {  	s3 =	sadd.s32 $0x88, s3;
	s6 =	simm.s32 @!p1 $0x1082;
	[sflag:s4] =	ssyncset.s32 $0xFFFFF086  }
0x25: {  	[simem:s6], [sflag:s4] =	dma.local [hbm:s3], $0xF7A  }
0x26: {  	[smem:$0x3F90] =	sst s1;
	(tag) =	ssettag s2;
	_ =	strace s9  }
0x27: {  	s1 =	sld [smem:$0x3FA0]  }
0x28: {  	s2 =	sld [smem:$0x3FA1]  }
0x29: {  	s4 =	sld [smem:$0x3FA3]  }
0x2a: {  	p0 =	seq.s32 s5, $0x0;
	s5 =	sld [smem:$0x3FA4]  }
0x2b: {  	s6 =	sld [smem:$0x3FA5]  }
0x2c: {  	s7 =	sld [smem:$0x3FA6]  }
0x2d: {  	s3 =	simm.s32 $0x108;
	s8 =	sld [smem:$0x3FA7]  }
0x2e: {  	s3 =	simm.s32 @!p0 $0x1082;
	s9 =	sld [smem:$0x3FA8]  }
0x2f: {  	lr =	sadd.s32 s0, s3;
	s0 =	sld [smem:$0x3F9F]  }
0x30: {  	s3 =	sld [smem:$0x3FA2]  }
0x31: {  	[smem:$0x3FAB] =	sst s10  }
0x32: {  	s10 =	sld [smem:$0x3FA9];
	_ =	sdelay $0x3  }
0x33: {  	p0 =	seq.s32 s10, $0x1;
	s10 =	sld [smem:$0x3FAB];
	_ =	sdelay $0x3  }
0x34: {  	[smem:$0x3FAB] =	sst s10  }
0x35: {  	s10 =	sld [smem:$0x3FAA];
	_ =	sdelay $0x3  }
0x36: {  	p1 =	seq.s32 s10, $0x1;
	s10 =	sld [smem:$0x3FAB];
	_ =	sdelay $0x3  }
0x37: {  	[smem:$0x3FAB] =	sst s10  }
0x38: {  	s10 =	sld [smem:$0x3FAC]  }
0x39: {  	_ = 	snop;
	(pc) =	sbr.ind lr, $3  }
0x3a: {  	_ = 	snop  }
0x3b: {  	_ = 	snop  }
0x3c: {  	p2 =	seq.s32 s10, $0x1;
	s10 =	sld [smem:$0x3FAB]  }
0x3d: {  	_ =	shalt  }
0x3e: {  	_ =	shalt  }
0x3f: {  	_ =	shalt  }
0x40: {  	_ =	shalt  }
0x41: {  	_ =	shalt  }
0x42: {  	_ =	shalt  }
0x43: {  	_ =	shalt  }
0x44: {  	_ =	shalt  }
0x45: {  	_ =	shalt  }
0x46: {  	_ =	shalt  }
0x47: {  	_ =	shalt  }
0x48: {  	_ =	shalt  }
0x49: {  	_ =	shalt  }
0x4a: {  	_ =	shalt  }
0x4b: {  	_ =	shalt  }
0x4c: {  	_ =	shalt  }
0x4d: {  	_ =	shalt  }
0x4e: {  	_ =	shalt  }
0x4f: {  	_ =	shalt  }
0x50: {  	_ =	shalt  }
0x51: {  	_ =	shalt  }
0x52: {  	_ =	shalt  }
0x53: {  	_ =	shalt  }
0x54: {  	_ =	shalt  }
0x55: {  	_ =	shalt  }
0x56: {  	_ =	shalt  }
0x57: {  	_ =	shalt  }
0x58: {  	_ =	shalt  }
0x59: {  	_ =	shalt  }
0x5a: {  	_ =	shalt  }
0x5b: {  	_ =	shalt  }
0x5c: {  	_ =	shalt  }
0x5d: {  	_ =	shalt  }
0x5e: {  	_ =	shalt  }
0x5f: {  	_ =	shalt  }
0x60: {  	_ =	shalt  }
0x61: {  	_ =	shalt  }
0x62: {  	_ =	shalt  }
0x63: {  	_ =	shalt  }
0x64: {  	_ =	shalt  }
0x65: {  	_ =	shalt  }
0x66: {  	_ =	shalt  }
0x67: {  	_ =	shalt  }
0x68: {  	_ =	shalt  }
0x69: {  	_ =	shalt  }
0x6a: {  	_ =	shalt  }
0x6b: {  	_ =	shalt  }
0x6c: {  	_ =	shalt  }
0x6d: {  	_ =	shalt  }
0x6e: {  	_ =	shalt  }
0x6f: {  	_ =	shalt  }
0x70: {  	_ =	shalt  }
0x71: {  	_ =	shalt  }
0x72: {  	_ =	shalt  }
0x73: {  	_ =	shalt  }
0x74: {  	_ =	shalt  }
0x75: {  	_ =	shalt  }
0x76: {  	_ =	shalt  }
0x77: {  	_ =	shalt  }
0x78: {  	_ =	shalt  }
0x79: {  	_ =	shalt  }
0x7a: {  	_ =	shalt  }
0x7b: {  	_ =	shalt  }
0x7c: {  	_ =	shalt  }
0x7d: {  	_ =	shalt  }
0x7e: {  	_ =	shalt  }
0x7f: {  	_ =	shalt  }
0x80: {  	_ =	shalt  }
0x81: {  	_ =	shalt  }
0x82: {  	_ =	shalt  }
0x83: {  	_ =	shalt  }
0x84: {  	_ =	shalt  }
0x85: {  	_ =	shalt  }
0x86: {  	_ =	shalt  }
0x87: {  	_ =	shalt  }
.Lfunc_end0:
.L_simem_size_0:
called_computation.5_lowered:
.L_overlay_start_0:
0x88: {  	s2 =	sld [smem:$0x3FD9]  }
0x89: {  	s3 =	sld [smem:$0x3FFE];
	_ =	sdelay $0x1  }
0x8a: {  	s1 =	srdreg.scid  }
0x8b: {  	s0 =	sand.u32 $0x1, s1  }
0x8c: {  	s16 =	sshll.u32 s0, $0xA;
	s2 =	sadd.s32 s3, s2  }
0x8d: {  	s2 =	sadd.s32 s2, s16  }
0x8e: {  	[smem:$0x3FB7] =	sst s2  }
0x8f: {  	_ = 	snop  }
0x90: {  	(tm) =	ssettm $0x1  }
0x91: {  	s17 =	sld [smem:$0x3FFB];
	_ =	sdelay $0x3  }
0x92: {  	_ =	strace s17  }
0x93: {  	s2 =	sld [smem:$0x3FFC];
	_ =	sdelay $0x3  }
0x94: {  	_ =	strace s2  }
0x95: {  	s2 =	sld [smem:$0x3FFD];
	_ =	sdelay $0x3  }
0x96: {  	_ =	strace s2  }
0x97: {  	_ =	strace $0x8FFFFFFF  }
0x98: {  	s18 =	sld [smem:$0x3FDB];
	_ =	sdelay $0x1  }
0x99: {  	s19 =	simm.s32 $_scs_section_size  }
0x9a: {  	s4 =	simm.s32 $_size__tile_overlayer_lowered;
	s5 =	simm.s32 $_tile_overlayer_lowered  }
0x9b: {  	s22 =	simm.s32 $0x1BFF;
	s21 =	sshll.u32 s5, $0x1;
	s2 =	sadd.s32 s19, s18  }
0x9c: {  	s6 =	simm.s32 $0x0;
	s20 =	sshll.u32 s4, $0x1;
	s4 =	sadd.s32 s21, s2  }
0x9d: {  	[timem:s6], [sflag:s22] =	dma.local [hbm:s4], s20  }
0x9e: {  	_ =	swait.ge [sflag:s22], s20  }
0x9f: {  	s3 =	ssub.s32 $0x0, s20;
	[sflag:s22] =	ssyncset.done $0x0  }
0xa0: {  	[sflag:s22] =	ssyncadd.s32 s3;
	_ =	sdelay $0x1  }
0xa1: {  	s23 =	simm.s32 $0x1B8B  }
0xa2: {  	_ =	swait.ge [sflag:s23], $0x1  }
0xa3: {  	[sflag:s23] =	ssyncset.done $0x0  }
0xa4: {  	s25 =	simm.s32 $0x1B8E;
	s24 =	sld [smem:$0x3FFE];
	[sflag:s23] =	ssyncadd.s32 $0xFFFFFFFF  }
0xa5: {  	s26 =	simm.s32 $execute0_lowered;
	[smem:$0x3FD2] =	sst s25  }
0xa6: {  	s4 =	sshll.u32 s26, $0x1;
	_ =	strace $0x80000055;
	[dreg:$0x1] =	wrdreg $0xFFFFFFFF  }
0xa7: {  	s28 =	simm.s32 $_size_execute0_lowered;
	s2 =	sadd.s32 s2, s4;
	[dreg:$0x0] =	wrdreg $0x0  }
0xa8: {  	s4 =	sshll.u32 s28, $0x1;
	[dreg:$0x2] =	wrdreg s2  }
0xa9: {  	[dreg:$0x3] =	wrdreg s4  }
0xaa: {  	[dreg:$0x4] =	wrdreg $0xC0  }
0xab: {  	_ =	task [dreg:s6], $0x5FFFF  }
0xac: {  	[dreg:$0x1] =	wrdreg $0xFFFFFFFF  }
0xad: {  	[dreg:$0x0] =	wrdreg $0x60  }
0xae: {  	[dreg:$0x2] =	wrdreg s24  }
0xaf: {  	[dreg:$0x3] =	wrdreg $0x9  }
0xb0: {  	_ =	task.clear_ibuf [dreg:s6], $0x4FFFF;
	_ =	strace $0x90000055  }
0xb1: {  	s29 =	simm.s32 $0x9;
	_ =	strace $0x80000057  }
0xb2: {  	_ =	swait.ge [sflag:s29], $0x1  }
0xb3: {  	[sflag:s29] =	ssyncadd.s32 $0xFFFFFFFF  }
0xb4: {  	_ =	strace $0x90000057  }
0xb5: {  	_ =	sfence  }
0xb6: {  	s30 =	sld [smem:$0x0];
	_ =	sdelay $0x2  }
0xb7: {  	s31 =	sshll.u32 s1, $0xD;
	s1 =	sshrl.u32 s1, $0x2  }
0xb8: {  	s3 =	sand.u32 $0x4000, s31;
	s1 =	sadd.s32 s1, s30  }
0xb9: {  	s0 =	sor.u32 s3, s0;
	s1 =	sshll.u32 s1, $0x11  }
0xba: {  	s0 =	sor.u32 s1, s0  }
0xbb: {  	s0 =	sadd.s32 $0x8F2B, s0  }
0xbc: {  	[sflag:s0] =	ssyncadd.remote.s32 $0x1  }
0xbd: {  	_ =	sfence.sel $0xFFFF  }
0xbe: {  	[dreg:$0x0] =	wrdreg $0xFFFFFFFF;
	(pc) =	sbr.abs _section_cstart, $3  }
0xbf: {  	[dreg:$0x1] =	wrdreg $0xFFFFFFFF  }
0xc0: {  	_ =	task.clear_ibuf [dreg:s6], $0x2FFFF;
	_ =	strace $0x9FFFFFFF  }
0xc1: {  	(tm) =	ssettm $0x7FFFFFFF  }
tec
execute0_lowered:
.L_overlay_start_1:
0x0: {  	(tag) =	ssettag $0x1  }
0x1: {  	s0 =	rddreg [dreg:$0x0];
	s2 =	simm.s32 $0x0  }
0x2: {  	s9 =	stileid.u32;
	s1 =	srdreg.scid;
	s11 =	simm.s32 $0x4  }
0x3: {  	s13 =	simm.s32 $0x100;
	s30 =	simm.s32 $0x8100;
	s10 =	simm.s32 $0xB900  }
0x4: {  	s12 =	simm.s32 $0xC100;
	s14 =	simm.s32 $0xC900;
	s15 =	simm.s32 $0xD100  }
0x5: {  	s16 =	simm.s32 $0xD900;
	s17 =	simm.s32 $0xE100;
	s18 =	simm.s32 $0xE900  }
0x6: {  	s19 =	simm.s32 $0xF100;
	s20 =	simm.s32 $0xF900;
	s21 =	simm.s32 $0x1  }
0x7: {  	s22 =	simm.s32 $0x2;
	s23 =	simm.s32 $0x3;
	[smem:$0x7FF] =	sst s2  }
0x8: {  	s31 =	simm.s32 $0x80;
	s3 =	sadd.s32 $0x391800, s0;
	s4 =	sadd.s32 $0x431800, s0  }
0x9: {  	s5 =	sshll.u32 s9, $0x5;
	s1 =	sand.u32 $0x1, s1;
	s6 =	sshll.u32 s9, $0xD  }
0xa: {  	s26 =	sshll.u32 s9, $0x1;
	s9 =	simm.s32 $0xB100;
	_ =	strace $0x80000056  }
0xb: {  	s5 =	sadd.s32 s5, s0;
	s7 =	ssub.s32 $0x2, s1;
	s0 =	sadd.s32 s6, s0  }
0xc: {  	s8 =	sshll.u32 s1, $0x4;
	s1 =	sshll.u32 s1, $0xC;
	[dreg:$0x2] =	wrdreg s26  }
0xd: {  	s25 =	sshrl.u32 s7, $0x1;
	s5 =	sadd.s32 s8, s5;
	s0 =	sadd.s32 s1, s0  }
.Ltmp0:
0xe: {  	s1 =	simm.s32 $0x9900;
	s6 =	sadd.s32 $0x283600, s5;
	(pc) =	sbr.rel .LBB2_1-.Ltmp0, $4  }
0xf: {  	s7 =	ssub.s32 s7, s25;
	s8 =	sadd.s32 $0x27E600, s5;
	s29 =	sadd.s32 $0x963800, s0  }
0x10: {  	v2 =	vlaneseq.u32;
	s0 =	sadd.s32 $0x481800, s0;
	s5 =	simm.s32 $0xA100;
	[dreg:$0x4] =	wrdreg s29  }
0x11: {  	vm0 =	vmmov $0xffff;
	v1 =	vshrl.u32 v2, $0x3;
	s25 =	simm.s32 $0x0;
	s28 =	smax.u32 s7, $0x1;
	[dreg:$0x5] =	wrdreg s0  }
0x12: {  	v0 =	vand.u32 $0x7, v2;
	v2 =	vor.u32 $0x8, v2;
	v1 =	vmul.u32 $0x8, v1;
	s0 =	simm.s32 $0x9100;
	s7 =	simm.s32 $0xA900;
	[dreg:$0x3] =	wrdreg s28  }
.LBB2_5:
0x13: {  	s25 =	rddreg [dreg:$0x6]  }
0x14: {  	s24 =	rddreg [dreg:$0x3];
	s25 =	sadd.s32 $0x1, s25  }
0x15: {  	p0 =	sne.s32 s25, s24  }
.Ltmp1:
0x16: {  	_ = 	snop;
	(pc) =	sbr.rel @!p0 .LBB2_6-.Ltmp1, $1  }
0x17: {  	_ =	sdelay $0x3  }
.LBB2_1:
.Ltmp2:
0x18: {  	(pc) =	sbr.rel .LBB2_2-.Ltmp2, $4  }
0x19: {  	[dreg:$0x6] =	wrdreg s25  }
0x1a: {  	s24 =	rddreg [dreg:$0x2]  }
0x1b: {  	s25 =	rddreg [dreg:$0x5]  }
0x1c: {  	s26 =	rddreg [dreg:$0x4];
	s28 =	simm.s32 $0x0  }
.LBB2_4:
0x1d: {  	s28 =	sadd.s32 $0x200, s28  }
0x1e: {  	p0 =	sne.s32 s28, $0x5000  }
.Ltmp3:
0x1f: {  	_ = 	snop;
	(pc) =	sbr.rel @!p0 .LBB2_5-.Ltmp3, $2  }
0x20: {  	_ =	sdelay $0x2  }
0x21: {  	s26 =	sadd.s32 $0x20000, s26;
	s25 =	sadd.s32 $0x20000, s25;
	s24 =	sadd.s32 $0x20, s24  }
.LBB2_2:
0x22: {  	p0 =	sgt.u32 s24, $0x4E1  }
.Ltmp4:
0x23: {  	_ = 	snop;
	(pc) =	sbr.rel @p0 .LBB2_4-.Ltmp4, $1  }
0x24: {  	_ =	sdelay $0x3  }
0x25: {  	s29 =	sadd.s32 s28, s8  }
0x26: {  	[tilespmem:s2], [sflag:$0x4] =	stream.linear.gather [hbm4b:s29+s2], $0x80, $0x38;
	[tilespmem:$0x10100] =	vst v63  }
0x27: {  	_ =	swait.ge [sflag:s11], $0x80  }
0x28: {  	[sflag:s11] =	ssyncset.done $0x0  }
0x29: {  	s29 =	sadd.s32 s28, s6;
	[sflag:s11] =	ssyncadd.s32 $0xFFFFFF80  }
0x2a: {  	[tilespmem:s31], [sflag:$0x4] =	stream.linear.gather [hbm4b:s29+s2], $0x80, $0x38;
	[tilespmem:$0x10100] =	vst v63  }
0x2b: {  	_ =	swait.ge [sflag:s11], $0x80  }
0x2c: {  	[sflag:s11] =	ssyncset.done $0x0  }
0x2d: {  	[sflag:s11] =	ssyncadd.s32 $0xFFFFFF80  }
0x2e: {  	v3 =	vld [tilespmem:$0x0];
	_ =	sdelay $0x4  }
0x2f: {  	v4 =	vshll.u32 v3, $0x1  }
0x30: {  	v3 =	vand.u32 $0x7, v3;
	v4 =	vand.u32 $0xFFFFFFF0, v4  }
0x31: {  	v3 =	vor.u32 v3, v4  }
0x32: {  	v4 =	vperm.xlane v3, v0;
	_ =	sdelay $0x1  }
0x33: {  	v3 =	vperm.xlane v3, v2;
	v4 =	vadd.s32 v1, v4;
	_ =	sdelay $0x1  }
0x34: {  	v3 =	vadd.s32 v1, v3;
	_ =	sdelay $0x2  }
0x35: {  	[tilespmem:s13], [sflag:$0x1] =	stream.indirect_vreg.gather [hbm4b:s3+s2], $0x80, v4, vm0, $0xb8;
	[tilespmem:$0x10100] =	vst v63  }
0x36: {  	s29 =	simm.s32 $0x900  }
0x37: {  	[tilespmem:s29], [sflag:$0x1] =	stream.indirect_vreg.gather [hbm4b:s3+s2], $0x80, v3, vm0, $0xb8;
	[tilespmem:$0x10100] =	vst v63  }
0x38: {  	v3 =	vld [tilespmem:$0x10];
	_ =	sdelay $0x4  }
0x39: {  	v49 =	vshll.u32 v3, $0x1  }
0x3a: {  	v3 =	vand.u32 $0x7, v3;
	v4 =	vand.u32 $0xFFFFFFF0, v49  }
0x3b: {  	v3 =	vor.u32 v3, v4  }
0x3c: {  	v4 =	vperm.xlane v3, v0;
	_ =	sdelay $0x1  }
0x3d: {  	v3 =	vperm.xlane v3, v2;
	v4 =	vadd.s32 v1, v4;
	_ =	sdelay $0x1  }
0x3e: {  	v3 =	vadd.s32 v1, v3;
	_ =	sdelay $0x1  }
0x3f: {  	s29 =	simm.s32 $0x1100  }
0x40: {  	[tilespmem:s29], [sflag:$0x1] =	stream.indirect_vreg.gather [hbm4b:s3+s2], $0x80, v4, vm0, $0xb8;
	[tilespmem:$0x10100] =	vst v63  }
0x41: {  	s29 =	simm.s32 $0x1900  }
0x42: {  	[tilespmem:s29], [sflag:$0x1] =	stream.indirect_vreg.gather [hbm4b:s3+s2], $0x80, v3, vm0, $0xb8;
	[tilespmem:$0x10100] =	vst v63  }
0x43: {  	v3 =	vld [tilespmem:$0x20];
	_ =	sdelay $0x4  }
0x44: {  	v50 =	vshll.u32 v3, $0x1  }
0x45: {  	v3 =	vand.u32 $0x7, v3;
	v4 =	vand.u32 $0xFFFFFFF0, v50  }
0x46: {  	v3 =	vor.u32 v3, v4  }
0x47: {  	v4 =	vperm.xlane v3, v0;
	_ =	sdelay $0x1  }
0x48: {  	v3 =	vperm.xlane v3, v2;
	v4 =	vadd.s32 v1, v4;
	_ =	sdelay $0x1  }
0x49: {  	v3 =	vadd.s32 v1, v3;
	_ =	sdelay $0x1  }
0x4a: {  	s29 =	simm.s32 $0x2100  }
0x4b: {  	[tilespmem:s29], [sflag:$0x1] =	stream.indirect_vreg.gather [hbm4b:s3+s2], $0x80, v4, vm0, $0xb8;
	[tilespmem:$0x10100] =	vst v63  }
0x4c: {  	s29 =	simm.s32 $0x2900  }
0x4d: {  	[tilespmem:s29], [sflag:$0x1] =	stream.indirect_vreg.gather [hbm4b:s3+s2], $0x80, v3, vm0, $0xb8;
	[tilespmem:$0x10100] =	vst v63  }
0x4e: {  	v3 =	vld [tilespmem:$0x30];
	_ =	sdelay $0x4  }
0x4f: {  	v51 =	vshll.u32 v3, $0x1  }
0x50: {  	v3 =	vand.u32 $0x7, v3;
	v4 =	vand.u32 $0xFFFFFFF0, v51  }
0x51: {  	v3 =	vor.u32 v3, v4  }
0x52: {  	v4 =	vperm.xlane v3, v0;
	_ =	sdelay $0x1  }
0x53: {  	v3 =	vperm.xlane v3, v2;
	v4 =	vadd.s32 v1, v4;
	_ =	sdelay $0x1  }
0x54: {  	v3 =	vadd.s32 v1, v3;
	_ =	sdelay $0x1  }
0x55: {  	s29 =	simm.s32 $0x3100  }
0x56: {  	[tilespmem:s29], [sflag:$0x1] =	stream.indirect_vreg.gather [hbm4b:s3+s2], $0x80, v4, vm0, $0xb8;
	[tilespmem:$0x10100] =	vst v63  }
0x57: {  	s29 =	simm.s32 $0x3900  }
0x58: {  	[tilespmem:s29], [sflag:$0x1] =	stream.indirect_vreg.gather [hbm4b:s3+s2], $0x80, v3, vm0, $0xb8;
	[tilespmem:$0x10100] =	vst v63  }
0x59: {  	v3 =	vld [tilespmem:$0x40];
	_ =	sdelay $0x4  }
0x5a: {  	v52 =	vshll.u32 v3, $0x1  }
0x5b: {  	v3 =	vand.u32 $0x7, v3;
	v4 =	vand.u32 $0xFFFFFFF0, v52  }
0x5c: {  	v3 =	vor.u32 v3, v4  }
0x5d: {  	v4 =	vperm.xlane v3, v0;
	_ =	sdelay $0x1  }
0x5e: {  	v3 =	vperm.xlane v3, v2;
	v4 =	vadd.s32 v1, v4;
	_ =	sdelay $0x1  }
0x5f: {  	v3 =	vadd.s32 v1, v3;
	_ =	sdelay $0x1  }
0x60: {  	s29 =	simm.s32 $0x4100  }
0x61: {  	[tilespmem:s29], [sflag:$0x1] =	stream.indirect_vreg.gather [hbm4b:s3+s2], $0x80, v4, vm0, $0xb8;
	[tilespmem:$0x10100] =	vst v63  }
0x62: {  	s29 =	simm.s32 $0x4900  }
0x63: {  	[tilespmem:s29], [sflag:$0x1] =	stream.indirect_vreg.gather [hbm4b:s3+s2], $0x80, v3, vm0, $0xb8;
	[tilespmem:$0x10100] =	vst v63  }
0x64: {  	v3 =	vld [tilespmem:$0x50];
	_ =	sdelay $0x4  }
0x65: {  	v53 =	vshll.u32 v3, $0x1  }
0x66: {  	v3 =	vand.u32 $0x7, v3;
	v4 =	vand.u32 $0xFFFFFFF0, v53  }
0x67: {  	v3 =	vor.u32 v3, v4  }
0x68: {  	v4 =	vperm.xlane v3, v0;
	_ =	sdelay $0x1  }
0x69: {  	v3 =	vperm.xlane v3, v2;
	v4 =	vadd.s32 v1, v4;
	_ =	sdelay $0x1  }
0x6a: {  	v3 =	vadd.s32 v1, v3;
	_ =	sdelay $0x1  }
0x6b: {  	s29 =	simm.s32 $0x5100  }
0x6c: {  	[tilespmem:s29], [sflag:$0x1] =	stream.indirect_vreg.gather [hbm4b:s3+s2], $0x80, v4, vm0, $0xb8;
	[tilespmem:$0x10100] =	vst v63  }
0x6d: {  	s29 =	simm.s32 $0x5900  }
0x6e: {  	[tilespmem:s29], [sflag:$0x1] =	stream.indirect_vreg.gather [hbm4b:s3+s2], $0x80, v3, vm0, $0xb8;
	[tilespmem:$0x10100] =	vst v63  }
0x6f: {  	v3 =	vld [tilespmem:$0x60];
	_ =	sdelay $0x4  }
0x70: {  	v54 =	vshll.u32 v3, $0x1  }
0x71: {  	v3 =	vand.u32 $0x7, v3;
	v4 =	vand.u32 $0xFFFFFFF0, v54  }
0x72: {  	v3 =	vor.u32 v3, v4  }
0x73: {  	v4 =	vperm.xlane v3, v0;
	_ =	sdelay $0x1  }
0x74: {  	v3 =	vperm.xlane v3, v2;
	v4 =	vadd.s32 v1, v4;
	_ =	sdelay $0x1  }
0x75: {  	v3 =	vadd.s32 v1, v3;
	_ =	sdelay $0x1  }
0x76: {  	s29 =	simm.s32 $0x6100  }
0x77: {  	[tilespmem:s29], [sflag:$0x1] =	stream.indirect_vreg.gather [hbm4b:s3+s2], $0x80, v4, vm0, $0xb8;
	[tilespmem:$0x10100] =	vst v63  }
0x78: {  	s29 =	simm.s32 $0x6900  }
0x79: {  	[tilespmem:s29], [sflag:$0x1] =	stream.indirect_vreg.gather [hbm4b:s3+s2], $0x80, v3, vm0, $0xb8;
	[tilespmem:$0x10100] =	vst v63  }
0x7a: {  	v3 =	vld [tilespmem:$0x70];
	_ =	sdelay $0x4  }
0x7b: {  	v55 =	vshll.u32 v3, $0x1  }
0x7c: {  	v3 =	vand.u32 $0x7, v3;
	v4 =	vand.u32 $0xFFFFFFF0, v55  }
0x7d: {  	v3 =	vor.u32 v3, v4  }
0x7e: {  	v4 =	vperm.xlane v3, v0;
	_ =	sdelay $0x1  }
0x7f: {  	v3 =	vperm.xlane v3, v2;
	v4 =	vadd.s32 v1, v4;
	_ =	sdelay $0x1  }
0x80: {  	v3 =	vadd.s32 v1, v3;
	_ =	sdelay $0x1  }
0x81: {  	s29 =	simm.s32 $0x7100  }
0x82: {  	[tilespmem:s29], [sflag:$0x1] =	stream.indirect_vreg.gather [hbm4b:s3+s2], $0x80, v4, vm0, $0xb8;
	[tilespmem:$0x10100] =	vst v63  }
0x83: {  	s29 =	simm.s32 $0x7900  }
0x84: {  	[tilespmem:s29], [sflag:$0x1] =	stream.indirect_vreg.gather [hbm4b:s3+s2], $0x80, v3, vm0, $0xb8;
	[tilespmem:$0x10100] =	vst v63  }
0x85: {  	v3 =	vld [tilespmem:$0x80];
	_ =	sdelay $0x4  }
0x86: {  	v56 =	vshll.u32 v3, $0x1  }
0x87: {  	v3 =	vand.u32 $0x7, v3;
	v4 =	vand.u32 $0xFFFFFFF0, v56  }
0x88: {  	v3 =	vor.u32 v3, v4  }
0x89: {  	v4 =	vperm.xlane v3, v0;
	_ =	sdelay $0x1  }
0x8a: {  	v3 =	vperm.xlane v3, v2;
	v4 =	vadd.s32 v1, v4;
	_ =	sdelay $0x1  }
0x8b: {  	v3 =	vadd.s32 v1, v3;
	_ =	sdelay $0x2  }
0x8c: {  	[tilespmem:s30], [sflag:$0x2] =	stream.indirect_vreg.gather [hbm4b:s4+s2], $0x80, v4, vm0, $0xb8;
	[tilespmem:$0x10100] =	vst v63  }
0x8d: {  	s29 =	simm.s32 $0x8900  }
0x8e: {  	[tilespmem:s29], [sflag:$0x2] =	stream.indirect_vreg.gather [hbm4b:s4+s2], $0x80, v3, vm0, $0xb8;
	[tilespmem:$0x10100] =	vst v63  }
0x8f: {  	v3 =	vld [tilespmem:$0x90];
	_ =	sdelay $0x4  }
0x90: {  	v57 =	vshll.u32 v3, $0x1  }
0x91: {  	v3 =	vand.u32 $0x7, v3;
	v4 =	vand.u32 $0xFFFFFFF0, v57  }
0x92: {  	v3 =	vor.u32 v3, v4  }
0x93: {  	v4 =	vperm.xlane v3, v0;
	_ =	sdelay $0x1  }
0x94: {  	v3 =	vperm.xlane v3, v2;
	v4 =	vadd.s32 v1, v4;
	_ =	sdelay $0x1  }
0x95: {  	v3 =	vadd.s32 v1, v3;
	_ =	sdelay $0x2  }
0x96: {  	[tilespmem:s0], [sflag:$0x2] =	stream.indirect_vreg.gather [hbm4b:s4+s2], $0x80, v4, vm0, $0xb8;
	[tilespmem:$0x10100] =	vst v63  }
0x97: {  	_ = 	snop  }
0x98: {  	[tilespmem:s1], [sflag:$0x2] =	stream.indirect_vreg.gather [hbm4b:s4+s2], $0x80, v3, vm0, $0xb8;
	[tilespmem:$0x10100] =	vst v63  }
0x99: {  	v3 =	vld [tilespmem:$0xA0];
	_ =	sdelay $0x4  }
0x9a: {  	v58 =	vshll.u32 v3, $0x1  }
0x9b: {  	v3 =	vand.u32 $0x7, v3;
	v4 =	vand.u32 $0xFFFFFFF0, v58  }
0x9c: {  	v3 =	vor.u32 v3, v4  }
0x9d: {  	v4 =	vperm.xlane v3, v0;
	_ =	sdelay $0x1  }
0x9e: {  	v3 =	vperm.xlane v3, v2;
	v4 =	vadd.s32 v1, v4;
	_ =	sdelay $0x1  }
0x9f: {  	v3 =	vadd.s32 v1, v3;
	_ =	sdelay $0x2  }
0xa0: {  	[tilespmem:s5], [sflag:$0x2] =	stream.indirect_vreg.gather [hbm4b:s4+s2], $0x80, v4, vm0, $0xb8;
	[tilespmem:$0x10100] =	vst v63  }
0xa1: {  	_ = 	snop  }
0xa2: {  	[tilespmem:s7], [sflag:$0x2] =	stream.indirect_vreg.gather [hbm4b:s4+s2], $0x80, v3, vm0, $0xb8;
	[tilespmem:$0x10100] =	vst v63  }
0xa3: {  	v3 =	vld [tilespmem:$0xB0];
	_ =	sdelay $0x4  }
0xa4: {  	v59 =	vshll.u32 v3, $0x1  }
0xa5: {  	v3 =	vand.u32 $0x7, v3;
	v4 =	vand.u32 $0xFFFFFFF0, v59  }
0xa6: {  	v3 =	vor.u32 v3, v4  }
0xa7: {  	v4 =	vperm.xlane v3, v0;
	_ =	sdelay $0x1  }
0xa8: {  	v3 =	vperm.xlane v3, v2;
	v4 =	vadd.s32 v1, v4;
	_ =	sdelay $0x1  }
0xa9: {  	v3 =	vadd.s32 v1, v3;
	_ =	sdelay $0x2  }
0xaa: {  	[tilespmem:s9], [sflag:$0x2] =	stream.indirect_vreg.gather [hbm4b:s4+s2], $0x80, v4, vm0, $0xb8;
	[tilespmem:$0x10100] =	vst v63  }
0xab: {  	_ = 	snop  }
0xac: {  	[tilespmem:s10], [sflag:$0x2] =	stream.indirect_vreg.gather [hbm4b:s4+s2], $0x80, v3, vm0, $0xb8;
	[tilespmem:$0x10100] =	vst v63  }
0xad: {  	v3 =	vld [tilespmem:$0xC0];
	_ =	sdelay $0x4  }
0xae: {  	v60 =	vshll.u32 v3, $0x1  }
0xaf: {  	v3 =	vand.u32 $0x7, v3;
	v4 =	vand.u32 $0xFFFFFFF0, v60  }
0xb0: {  	v3 =	vor.u32 v3, v4  }
0xb1: {  	v4 =	vperm.xlane v3, v0;
	_ =	sdelay $0x1  }
0xb2: {  	v3 =	vperm.xlane v3, v2;
	v4 =	vadd.s32 v1, v4;
	_ =	sdelay $0x1  }
0xb3: {  	v3 =	vadd.s32 v1, v3;
	_ =	sdelay $0x2  }
0xb4: {  	[tilespmem:s12], [sflag:$0x2] =	stream.indirect_vreg.gather [hbm4b:s4+s2], $0x80, v4, vm0, $0xb8;
	[tilespmem:$0x10100] =	vst v63  }
0xb5: {  	_ = 	snop  }
0xb6: {  	[tilespmem:s14], [sflag:$0x2] =	stream.indirect_vreg.gather [hbm4b:s4+s2], $0x80, v3, vm0, $0xb8;
	[tilespmem:$0x10100] =	vst v63  }
0xb7: {  	v3 =	vld [tilespmem:$0xD0];
	_ =	sdelay $0x4  }
0xb8: {  	v61 =	vshll.u32 v3, $0x1  }
0xb9: {  	v3 =	vand.u32 $0x7, v3;
	v4 =	vand.u32 $0xFFFFFFF0, v61  }
0xba: {  	v3 =	vor.u32 v3, v4  }
0xbb: {  	v4 =	vperm.xlane v3, v0;
	_ =	sdelay $0x1  }
0xbc: {  	v3 =	vperm.xlane v3, v2;
	v4 =	vadd.s32 v1, v4;
	_ =	sdelay $0x1  }
0xbd: {  	v3 =	vadd.s32 v1, v3;
	_ =	sdelay $0x2  }
0xbe: {  	[tilespmem:s15], [sflag:$0x2] =	stream.indirect_vreg.gather [hbm4b:s4+s2], $0x80, v4, vm0, $0xb8;
	[tilespmem:$0x10100] =	vst v63  }
0xbf: {  	_ = 	snop  }
0xc0: {  	[tilespmem:s16], [sflag:$0x2] =	stream.indirect_vreg.gather [hbm4b:s4+s2], $0x80, v3, vm0, $0xb8;
	[tilespmem:$0x10100] =	vst v63  }
0xc1: {  	v3 =	vld [tilespmem:$0xE0];
	_ =	sdelay $0x4  }
0xc2: {  	v62 =	vshll.u32 v3, $0x1  }
0xc3: {  	v3 =	vand.u32 $0x7, v3;
	v4 =	vand.u32 $0xFFFFFFF0, v62  }
0xc4: {  	v3 =	vor.u32 v3, v4  }
0xc5: {  	v4 =	vperm.xlane v3, v0;
	_ =	sdelay $0x1  }
0xc6: {  	v3 =	vperm.xlane v3, v2;
	v4 =	vadd.s32 v1, v4;
	_ =	sdelay $0x1  }
0xc7: {  	v3 =	vadd.s32 v1, v3;
	_ =	sdelay $0x2  }
0xc8: {  	[tilespmem:s17], [sflag:$0x2] =	stream.indirect_vreg.gather [hbm4b:s4+s2], $0x80, v4, vm0, $0xb8;
	[tilespmem:$0x10100] =	vst v63  }
0xc9: {  	_ = 	snop  }
0xca: {  	[tilespmem:s18], [sflag:$0x2] =	stream.indirect_vreg.gather [hbm4b:s4+s2], $0x80, v3, vm0, $0xb8;
	[tilespmem:$0x10100] =	vst v63  }
0xcb: {  	v3 =	vld [tilespmem:$0xF0];
	_ =	sdelay $0x4  }
0xcc: {  	v63 =	vshll.u32 v3, $0x1  }
0xcd: {  	v3 =	vand.u32 $0x7, v3;
	v4 =	vand.u32 $0xFFFFFFF0, v63  }
0xce: {  	v3 =	vor.u32 v3, v4  }
0xcf: {  	v4 =	vperm.xlane v3, v0;
	_ =	sdelay $0x1  }
0xd0: {  	v3 =	vperm.xlane v3, v2;
	v4 =	vadd.s32 v1, v4;
	_ =	sdelay $0x1  }
0xd1: {  	v3 =	vadd.s32 v1, v3;
	_ =	sdelay $0x2  }
0xd2: {  	[tilespmem:s19], [sflag:$0x2] =	stream.indirect_vreg.gather [hbm4b:s4+s2], $0x80, v4, vm0, $0xb8;
	[tilespmem:$0x10100] =	vst v63  }
0xd3: {  	_ = 	snop  }
0xd4: {  	[tilespmem:s20], [sflag:$0x2] =	stream.indirect_vreg.gather [hbm4b:s4+s2], $0x80, v3, vm0, $0xb8;
	[tilespmem:$0x10100] =	vst v63  }
0xd5: {  	_ =	swait.ge [sflag:s21], $0x8000  }
0xd6: {  	[sflag:s21] =	ssyncset.done $0x0  }
0xd7: {  	[sflag:s21] =	ssyncadd.s32 $0xFFFF8000  }
0xd8: {  	_ =	swait.ge [sflag:s22], $0x8000  }
0xd9: {  	[sflag:s22] =	ssyncset.done $0x0  }
0xda: {  	[sflag:s22] =	ssyncadd.s32 $0xFFFF8000  }
0xdb: {  	[hbm4b:s25+s2] =	stream.linear.scatter [tilespmem:s13], [sflag:$0x4], $0x8000, $0x38;
	[tilespmem:$0x10100] =	vst v63  }
0xdc: {  	_ =	swait.ge [sflag:s11], $0x8000  }
0xdd: {  	[sflag:s11] =	ssyncset.done $0x0  }
.Ltmp5:
0xde: {  	[sflag:s11] =	ssyncadd.s32 $0xFFFF8000;
	(pc) =	sbr.rel .LBB2_4-.Ltmp5, $4  }
0xdf: {  	[hbm4b:s26+s2] =	stream.linear.scatter [tilespmem:s30], [sflag:$0x3], $0x8000, $0x38;
	[tilespmem:$0x10100] =	vst v63  }
0xe0: {  	_ =	swait.ge [sflag:s23], $0x8000  }
0xe1: {  	[sflag:s23] =	ssyncset.done $0x0  }
0xe2: {  	[sflag:s23] =	ssyncadd.s32 $0xFFFF8000  }
.LBB2_6:
0xe3: {  	_ =	sfence.sel $0x180000  }
0xe4: {  	[bflag:$0x0] =	sbarrier.arrive $0xFFFF  }
0xe5: {  	_ =	strace $0x90000056  }
0xe6: {  	s0 =	stileid.u32;
	[bflag:$0x2] =	sbarrier.arrive $0xFFFF  }
0xe7: {  	p0 =	sne.s32 s0, $0x0;
	s0 =	rddreg [dreg:$0x1]  }
0xe8: {  	s0 =	sadd.s32 @!p0 $0x100000, s0  }
0xe9: {  	[sflag:s0] =	ssyncadd.tile.s32 @!p0 $0x1;
	_ =	shalt  }
.Lfunc_end2:
_tile_overlayer_lowered:
.L_overlay_start_2:
0xea: {  	(tag) =	ssettag $0x2  }
0xeb: {  	s0 =	rddreg [dreg:$0x0];
	s2 =	stileid.u32  }
0xec: {  	s1 =	rddreg [dreg:$0x1];
	p0 =	sne.s32 s2, $0x0  }
0xed: {  	s3 =	rddreg [dreg:$0x2];
	[bflag:$0x3] =	sbarrier.arrive $0xFFFF;
	s2 =	simm.s32 @!p0 $0x1C03  }
0xee: {  	[timem:s3], [sflag:s2] =	dma.local @!p0 [hbm:s0], s1  }
0xef: {  	s0 =	simm.s32 @!p0 $0x3  }
0xf0: {  	_ =	swait.ge @!p0 [sflag:s0], s1  }
0xf1: {  	s1 =	ssub.s32 @!p0 $0x0, s1;
	[sflag:s0] =	ssyncset.done @!p0 $0x0  }
0xf2: {  	[sflag:s0] =	ssyncadd.s32 @!p0 s1  }
0xf3: {  	[bflag:$0x3] =	sbarrier.arrive $0xFFFF  }
0xf4: {  	_ =	shalt  }

// kernel: kernel.48.cloned.1.call-start
scs
__scs_entry_jumppad:
0x0: {  	(pc) =	sbr.rel $0x88, $3  }
0x1: {  	(tag) =	ssettag $0x0;
	lr =	simm.s32 $0x1  }
0x2: {  	[smem:$0x3F90] =	sst lr;
	_ =	strace $0xD0000000  }
0x3: {  	_ = 	snop  }
0x4: {  	_ = 	snop  }
0x5: {  	_ = 	snop  }
0x6: {  	_ = 	snop  }
0x7: {  	_ = 	snop  }
__scs_overlays_trampoline_lowered:
0x8: {  	[smem:$0x3F9F] =	sst s0  }
0x9: {  	[smem:$0x3FA0] =	sst s1  }
0xa: {  	[smem:$0x3FA1] =	sst s2  }
0xb: {  	[smem:$0x3FA2] =	sst s3  }
0xc: {  	[smem:$0x3FA3] =	sst s4  }
0xd: {  	[smem:$0x3FA4] =	sst s5  }
0xe: {  	[smem:$0x3FA5] =	sst s6  }
0xf: {  	[smem:$0x3FA6] =	sst s7  }
0x10: {  	[smem:$0x3FA7] =	sst s8  }
0x11: {  	[smem:$0x3FA8] =	sst s9;
	s0 =	simm.s32 @!p0 $0x0  }
0x12: {  	s1 =	sld [smem:$0x3F8E];
	s0 =	simm.s32 @p0 $0x1  }
0x13: {  	[smem:$0x3FA9] =	sst s0;
	s0 =	simm.s32 @!p1 $0x0  }
0x14: {  	s2 =	sld [smem:$0x3F8D];
	s0 =	simm.s32 @p1 $0x1  }
0x15: {  	[smem:$0x3FAA] =	sst s0;
	s0 =	simm.s32 @!p2 $0x0  }
0x16: {  	s3 =	sld [smem:$0x3FDB];
	s0 =	simm.s32 @p2 $0x1  }
0x17: {  	s4 =	simm.s32 $0x1BF5;
	[smem:$0x3FAC] =	sst s0  }
0x18: {  	s0 =	sld [smem:$0x3F8F];
	_ =	swait.ge [sflag:s4], $0x0  }
0x19: {  	s7 =	sld [smem:$0x3F90]  }
0x1a: {  	s8 =	sadd.s32 $0xFFFFE003, lr  }
0x1b: {  	s9 =	sadd.s32 $0xFFFFFEF7, lr;
	s5 =	simm.s32 $0xFFFFFFFF;
	p2 =	slt.u32 s8, $0xFFFFF086  }
0x1c: {  	p1 =	slt.u32 s9, $0xF7A;
	s5 =	simm.s32 @!p2 $0x0  }
0x1d: {  	s5 =	simm.s32 @p1 $0x1;
	p0 =	seq.s32 s7, s2  }
0x1e: {  	s7 =	smul.u32 @!p0 $0xF7A, s2;
	p2 =	seq.s32 @!p0 s5, $0x0  }
0x1f: {  	s9 =	smul.u32 $0xF7A, s1;
	s8 =	simm.s32 @!p0 $0x1BF5;
	p2 =	por !p2, p0  }
0x20: {  	[sflag:s8] =	ssyncset.s32 @!p0 $0xFFFFF086;
	s6 =	sadd.s32 @!p0 s3, s7;
	s7 =	simm.s32 @!p0 $0x108  }
0x21: {  	s3 =	sadd.s32 s3, s9;
	s6 =	sadd.s32 @!p0 $0x88, s6;
	s7 =	simm.s32 @p2 $0x1082  }
0x22: {  	[simem:s7], [sflag:s8] =	dma.local @!p0 [hbm:s6], $0xF7A  }
0x23: {  	s9 =	sor.u32 $0xD0000000, s2;
	s6 =	simm.s32 $0x108;
	_ =	swait.ge @!p0 [sflag:s8], $0x0  }
0x24: {  	s3 =	sadd.s32 $0x88, s3;
	s6 =	simm.s32 @!p1 $0x1082;
	[sflag:s4] =	ssyncset.s32 $0xFFFFF086  }
0x25: {  	[simem:s6], [sflag:s4] =	dma.local [hbm:s3], $0xF7A  }
0x26: {  	[smem:$0x3F90] =	sst s1;
	(tag) =	ssettag s2;
	_ =	strace s9  }
0x27: {  	s1 =	sld [smem:$0x3FA0]  }
0x28: {  	s2 =	sld [smem:$0x3FA1]  }
0x29: {  	s4 =	sld [smem:$0x3FA3]  }
0x2a: {  	p0 =	seq.s32 s5, $0x0;
	s5 =	sld [smem:$0x3FA4]  }
0x2b: {  	s6 =	sld [smem:$0x3FA5]  }
0x2c: {  	s7 =	sld [smem:$0x3FA6]  }
0x2d: {  	s3 =	simm.s32 $0x108;
	s8 =	sld [smem:$0x3FA7]  }
0x2e: {  	s3 =	simm.s32 @!p0 $0x1082;
	s9 =	sld [smem:$0x3FA8]  }
0x2f: {  	lr =	sadd.s32 s0, s3;
	s0 =	sld [smem:$0x3F9F]  }
0x30: {  	s3 =	sld [smem:$0x3FA2]  }
0x31: {  	[smem:$0x3FAB] =	sst s10  }
0x32: {  	s10 =	sld [smem:$0x3FA9];
	_ =	sdelay $0x3  }
0x33: {  	p0 =	seq.s32 s10, $0x1;
	s10 =	sld [smem:$0x3FAB];
	_ =	sdelay $0x3  }
0x34: {  	[smem:$0x3FAB] =	sst s10  }
0x35: {  	s10 =	sld [smem:$0x3FAA];
	_ =	sdelay $0x3  }
0x36: {  	p1 =	seq.s32 s10, $0x1;
	s10 =	sld [smem:$0x3FAB];
	_ =	sdelay $0x3  }
0x37: {  	[smem:$0x3FAB] =	sst s10  }
0x38: {  	s10 =	sld [smem:$0x3FAC]  }
0x39: {  	_ = 	snop;
	(pc) =	sbr.ind lr, $3  }
0x3a: {  	_ = 	snop  }
0x3b: {  	_ = 	snop  }
0x3c: {  	p2 =	seq.s32 s10, $0x1;
	s10 =	sld [smem:$0x3FAB]  }
0x3d: {  	_ =	shalt  }
0x3e: {  	_ =	shalt  }
0x3f: {  	_ =	shalt  }
0x40: {  	_ =	shalt  }
0x41: {  	_ =	shalt  }
0x42: {  	_ =	shalt  }
0x43: {  	_ =	shalt  }
0x44: {  	_ =	shalt  }
0x45: {  	_ =	shalt  }
0x46: {  	_ =	shalt  }
0x47: {  	_ =	shalt  }
0x48: {  	_ =	shalt  }
0x49: {  	_ =	shalt  }
0x4a: {  	_ =	shalt  }
0x4b: {  	_ =	shalt  }
0x4c: {  	_ =	shalt  }
0x4d: {  	_ =	shalt  }
0x4e: {  	_ =	shalt  }
0x4f: {  	_ =	shalt  }
0x50: {  	_ =	shalt  }
0x51: {  	_ =	shalt  }
0x52: {  	_ =	shalt  }
0x53: {  	_ =	shalt  }
0x54: {  	_ =	shalt  }
0x55: {  	_ =	shalt  }
0x56: {  	_ =	shalt  }
0x57: {  	_ =	shalt  }
0x58: {  	_ =	shalt  }
0x59: {  	_ =	shalt  }
0x5a: {  	_ =	shalt  }
0x5b: {  	_ =	shalt  }
0x5c: {  	_ =	shalt  }
0x5d: {  	_ =	shalt  }
0x5e: {  	_ =	shalt  }
0x5f: {  	_ =	shalt  }
0x60: {  	_ =	shalt  }
0x61: {  	_ =	shalt  }
0x62: {  	_ =	shalt  }
0x63: {  	_ =	shalt  }
0x64: {  	_ =	shalt  }
0x65: {  	_ =	shalt  }
0x66: {  	_ =	shalt  }
0x67: {  	_ =	shalt  }
0x68: {  	_ =	shalt  }
0x69: {  	_ =	shalt  }
0x6a: {  	_ =	shalt  }
0x6b: {  	_ =	shalt  }
0x6c: {  	_ =	shalt  }
0x6d: {  	_ =	shalt  }
0x6e: {  	_ =	shalt  }
0x6f: {  	_ =	shalt  }
0x70: {  	_ =	shalt  }
0x71: {  	_ =	shalt  }
0x72: {  	_ =	shalt  }
0x73: {  	_ =	shalt  }
0x74: {  	_ =	shalt  }
0x75: {  	_ =	shalt  }
0x76: {  	_ =	shalt  }
0x77: {  	_ =	shalt  }
0x78: {  	_ =	shalt  }
0x79: {  	_ =	shalt  }
0x7a: {  	_ =	shalt  }
0x7b: {  	_ =	shalt  }
0x7c: {  	_ =	shalt  }
0x7d: {  	_ =	shalt  }
0x7e: {  	_ =	shalt  }
0x7f: {  	_ =	shalt  }
0x80: {  	_ =	shalt  }
0x81: {  	_ =	shalt  }
0x82: {  	_ =	shalt  }
0x83: {  	_ =	shalt  }
0x84: {  	_ =	shalt  }
0x85: {  	_ =	shalt  }
0x86: {  	_ =	shalt  }
0x87: {  	_ =	shalt  }
.Lfunc_end0:
.L_simem_size_0:
called_computation.6_lowered:
.L_overlay_start_0:
0x88: {  	s2 =	sld [smem:$0x3FD9]  }
0x89: {  	s3 =	sld [smem:$0x3FFE];
	_ =	sdelay $0x1  }
0x8a: {  	s1 =	srdreg.scid  }
0x8b: {  	s0 =	sand.u32 $0x1, s1  }
0x8c: {  	s16 =	sshll.u32 s0, $0xA;
	s2 =	sadd.s32 s3, s2  }
0x8d: {  	s2 =	sadd.s32 s2, s16  }
0x8e: {  	[smem:$0x3FB7] =	sst s2  }
0x8f: {  	_ = 	snop  }
0x90: {  	(tm) =	ssettm $0x1  }
0x91: {  	s17 =	sld [smem:$0x3FFB];
	_ =	sdelay $0x3  }
0x92: {  	_ =	strace s17  }
0x93: {  	s2 =	sld [smem:$0x3FFC];
	_ =	sdelay $0x3  }
0x94: {  	_ =	strace s2  }
0x95: {  	s2 =	sld [smem:$0x3FFD];
	_ =	sdelay $0x3  }
0x96: {  	_ =	strace s2  }
0x97: {  	_ =	strace $0x8FFFFFFF  }
0x98: {  	s18 =	sld [smem:$0x3FDB];
	_ =	sdelay $0x1  }
0x99: {  	s19 =	simm.s32 $_scs_section_size  }
0x9a: {  	s4 =	simm.s32 $_size__tile_overlayer_lowered;
	s5 =	simm.s32 $_tile_overlayer_lowered  }
0x9b: {  	s22 =	simm.s32 $0x1BFF;
	s21 =	sshll.u32 s5, $0x1;
	s2 =	sadd.s32 s19, s18  }
0x9c: {  	s6 =	simm.s32 $0x0;
	s20 =	sshll.u32 s4, $0x1;
	s4 =	sadd.s32 s21, s2  }
0x9d: {  	[timem:s6], [sflag:s22] =	dma.local [hbm:s4], s20  }
0x9e: {  	_ =	swait.ge [sflag:s22], s20  }
0x9f: {  	s3 =	ssub.s32 $0x0, s20;
	[sflag:s22] =	ssyncset.done $0x0  }
0xa0: {  	[sflag:s22] =	ssyncadd.s32 s3;
	_ =	sdelay $0x1  }
0xa1: {  	s23 =	simm.s32 $0x1B8B  }
0xa2: {  	_ =	swait.ge [sflag:s23], $0x1  }
0xa3: {  	[sflag:s23] =	ssyncset.done $0x0  }
0xa4: {  	s25 =	simm.s32 $0x1B8E;
	s24 =	sld [smem:$0x3FFE];
	[sflag:s23] =	ssyncadd.s32 $0xFFFFFFFF  }
0xa5: {  	s26 =	simm.s32 $execute0_lowered;
	[smem:$0x3FD2] =	sst s25  }
0xa6: {  	s4 =	sshll.u32 s26, $0x1;
	_ =	strace $0x80000058;
	[dreg:$0x1] =	wrdreg $0xFFFFFFFF  }
0xa7: {  	s28 =	simm.s32 $_size_execute0_lowered;
	s2 =	sadd.s32 s2, s4;
	[dreg:$0x0] =	wrdreg $0x0  }
0xa8: {  	s4 =	sshll.u32 s28, $0x1;
	[dreg:$0x2] =	wrdreg s2  }
0xa9: {  	[dreg:$0x3] =	wrdreg s4  }
0xaa: {  	[dreg:$0x4] =	wrdreg $0xC0  }
0xab: {  	_ =	task [dreg:s6], $0x5FFFF  }
0xac: {  	[dreg:$0x1] =	wrdreg $0xFFFFFFFF  }
0xad: {  	[dreg:$0x0] =	wrdreg $0x60  }
0xae: {  	[dreg:$0x2] =	wrdreg s24  }
0xaf: {  	[dreg:$0x3] =	wrdreg $0x8800  }
0xb0: {  	[dreg:$0x4] =	wrdreg $0x9  }
0xb1: {  	_ =	task.clear_ibuf [dreg:s6], $0x5FFFF;
	_ =	strace $0x90000058  }
0xb2: {  	s29 =	simm.s32 $0x9;
	_ =	strace $0x8000005A  }
0xb3: {  	_ =	swait.ge [sflag:s29], $0x1  }
0xb4: {  	[sflag:s29] =	ssyncadd.s32 $0xFFFFFFFF  }
0xb5: {  	_ =	strace $0x9000005A  }
0xb6: {  	_ =	sfence  }
0xb7: {  	s30 =	sld [smem:$0x0];
	_ =	sdelay $0x2  }
0xb8: {  	s31 =	sshll.u32 s1, $0xD;
	s1 =	sshrl.u32 s1, $0x2  }
0xb9: {  	s3 =	sand.u32 $0x4000, s31;
	s1 =	sadd.s32 s1, s30  }
0xba: {  	s0 =	sor.u32 s3, s0;
	s1 =	sshll.u32 s1, $0x11  }
0xbb: {  	s0 =	sor.u32 s1, s0  }
0xbc: {  	s0 =	sadd.s32 $0x8F2B, s0  }
0xbd: {  	[sflag:s0] =	ssyncadd.remote.s32 $0x1  }
0xbe: {  	_ =	sfence.sel $0xFFFF  }
0xbf: {  	[dreg:$0x0] =	wrdreg $0xFFFFFFFF;
	(pc) =	sbr.abs _section_cstart, $3  }
0xc0: {  	[dreg:$0x1] =	wrdreg $0xFFFFFFFF  }
0xc1: {  	_ =	task.clear_ibuf [dreg:s6], $0x2FFFF;
	_ =	strace $0x9FFFFFFF  }
0xc2: {  	(tm) =	ssettm $0x7FFFFFFF  }
0xc3: {  	_ =	shalt  }
tec
execute0_lowered:
.L_overlay_start_1:
0x0: {  	(tag) =	ssettag $0x1  }
0x1: {  	s4 =	rddreg [dreg:$0x0]  }
0x2: {  	s1 =	rddreg [dreg:$0x1]  }
0x3: {  	s0 =	rddreg [dreg:$0x2]  }
0x4: {  	s2 =	simm.s32 $0x0;
	s7 =	stileid.u32;
	s3 =	srdreg.scid  }
0x5: {  	[smem:$0x7FF] =	sst s2;
	s5 =	sshll.u32 s7, $0x9;
	s8 =	sand.u32 $0x1, s3  }
0x6: {  	s3 =	sadd.s32 $0x288600, s4;
	s6 =	sshll.u32 s7, $0x5;
	p0 =	sne.s32 s7, $0x0  }
0x7: {  	_ =	strace $0x80000059;
	s9 =	sadd.s32 s5, s4;
	s28 =	smul.u32 $0x5000, s8  }
0x8: {  	s10 =	ssub.s32 $0x2, s8;
	s11 =	sadd.s32 s6, s4;
	s31 =	sshll.u32 s8, $0x8  }
0x9: {  	s8 =	sshll.u32 s8, $0x4;
	s29 =	sshrl.u32 s10, $0x1;
	s9 =	sadd.s32 s31, s9  }
0xa: {  	s8 =	sadd.s32 s8, s11;
	s5 =	sadd.s32 s28, s4;
	s30 =	ssub.s32 s10, s29  }
0xb: {  	s4 =	sshll.u32 s7, $0x1;
	s7 =	sadd.s32 $0x391800, s9;
	s8 =	sadd.s32 $0x283600, s8  }
0xc: {  	s9 =	sshrl.u32 @!p0 s1, $0x3;
	s5 =	sadd.s32 $0x28D600, s5;
	s6 =	smax.u32 s30, $0x1  }
.LBB2_1:
0xd: {  	s10 =	simm.s32 @!p0 $0x1C01  }
0xe: {  	[spmem:s9], [sflag:s10] =	dma.local @!p0 [hbm:s3], $0x5000  }
0xf: {  	s10 =	simm.s32 @!p0 $0x1  }
0x10: {  	_ =	swait.ge @!p0 [sflag:s10], $0x5000  }
0x11: {  	s11 =	sadd.s32 $0x0, s4;
	[sflag:s10] =	ssyncset.done @!p0 $0x0  }
0x12: {  	p1 =	sgt.u32 s11, $0x4E1;
	[sflag:s10] =	ssyncadd.s32 @!p0 $0xFFFFB000  }
0x13: {  	s12 =	simm.s32 @!p1 $0x2;
	s10 =	simm.s32 @!p1 $0x0;
	[bflag:$0x0] =	sbarrier.arrive $0xFFFF  }
0x14: {  	[tilespmem:s10], [sflag:$0x2] =	stream.linear.gather @!p1 [hbm4b:s8+s10], $0x80, $0x38;
	[tilespmem:$0x3080] =	vst v63  }
0x15: {  	_ =	swait.ge @!p1 [sflag:s12], $0x80  }
0x16: {  	[sflag:s12] =	ssyncset.done @!p1 $0x0;
	p1 =	por p1, p1  }
0x17: {  	[sflag:s12] =	ssyncadd.s32 @!p1 $0xFFFFFF80;
	s14 =	simm.s32 @!p1 $0x80  }
0x18: {  	[tilespmem:s14], [sflag:$0x2] =	stream.linear.gather @!p1 [hbm4b:s7+s10], $0x800, $0x38;
	[tilespmem:$0x3080] =	vst v63  }
0x19: {  	_ =	swait.ge @!p1 [sflag:s12], $0x800  }
0x1a: {  	[sflag:s12] =	ssyncset.done @!p1 $0x0  }
0x1b: {  	s31 =	sadd.s32 $0x20, s4;
	s13 =	simm.s32 @!p1 $0x1;
	[sflag:s12] =	ssyncadd.s32 @!p1 $0xFFFFF800  }
0x1c: {  	[spmem:s1] =	stream.indirect.scatter.add.f32 @!p1 [tilespmem:s14], [sflag:$0x1], $0x10, s10, s14, $0xb8;
	[tilespmem:$0x3080] =	vst v63  }
0x1d: {  	s11 =	simm.s32 $0x40;
	p2 =	sgt.u32 s31, $0x4E1;
	_ =	swait.ge @!p1 [sflag:s13], $0x800  }
0x1e: {  	s12 =	sadd.s32 $0x200, s8;
	s10 =	sadd.s32 $0x2000, s7;
	[sflag:s13] =	ssyncset.done @!p1 $0x0  }
.LBB2_2:
0x1f: {  	s14 =	simm.s32 @!p2 $0x0;
	s15 =	simm.s32 @!p2 $0x2;
	[sflag:s13] =	ssyncadd.s32 @!p1 $0xFFFFF800  }
0x20: {  	[tilespmem:s14], [sflag:$0x2] =	stream.linear.gather @!p2 [hbm4b:s12+s14], $0x80, $0x38;
	[tilespmem:$0x3080] =	vst v63  }
0x21: {  	s16 =	smov.u32 s11;
	s11 =	sadd.s32 $0x20, s11;
	_ =	swait.ge @!p2 [sflag:s15], $0x80  }
0x22: {  	p1 =	por p2, p2;
	p3 =	sne.s32 s11, $0x500;
	[sflag:s15] =	ssyncset.done @!p2 $0x0  }
0x23: {  	s17 =	simm.s32 @!p1 $0x80;
	[sflag:s15] =	ssyncadd.s32 @!p1 $0xFFFFFF80  }
0x24: {  	[tilespmem:s17], [sflag:$0x2] =	stream.linear.gather @!p1 [hbm4b:s10+s14], $0x800, $0x38;
	[tilespmem:$0x3080] =	vst v63  }
0x25: {  	_ =	swait.ge @!p1 [sflag:s15], $0x800  }
.Ltmp0:
0x26: {  	[sflag:s15] =	ssyncset.done @!p1 $0x0;
	(pc) =	sbr.rel @p3 .LBB2_2-.Ltmp0, $4  }
0x27: {  	s13 =	simm.s32 @!p1 $0x1;
	[sflag:s15] =	ssyncadd.s32 @!p1 $0xFFFFF800  }
0x28: {  	[spmem:s1] =	stream.indirect.scatter.add.f32 @!p1 [tilespmem:s17], [sflag:$0x1], $0x10, s14, s17, $0xb8;
	[tilespmem:$0x3080] =	vst v63  }
0x29: {  	s12 =	sadd.s32 $0x200, s12;
	s14 =	sadd.s32 s16, s4;
	_ =	swait.ge @!p1 [sflag:s13], $0x800  }
0x2a: {  	s10 =	sadd.s32 $0x2000, s10;
	p2 =	sgt.u32 s14, $0x4E1;
	[sflag:s13] =	ssyncset.done @!p1 $0x0  }
0x2b: {  	s11 =	simm.s32 @!p2 $0x0;
	s14 =	simm.s32 @!p2 $0x2;
	[sflag:s13] =	ssyncadd.s32 @!p1 $0xFFFFF800  }
0x2c: {  	[tilespmem:s11], [sflag:$0x2] =	stream.linear.gather @!p2 [hbm4b:s12+s11], $0x80, $0x38;
	[tilespmem:$0x3080] =	vst v63  }
0x2d: {  	_ =	swait.ge @!p2 [sflag:s14], $0x80  }
0x2e: {  	p1 =	por p2, p2;
	[sflag:s14] =	ssyncset.done @!p2 $0x0  }
0x2f: {  	s12 =	simm.s32 @!p1 $0x80;
	[sflag:s14] =	ssyncadd.s32 @!p1 $0xFFFFFF80  }
0x30: {  	[tilespmem:s12], [sflag:$0x2] =	stream.linear.gather @!p1 [hbm4b:s10+s11], $0x800, $0x38;
	[tilespmem:$0x3080] =	vst v63  }
0x31: {  	_ =	swait.ge @!p1 [sflag:s14], $0x800  }
0x32: {  	[sflag:s14] =	ssyncset.done @!p1 $0x0  }
0x33: {  	s10 =	simm.s32 @!p1 $0x1;
	[sflag:s14] =	ssyncadd.s32 @!p1 $0xFFFFF800  }
0x34: {  	[spmem:s1] =	stream.indirect.scatter.add.f32 @!p1 [tilespmem:s12], [sflag:$0x1], $0x10, s11, s12, $0xb8;
	[tilespmem:$0x3080] =	vst v63  }
0x35: {  	_ =	swait.ge @!p1 [sflag:s10], $0x800  }
0x36: {  	[sflag:s10] =	ssyncset.done @!p1 $0x0  }
0x37: {  	s2 =	sadd.s32 $0x1, s2;
	[sflag:s10] =	ssyncadd.s32 @!p1 $0xFFFFF800  }
0x38: {  	s10 =	simm.s32 @!p0 $0x1C01;
	p1 =	sne.s32 s2, s6;
	[bflag:$0x0] =	sbarrier.arrive $0xFFFF  }
0x39: {  	[hbm:s5], [sflag:s10] =	dma.local @!p0 [spmem:s9], $0x5000  }
.Ltmp1:
0x3a: {  	_ = 	snop;
	(pc) =	sbr.rel @p1 .LBB2_1-.Ltmp1, $4  }
0x3b: {  	s10 =	simm.s32 @!p0 $0x1  }
0x3c: {  	_ =	swait.ge @!p0 [sflag:s10], $0x5000  }
0x3d: {  	[sflag:s10] =	ssyncset.done @!p0 $0x0  }
0x3e: {  	[sflag:s10] =	ssyncadd.s32 @!p0 $0xFFFFB000  }
0x3f: {  	_ =	sfence.sel $0x180000  }
0x40: {  	[bflag:$0x0] =	sbarrier.arrive $0xFFFF  }
0x41: {  	_ =	strace $0x90000059  }
0x42: {  	s0 =	sadd.s32 @!p0 $0x100000, s0;
	[bflag:$0x2] =	sbarrier.arrive $0xFFFF  }
0x43: {  	[sflag:s0] =	ssyncadd.tile.s32 @!p0 $0x1;
	_ =	shalt  }
.Lfunc_end2:
_tile_overlayer_lowered:
.L_overlay_start_2:
0x44: {  	(tag) =	ssettag $0x2  }
0x45: {  	s0 =	rddreg [dreg:$0x0];
	s2 =	stileid.u32  }
0x46: {  	s1 =	rddreg [dreg:$0x1];
	p0 =	sne.s32 s2, $0x0  }
0x47: {  	s3 =	rddreg [dreg:$0x2];
	[bflag:$0x3] =	sbarrier.arrive $0xFFFF;
	s2 =	simm.s32 @!p0 $0x1C01  }
0x48: {  	[timem:s3], [sflag:s2] =	dma.local @!p0 [hbm:s0], s1  }
0x49: {  	s0 =	simm.s32 @!p0 $0x1  }
0x4a: {  	_ =	swait.ge @!p0 [sflag:s0], s1  }
0x4b: {  	s1 =	ssub.s32 @!p0 $0x0, s1;
	[sflag:s0] =	ssyncset.done @!p0 $0x0  }
0x4c: {  	[sflag:s0] =	ssyncadd.s32 @!p0 s1  }
0x4d: {  	[bflag:$0x3] =	sbarrier.arrive $0xFFFF  }
0x4e: {  	_ =	shalt  }

// kernel: kernel.51.cloned.1.call-start
scs
__scs_entry_jumppad:
0x0: {  	(pc) =	sbr.rel $0x88, $3  }
0x1: {  	(tag) =	ssettag $0x0;
	lr =	simm.s32 $0x1  }
0x2: {  	[smem:$0x3F90] =	sst lr;
	_ =	strace $0xD0000000  }
0x3: {  	_ = 	snop  }
0x4: {  	_ = 	snop  }
0x5: {  	_ = 	snop  }
0x6: {  	_ = 	snop  }
0x7: {  	_ = 	snop  }
__scs_overlays_trampoline_lowered:
0x8: {  	[smem:$0x3F9F] =	sst s0  }
0x9: {  	[smem:$0x3FA0] =	sst s1  }
0xa: {  	[smem:$0x3FA1] =	sst s2  }
0xb: {  	[smem:$0x3FA2] =	sst s3  }
0xc: {  	[smem:$0x3FA3] =	sst s4  }
0xd: {  	[smem:$0x3FA4] =	sst s5  }
0xe: {  	[smem:$0x3FA5] =	sst s6  }
0xf: {  	[smem:$0x3FA6] =	sst s7  }
0x10: {  	[smem:$0x3FA7] =	sst s8  }
0x11: {  	[smem:$0x3FA8] =	sst s9;
	s0 =	simm.s32 @!p0 $0x0  }
0x12: {  	s1 =	sld [smem:$0x3F8E];
	s0 =	simm.s32 @p0 $0x1  }
0x13: {  	[smem:$0x3FA9] =	sst s0;
	s0 =	simm.s32 @!p1 $0x0  }
0x14: {  	s2 =	sld [smem:$0x3F8D];
	s0 =	simm.s32 @p1 $0x1  }
0x15: {  	[smem:$0x3FAA] =	sst s0;
	s0 =	simm.s32 @!p2 $0x0  }
0x16: {  	s3 =	sld [smem:$0x3FDB];
	s0 =	simm.s32 @p2 $0x1  }
0x17: {  	s4 =	simm.s32 $0x1BF5;
	[smem:$0x3FAC] =	sst s0  }
0x18: {  	s0 =	sld [smem:$0x3F8F];
	_ =	swait.ge [sflag:s4], $0x0  }
0x19: {  	s7 =	sld [smem:$0x3F90]  }
0x1a: {  	s8 =	sadd.s32 $0xFFFFE003, lr  }
0x1b: {  	s9 =	sadd.s32 $0xFFFFFEF7, lr;
	s5 =	simm.s32 $0xFFFFFFFF;
	p2 =	slt.u32 s8, $0xFFFFF086  }
0x1c: {  	p1 =	slt.u32 s9, $0xF7A;
	s5 =	simm.s32 @!p2 $0x0  }
0x1d: {  	s5 =	simm.s32 @p1 $0x1;
	p0 =	seq.s32 s7, s2  }
0x1e: {  	s7 =	smul.u32 @!p0 $0xF7A, s2;
	p2 =	seq.s32 @!p0 s5, $0x0  }
0x1f: {  	s9 =	smul.u32 $0xF7A, s1;
	s8 =	simm.s32 @!p0 $0x1BF5;
	p2 =	por !p2, p0  }
0x20: {  	[sflag:s8] =	ssyncset.s32 @!p0 $0xFFFFF086;
	s6 =	sadd.s32 @!p0 s3, s7;
	s7 =	simm.s32 @!p0 $0x108  }
0x21: {  	s3 =	sadd.s32 s3, s9;
	s6 =	sadd.s32 @!p0 $0x88, s6;
	s7 =	simm.s32 @p2 $0x1082  }
0x22: {  	[simem:s7], [sflag:s8] =	dma.local @!p0 [hbm:s6], $0xF7A  }
0x23: {  	s9 =	sor.u32 $0xD0000000, s2;
	s6 =	simm.s32 $0x108;
	_ =	swait.ge @!p0 [sflag:s8], $0x0  }
0x24: {  	s3 =	sadd.s32 $0x88, s3;
	s6 =	simm.s32 @!p1 $0x1082;
	[sflag:s4] =	ssyncset.s32 $0xFFFFF086  }
0x25: {  	[simem:s6], [sflag:s4] =	dma.local [hbm:s3], $0xF7A  }
0x26: {  	[smem:$0x3F90] =	sst s1;
	(tag) =	ssettag s2;
	_ =	strace s9  }
0x27: {  	s1 =	sld [smem:$0x3FA0]  }
0x28: {  	s2 =	sld [smem:$0x3FA1]  }
0x29: {  	s4 =	sld [smem:$0x3FA3]  }
0x2a: {  	p0 =	seq.s32 s5, $0x0;
	s5 =	sld [smem:$0x3FA4]  }
0x2b: {  	s6 =	sld [smem:$0x3FA5]  }
0x2c: {  	s7 =	sld [smem:$0x3FA6]  }
0x2d: {  	s3 =	simm.s32 $0x108;
	s8 =	sld [smem:$0x3FA7]  }
0x2e: {  	s3 =	simm.s32 @!p0 $0x1082;
	s9 =	sld [smem:$0x3FA8]  }
0x2f: {  	lr =	sadd.s32 s0, s3;
	s0 =	sld [smem:$0x3F9F]  }
0x30: {  	s3 =	sld [smem:$0x3FA2]  }
0x31: {  	[smem:$0x3FAB] =	sst s10  }
0x32: {  	s10 =	sld [smem:$0x3FA9];
	_ =	sdelay $0x3  }
0x33: {  	p0 =	seq.s32 s10, $0x1;
	s10 =	sld [smem:$0x3FAB];
	_ =	sdelay $0x3  }
0x34: {  	[smem:$0x3FAB] =	sst s10  }
0x35: {  	s10 =	sld [smem:$0x3FAA];
	_ =	sdelay $0x3  }
0x36: {  	p1 =	seq.s32 s10, $0x1;
	s10 =	sld [smem:$0x3FAB];
	_ =	sdelay $0x3  }
0x37: {  	[smem:$0x3FAB] =	sst s10  }
0x38: {  	s10 =	sld [smem:$0x3FAC]  }
0x39: {  	_ = 	snop;
	(pc) =	sbr.ind lr, $3  }
0x3a: {  	_ = 	snop  }
0x3b: {  	_ = 	snop  }
0x3c: {  	p2 =	seq.s32 s10, $0x1;
	s10 =	sld [smem:$0x3FAB]  }
0x3d: {  	_ =	shalt  }
0x3e: {  	_ =	shalt  }
0x3f: {  	_ =	shalt  }
0x40: {  	_ =	shalt  }
0x41: {  	_ =	shalt  }
0x42: {  	_ =	shalt  }
0x43: {  	_ =	shalt  }
0x44: {  	_ =	shalt  }
0x45: {  	_ =	shalt  }
0x46: {  	_ =	shalt  }
0x47: {  	_ =	shalt  }
0x48: {  	_ =	shalt  }
0x49: {  	_ =	shalt  }
0x4a: {  	_ =	shalt  }
0x4b: {  	_ =	shalt  }
0x4c: {  	_ =	shalt  }
0x4d: {  	_ =	shalt  }
0x4e: {  	_ =	shalt  }
0x4f: {  	_ =	shalt  }
0x50: {  	_ =	shalt  }
0x51: {  	_ =	shalt  }
0x52: {  	_ =	shalt  }
0x53: {  	_ =	shalt  }
0x54: {  	_ =	shalt  }
0x55: {  	_ =	shalt  }
0x56: {  	_ =	shalt  }
0x57: {  	_ =	shalt  }
0x58: {  	_ =	shalt  }
0x59: {  	_ =	shalt  }
0x5a: {  	_ =	shalt  }
0x5b: {  	_ =	shalt  }
0x5c: {  	_ =	shalt  }
0x5d: {  	_ =	shalt  }
0x5e: {  	_ =	shalt  }
0x5f: {  	_ =	shalt  }
0x60: {  	_ =	shalt  }
0x61: {  	_ =	shalt  }
0x62: {  	_ =	shalt  }
0x63: {  	_ =	shalt  }
0x64: {  	_ =	shalt  }
0x65: {  	_ =	shalt  }
0x66: {  	_ =	shalt  }
0x67: {  	_ =	shalt  }
0x68: {  	_ =	shalt  }
0x69: {  	_ =	shalt  }
0x6a: {  	_ =	shalt  }
0x6b: {  	_ =	shalt  }
0x6c: {  	_ =	shalt  }
0x6d: {  	_ =	shalt  }
0x6e: {  	_ =	shalt  }
0x6f: {  	_ =	shalt  }
0x70: {  	_ =	shalt  }
0x71: {  	_ =	shalt  }
0x72: {  	_ =	shalt  }
0x73: {  	_ =	shalt  }
0x74: {  	_ =	shalt  }
0x75: {  	_ =	shalt  }
0x76: {  	_ =	shalt  }
0x77: {  	_ =	shalt  }
0x78: {  	_ =	shalt  }
0x79: {  	_ =	shalt  }
0x7a: {  	_ =	shalt  }
0x7b: {  	_ =	shalt  }
0x7c: {  	_ =	shalt  }
0x7d: {  	_ =	shalt  }
0x7e: {  	_ =	shalt  }
0x7f: {  	_ =	shalt  }
0x80: {  	_ =	shalt  }
0x81: {  	_ =	shalt  }
0x82: {  	_ =	shalt  }
0x83: {  	_ =	shalt  }
0x84: {  	_ =	shalt  }
0x85: {  	_ =	shalt  }
0x86: {  	_ =	shalt  }
0x87: {  	_ =	shalt  }
.Lfunc_end0:
.L_simem_size_0:
called_computation.7_lowered:
.L_overlay_start_0:
0x88: {  	s2 =	sld [smem:$0x3FD9]  }
0x89: {  	s3 =	sld [smem:$0x3FFE];
	_ =	sdelay $0x1  }
0x8a: {  	s1 =	srdreg.scid  }
0x8b: {  	s0 =	sand.u32 $0x1, s1  }
0x8c: {  	s16 =	sshll.u32 s0, $0xA;
	s2 =	sadd.s32 s3, s2  }
0x8d: {  	s2 =	sadd.s32 s2, s16  }
0x8e: {  	[smem:$0x3FB7] =	sst s2  }
0x8f: {  	_ = 	snop  }
0x90: {  	(tm) =	ssettm $0x1  }
0x91: {  	s17 =	sld [smem:$0x3FFB];
	_ =	sdelay $0x3  }
0x92: {  	_ =	strace s17  }
0x93: {  	s2 =	sld [smem:$0x3FFC];
	_ =	sdelay $0x3  }
0x94: {  	_ =	strace s2  }
0x95: {  	s2 =	sld [smem:$0x3FFD];
	_ =	sdelay $0x3  }
0x96: {  	_ =	strace s2  }
0x97: {  	_ =	strace $0x8FFFFFFF  }
0x98: {  	s18 =	sld [smem:$0x3FDB];
	_ =	sdelay $0x1  }
0x99: {  	s19 =	simm.s32 $_scs_section_size  }
0x9a: {  	s4 =	simm.s32 $_size__tile_overlayer_lowered;
	s5 =	simm.s32 $_tile_overlayer_lowered  }
0x9b: {  	s22 =	simm.s32 $0x1BFF;
	s21 =	sshll.u32 s5, $0x1;
	s2 =	sadd.s32 s19, s18  }
0x9c: {  	s6 =	simm.s32 $0x0;
	s20 =	sshll.u32 s4, $0x1;
	s4 =	sadd.s32 s21, s2  }
0x9d: {  	[timem:s6], [sflag:s22] =	dma.local [hbm:s4], s20  }
0x9e: {  	_ =	swait.ge [sflag:s22], s20  }
0x9f: {  	s3 =	ssub.s32 $0x0, s20;
	[sflag:s22] =	ssyncset.done $0x0  }
0xa0: {  	[sflag:s22] =	ssyncadd.s32 s3;
	_ =	sdelay $0x1  }
0xa1: {  	s23 =	simm.s32 $0x1B8B  }
0xa2: {  	_ =	swait.ge [sflag:s23], $0x1  }
0xa3: {  	[sflag:s23] =	ssyncset.done $0x0  }
0xa4: {  	s25 =	simm.s32 $0x1B8E;
	s24 =	sld [smem:$0x3FFE];
	[sflag:s23] =	ssyncadd.s32 $0xFFFFFFFF  }
0xa5: {  	s26 =	simm.s32 $execute0_lowered;
	[smem:$0x3FD2] =	sst s25  }
0xa6: {  	s4 =	sshll.u32 s26, $0x1;
	_ =	strace $0x8000005B;
	[dreg:$0x1] =	wrdreg $0xFFFFFFFF  }
0xa7: {  	s28 =	simm.s32 $_size_execute0_lowered;
	s2 =	sadd.s32 s2, s4;
	[dreg:$0x0] =	wrdreg $0x0  }
0xa8: {  	s4 =	sshll.u32 s28, $0x1;
	[dreg:$0x2] =	wrdreg s2  }
0xa9: {  	[dreg:$0x3] =	wrdreg s4  }
0xaa: {  	[dreg:$0x4] =	wrdreg $0xC0  }
0xab: {  	_ =	task [dreg:s6], $0x5FFFF  }
0xac: {  	[dreg:$0x1] =	wrdreg $0xFFFFFFFF  }
0xad: {  	[dreg:$0x0] =	wrdreg $0x60  }
0xae: {  	[dreg:$0x2] =	wrdreg s24  }
0xaf: {  	[dreg:$0x3] =	wrdreg $0x9  }
0xb0: {  	_ =	task.clear_ibuf [dreg:s6], $0x4FFFF;
	_ =	strace $0x9000005B  }
0xb1: {  	s29 =	simm.s32 $0x9;
	_ =	strace $0x8000005D  }
0xb2: {  	_ =	swait.ge [sflag:s29], $0x1  }
0xb3: {  	[sflag:s29] =	ssyncadd.s32 $0xFFFFFFFF  }
0xb4: {  	_ =	strace $0x9000005D  }
0xb5: {  	_ =	sfence  }
0xb6: {  	s30 =	sld [smem:$0x0];
	_ =	sdelay $0x2  }
0xb7: {  	s31 =	sshll.u32 s1, $0xD;
	s1 =	sshrl.u32 s1, $0x2  }
0xb8: {  	s3 =	sand.u32 $0x4000, s31;
	s1 =	sadd.s32 s1, s30  }
0xb9: {  	s0 =	sor.u32 s3, s0;
	s1 =	sshll.u32 s1, $0x11  }
0xba: {  	s0 =	sor.u32 s1, s0  }
0xbb: {  	s0 =	sadd.s32 $0x8F2B, s0  }
0xbc: {  	[sflag:s0] =	ssyncadd.remote.s32 $0x1  }
0xbd: {  	_ =	sfence.sel $0xFFFF  }
0xbe: {  	[dreg:$0x0] =	wrdreg $0xFFFFFFFF;
	(pc) =	sbr.abs _section_cstart, $3  }
0xbf: {  	[dreg:$0x1] =	wrdreg $0xFFFFFFFF  }
0xc0: {  	_ =	task.clear_ibuf [dreg:s6], $0x2FFFF;
	_ =	strace $0x9FFFFFFF  }
0xc1: {  	(tm) =	ssettm $0x7FFFFFFF  }
tec
execute0_lowered:
.L_overlay_start_1:
0x0: {  	(tag) =	ssettag $0x1  }
0x1: {  	s0 =	rddreg [dreg:$0x0];
	s2 =	simm.s32 $0x0  }
0x2: {  	s9 =	stileid.u32;
	s1 =	srdreg.scid;
	s11 =	simm.s32 $0x4  }
0x3: {  	s13 =	simm.s32 $0x100;
	s30 =	simm.s32 $0x8100;
	s10 =	simm.s32 $0xB900  }
0x4: {  	s12 =	simm.s32 $0xC100;
	s14 =	simm.s32 $0xC900;
	s15 =	simm.s32 $0xD100  }
0x5: {  	s16 =	simm.s32 $0xD900;
	s17 =	simm.s32 $0xE100;
	s18 =	simm.s32 $0xE900  }
0x6: {  	s19 =	simm.s32 $0xF100;
	s20 =	simm.s32 $0xF900;
	s21 =	simm.s32 $0x1  }
0x7: {  	s22 =	simm.s32 $0x2;
	s23 =	simm.s32 $0x3;
	[smem:$0x7FF] =	sst s2  }
0x8: {  	s31 =	simm.s32 $0x80;
	s3 =	sadd.s32 $0x391800, s0;
	s4 =	sadd.s32 $0x431800, s0  }
0x9: {  	s5 =	sshll.u32 s9, $0x5;
	s1 =	sand.u32 $0x1, s1;
	s6 =	sshll.u32 s9, $0xD  }
0xa: {  	s26 =	sshll.u32 s9, $0x1;
	s9 =	simm.s32 $0xB100;
	_ =	strace $0x8000005C  }
0xb: {  	s5 =	sadd.s32 s5, s0;
	s7 =	ssub.s32 $0x2, s1;
	s0 =	sadd.s32 s6, s0  }
0xc: {  	s8 =	sshll.u32 s1, $0x4;
	s1 =	sshll.u32 s1, $0xC;
	[dreg:$0x2] =	wrdreg s26  }
0xd: {  	s25 =	sshrl.u32 s7, $0x1;
	s5 =	sadd.s32 s8, s5;
	s0 =	sadd.s32 s1, s0  }
.Ltmp0:
0xe: {  	s1 =	simm.s32 $0x9900;
	s6 =	sadd.s32 $0x283600, s5;
	(pc) =	sbr.rel .LBB2_1-.Ltmp0, $4  }
0xf: {  	s7 =	ssub.s32 s7, s25;
	s8 =	sadd.s32 $0x27E600, s5;
	s29 =	sadd.s32 $0x963800, s0  }
0x10: {  	v2 =	vlaneseq.u32;
	s0 =	sadd.s32 $0x481800, s0;
	s5 =	simm.s32 $0xA100;
	[dreg:$0x4] =	wrdreg s29  }
0x11: {  	vm0 =	vmmov $0xffff;
	v1 =	vshrl.u32 v2, $0x3;
	s25 =	simm.s32 $0x0;
	s28 =	smax.u32 s7, $0x1;
	[dreg:$0x5] =	wrdreg s0  }
0x12: {  	v0 =	vand.u32 $0x7, v2;
	v2 =	vor.u32 $0x8, v2;
	v1 =	vmul.u32 $0x8, v1;
	s0 =	simm.s32 $0x9100;
	s7 =	simm.s32 $0xA900;
	[dreg:$0x3] =	wrdreg s28  }
.LBB2_5:
0x13: {  	s25 =	rddreg [dreg:$0x6]  }
0x14: {  	s24 =	rddreg [dreg:$0x3];
	s25 =	sadd.s32 $0x1, s25  }
0x15: {  	p0 =	sne.s32 s25, s24  }
.Ltmp1:
0x16: {  	_ = 	snop;
	(pc) =	sbr.rel @!p0 .LBB2_6-.Ltmp1, $1  }
0x17: {  	_ =	sdelay $0x3  }
.LBB2_1:
.Ltmp2:
0x18: {  	(pc) =	sbr.rel .LBB2_2-.Ltmp2, $4  }
0x19: {  	[dreg:$0x6] =	wrdreg s25  }
0x1a: {  	s24 =	rddreg [dreg:$0x2]  }
0x1b: {  	s25 =	rddreg [dreg:$0x5]  }
0x1c: {  	s26 =	rddreg [dreg:$0x4];
	s28 =	simm.s32 $0x0  }
.LBB2_4:
0x1d: {  	s28 =	sadd.s32 $0x200, s28  }
0x1e: {  	p0 =	sne.s32 s28, $0x5000  }
.Ltmp3:
0x1f: {  	_ = 	snop;
	(pc) =	sbr.rel @!p0 .LBB2_5-.Ltmp3, $2  }
0x20: {  	_ =	sdelay $0x2  }
0x21: {  	s26 =	sadd.s32 $0x20000, s26;
	s25 =	sadd.s32 $0x20000, s25;
	s24 =	sadd.s32 $0x20, s24  }
.LBB2_2:
0x22: {  	p0 =	sgt.u32 s24, $0x4E1  }
.Ltmp4:
0x23: {  	_ = 	snop;
	(pc) =	sbr.rel @p0 .LBB2_4-.Ltmp4, $1  }
0x24: {  	_ =	sdelay $0x3  }
0x25: {  	s29 =	sadd.s32 s28, s8  }
0x26: {  	[tilespmem:s2], [sflag:$0x4] =	stream.linear.gather [hbm4b:s29+s2], $0x80, $0x38;
	[tilespmem:$0x10100] =	vst v63  }
0x27: {  	_ =	swait.ge [sflag:s11], $0x80  }
0x28: {  	[sflag:s11] =	ssyncset.done $0x0  }
0x29: {  	s29 =	sadd.s32 s28, s6;
	[sflag:s11] =	ssyncadd.s32 $0xFFFFFF80  }
0x2a: {  	[tilespmem:s31], [sflag:$0x4] =	stream.linear.gather [hbm4b:s29+s2], $0x80, $0x38;
	[tilespmem:$0x10100] =	vst v63  }
0x2b: {  	_ =	swait.ge [sflag:s11], $0x80  }
0x2c: {  	[sflag:s11] =	ssyncset.done $0x0  }
0x2d: {  	[sflag:s11] =	ssyncadd.s32 $0xFFFFFF80  }
0x2e: {  	v3 =	vld [tilespmem:$0x0];
	_ =	sdelay $0x4  }
0x2f: {  	v4 =	vshll.u32 v3, $0x1  }
0x30: {  	v3 =	vand.u32 $0x7, v3;
	v4 =	vand.u32 $0xFFFFFFF0, v4  }
0x31: {  	v3 =	vor.u32 v3, v4  }
0x32: {  	v4 =	vperm.xlane v3, v0;
	_ =	sdelay $0x1  }
0x33: {  	v3 =	vperm.xlane v3, v2;
	v4 =	vadd.s32 v1, v4;
	_ =	sdelay $0x1  }
0x34: {  	v3 =	vadd.s32 v1, v3;
	_ =	sdelay $0x2  }
0x35: {  	[tilespmem:s13], [sflag:$0x1] =	stream.indirect_vreg.gather [hbm4b:s3+s2], $0x80, v4, vm0, $0xb8;
	[tilespmem:$0x10100] =	vst v63  }
0x36: {  	s29 =	simm.s32 $0x900  }
0x37: {  	[tilespmem:s29], [sflag:$0x1] =	stream.indirect_vreg.gather [hbm4b:s3+s2], $0x80, v3, vm0, $0xb8;
	[tilespmem:$0x10100] =	vst v63  }
0x38: {  	v3 =	vld [tilespmem:$0x10];
	_ =	sdelay $0x4  }
0x39: {  	v49 =	vshll.u32 v3, $0x1  }
0x3a: {  	v3 =	vand.u32 $0x7, v3;
	v4 =	vand.u32 $0xFFFFFFF0, v49  }
0x3b: {  	v3 =	vor.u32 v3, v4  }
0x3c: {  	v4 =	vperm.xlane v3, v0;
	_ =	sdelay $0x1  }
0x3d: {  	v3 =	vperm.xlane v3, v2;
	v4 =	vadd.s32 v1, v4;
	_ =	sdelay $0x1  }
0x3e: {  	v3 =	vadd.s32 v1, v3;
	_ =	sdelay $0x1  }
0x3f: {  	s29 =	simm.s32 $0x1100  }
0x40: {  	[tilespmem:s29], [sflag:$0x1] =	stream.indirect_vreg.gather [hbm4b:s3+s2], $0x80, v4, vm0, $0xb8;
	[tilespmem:$0x10100] =	vst v63  }
0x41: {  	s29 =	simm.s32 $0x1900  }
0x42: {  	[tilespmem:s29], [sflag:$0x1] =	stream.indirect_vreg.gather [hbm4b:s3+s2], $0x80, v3, vm0, $0xb8;
	[tilespmem:$0x10100] =	vst v63  }
0x43: {  	v3 =	vld [tilespmem:$0x20];
	_ =	sdelay $0x4  }
0x44: {  	v50 =	vshll.u32 v3, $0x1  }
0x45: {  	v3 =	vand.u32 $0x7, v3;
	v4 =	vand.u32 $0xFFFFFFF0, v50  }
0x46: {  	v3 =	vor.u32 v3, v4  }
0x47: {  	v4 =	vperm.xlane v3, v0;
	_ =	sdelay $0x1  }
0x48: {  	v3 =	vperm.xlane v3, v2;
	v4 =	vadd.s32 v1, v4;
	_ =	sdelay $0x1  }
0x49: {  	v3 =	vadd.s32 v1, v3;
	_ =	sdelay $0x1  }
0x4a: {  	s29 =	simm.s32 $0x2100  }
0x4b: {  	[tilespmem:s29], [sflag:$0x1] =	stream.indirect_vreg.gather [hbm4b:s3+s2], $0x80, v4, vm0, $0xb8;
	[tilespmem:$0x10100] =	vst v63  }
0x4c: {  	s29 =	simm.s32 $0x2900  }
0x4d: {  	[tilespmem:s29], [sflag:$0x1] =	stream.indirect_vreg.gather [hbm4b:s3+s2], $0x80, v3, vm0, $0xb8;
	[tilespmem:$0x10100] =	vst v63  }
0x4e: {  	v3 =	vld [tilespmem:$0x30];
	_ =	sdelay $0x4  }
0x4f: {  	v51 =	vshll.u32 v3, $0x1  }
0x50: {  	v3 =	vand.u32 $0x7, v3;
	v4 =	vand.u32 $0xFFFFFFF0, v51  }
0x51: {  	v3 =	vor.u32 v3, v4  }
0x52: {  	v4 =	vperm.xlane v3, v0;
	_ =	sdelay $0x1  }
0x53: {  	v3 =	vperm.xlane v3, v2;
	v4 =	vadd.s32 v1, v4;
	_ =	sdelay $0x1  }
0x54: {  	v3 =	vadd.s32 v1, v3;
	_ =	sdelay $0x1  }
0x55: {  	s29 =	simm.s32 $0x3100  }
0x56: {  	[tilespmem:s29], [sflag:$0x1] =	stream.indirect_vreg.gather [hbm4b:s3+s2], $0x80, v4, vm0, $0xb8;
	[tilespmem:$0x10100] =	vst v63  }
0x57: {  	s29 =	simm.s32 $0x3900  }
0x58: {  	[tilespmem:s29], [sflag:$0x1] =	stream.indirect_vreg.gather [hbm4b:s3+s2], $0x80, v3, vm0, $0xb8;
	[tilespmem:$0x10100] =	vst v63  }
0x59: {  	v3 =	vld [tilespmem:$0x40];
	_ =	sdelay $0x4  }
0x5a: {  	v52 =	vshll.u32 v3, $0x1  }
0x5b: {  	v3 =	vand.u32 $0x7, v3;
	v4 =	vand.u32 $0xFFFFFFF0, v52  }
0x5c: {  	v3 =	vor.u32 v3, v4  }
0x5d: {  	v4 =	vperm.xlane v3, v0;
	_ =	sdelay $0x1  }
0x5e: {  	v3 =	vperm.xlane v3, v2;
	v4 =	vadd.s32 v1, v4;
	_ =	sdelay $0x1  }
0x5f: {  	v3 =	vadd.s32 v1, v3;
	_ =	sdelay $0x1  }
0x60: {  	s29 =	simm.s32 $0x4100  }
0x61: {  	[tilespmem:s29], [sflag:$0x1] =	stream.indirect_vreg.gather [hbm4b:s3+s2], $0x80, v4, vm0, $0xb8;
	[tilespmem:$0x10100] =	vst v63  }
0x62: {  	s29 =	simm.s32 $0x4900  }
0x63: {  	[tilespmem:s29], [sflag:$0x1] =	stream.indirect_vreg.gather [hbm4b:s3+s2], $0x80, v3, vm0, $0xb8;
	[tilespmem:$0x10100] =	vst v63  }
0x64: {  	v3 =	vld [tilespmem:$0x50];
	_ =	sdelay $0x4  }
0x65: {  	v53 =	vshll.u32 v3, $0x1  }
0x66: {  	v3 =	vand.u32 $0x7, v3;
	v4 =	vand.u32 $0xFFFFFFF0, v53  }
0x67: {  	v3 =	vor.u32 v3, v4  }
0x68: {  	v4 =	vperm.xlane v3, v0;
	_ =	sdelay $0x1  }
0x69: {  	v3 =	vperm.xlane v3, v2;
	v4 =	vadd.s32 v1, v4;
	_ =	sdelay $0x1  }
0x6a: {  	v3 =	vadd.s32 v1, v3;
	_ =	sdelay $0x1  }
0x6b: {  	s29 =	simm.s32 $0x5100  }
0x6c: {  	[tilespmem:s29], [sflag:$0x1] =	stream.indirect_vreg.gather [hbm4b:s3+s2], $0x80, v4, vm0, $0xb8;
	[tilespmem:$0x10100] =	vst v63  }
0x6d: {  	s29 =	simm.s32 $0x5900  }
0x6e: {  	[tilespmem:s29], [sflag:$0x1] =	stream.indirect_vreg.gather [hbm4b:s3+s2], $0x80, v3, vm0, $0xb8;
	[tilespmem:$0x10100] =	vst v63  }
0x6f: {  	v3 =	vld [tilespmem:$0x60];
	_ =	sdelay $0x4  }
0x70: {  	v54 =	vshll.u32 v3, $0x1  }
0x71: {  	v3 =	vand.u32 $0x7, v3;
	v4 =	vand.u32 $0xFFFFFFF0, v54  }
0x72: {  	v3 =	vor.u32 v3, v4  }
0x73: {  	v4 =	vperm.xlane v3, v0;
	_ =	sdelay $0x1  }
0x74: {  	v3 =	vperm.xlane v3, v2;
	v4 =	vadd.s32 v1, v4;
	_ =	sdelay $0x1  }
0x75: {  	v3 =	vadd.s32 v1, v3;
	_ =	sdelay $0x1  }
0x76: {  	s29 =	simm.s32 $0x6100  }
0x77: {  	[tilespmem:s29], [sflag:$0x1] =	stream.indirect_vreg.gather [hbm4b:s3+s2], $0x80, v4, vm0, $0xb8;
	[tilespmem:$0x10100] =	vst v63  }
0x78: {  	s29 =	simm.s32 $0x6900  }
0x79: {  	[tilespmem:s29], [sflag:$0x1] =	stream.indirect_vreg.gather [hbm4b:s3+s2], $0x80, v3, vm0, $0xb8;
	[tilespmem:$0x10100] =	vst v63  }
0x7a: {  	v3 =	vld [tilespmem:$0x70];
	_ =	sdelay $0x4  }
0x7b: {  	v55 =	vshll.u32 v3, $0x1  }
0x7c: {  	v3 =	vand.u32 $0x7, v3;
	v4 =	vand.u32 $0xFFFFFFF0, v55  }
0x7d: {  	v3 =	vor.u32 v3, v4  }
0x7e: {  	v4 =	vperm.xlane v3, v0;
	_ =	sdelay $0x1  }
0x7f: {  	v3 =	vperm.xlane v3, v2;
	v4 =	vadd.s32 v1, v4;
	_ =	sdelay $0x1  }
0x80: {  	v3 =	vadd.s32 v1, v3;
	_ =	sdelay $0x1  }
0x81: {  	s29 =	simm.s32 $0x7100  }
0x82: {  	[tilespmem:s29], [sflag:$0x1] =	stream.indirect_vreg.gather [hbm4b:s3+s2], $0x80, v4, vm0, $0xb8;
	[tilespmem:$0x10100] =	vst v63  }
0x83: {  	s29 =	simm.s32 $0x7900  }
0x84: {  	[tilespmem:s29], [sflag:$0x1] =	stream.indirect_vreg.gather [hbm4b:s3+s2], $0x80, v3, vm0, $0xb8;
	[tilespmem:$0x10100] =	vst v63  }
0x85: {  	v3 =	vld [tilespmem:$0x80];
	_ =	sdelay $0x4  }
0x86: {  	v56 =	vshll.u32 v3, $0x1  }
0x87: {  	v3 =	vand.u32 $0x7, v3;
	v4 =	vand.u32 $0xFFFFFFF0, v56  }
0x88: {  	v3 =	vor.u32 v3, v4  }
0x89: {  	v4 =	vperm.xlane v3, v0;
	_ =	sdelay $0x1  }
0x8a: {  	v3 =	vperm.xlane v3, v2;
	v4 =	vadd.s32 v1, v4;
	_ =	sdelay $0x1  }
0x8b: {  	v3 =	vadd.s32 v1, v3;
	_ =	sdelay $0x2  }
0x8c: {  	[tilespmem:s30], [sflag:$0x2] =	stream.indirect_vreg.gather [hbm4b:s4+s2], $0x80, v4, vm0, $0xb8;
	[tilespmem:$0x10100] =	vst v63  }
0x8d: {  	s29 =	simm.s32 $0x8900  }
0x8e: {  	[tilespmem:s29], [sflag:$0x2] =	stream.indirect_vreg.gather [hbm4b:s4+s2], $0x80, v3, vm0, $0xb8;
	[tilespmem:$0x10100] =	vst v63  }
0x8f: {  	v3 =	vld [tilespmem:$0x90];
	_ =	sdelay $0x4  }
0x90: {  	v57 =	vshll.u32 v3, $0x1  }
0x91: {  	v3 =	vand.u32 $0x7, v3;
	v4 =	vand.u32 $0xFFFFFFF0, v57  }
0x92: {  	v3 =	vor.u32 v3, v4  }
0x93: {  	v4 =	vperm.xlane v3, v0;
	_ =	sdelay $0x1  }
0x94: {  	v3 =	vperm.xlane v3, v2;
	v4 =	vadd.s32 v1, v4;
	_ =	sdelay $0x1  }
0x95: {  	v3 =	vadd.s32 v1, v3;
	_ =	sdelay $0x2  }
0x96: {  	[tilespmem:s0], [sflag:$0x2] =	stream.indirect_vreg.gather [hbm4b:s4+s2], $0x80, v4, vm0, $0xb8;
	[tilespmem:$0x10100] =	vst v63  }
0x97: {  	_ = 	snop  }
0x98: {  	[tilespmem:s1], [sflag:$0x2] =	stream.indirect_vreg.gather [hbm4b:s4+s2], $0x80, v3, vm0, $0xb8;
	[tilespmem:$0x10100] =	vst v63  }
0x99: {  	v3 =	vld [tilespmem:$0xA0];
	_ =	sdelay $0x4  }
0x9a: {  	v58 =	vshll.u32 v3, $0x1  }
0x9b: {  	v3 =	vand.u32 $0x7, v3;
	v4 =	vand.u32 $0xFFFFFFF0, v58  }
0x9c: {  	v3 =	vor.u32 v3, v4  }
0x9d: {  	v4 =	vperm.xlane v3, v0;
	_ =	sdelay $0x1  }
0x9e: {  	v3 =	vperm.xlane v3, v2;
	v4 =	vadd.s32 v1, v4;
	_ =	sdelay $0x1  }
0x9f: {  	v3 =	vadd.s32 v1, v3;
	_ =	sdelay $0x2  }
0xa0: {  	[tilespmem:s5], [sflag:$0x2] =	stream.indirect_vreg.gather [hbm4b:s4+s2], $0x80, v4, vm0, $0xb8;
	[tilespmem:$0x10100] =	vst v63  }
0xa1: {  	_ = 	snop  }
0xa2: {  	[tilespmem:s7], [sflag:$0x2] =	stream.indirect_vreg.gather [hbm4b:s4+s2], $0x80, v3, vm0, $0xb8;
	[tilespmem:$0x10100] =	vst v63  }
0xa3: {  	v3 =	vld [tilespmem:$0xB0];
	_ =	sdelay $0x4  }
0xa4: {  	v59 =	vshll.u32 v3, $0x1  }
0xa5: {  	v3 =	vand.u32 $0x7, v3;
	v4 =	vand.u32 $0xFFFFFFF0, v59  }
0xa6: {  	v3 =	vor.u32 v3, v4  }
0xa7: {  	v4 =	vperm.xlane v3, v0;
	_ =	sdelay $0x1  }
0xa8: {  	v3 =	vperm.xlane v3, v2;
	v4 =	vadd.s32 v1, v4;
	_ =	sdelay $0x1  }
0xa9: {  	v3 =	vadd.s32 v1, v3;
	_ =	sdelay $0x2  }
0xaa: {  	[tilespmem:s9], [sflag:$0x2] =	stream.indirect_vreg.gather [hbm4b:s4+s2], $0x80, v4, vm0, $0xb8;
	[tilespmem:$0x10100] =	vst v63  }
0xab: {  	_ = 	snop  }
0xac: {  	[tilespmem:s10], [sflag:$0x2] =	stream.indirect_vreg.gather [hbm4b:s4+s2], $0x80, v3, vm0, $0xb8;
	[tilespmem:$0x10100] =	vst v63  }
0xad: {  	v3 =	vld [tilespmem:$0xC0];
	_ =	sdelay $0x4  }
0xae: {  	v60 =	vshll.u32 v3, $0x1  }
0xaf: {  	v3 =	vand.u32 $0x7, v3;
	v4 =	vand.u32 $0xFFFFFFF0, v60  }
0xb0: {  	v3 =	vor.u32 v3, v4  }
0xb1: {  	v4 =	vperm.xlane v3, v0;
	_ =	sdelay $0x1  }
0xb2: {  	v3 =	vperm.xlane v3, v2;
	v4 =	vadd.s32 v1, v4;
	_ =	sdelay $0x1  }
0xb3: {  	v3 =	vadd.s32 v1, v3;
	_ =	sdelay $0x2  }
0xb4: {  	[tilespmem:s12], [sflag:$0x2] =	stream.indirect_vreg.gather [hbm4b:s4+s2], $0x80, v4, vm0, $0xb8;
	[tilespmem:$0x10100] =	vst v63  }
0xb5: {  	_ = 	snop  }
0xb6: {  	[tilespmem:s14], [sflag:$0x2] =	stream.indirect_vreg.gather [hbm4b:s4+s2], $0x80, v3, vm0, $0xb8;
	[tilespmem:$0x10100] =	vst v63  }
0xb7: {  	v3 =	vld [tilespmem:$0xD0];
	_ =	sdelay $0x4  }
0xb8: {  	v61 =	vshll.u32 v3, $0x1  }
0xb9: {  	v3 =	vand.u32 $0x7, v3;
	v4 =	vand.u32 $0xFFFFFFF0, v61  }
0xba: {  	v3 =	vor.u32 v3, v4  }
0xbb: {  	v4 =	vperm.xlane v3, v0;
	_ =	sdelay $0x1  }
0xbc: {  	v3 =	vperm.xlane v3, v2;
	v4 =	vadd.s32 v1, v4;
	_ =	sdelay $0x1  }
0xbd: {  	v3 =	vadd.s32 v1, v3;
	_ =	sdelay $0x2  }
0xbe: {  	[tilespmem:s15], [sflag:$0x2] =	stream.indirect_vreg.gather [hbm4b:s4+s2], $0x80, v4, vm0, $0xb8;
	[tilespmem:$0x10100] =	vst v63  }
0xbf: {  	_ = 	snop  }
0xc0: {  	[tilespmem:s16], [sflag:$0x2] =	stream.indirect_vreg.gather [hbm4b:s4+s2], $0x80, v3, vm0, $0xb8;
	[tilespmem:$0x10100] =	vst v63  }
0xc1: {  	v3 =	vld [tilespmem:$0xE0];
	_ =	sdelay $0x4  }
0xc2: {  	v62 =	vshll.u32 v3, $0x1  }
0xc3: {  	v3 =	vand.u32 $0x7, v3;
	v4 =	vand.u32 $0xFFFFFFF0, v62  }
0xc4: {  	v3 =	vor.u32 v3, v4  }
0xc5: {  	v4 =	vperm.xlane v3, v0;
	_ =	sdelay $0x1  }
0xc6: {  	v3 =	vperm.xlane v3, v2;
	v4 =	vadd.s32 v1, v4;
	_ =	sdelay $0x1  }
0xc7: {  	v3 =	vadd.s32 v1, v3;
	_ =	sdelay $0x2  }
0xc8: {  	[tilespmem:s17], [sflag:$0x2] =	stream.indirect_vreg.gather [hbm4b:s4+s2], $0x80, v4, vm0, $0xb8;
	[tilespmem:$0x10100] =	vst v63  }
0xc9: {  	_ = 	snop  }
0xca: {  	[tilespmem:s18], [sflag:$0x2] =	stream.indirect_vreg.gather [hbm4b:s4+s2], $0x80, v3, vm0, $0xb8;
	[tilespmem:$0x10100] =	vst v63  }
0xcb: {  	v3 =	vld [tilespmem:$0xF0];
	_ =	sdelay $0x4  }
0xcc: {  	v63 =	vshll.u32 v3, $0x1  }
0xcd: {  	v3 =	vand.u32 $0x7, v3;
	v4 =	vand.u32 $0xFFFFFFF0, v63  }
0xce: {  	v3 =	vor.u32 v3, v4  }
0xcf: {  	v4 =	vperm.xlane v3, v0;
	_ =	sdelay $0x1  }
0xd0: {  	v3 =	vperm.xlane v3, v2;
	v4 =	vadd.s32 v1, v4;
	_ =	sdelay $0x1  }
0xd1: {  	v3 =	vadd.s32 v1, v3;
	_ =	sdelay $0x2  }
0xd2: {  	[tilespmem:s19], [sflag:$0x2] =	stream.indirect_vreg.gather [hbm4b:s4+s2], $0x80, v4, vm0, $0xb8;
	[tilespmem:$0x10100] =	vst v63  }
0xd3: {  	_ = 	snop  }
0xd4: {  	[tilespmem:s20], [sflag:$0x2] =	stream.indirect_vreg.gather [hbm4b:s4+s2], $0x80, v3, vm0, $0xb8;
	[tilespmem:$0x10100] =	vst v63  }
0xd5: {  	_ =	swait.ge [sflag:s21], $0x8000  }
0xd6: {  	[sflag:s21] =	ssyncset.done $0x0  }
0xd7: {  	[sflag:s21] =	ssyncadd.s32 $0xFFFF8000  }
0xd8: {  	_ =	swait.ge [sflag:s22], $0x8000  }
0xd9: {  	[sflag:s22] =	ssyncset.done $0x0  }
0xda: {  	[sflag:s22] =	ssyncadd.s32 $0xFFFF8000  }
0xdb: {  	[hbm4b:s25+s2] =	stream.linear.scatter [tilespmem:s13], [sflag:$0x4], $0x8000, $0x38;
	[tilespmem:$0x10100] =	vst v63  }
0xdc: {  	_ =	swait.ge [sflag:s11], $0x8000  }
0xdd: {  	[sflag:s11] =	ssyncset.done $0x0  }
.Ltmp5:
0xde: {  	[sflag:s11] =	ssyncadd.s32 $0xFFFF8000;
	(pc) =	sbr.rel .LBB2_4-.Ltmp5, $4  }
0xdf: {  	[hbm4b:s26+s2] =	stream.linear.scatter [tilespmem:s30], [sflag:$0x3], $0x8000, $0x38;
	[tilespmem:$0x10100] =	vst v63  }
0xe0: {  	_ =	swait.ge [sflag:s23], $0x8000  }
0xe1: {  	[sflag:s23] =	ssyncset.done $0x0  }
0xe2: {  	[sflag:s23] =	ssyncadd.s32 $0xFFFF8000  }
.LBB2_6:
0xe3: {  	_ =	sfence.sel $0x180000  }
0xe4: {  	[bflag:$0x0] =	sbarrier.arrive $0xFFFF  }
0xe5: {  	_ =	strace $0x9000005C  }
0xe6: {  	s0 =	stileid.u32;
	[bflag:$0x2] =	sbarrier.arrive $0xFFFF  }
0xe7: {  	p0 =	sne.s32 s0, $0x0;
	s0 =	rddreg [dreg:$0x1]  }
0xe8: {  	s0 =	sadd.s32 @!p0 $0x100000, s0  }
0xe9: {  	[sflag:s0] =	ssyncadd.tile.s32 @!p0 $0x1;
	_ =	shalt  }
.Lfunc_end2:
_tile_overlayer_lowered:
.L_overlay_start_2:
0xea: {  	(tag) =	ssettag $0x2  }
0xeb: {  	s0 =	rddreg [dreg:$0x0];
	s2 =	stileid.u32  }
0xec: {  	s1 =	rddreg [dreg:$0x1];
	p0 =	sne.s32 s2, $0x0  }
0xed: {  	s3 =	rddreg [dreg:$0x2];
	[bflag:$0x3] =	sbarrier.arrive $0xFFFF;
	s2 =	simm.s32 @!p0 $0x1C03  }
0xee: {  	[timem:s3], [sflag:s2] =	dma.local @!p0 [hbm:s0], s1  }
0xef: {  	s0 =	simm.s32 @!p0 $0x3  }
0xf0: {  	_ =	swait.ge @!p0 [sflag:s0], s1  }
0xf1: {  	s1 =	ssub.s32 @!p0 $0x0, s1;
	[sflag:s0] =	ssyncset.done @!p0 $0x0  }
0xf2: {  	[sflag:s0] =	ssyncadd.s32 @!p0 s1  }
0xf3: {  	[bflag:$0x3] =	sbarrier.arrive $0xFFFF  }
0xf4: {  	_ =	shalt  }

// kernel: kernel.54.cloned.1.call-start
scs
__scs_entry_jumppad:
0x0: {  	(pc) =	sbr.rel $0x88, $3  }
0x1: {  	(tag) =	ssettag $0x0;
	lr =	simm.s32 $0x1  }
0x2: {  	[smem:$0x3F90] =	sst lr;
	_ =	strace $0xD0000000  }
0x3: {  	_ = 	snop  }
0x4: {  	_ = 	snop  }
0x5: {  	_ = 	snop  }
0x6: {  	_ = 	snop  }
0x7: {  	_ = 	snop  }
__scs_overlays_trampoline_lowered:
0x8: {  	[smem:$0x3F9F] =	sst s0  }
0x9: {  	[smem:$0x3FA0] =	sst s1  }
0xa: {  	[smem:$0x3FA1] =	sst s2  }
0xb: {  	[smem:$0x3FA2] =	sst s3  }
0xc: {  	[smem:$0x3FA3] =	sst s4  }
0xd: {  	[smem:$0x3FA4] =	sst s5  }
0xe: {  	[smem:$0x3FA5] =	sst s6  }
0xf: {  	[smem:$0x3FA6] =	sst s7  }
0x10: {  	[smem:$0x3FA7] =	sst s8  }
0x11: {  	[smem:$0x3FA8] =	sst s9;
	s0 =	simm.s32 @!p0 $0x0  }
0x12: {  	s1 =	sld [smem:$0x3F8E];
	s0 =	simm.s32 @p0 $0x1  }
0x13: {  	[smem:$0x3FA9] =	sst s0;
	s0 =	simm.s32 @!p1 $0x0  }
0x14: {  	s2 =	sld [smem:$0x3F8D];
	s0 =	simm.s32 @p1 $0x1  }
0x15: {  	[smem:$0x3FAA] =	sst s0;
	s0 =	simm.s32 @!p2 $0x0  }
0x16: {  	s3 =	sld [smem:$0x3FDB];
	s0 =	simm.s32 @p2 $0x1  }
0x17: {  	s4 =	simm.s32 $0x1BF5;
	[smem:$0x3FAC] =	sst s0  }
0x18: {  	s0 =	sld [smem:$0x3F8F];
	_ =	swait.ge [sflag:s4], $0x0  }
0x19: {  	s7 =	sld [smem:$0x3F90]  }
0x1a: {  	s8 =	sadd.s32 $0xFFFFE003, lr  }
0x1b: {  	s9 =	sadd.s32 $0xFFFFFEF7, lr;
	s5 =	simm.s32 $0xFFFFFFFF;
	p2 =	slt.u32 s8, $0xFFFFF086  }
0x1c: {  	p1 =	slt.u32 s9, $0xF7A;
	s5 =	simm.s32 @!p2 $0x0  }
0x1d: {  	s5 =	simm.s32 @p1 $0x1;
	p0 =	seq.s32 s7, s2  }
0x1e: {  	s7 =	smul.u32 @!p0 $0xF7A, s2;
	p2 =	seq.s32 @!p0 s5, $0x0  }
0x1f: {  	s9 =	smul.u32 $0xF7A, s1;
	s8 =	simm.s32 @!p0 $0x1BF5;
	p2 =	por !p2, p0  }
0x20: {  	[sflag:s8] =	ssyncset.s32 @!p0 $0xFFFFF086;
	s6 =	sadd.s32 @!p0 s3, s7;
	s7 =	simm.s32 @!p0 $0x108  }
0x21: {  	s3 =	sadd.s32 s3, s9;
	s6 =	sadd.s32 @!p0 $0x88, s6;
	s7 =	simm.s32 @p2 $0x1082  }
0x22: {  	[simem:s7], [sflag:s8] =	dma.local @!p0 [hbm:s6], $0xF7A  }
0x23: {  	s9 =	sor.u32 $0xD0000000, s2;
	s6 =	simm.s32 $0x108;
	_ =	swait.ge @!p0 [sflag:s8], $0x0  }
0x24: {  	s3 =	sadd.s32 $0x88, s3;
	s6 =	simm.s32 @!p1 $0x1082;
	[sflag:s4] =	ssyncset.s32 $0xFFFFF086  }
0x25: {  	[simem:s6], [sflag:s4] =	dma.local [hbm:s3], $0xF7A  }
0x26: {  	[smem:$0x3F90] =	sst s1;
	(tag) =	ssettag s2;
	_ =	strace s9  }
0x27: {  	s1 =	sld [smem:$0x3FA0]  }
0x28: {  	s2 =	sld [smem:$0x3FA1]  }
0x29: {  	s4 =	sld [smem:$0x3FA3]  }
0x2a: {  	p0 =	seq.s32 s5, $0x0;
	s5 =	sld [smem:$0x3FA4]  }
0x2b: {  	s6 =	sld [smem:$0x3FA5]  }
0x2c: {  	s7 =	sld [smem:$0x3FA6]  }
0x2d: {  	s3 =	simm.s32 $0x108;
	s8 =	sld [smem:$0x3FA7]  }
0x2e: {  	s3 =	simm.s32 @!p0 $0x1082;
	s9 =	sld [smem:$0x3FA8]  }
0x2f: {  	lr =	sadd.s32 s0, s3;
	s0 =	sld [smem:$0x3F9F]  }
0x30: {  	s3 =	sld [smem:$0x3FA2]  }
0x31: {  	[smem:$0x3FAB] =	sst s10  }
0x32: {  	s10 =	sld [smem:$0x3FA9];
	_ =	sdelay $0x3  }
0x33: {  	p0 =	seq.s32 s10, $0x1;
	s10 =	sld [smem:$0x3FAB];
	_ =	sdelay $0x3  }
0x34: {  	[smem:$0x3FAB] =	sst s10  }
0x35: {  	s10 =	sld [smem:$0x3FAA];
	_ =	sdelay $0x3  }
0x36: {  	p1 =	seq.s32 s10, $0x1;
	s10 =	sld [smem:$0x3FAB];
	_ =	sdelay $0x3  }
0x37: {  	[smem:$0x3FAB] =	sst s10  }
0x38: {  	s10 =	sld [smem:$0x3FAC]  }
0x39: {  	_ = 	snop;
	(pc) =	sbr.ind lr, $3  }
0x3a: {  	_ = 	snop  }
0x3b: {  	_ = 	snop  }
0x3c: {  	p2 =	seq.s32 s10, $0x1;
	s10 =	sld [smem:$0x3FAB]  }
0x3d: {  	_ =	shalt  }
0x3e: {  	_ =	shalt  }
0x3f: {  	_ =	shalt  }
0x40: {  	_ =	shalt  }
0x41: {  	_ =	shalt  }
0x42: {  	_ =	shalt  }
0x43: {  	_ =	shalt  }
0x44: {  	_ =	shalt  }
0x45: {  	_ =	shalt  }
0x46: {  	_ =	shalt  }
0x47: {  	_ =	shalt  }
0x48: {  	_ =	shalt  }
0x49: {  	_ =	shalt  }
0x4a: {  	_ =	shalt  }
0x4b: {  	_ =	shalt  }
0x4c: {  	_ =	shalt  }
0x4d: {  	_ =	shalt  }
0x4e: {  	_ =	shalt  }
0x4f: {  	_ =	shalt  }
0x50: {  	_ =	shalt  }
0x51: {  	_ =	shalt  }
0x52: {  	_ =	shalt  }
0x53: {  	_ =	shalt  }
0x54: {  	_ =	shalt  }
0x55: {  	_ =	shalt  }
0x56: {  	_ =	shalt  }
0x57: {  	_ =	shalt  }
0x58: {  	_ =	shalt  }
0x59: {  	_ =	shalt  }
0x5a: {  	_ =	shalt  }
0x5b: {  	_ =	shalt  }
0x5c: {  	_ =	shalt  }
0x5d: {  	_ =	shalt  }
0x5e: {  	_ =	shalt  }
0x5f: {  	_ =	shalt  }
0x60: {  	_ =	shalt  }
0x61: {  	_ =	shalt  }
0x62: {  	_ =	shalt  }
0x63: {  	_ =	shalt  }
0x64: {  	_ =	shalt  }
0x65: {  	_ =	shalt  }
0x66: {  	_ =	shalt  }
0x67: {  	_ =	shalt  }
0x68: {  	_ =	shalt  }
0x69: {  	_ =	shalt  }
0x6a: {  	_ =	shalt  }
0x6b: {  	_ =	shalt  }
0x6c: {  	_ =	shalt  }
0x6d: {  	_ =	shalt  }
0x6e: {  	_ =	shalt  }
0x6f: {  	_ =	shalt  }
0x70: {  	_ =	shalt  }
0x71: {  	_ =	shalt  }
0x72: {  	_ =	shalt  }
0x73: {  	_ =	shalt  }
0x74: {  	_ =	shalt  }
0x75: {  	_ =	shalt  }
0x76: {  	_ =	shalt  }
0x77: {  	_ =	shalt  }
0x78: {  	_ =	shalt  }
0x79: {  	_ =	shalt  }
0x7a: {  	_ =	shalt  }
0x7b: {  	_ =	shalt  }
0x7c: {  	_ =	shalt  }
0x7d: {  	_ =	shalt  }
0x7e: {  	_ =	shalt  }
0x7f: {  	_ =	shalt  }
0x80: {  	_ =	shalt  }
0x81: {  	_ =	shalt  }
0x82: {  	_ =	shalt  }
0x83: {  	_ =	shalt  }
0x84: {  	_ =	shalt  }
0x85: {  	_ =	shalt  }
0x86: {  	_ =	shalt  }
0x87: {  	_ =	shalt  }
.Lfunc_end0:
.L_simem_size_0:
called_computation.8_lowered:
.L_overlay_start_0:
0x88: {  	s2 =	sld [smem:$0x3FD9]  }
0x89: {  	s3 =	sld [smem:$0x3FFE];
	_ =	sdelay $0x1  }
0x8a: {  	s1 =	srdreg.scid  }
0x8b: {  	s0 =	sand.u32 $0x1, s1  }
0x8c: {  	s16 =	sshll.u32 s0, $0xA;
	s2 =	sadd.s32 s3, s2  }
0x8d: {  	s2 =	sadd.s32 s2, s16  }
0x8e: {  	[smem:$0x3FB7] =	sst s2  }
0x8f: {  	_ = 	snop  }
0x90: {  	(tm) =	ssettm $0x1  }
0x91: {  	s17 =	sld [smem:$0x3FFB];
	_ =	sdelay $0x3  }
0x92: {  	_ =	strace s17  }
0x93: {  	s2 =	sld [smem:$0x3FFC];
	_ =	sdelay $0x3  }
0x94: {  	_ =	strace s2  }
0x95: {  	s2 =	sld [smem:$0x3FFD];
	_ =	sdelay $0x3  }
0x96: {  	_ =	strace s2  }
0x97: {  	_ =	strace $0x8FFFFFFF  }
0x98: {  	s18 =	sld [smem:$0x3FDB];
	_ =	sdelay $0x1  }
0x99: {  	s19 =	simm.s32 $_scs_section_size  }
0x9a: {  	s4 =	simm.s32 $_size__tile_overlayer_lowered;
	s5 =	simm.s32 $_tile_overlayer_lowered  }
0x9b: {  	s22 =	simm.s32 $0x1BFF;
	s21 =	sshll.u32 s5, $0x1;
	s2 =	sadd.s32 s19, s18  }
0x9c: {  	s6 =	simm.s32 $0x0;
	s20 =	sshll.u32 s4, $0x1;
	s4 =	sadd.s32 s21, s2  }
0x9d: {  	[timem:s6], [sflag:s22] =	dma.local [hbm:s4], s20  }
0x9e: {  	_ =	swait.ge [sflag:s22], s20  }
0x9f: {  	s3 =	ssub.s32 $0x0, s20;
	[sflag:s22] =	ssyncset.done $0x0  }
0xa0: {  	[sflag:s22] =	ssyncadd.s32 s3;
	_ =	sdelay $0x1  }
0xa1: {  	s23 =	simm.s32 $0x1B8B  }
0xa2: {  	_ =	swait.ge [sflag:s23], $0x1  }
0xa3: {  	[sflag:s23] =	ssyncset.done $0x0  }
0xa4: {  	s25 =	simm.s32 $0x1B8E;
	s24 =	sld [smem:$0x3FFE];
	[sflag:s23] =	ssyncadd.s32 $0xFFFFFFFF  }
0xa5: {  	s26 =	simm.s32 $execute0_lowered;
	[smem:$0x3FD2] =	sst s25  }
0xa6: {  	s4 =	sshll.u32 s26, $0x1;
	_ =	strace $0x8000005E;
	[dreg:$0x1] =	wrdreg $0xFFFFFFFF  }
0xa7: {  	s28 =	simm.s32 $_size_execute0_lowered;
	s2 =	sadd.s32 s2, s4;
	[dreg:$0x0] =	wrdreg $0x0  }
0xa8: {  	s4 =	sshll.u32 s28, $0x1;
	[dreg:$0x2] =	wrdreg s2  }
0xa9: {  	[dreg:$0x3] =	wrdreg s4  }
0xaa: {  	[dreg:$0x4] =	wrdreg $0xC0  }
0xab: {  	_ =	task [dreg:s6], $0x5FFFF  }
0xac: {  	[dreg:$0x1] =	wrdreg $0xFFFFFFFF  }
0xad: {  	[dreg:$0x0] =	wrdreg $0x60  }
0xae: {  	[dreg:$0x2] =	wrdreg s24  }
0xaf: {  	[dreg:$0x3] =	wrdreg $0x8800  }
0xb0: {  	[dreg:$0x4] =	wrdreg $0x9  }
0xb1: {  	_ =	task.clear_ibuf [dreg:s6], $0x5FFFF;
	_ =	strace $0x9000005E  }
0xb2: {  	s29 =	simm.s32 $0x9;
	_ =	strace $0x80000060  }
0xb3: {  	_ =	swait.ge [sflag:s29], $0x1  }
0xb4: {  	[sflag:s29] =	ssyncadd.s32 $0xFFFFFFFF  }
0xb5: {  	_ =	strace $0x90000060  }
0xb6: {  	_ =	sfence  }
0xb7: {  	s30 =	sld [smem:$0x0];
	_ =	sdelay $0x2  }
0xb8: {  	s31 =	sshll.u32 s1, $0xD;
	s1 =	sshrl.u32 s1, $0x2  }
0xb9: {  	s3 =	sand.u32 $0x4000, s31;
	s1 =	sadd.s32 s1, s30  }
0xba: {  	s0 =	sor.u32 s3, s0;
	s1 =	sshll.u32 s1, $0x11  }
0xbb: {  	s0 =	sor.u32 s1, s0  }
0xbc: {  	s0 =	sadd.s32 $0x8F2B, s0  }
0xbd: {  	[sflag:s0] =	ssyncadd.remote.s32 $0x1  }
0xbe: {  	_ =	sfence.sel $0xFFFF  }
0xbf: {  	[dreg:$0x0] =	wrdreg $0xFFFFFFFF;
	(pc) =	sbr.abs _section_cstart, $3  }
0xc0: {  	[dreg:$0x1] =	wrdreg $0xFFFFFFFF  }
0xc1: {  	_ =	task.clear_ibuf [dreg:s6], $0x2FFFF;
	_ =	strace $0x9FFFFFFF  }
0xc2: {  	(tm) =	ssettm $0x7FFFFFFF  }
0xc3: {  	_ =	shalt  }
tec
execute0_lowered:
.L_overlay_start_1:
0x0: {  	(tag) =	ssettag $0x1  }
0x1: {  	s4 =	rddreg [dreg:$0x0]  }
0x2: {  	s1 =	rddreg [dreg:$0x1]  }
0x3: {  	s0 =	rddreg [dreg:$0x2]  }
0x4: {  	s2 =	simm.s32 $0x0;
	s7 =	stileid.u32;
	s3 =	srdreg.scid  }
0x5: {  	[smem:$0x7FF] =	sst s2;
	s5 =	sshll.u32 s7, $0x9;
	s8 =	sand.u32 $0x1, s3  }
0x6: {  	s3 =	sadd.s32 $0x288600, s4;
	s6 =	sshll.u32 s7, $0x5;
	p0 =	sne.s32 s7, $0x0  }
0x7: {  	_ =	strace $0x8000005F;
	s9 =	sadd.s32 s5, s4;
	s28 =	smul.u32 $0x5000, s8  }
0x8: {  	s10 =	ssub.s32 $0x2, s8;
	s11 =	sadd.s32 s6, s4;
	s31 =	sshll.u32 s8, $0x8  }
0x9: {  	s8 =	sshll.u32 s8, $0x4;
	s29 =	sshrl.u32 s10, $0x1;
	s9 =	sadd.s32 s31, s9  }
0xa: {  	s8 =	sadd.s32 s8, s11;
	s5 =	sadd.s32 s28, s4;
	s30 =	ssub.s32 s10, s29  }
0xb: {  	s4 =	sshll.u32 s7, $0x1;
	s7 =	sadd.s32 $0x391800, s9;
	s8 =	sadd.s32 $0x283600, s8  }
0xc: {  	s9 =	sshrl.u32 @!p0 s1, $0x3;
	s5 =	sadd.s32 $0x28D600, s5;
	s6 =	smax.u32 s30, $0x1  }
.LBB2_1:
0xd: {  	s10 =	simm.s32 @!p0 $0x1C01  }
0xe: {  	[spmem:s9], [sflag:s10] =	dma.local @!p0 [hbm:s3], $0x5000  }
0xf: {  	s10 =	simm.s32 @!p0 $0x1  }
0x10: {  	_ =	swait.ge @!p0 [sflag:s10], $0x5000  }
0x11: {  	s11 =	sadd.s32 $0x0, s4;
	[sflag:s10] =	ssyncset.done @!p0 $0x0  }
0x12: {  	p1 =	sgt.u32 s11, $0x4E1;
	[sflag:s10] =	ssyncadd.s32 @!p0 $0xFFFFB000  }
0x13: {  	s12 =	simm.s32 @!p1 $0x2;
	s10 =	simm.s32 @!p1 $0x0;
	[bflag:$0x0] =	sbarrier.arrive $0xFFFF  }
0x14: {  	[tilespmem:s10], [sflag:$0x2] =	stream.linear.gather @!p1 [hbm4b:s8+s10], $0x80, $0x38;
	[tilespmem:$0x3080] =	vst v63  }
0x15: {  	_ =	swait.ge @!p1 [sflag:s12], $0x80  }
0x16: {  	[sflag:s12] =	ssyncset.done @!p1 $0x0;
	p1 =	por p1, p1  }
0x17: {  	[sflag:s12] =	ssyncadd.s32 @!p1 $0xFFFFFF80;
	s14 =	simm.s32 @!p1 $0x80  }
0x18: {  	[tilespmem:s14], [sflag:$0x2] =	stream.linear.gather @!p1 [hbm4b:s7+s10], $0x800, $0x38;
	[tilespmem:$0x3080] =	vst v63  }
0x19: {  	_ =	swait.ge @!p1 [sflag:s12], $0x800  }
0x1a: {  	[sflag:s12] =	ssyncset.done @!p1 $0x0  }
0x1b: {  	s31 =	sadd.s32 $0x20, s4;
	s13 =	simm.s32 @!p1 $0x1;
	[sflag:s12] =	ssyncadd.s32 @!p1 $0xFFFFF800  }
0x1c: {  	[spmem:s1] =	stream.indirect.scatter.add.f32 @!p1 [tilespmem:s14], [sflag:$0x1], $0x10, s10, s14, $0xb8;
	[tilespmem:$0x3080] =	vst v63  }
0x1d: {  	s11 =	simm.s32 $0x40;
	p2 =	sgt.u32 s31, $0x4E1;
	_ =	swait.ge @!p1 [sflag:s13], $0x800  }
0x1e: {  	s12 =	sadd.s32 $0x200, s8;
	s10 =	sadd.s32 $0x2000, s7;
	[sflag:s13] =	ssyncset.done @!p1 $0x0  }
.LBB2_2:
0x1f: {  	s14 =	simm.s32 @!p2 $0x0;
	s15 =	simm.s32 @!p2 $0x2;
	[sflag:s13] =	ssyncadd.s32 @!p1 $0xFFFFF800  }
0x20: {  	[tilespmem:s14], [sflag:$0x2] =	stream.linear.gather @!p2 [hbm4b:s12+s14], $0x80, $0x38;
	[tilespmem:$0x3080] =	vst v63  }
0x21: {  	s16 =	smov.u32 s11;
	s11 =	sadd.s32 $0x20, s11;
	_ =	swait.ge @!p2 [sflag:s15], $0x80  }
0x22: {  	p1 =	por p2, p2;
	p3 =	sne.s32 s11, $0x500;
	[sflag:s15] =	ssyncset.done @!p2 $0x0  }
0x23: {  	s17 =	simm.s32 @!p1 $0x80;
	[sflag:s15] =	ssyncadd.s32 @!p1 $0xFFFFFF80  }
0x24: {  	[tilespmem:s17], [sflag:$0x2] =	stream.linear.gather @!p1 [hbm4b:s10+s14], $0x800, $0x38;
	[tilespmem:$0x3080] =	vst v63  }
0x25: {  	_ =	swait.ge @!p1 [sflag:s15], $0x800  }
.Ltmp0:
0x26: {  	[sflag:s15] =	ssyncset.done @!p1 $0x0;
	(pc) =	sbr.rel @p3 .LBB2_2-.Ltmp0, $4  }
0x27: {  	s13 =	simm.s32 @!p1 $0x1;
	[sflag:s15] =	ssyncadd.s32 @!p1 $0xFFFFF800  }
0x28: {  	[spmem:s1] =	stream.indirect.scatter.add.f32 @!p1 [tilespmem:s17], [sflag:$0x1], $0x10, s14, s17, $0xb8;
	[tilespmem:$0x3080] =	vst v63  }
0x29: {  	s12 =	sadd.s32 $0x200, s12;
	s14 =	sadd.s32 s16, s4;
	_ =	swait.ge @!p1 [sflag:s13], $0x800  }
0x2a: {  	s10 =	sadd.s32 $0x2000, s10;
	p2 =	sgt.u32 s14, $0x4E1;
	[sflag:s13] =	ssyncset.done @!p1 $0x0  }
0x2b: {  	s11 =	simm.s32 @!p2 $0x0;
	s14 =	simm.s32 @!p2 $0x2;
	[sflag:s13] =	ssyncadd.s32 @!p1 $0xFFFFF800  }
0x2c: {  	[tilespmem:s11], [sflag:$0x2] =	stream.linear.gather @!p2 [hbm4b:s12+s11], $0x80, $0x38;
	[tilespmem:$0x3080] =	vst v63  }
0x2d: {  	_ =	swait.ge @!p2 [sflag:s14], $0x80  }
0x2e: {  	p1 =	por p2, p2;
	[sflag:s14] =	ssyncset.done @!p2 $0x0  }
0x2f: {  	s12 =	simm.s32 @!p1 $0x80;
	[sflag:s14] =	ssyncadd.s32 @!p1 $0xFFFFFF80  }
0x30: {  	[tilespmem:s12], [sflag:$0x2] =	stream.linear.gather @!p1 [hbm4b:s10+s11], $0x800, $0x38;
	[tilespmem:$0x3080] =	vst v63  }
0x31: {  	_ =	swait.ge @!p1 [sflag:s14], $0x800  }
0x32: {  	[sflag:s14] =	ssyncset.done @!p1 $0x0  }
0x33: {  	s10 =	simm.s32 @!p1 $0x1;
	[sflag:s14] =	ssyncadd.s32 @!p1 $0xFFFFF800  }
0x34: {  	[spmem:s1] =	stream.indirect.scatter.add.f32 @!p1 [tilespmem:s12], [sflag:$0x1], $0x10, s11, s12, $0xb8;
	[tilespmem:$0x3080] =	vst v63  }
0x35: {  	_ =	swait.ge @!p1 [sflag:s10], $0x800  }
0x36: {  	[sflag:s10] =	ssyncset.done @!p1 $0x0  }
0x37: {  	s2 =	sadd.s32 $0x1, s2;
	[sflag:s10] =	ssyncadd.s32 @!p1 $0xFFFFF800  }
0x38: {  	s10 =	simm.s32 @!p0 $0x1C01;
	p1 =	sne.s32 s2, s6;
	[bflag:$0x0] =	sbarrier.arrive $0xFFFF  }
0x39: {  	[hbm:s5], [sflag:s10] =	dma.local @!p0 [spmem:s9], $0x5000  }
.Ltmp1:
0x3a: {  	_ = 	snop;
	(pc) =	sbr.rel @p1 .LBB2_1-.Ltmp1, $4  }
0x3b: {  	s10 =	simm.s32 @!p0 $0x1  }
0x3c: {  	_ =	swait.ge @!p0 [sflag:s10], $0x5000  }
0x3d: {  	[sflag:s10] =	ssyncset.done @!p0 $0x0  }
0x3e: {  	[sflag:s10] =	ssyncadd.s32 @!p0 $0xFFFFB000  }
0x3f: {  	_ =	sfence.sel $0x180000  }
0x40: {  	[bflag:$0x0] =	sbarrier.arrive $0xFFFF  }
0x41: {  	_ =	strace $0x9000005F  }
0x42: {  	s0 =	sadd.s32 @!p0 $0x100000, s0;
	[bflag:$0x2] =	sbarrier.arrive $0xFFFF  }
0x43: {  	[sflag:s0] =	ssyncadd.tile.s32 @!p0 $0x1;
	_ =	shalt  }
.Lfunc_end2:
_tile_overlayer_lowered:
.L_overlay_start_2:
0x44: {  	(tag) =	ssettag $0x2  }
0x45: {  	s0 =	rddreg [dreg:$0x0];
	s2 =	stileid.u32  }
0x46: {  	s1 =	rddreg [dreg:$0x1];
	p0 =	sne.s32 s2, $0x0  }
0x47: {  	s3 =	rddreg [dreg:$0x2];
	[bflag:$0x3] =	sbarrier.arrive $0xFFFF;
	s2 =	simm.s32 @!p0 $0x1C01  }
0x48: {  	[timem:s3], [sflag:s2] =	dma.local @!p0 [hbm:s0], s1  }
0x49: {  	s0 =	simm.s32 @!p0 $0x1  }
0x4a: {  	_ =	swait.ge @!p0 [sflag:s0], s1  }
0x4b: {  	s1 =	ssub.s32 @!p0 $0x0, s1;
	[sflag:s0] =	ssyncset.done @!p0 $0x0  }
0x4c: {  	[sflag:s0] =	ssyncadd.s32 @!p0 s1  }
0x4d: {  	[bflag:$0x3] =	sbarrier.arrive $0xFFFF  }
0x4e: {  	_ =	shalt  }

// kernel: kernel.57.cloned.1.call-start
scs
__scs_entry_jumppad:
0x0: {  	(pc) =	sbr.rel $0x88, $3  }
0x1: {  	(tag) =	ssettag $0x0;
	lr =	simm.s32 $0x1  }
0x2: {  	[smem:$0x3F90] =	sst lr;
	_ =	strace $0xD0000000  }
0x3: {  	_ = 	snop  }
0x4: {  	_ = 	snop  }
0x5: {  	_ = 	snop  }
0x6: {  	_ = 	snop  }
0x7: {  	_ = 	snop  }
__scs_overlays_trampoline_lowered:
0x8: {  	[smem:$0x3F9F] =	sst s0  }
0x9: {  	[smem:$0x3FA0] =	sst s1  }
0xa: {  	[smem:$0x3FA1] =	sst s2  }
0xb: {  	[smem:$0x3FA2] =	sst s3  }
0xc: {  	[smem:$0x3FA3] =	sst s4  }
0xd: {  	[smem:$0x3FA4] =	sst s5  }
0xe: {  	[smem:$0x3FA5] =	sst s6  }
0xf: {  	[smem:$0x3FA6] =	sst s7  }
0x10: {  	[smem:$0x3FA7] =	sst s8  }
0x11: {  	[smem:$0x3FA8] =	sst s9;
	s0 =	simm.s32 @!p0 $0x0  }
0x12: {  	s1 =	sld [smem:$0x3F8E];
	s0 =	simm.s32 @p0 $0x1  }
0x13: {  	[smem:$0x3FA9] =	sst s0;
	s0 =	simm.s32 @!p1 $0x0  }
0x14: {  	s2 =	sld [smem:$0x3F8D];
	s0 =	simm.s32 @p1 $0x1  }
0x15: {  	[smem:$0x3FAA] =	sst s0;
	s0 =	simm.s32 @!p2 $0x0  }
0x16: {  	s3 =	sld [smem:$0x3FDB];
	s0 =	simm.s32 @p2 $0x1  }
0x17: {  	s4 =	simm.s32 $0x1BF5;
	[smem:$0x3FAC] =	sst s0  }
0x18: {  	s0 =	sld [smem:$0x3F8F];
	_ =	swait.ge [sflag:s4], $0x0  }
0x19: {  	s7 =	sld [smem:$0x3F90]  }
0x1a: {  	s8 =	sadd.s32 $0xFFFFE003, lr  }
0x1b: {  	s9 =	sadd.s32 $0xFFFFFEF7, lr;
	s5 =	simm.s32 $0xFFFFFFFF;
	p2 =	slt.u32 s8, $0xFFFFF086  }
0x1c: {  	p1 =	slt.u32 s9, $0xF7A;
	s5 =	simm.s32 @!p2 $0x0  }
0x1d: {  	s5 =	simm.s32 @p1 $0x1;
	p0 =	seq.s32 s7, s2  }
0x1e: {  	s7 =	smul.u32 @!p0 $0xF7A, s2;
	p2 =	seq.s32 @!p0 s5, $0x0  }
0x1f: {  	s9 =	smul.u32 $0xF7A, s1;
	s8 =	simm.s32 @!p0 $0x1BF5;
	p2 =	por !p2, p0  }
0x20: {  	[sflag:s8] =	ssyncset.s32 @!p0 $0xFFFFF086;
	s6 =	sadd.s32 @!p0 s3, s7;
	s7 =	simm.s32 @!p0 $0x108  }
0x21: {  	s3 =	sadd.s32 s3, s9;
	s6 =	sadd.s32 @!p0 $0x88, s6;
	s7 =	simm.s32 @p2 $0x1082  }
0x22: {  	[simem:s7], [sflag:s8] =	dma.local @!p0 [hbm:s6], $0xF7A  }
0x23: {  	s9 =	sor.u32 $0xD0000000, s2;
	s6 =	simm.s32 $0x108;
	_ =	swait.ge @!p0 [sflag:s8], $0x0  }
0x24: {  	s3 =	sadd.s32 $0x88, s3;
	s6 =	simm.s32 @!p1 $0x1082;
	[sflag:s4] =	ssyncset.s32 $0xFFFFF086  }
0x25: {  	[simem:s6], [sflag:s4] =	dma.local [hbm:s3], $0xF7A  }
0x26: {  	[smem:$0x3F90] =	sst s1;
	(tag) =	ssettag s2;
	_ =	strace s9  }
0x27: {  	s1 =	sld [smem:$0x3FA0]  }
0x28: {  	s2 =	sld [smem:$0x3FA1]  }
0x29: {  	s4 =	sld [smem:$0x3FA3]  }
0x2a: {  	p0 =	seq.s32 s5, $0x0;
	s5 =	sld [smem:$0x3FA4]  }
0x2b: {  	s6 =	sld [smem:$0x3FA5]  }
0x2c: {  	s7 =	sld [smem:$0x3FA6]  }
0x2d: {  	s3 =	simm.s32 $0x108;
	s8 =	sld [smem:$0x3FA7]  }
0x2e: {  	s3 =	simm.s32 @!p0 $0x1082;
	s9 =	sld [smem:$0x3FA8]  }
0x2f: {  	lr =	sadd.s32 s0, s3;
	s0 =	sld [smem:$0x3F9F]  }
0x30: {  	s3 =	sld [smem:$0x3FA2]  }
0x31: {  	[smem:$0x3FAB] =	sst s10  }
0x32: {  	s10 =	sld [smem:$0x3FA9];
	_ =	sdelay $0x3  }
0x33: {  	p0 =	seq.s32 s10, $0x1;
	s10 =	sld [smem:$0x3FAB];
	_ =	sdelay $0x3  }
0x34: {  	[smem:$0x3FAB] =	sst s10  }
0x35: {  	s10 =	sld [smem:$0x3FAA];
	_ =	sdelay $0x3  }
0x36: {  	p1 =	seq.s32 s10, $0x1;
	s10 =	sld [smem:$0x3FAB];
	_ =	sdelay $0x3  }
0x37: {  	[smem:$0x3FAB] =	sst s10  }
0x38: {  	s10 =	sld [smem:$0x3FAC]  }
0x39: {  	_ = 	snop;
	(pc) =	sbr.ind lr, $3  }
0x3a: {  	_ = 	snop  }
0x3b: {  	_ = 	snop  }
0x3c: {  	p2 =	seq.s32 s10, $0x1;
	s10 =	sld [smem:$0x3FAB]  }
0x3d: {  	_ =	shalt  }
0x3e: {  	_ =	shalt  }
0x3f: {  	_ =	shalt  }
0x40: {  	_ =	shalt  }
0x41: {  	_ =	shalt  }
0x42: {  	_ =	shalt  }
0x43: {  	_ =	shalt  }
0x44: {  	_ =	shalt  }
0x45: {  	_ =	shalt  }
0x46: {  	_ =	shalt  }
0x47: {  	_ =	shalt  }
0x48: {  	_ =	shalt  }
0x49: {  	_ =	shalt  }
0x4a: {  	_ =	shalt  }
0x4b: {  	_ =	shalt  }
0x4c: {  	_ =	shalt  }
0x4d: {  	_ =	shalt  }
0x4e: {  	_ =	shalt  }
0x4f: {  	_ =	shalt  }
0x50: {  	_ =	shalt  }
0x51: {  	_ =	shalt  }
0x52: {  	_ =	shalt  }
0x53: {  	_ =	shalt  }
0x54: {  	_ =	shalt  }
0x55: {  	_ =	shalt  }
0x56: {  	_ =	shalt  }
0x57: {  	_ =	shalt  }
0x58: {  	_ =	shalt  }
0x59: {  	_ =	shalt  }
0x5a: {  	_ =	shalt  }
0x5b: {  	_ =	shalt  }
0x5c: {  	_ =	shalt  }
0x5d: {  	_ =	shalt  }
0x5e: {  	_ =	shalt  }
0x5f: {  	_ =	shalt  }
0x60: {  	_ =	shalt  }
0x61: {  	_ =	shalt  }
0x62: {  	_ =	shalt  }
0x63: {  	_ =	shalt  }
0x64: {  	_ =	shalt  }
0x65: {  	_ =	shalt  }
0x66: {  	_ =	shalt  }
0x67: {  	_ =	shalt  }
0x68: {  	_ =	shalt  }
0x69: {  	_ =	shalt  }
0x6a: {  	_ =	shalt  }
0x6b: {  	_ =	shalt  }
0x6c: {  	_ =	shalt  }
0x6d: {  	_ =	shalt  }
0x6e: {  	_ =	shalt  }
0x6f: {  	_ =	shalt  }
0x70: {  	_ =	shalt  }
0x71: {  	_ =	shalt  }
0x72: {  	_ =	shalt  }
0x73: {  	_ =	shalt  }
0x74: {  	_ =	shalt  }
0x75: {  	_ =	shalt  }
0x76: {  	_ =	shalt  }
0x77: {  	_ =	shalt  }
0x78: {  	_ =	shalt  }
0x79: {  	_ =	shalt  }
0x7a: {  	_ =	shalt  }
0x7b: {  	_ =	shalt  }
0x7c: {  	_ =	shalt  }
0x7d: {  	_ =	shalt  }
0x7e: {  	_ =	shalt  }
0x7f: {  	_ =	shalt  }
0x80: {  	_ =	shalt  }
0x81: {  	_ =	shalt  }
0x82: {  	_ =	shalt  }
0x83: {  	_ =	shalt  }
0x84: {  	_ =	shalt  }
0x85: {  	_ =	shalt  }
0x86: {  	_ =	shalt  }
0x87: {  	_ =	shalt  }
.Lfunc_end0:
.L_simem_size_0:
called_computation.9_lowered:
.L_overlay_start_0:
0x88: {  	s2 =	sld [smem:$0x3FD9]  }
0x89: {  	s3 =	sld [smem:$0x3FFE];
	_ =	sdelay $0x1  }
0x8a: {  	s1 =	srdreg.scid  }
0x8b: {  	s0 =	sand.u32 $0x1, s1  }
0x8c: {  	s16 =	sshll.u32 s0, $0xA;
	s2 =	sadd.s32 s3, s2  }
0x8d: {  	s2 =	sadd.s32 s2, s16  }
0x8e: {  	[smem:$0x3FB7] =	sst s2  }
0x8f: {  	_ = 	snop  }
0x90: {  	(tm) =	ssettm $0x1  }
0x91: {  	s17 =	sld [smem:$0x3FFB];
	_ =	sdelay $0x3  }
0x92: {  	_ =	strace s17  }
0x93: {  	s2 =	sld [smem:$0x3FFC];
	_ =	sdelay $0x3  }
0x94: {  	_ =	strace s2  }
0x95: {  	s2 =	sld [smem:$0x3FFD];
	_ =	sdelay $0x3  }
0x96: {  	_ =	strace s2  }
0x97: {  	_ =	strace $0x8FFFFFFF  }
0x98: {  	s18 =	sld [smem:$0x3FDB];
	_ =	sdelay $0x1  }
0x99: {  	s19 =	simm.s32 $_scs_section_size  }
0x9a: {  	s4 =	simm.s32 $_size__tile_overlayer_lowered;
	s5 =	simm.s32 $_tile_overlayer_lowered  }
0x9b: {  	s22 =	simm.s32 $0x1BFF;
	s21 =	sshll.u32 s5, $0x1;
	s2 =	sadd.s32 s19, s18  }
0x9c: {  	s6 =	simm.s32 $0x0;
	s20 =	sshll.u32 s4, $0x1;
	s4 =	sadd.s32 s21, s2  }
0x9d: {  	[timem:s6], [sflag:s22] =	dma.local [hbm:s4], s20  }
0x9e: {  	_ =	swait.ge [sflag:s22], s20  }
0x9f: {  	s3 =	ssub.s32 $0x0, s20;
	[sflag:s22] =	ssyncset.done $0x0  }
0xa0: {  	[sflag:s22] =	ssyncadd.s32 s3;
	_ =	sdelay $0x1  }
0xa1: {  	s23 =	simm.s32 $0x1B8B  }
0xa2: {  	_ =	swait.ge [sflag:s23], $0x1  }
0xa3: {  	[sflag:s23] =	ssyncset.done $0x0  }
0xa4: {  	s25 =	simm.s32 $0x1B8E;
	s24 =	sld [smem:$0x3FFE];
	[sflag:s23] =	ssyncadd.s32 $0xFFFFFFFF  }
0xa5: {  	s26 =	simm.s32 $execute0_lowered;
	[smem:$0x3FD2] =	sst s25  }
0xa6: {  	s4 =	sshll.u32 s26, $0x1;
	_ =	strace $0x80000061;
	[dreg:$0x1] =	wrdreg $0xFFFFFFFF  }
0xa7: {  	s28 =	simm.s32 $_size_execute0_lowered;
	s2 =	sadd.s32 s2, s4;
	[dreg:$0x0] =	wrdreg $0x0  }
0xa8: {  	s4 =	sshll.u32 s28, $0x1;
	[dreg:$0x2] =	wrdreg s2  }
0xa9: {  	[dreg:$0x3] =	wrdreg s4  }
0xaa: {  	[dreg:$0x4] =	wrdreg $0xC0  }
0xab: {  	_ =	task [dreg:s6], $0x5FFFF  }
0xac: {  	[dreg:$0x1] =	wrdreg $0xFFFFFFFF  }
0xad: {  	[dreg:$0x0] =	wrdreg $0x60  }
0xae: {  	[dreg:$0x2] =	wrdreg s24  }
0xaf: {  	[dreg:$0x3] =	wrdreg $0x9  }
0xb0: {  	_ =	task.clear_ibuf [dreg:s6], $0x4FFFF;
	_ =	strace $0x90000061  }
0xb1: {  	s29 =	simm.s32 $0x9;
	_ =	strace $0x80000063  }
0xb2: {  	_ =	swait.ge [sflag:s29], $0x1  }
0xb3: {  	[sflag:s29] =	ssyncadd.s32 $0xFFFFFFFF  }
0xb4: {  	_ =	strace $0x90000063  }
0xb5: {  	_ =	sfence  }
0xb6: {  	s30 =	sld [smem:$0x0];
	_ =	sdelay $0x2  }
0xb7: {  	s31 =	sshll.u32 s1, $0xD;
	s1 =	sshrl.u32 s1, $0x2  }
0xb8: {  	s3 =	sand.u32 $0x4000, s31;
	s1 =	sadd.s32 s1, s30  }
0xb9: {  	s0 =	sor.u32 s3, s0;
	s1 =	sshll.u32 s1, $0x11  }
0xba: {  	s0 =	sor.u32 s1, s0  }
0xbb: {  	s0 =	sadd.s32 $0x8F2B, s0  }
0xbc: {  	[sflag:s0] =	ssyncadd.remote.s32 $0x1  }
0xbd: {  	_ =	sfence.sel $0xFFFF  }
0xbe: {  	[dreg:$0x0] =	wrdreg $0xFFFFFFFF;
	(pc) =	sbr.abs _section_cstart, $3  }
0xbf: {  	[dreg:$0x1] =	wrdreg $0xFFFFFFFF  }
0xc0: {  	_ =	task.clear_ibuf [dreg:s6], $0x2FFFF;
	_ =	strace $0x9FFFFFFF  }
0xc1: {  	(tm) =	ssettm $0x7FFFFFFF  }
tec
execute0_lowered:
.L_overlay_start_1:
0x0: {  	(tag) =	ssettag $0x1  }
0x1: {  	s0 =	rddreg [dreg:$0x0];
	s2 =	simm.s32 $0x0  }
0x2: {  	s9 =	stileid.u32;
	s1 =	srdreg.scid;
	s11 =	simm.s32 $0x4  }
0x3: {  	s13 =	simm.s32 $0x100;
	s30 =	simm.s32 $0x8100;
	s10 =	simm.s32 $0xB900  }
0x4: {  	s12 =	simm.s32 $0xC100;
	s14 =	simm.s32 $0xC900;
	s15 =	simm.s32 $0xD100  }
0x5: {  	s16 =	simm.s32 $0xD900;
	s17 =	simm.s32 $0xE100;
	s18 =	simm.s32 $0xE900  }
0x6: {  	s19 =	simm.s32 $0xF100;
	s20 =	simm.s32 $0xF900;
	s21 =	simm.s32 $0x1  }
0x7: {  	s22 =	simm.s32 $0x2;
	s23 =	simm.s32 $0x3;
	[smem:$0x7FF] =	sst s2  }
0x8: {  	s31 =	simm.s32 $0x80;
	s3 =	sadd.s32 $0x391800, s0;
	s4 =	sadd.s32 $0x431800, s0  }
0x9: {  	s5 =	sshll.u32 s9, $0x5;
	s1 =	sand.u32 $0x1, s1;
	s6 =	sshll.u32 s9, $0xD  }
0xa: {  	s26 =	sshll.u32 s9, $0x1;
	s9 =	simm.s32 $0xB100;
	_ =	strace $0x80000062  }
0xb: {  	s5 =	sadd.s32 s5, s0;
	s7 =	ssub.s32 $0x2, s1;
	s0 =	sadd.s32 s6, s0  }
0xc: {  	s8 =	sshll.u32 s1, $0x4;
	s1 =	sshll.u32 s1, $0xC;
	[dreg:$0x2] =	wrdreg s26  }
0xd: {  	s25 =	sshrl.u32 s7, $0x1;
	s5 =	sadd.s32 s8, s5;
	s0 =	sadd.s32 s1, s0  }
.Ltmp0:
0xe: {  	s1 =	simm.s32 $0x9900;
	s6 =	sadd.s32 $0x283600, s5;
	(pc) =	sbr.rel .LBB2_1-.Ltmp0, $4  }
0xf: {  	s7 =	ssub.s32 s7, s25;
	s8 =	sadd.s32 $0x27E600, s5;
	s29 =	sadd.s32 $0x963800, s0  }
0x10: {  	v2 =	vlaneseq.u32;
	s0 =	sadd.s32 $0x481800, s0;
	s5 =	simm.s32 $0xA100;
	[dreg:$0x4] =	wrdreg s29  }
0x11: {  	vm0 =	vmmov $0xffff;
	v1 =	vshrl.u32 v2, $0x3;
	s25 =	simm.s32 $0x0;
	s28 =	smax.u32 s7, $0x1;
	[dreg:$0x5] =	wrdreg s0  }
0x12: {  	v0 =	vand.u32 $0x7, v2;
	v2 =	vor.u32 $0x8, v2;
	v1 =	vmul.u32 $0x8, v1;
	s0 =	simm.s32 $0x9100;
	s7 =	simm.s32 $0xA900;
	[dreg:$0x3] =	wrdreg s28  }
.LBB2_5:
0x13: {  	s25 =	rddreg [dreg:$0x6]  }
0x14: {  	s24 =	rddreg [dreg:$0x3];
	s25 =	sadd.s32 $0x1, s25  }
0x15: {  	p0 =	sne.s32 s25, s24  }
.Ltmp1:
0x16: {  	_ = 	snop;
	(pc) =	sbr.rel @!p0 .LBB2_6-.Ltmp1, $1  }
0x17: {  	_ =	sdelay $0x3  }
.LBB2_1:
.Ltmp2:
0x18: {  	(pc) =	sbr.rel .LBB2_2-.Ltmp2, $4  }
0x19: {  	[dreg:$0x6] =	wrdreg s25  }
0x1a: {  	s24 =	rddreg [dreg:$0x2]  }
0x1b: {  	s25 =	rddreg [dreg:$0x5]  }
0x1c: {  	s26 =	rddreg [dreg:$0x4];
	s28 =	simm.s32 $0x0  }
.LBB2_4:
0x1d: {  	s28 =	sadd.s32 $0x200, s28  }
0x1e: {  	p0 =	sne.s32 s28, $0x5000  }
.Ltmp3:
0x1f: {  	_ = 	snop;
	(pc) =	sbr.rel @!p0 .LBB2_5-.Ltmp3, $2  }
0x20: {  	_ =	sdelay $0x2  }
0x21: {  	s26 =	sadd.s32 $0x20000, s26;
	s25 =	sadd.s32 $0x20000, s25;
	s24 =	sadd.s32 $0x20, s24  }
.LBB2_2:
0x22: {  	p0 =	sgt.u32 s24, $0x4E1  }
.Ltmp4:
0x23: {  	_ = 	snop;
	(pc) =	sbr.rel @p0 .LBB2_4-.Ltmp4, $1  }
0x24: {  	_ =	sdelay $0x3  }
0x25: {  	s29 =	sadd.s32 s28, s8  }
0x26: {  	[tilespmem:s2], [sflag:$0x4] =	stream.linear.gather [hbm4b:s29+s2], $0x80, $0x38;
	[tilespmem:$0x10100] =	vst v63  }
0x27: {  	_ =	swait.ge [sflag:s11], $0x80  }
0x28: {  	[sflag:s11] =	ssyncset.done $0x0  }
0x29: {  	s29 =	sadd.s32 s28, s6;
	[sflag:s11] =	ssyncadd.s32 $0xFFFFFF80  }
0x2a: {  	[tilespmem:s31], [sflag:$0x4] =	stream.linear.gather [hbm4b:s29+s2], $0x80, $0x38;
	[tilespmem:$0x10100] =	vst v63  }
0x2b: {  	_ =	swait.ge [sflag:s11], $0x80  }
0x2c: {  	[sflag:s11] =	ssyncset.done $0x0  }
0x2d: {  	[sflag:s11] =	ssyncadd.s32 $0xFFFFFF80  }
0x2e: {  	v3 =	vld [tilespmem:$0x0];
	_ =	sdelay $0x4  }
0x2f: {  	v4 =	vshll.u32 v3, $0x1  }
0x30: {  	v3 =	vand.u32 $0x7, v3;
	v4 =	vand.u32 $0xFFFFFFF0, v4  }
0x31: {  	v3 =	vor.u32 v3, v4  }
0x32: {  	v4 =	vperm.xlane v3, v0;
	_ =	sdelay $0x1  }
0x33: {  	v3 =	vperm.xlane v3, v2;
	v4 =	vadd.s32 v1, v4;
	_ =	sdelay $0x1  }
0x34: {  	v3 =	vadd.s32 v1, v3;
	_ =	sdelay $0x2  }
0x35: {  	[tilespmem:s13], [sflag:$0x1] =	stream.indirect_vreg.gather [hbm4b:s3+s2], $0x80, v4, vm0, $0xb8;
	[tilespmem:$0x10100] =	vst v63  }
0x36: {  	s29 =	simm.s32 $0x900  }
0x37: {  	[tilespmem:s29], [sflag:$0x1] =	stream.indirect_vreg.gather [hbm4b:s3+s2], $0x80, v3, vm0, $0xb8;
	[tilespmem:$0x10100] =	vst v63  }
0x38: {  	v3 =	vld [tilespmem:$0x10];
	_ =	sdelay $0x4  }
0x39: {  	v49 =	vshll.u32 v3, $0x1  }
0x3a: {  	v3 =	vand.u32 $0x7, v3;
	v4 =	vand.u32 $0xFFFFFFF0, v49  }
0x3b: {  	v3 =	vor.u32 v3, v4  }
0x3c: {  	v4 =	vperm.xlane v3, v0;
	_ =	sdelay $0x1  }
0x3d: {  	v3 =	vperm.xlane v3, v2;
	v4 =	vadd.s32 v1, v4;
	_ =	sdelay $0x1  }
0x3e: {  	v3 =	vadd.s32 v1, v3;
	_ =	sdelay $0x1  }
0x3f: {  	s29 =	simm.s32 $0x1100  }
0x40: {  	[tilespmem:s29], [sflag:$0x1] =	stream.indirect_vreg.gather [hbm4b:s3+s2], $0x80, v4, vm0, $0xb8;
	[tilespmem:$0x10100] =	vst v63  }
0x41: {  	s29 =	simm.s32 $0x1900  }
0x42: {  	[tilespmem:s29], [sflag:$0x1] =	stream.indirect_vreg.gather [hbm4b:s3+s2], $0x80, v3, vm0, $0xb8;
	[tilespmem:$0x10100] =	vst v63  }
0x43: {  	v3 =	vld [tilespmem:$0x20];
	_ =	sdelay $0x4  }
0x44: {  	v50 =	vshll.u32 v3, $0x1  }
0x45: {  	v3 =	vand.u32 $0x7, v3;
	v4 =	vand.u32 $0xFFFFFFF0, v50  }
0x46: {  	v3 =	vor.u32 v3, v4  }
0x47: {  	v4 =	vperm.xlane v3, v0;
	_ =	sdelay $0x1  }
0x48: {  	v3 =	vperm.xlane v3, v2;
	v4 =	vadd.s32 v1, v4;
	_ =	sdelay $0x1  }
0x49: {  	v3 =	vadd.s32 v1, v3;
	_ =	sdelay $0x1  }
0x4a: {  	s29 =	simm.s32 $0x2100  }
0x4b: {  	[tilespmem:s29], [sflag:$0x1] =	stream.indirect_vreg.gather [hbm4b:s3+s2], $0x80, v4, vm0, $0xb8;
	[tilespmem:$0x10100] =	vst v63  }
0x4c: {  	s29 =	simm.s32 $0x2900  }
0x4d: {  	[tilespmem:s29], [sflag:$0x1] =	stream.indirect_vreg.gather [hbm4b:s3+s2], $0x80, v3, vm0, $0xb8;
	[tilespmem:$0x10100] =	vst v63  }
0x4e: {  	v3 =	vld [tilespmem:$0x30];
	_ =	sdelay $0x4  }
0x4f: {  	v51 =	vshll.u32 v3, $0x1  }
0x50: {  	v3 =	vand.u32 $0x7, v3;
	v4 =	vand.u32 $0xFFFFFFF0, v51  }
0x51: {  	v3 =	vor.u32 v3, v4  }
0x52: {  	v4 =	vperm.xlane v3, v0;
	_ =	sdelay $0x1  }
0x53: {  	v3 =	vperm.xlane v3, v2;
	v4 =	vadd.s32 v1, v4;
	_ =	sdelay $0x1  }
0x54: {  	v3 =	vadd.s32 v1, v3;
	_ =	sdelay $0x1  }
0x55: {  	s29 =	simm.s32 $0x3100  }
0x56: {  	[tilespmem:s29], [sflag:$0x1] =	stream.indirect_vreg.gather [hbm4b:s3+s2], $0x80, v4, vm0, $0xb8;
	[tilespmem:$0x10100] =	vst v63  }
0x57: {  	s29 =	simm.s32 $0x3900  }
0x58: {  	[tilespmem:s29], [sflag:$0x1] =	stream.indirect_vreg.gather [hbm4b:s3+s2], $0x80, v3, vm0, $0xb8;
	[tilespmem:$0x10100] =	vst v63  }
0x59: {  	v3 =	vld [tilespmem:$0x40];
	_ =	sdelay $0x4  }
0x5a: {  	v52 =	vshll.u32 v3, $0x1  }
0x5b: {  	v3 =	vand.u32 $0x7, v3;
	v4 =	vand.u32 $0xFFFFFFF0, v52  }
0x5c: {  	v3 =	vor.u32 v3, v4  }
0x5d: {  	v4 =	vperm.xlane v3, v0;
	_ =	sdelay $0x1  }
0x5e: {  	v3 =	vperm.xlane v3, v2;
	v4 =	vadd.s32 v1, v4;
	_ =	sdelay $0x1  }
0x5f: {  	v3 =	vadd.s32 v1, v3;
	_ =	sdelay $0x1  }
0x60: {  	s29 =	simm.s32 $0x4100  }
0x61: {  	[tilespmem:s29], [sflag:$0x1] =	stream.indirect_vreg.gather [hbm4b:s3+s2], $0x80, v4, vm0, $0xb8;
	[tilespmem:$0x10100] =	vst v63  }
0x62: {  	s29 =	simm.s32 $0x4900  }
0x63: {  	[tilespmem:s29], [sflag:$0x1] =	stream.indirect_vreg.gather [hbm4b:s3+s2], $0x80, v3, vm0, $0xb8;
	[tilespmem:$0x10100] =	vst v63  }
0x64: {  	v3 =	vld [tilespmem:$0x50];
	_ =	sdelay $0x4  }
0x65: {  	v53 =	vshll.u32 v3, $0x1  }
0x66: {  	v3 =	vand.u32 $0x7, v3;
	v4 =	vand.u32 $0xFFFFFFF0, v53  }
0x67: {  	v3 =	vor.u32 v3, v4  }
0x68: {  	v4 =	vperm.xlane v3, v0;
	_ =	sdelay $0x1  }
0x69: {  	v3 =	vperm.xlane v3, v2;
	v4 =	vadd.s32 v1, v4;
	_ =	sdelay $0x1  }
0x6a: {  	v3 =	vadd.s32 v1, v3;
	_ =	sdelay $0x1  }
0x6b: {  	s29 =	simm.s32 $0x5100  }
0x6c: {  	[tilespmem:s29], [sflag:$0x1] =	stream.indirect_vreg.gather [hbm4b:s3+s2], $0x80, v4, vm0, $0xb8;
	[tilespmem:$0x10100] =	vst v63  }
0x6d: {  	s29 =	simm.s32 $0x5900  }
0x6e: {  	[tilespmem:s29], [sflag:$0x1] =	stream.indirect_vreg.gather [hbm4b:s3+s2], $0x80, v3, vm0, $0xb8;
	[tilespmem:$0x10100] =	vst v63  }
0x6f: {  	v3 =	vld [tilespmem:$0x60];
	_ =	sdelay $0x4  }
0x70: {  	v54 =	vshll.u32 v3, $0x1  }
0x71: {  	v3 =	vand.u32 $0x7, v3;
	v4 =	vand.u32 $0xFFFFFFF0, v54  }
0x72: {  	v3 =	vor.u32 v3, v4  }
0x73: {  	v4 =	vperm.xlane v3, v0;
	_ =	sdelay $0x1  }
0x74: {  	v3 =	vperm.xlane v3, v2;
	v4 =	vadd.s32 v1, v4;
	_ =	sdelay $0x1  }
0x75: {  	v3 =	vadd.s32 v1, v3;
	_ =	sdelay $0x1  }
0x76: {  	s29 =	simm.s32 $0x6100  }
0x77: {  	[tilespmem:s29], [sflag:$0x1] =	stream.indirect_vreg.gather [hbm4b:s3+s2], $0x80, v4, vm0, $0xb8;
	[tilespmem:$0x10100] =	vst v63  }
0x78: {  	s29 =	simm.s32 $0x6900  }
0x79: {  	[tilespmem:s29], [sflag:$0x1] =	stream.indirect_vreg.gather [hbm4b:s3+s2], $0x80, v3, vm0, $0xb8;
	[tilespmem:$0x10100] =	vst v63  }
0x7a: {  	v3 =	vld [tilespmem:$0x70];
	_ =	sdelay $0x4  }
0x7b: {  	v55 =	vshll.u32 v3, $0x1  }
0x7c: {  	v3 =	vand.u32 $0x7, v3;
	v4 =	vand.u32 $0xFFFFFFF0, v55  }
0x7d: {  	v3 =	vor.u32 v3, v4  }
0x7e: {  	v4 =	vperm.xlane v3, v0;
	_ =	sdelay $0x1  }
0x7f: {  	v3 =	vperm.xlane v3, v2;
	v4 =	vadd.s32 v1, v4;
	_ =	sdelay $0x1  }
0x80: {  	v3 =	vadd.s32 v1, v3;
	_ =	sdelay $0x1  }
0x81: {  	s29 =	simm.s32 $0x7100  }
0x82: {  	[tilespmem:s29], [sflag:$0x1] =	stream.indirect_vreg.gather [hbm4b:s3+s2], $0x80, v4, vm0, $0xb8;
	[tilespmem:$0x10100] =	vst v63  }
0x83: {  	s29 =	simm.s32 $0x7900  }
0x84: {  	[tilespmem:s29], [sflag:$0x1] =	stream.indirect_vreg.gather [hbm4b:s3+s2], $0x80, v3, vm0, $0xb8;
	[tilespmem:$0x10100] =	vst v63  }
0x85: {  	v3 =	vld [tilespmem:$0x80];
	_ =	sdelay $0x4  }
0x86: {  	v56 =	vshll.u32 v3, $0x1  }
0x87: {  	v3 =	vand.u32 $0x7, v3;
	v4 =	vand.u32 $0xFFFFFFF0, v56  }
0x88: {  	v3 =	vor.u32 v3, v4  }
0x89: {  	v4 =	vperm.xlane v3, v0;
	_ =	sdelay $0x1  }
0x8a: {  	v3 =	vperm.xlane v3, v2;
	v4 =	vadd.s32 v1, v4;
	_ =	sdelay $0x1  }
0x8b: {  	v3 =	vadd.s32 v1, v3;
	_ =	sdelay $0x2  }
0x8c: {  	[tilespmem:s30], [sflag:$0x2] =	stream.indirect_vreg.gather [hbm4b:s4+s2], $0x80, v4, vm0, $0xb8;
	[tilespmem:$0x10100] =	vst v63  }
0x8d: {  	s29 =	simm.s32 $0x8900  }
0x8e: {  	[tilespmem:s29], [sflag:$0x2] =	stream.indirect_vreg.gather [hbm4b:s4+s2], $0x80, v3, vm0, $0xb8;
	[tilespmem:$0x10100] =	vst v63  }
0x8f: {  	v3 =	vld [tilespmem:$0x90];
	_ =	sdelay $0x4  }
0x90: {  	v57 =	vshll.u32 v3, $0x1  }
0x91: {  	v3 =	vand.u32 $0x7, v3;
	v4 =	vand.u32 $0xFFFFFFF0, v57  }
0x92: {  	v3 =	vor.u32 v3, v4  }
0x93: {  	v4 =	vperm.xlane v3, v0;
	_ =	sdelay $0x1  }
0x94: {  	v3 =	vperm.xlane v3, v2;
	v4 =	vadd.s32 v1, v4;
	_ =	sdelay $0x1  }
0x95: {  	v3 =	vadd.s32 v1, v3;
	_ =	sdelay $0x2  }
0x96: {  	[tilespmem:s0], [sflag:$0x2] =	stream.indirect_vreg.gather [hbm4b:s4+s2], $0x80, v4, vm0, $0xb8;
	[tilespmem:$0x10100] =	vst v63  }
0x97: {  	_ = 	snop  }
0x98: {  	[tilespmem:s1], [sflag:$0x2] =	stream.indirect_vreg.gather [hbm4b:s4+s2], $0x80, v3, vm0, $0xb8;
	[tilespmem:$0x10100] =	vst v63  }
0x99: {  	v3 =	vld [tilespmem:$0xA0];
	_ =	sdelay $0x4  }
0x9a: {  	v58 =	vshll.u32 v3, $0x1  }
0x9b: {  	v3 =	vand.u32 $0x7, v3;
	v4 =	vand.u32 $0xFFFFFFF0, v58  }
0x9c: {  	v3 =	vor.u32 v3, v4  }
0x9d: {  	v4 =	vperm.xlane v3, v0;
	_ =	sdelay $0x1  }
0x9e: {  	v3 =	vperm.xlane v3, v2;
	v4 =	vadd.s32 v1, v4;
	_ =	sdelay $0x1  }
0x9f: {  	v3 =	vadd.s32 v1, v3;
	_ =	sdelay $0x2  }
0xa0: {  	[tilespmem:s5], [sflag:$0x2] =	stream.indirect_vreg.gather [hbm4b:s4+s2], $0x80, v4, vm0, $0xb8;
	[tilespmem:$0x10100] =	vst v63  }
0xa1: {  	_ = 	snop  }
0xa2: {  	[tilespmem:s7], [sflag:$0x2] =	stream.indirect_vreg.gather [hbm4b:s4+s2], $0x80, v3, vm0, $0xb8;
	[tilespmem:$0x10100] =	vst v63  }
0xa3: {  	v3 =	vld [tilespmem:$0xB0];
	_ =	sdelay $0x4  }
0xa4: {  	v59 =	vshll.u32 v3, $0x1  }
0xa5: {  	v3 =	vand.u32 $0x7, v3;
	v4 =	vand.u32 $0xFFFFFFF0, v59  }
0xa6: {  	v3 =	vor.u32 v3, v4  }
0xa7: {  	v4 =	vperm.xlane v3, v0;
	_ =	sdelay $0x1  }
0xa8: {  	v3 =	vperm.xlane v3, v2;
	v4 =	vadd.s32 v1, v4;
	_ =	sdelay $0x1  }
0xa9: {  	v3 =	vadd.s32 v1, v3;
	_ =	sdelay $0x2  }
0xaa: {  	[tilespmem:s9], [sflag:$0x2] =	stream.indirect_vreg.gather [hbm4b:s4+s2], $0x80, v4, vm0, $0xb8;
	[tilespmem:$0x10100] =	vst v63  }
0xab: {  	_ = 	snop  }
0xac: {  	[tilespmem:s10], [sflag:$0x2] =	stream.indirect_vreg.gather [hbm4b:s4+s2], $0x80, v3, vm0, $0xb8;
	[tilespmem:$0x10100] =	vst v63  }
0xad: {  	v3 =	vld [tilespmem:$0xC0];
	_ =	sdelay $0x4  }
0xae: {  	v60 =	vshll.u32 v3, $0x1  }
0xaf: {  	v3 =	vand.u32 $0x7, v3;
	v4 =	vand.u32 $0xFFFFFFF0, v60  }
0xb0: {  	v3 =	vor.u32 v3, v4  }
0xb1: {  	v4 =	vperm.xlane v3, v0;
	_ =	sdelay $0x1  }
0xb2: {  	v3 =	vperm.xlane v3, v2;
	v4 =	vadd.s32 v1, v4;
	_ =	sdelay $0x1  }
0xb3: {  	v3 =	vadd.s32 v1, v3;
	_ =	sdelay $0x2  }
0xb4: {  	[tilespmem:s12], [sflag:$0x2] =	stream.indirect_vreg.gather [hbm4b:s4+s2], $0x80, v4, vm0, $0xb8;
	[tilespmem:$0x10100] =	vst v63  }
0xb5: {  	_ = 	snop  }
0xb6: {  	[tilespmem:s14], [sflag:$0x2] =	stream.indirect_vreg.gather [hbm4b:s4+s2], $0x80, v3, vm0, $0xb8;
	[tilespmem:$0x10100] =	vst v63  }
0xb7: {  	v3 =	vld [tilespmem:$0xD0];
	_ =	sdelay $0x4  }
0xb8: {  	v61 =	vshll.u32 v3, $0x1  }
0xb9: {  	v3 =	vand.u32 $0x7, v3;
	v4 =	vand.u32 $0xFFFFFFF0, v61  }
0xba: {  	v3 =	vor.u32 v3, v4  }
0xbb: {  	v4 =	vperm.xlane v3, v0;
	_ =	sdelay $0x1  }
0xbc: {  	v3 =	vperm.xlane v3, v2;
	v4 =	vadd.s32 v1, v4;
	_ =	sdelay $0x1  }
0xbd: {  	v3 =	vadd.s32 v1, v3;
	_ =	sdelay $0x2  }
0xbe: {  	[tilespmem:s15], [sflag:$0x2] =	stream.indirect_vreg.gather [hbm4b:s4+s2], $0x80, v4, vm0, $0xb8;
	[tilespmem:$0x10100] =	vst v63  }
0xbf: {  	_ = 	snop  }
0xc0: {  	[tilespmem:s16], [sflag:$0x2] =	stream.indirect_vreg.gather [hbm4b:s4+s2], $0x80, v3, vm0, $0xb8;
	[tilespmem:$0x10100] =	vst v63  }
0xc1: {  	v3 =	vld [tilespmem:$0xE0];
	_ =	sdelay $0x4  }
0xc2: {  	v62 =	vshll.u32 v3, $0x1  }
0xc3: {  	v3 =	vand.u32 $0x7, v3;
	v4 =	vand.u32 $0xFFFFFFF0, v62  }
0xc4: {  	v3 =	vor.u32 v3, v4  }
0xc5: {  	v4 =	vperm.xlane v3, v0;
	_ =	sdelay $0x1  }
0xc6: {  	v3 =	vperm.xlane v3, v2;
	v4 =	vadd.s32 v1, v4;
	_ =	sdelay $0x1  }
0xc7: {  	v3 =	vadd.s32 v1, v3;
	_ =	sdelay $0x2  }
0xc8: {  	[tilespmem:s17], [sflag:$0x2] =	stream.indirect_vreg.gather [hbm4b:s4+s2], $0x80, v4, vm0, $0xb8;
	[tilespmem:$0x10100] =	vst v63  }
0xc9: {  	_ = 	snop  }
0xca: {  	[tilespmem:s18], [sflag:$0x2] =	stream.indirect_vreg.gather [hbm4b:s4+s2], $0x80, v3, vm0, $0xb8;
	[tilespmem:$0x10100] =	vst v63  }
0xcb: {  	v3 =	vld [tilespmem:$0xF0];
	_ =	sdelay $0x4  }
0xcc: {  	v63 =	vshll.u32 v3, $0x1  }
0xcd: {  	v3 =	vand.u32 $0x7, v3;
	v4 =	vand.u32 $0xFFFFFFF0, v63  }
0xce: {  	v3 =	vor.u32 v3, v4  }
0xcf: {  	v4 =	vperm.xlane v3, v0;
	_ =	sdelay $0x1  }
0xd0: {  	v3 =	vperm.xlane v3, v2;
	v4 =	vadd.s32 v1, v4;
	_ =	sdelay $0x1  }
0xd1: {  	v3 =	vadd.s32 v1, v3;
	_ =	sdelay $0x2  }
0xd2: {  	[tilespmem:s19], [sflag:$0x2] =	stream.indirect_vreg.gather [hbm4b:s4+s2], $0x80, v4, vm0, $0xb8;
	[tilespmem:$0x10100] =	vst v63  }
0xd3: {  	_ = 	snop  }
0xd4: {  	[tilespmem:s20], [sflag:$0x2] =	stream.indirect_vreg.gather [hbm4b:s4+s2], $0x80, v3, vm0, $0xb8;
	[tilespmem:$0x10100] =	vst v63  }
0xd5: {  	_ =	swait.ge [sflag:s21], $0x8000  }
0xd6: {  	[sflag:s21] =	ssyncset.done $0x0  }
0xd7: {  	[sflag:s21] =	ssyncadd.s32 $0xFFFF8000  }
0xd8: {  	_ =	swait.ge [sflag:s22], $0x8000  }
0xd9: {  	[sflag:s22] =	ssyncset.done $0x0  }
0xda: {  	[sflag:s22] =	ssyncadd.s32 $0xFFFF8000  }
0xdb: {  	[hbm4b:s25+s2] =	stream.linear.scatter [tilespmem:s13], [sflag:$0x4], $0x8000, $0x38;
	[tilespmem:$0x10100] =	vst v63  }
0xdc: {  	_ =	swait.ge [sflag:s11], $0x8000  }
0xdd: {  	[sflag:s11] =	ssyncset.done $0x0  }
.Ltmp5:
0xde: {  	[sflag:s11] =	ssyncadd.s32 $0xFFFF8000;
	(pc) =	sbr.rel .LBB2_4-.Ltmp5, $4  }
0xdf: {  	[hbm4b:s26+s2] =	stream.linear.scatter [tilespmem:s30], [sflag:$0x3], $0x8000, $0x38;
	[tilespmem:$0x10100] =	vst v63  }
0xe0: {  	_ =	swait.ge [sflag:s23], $0x8000  }
0xe1: {  	[sflag:s23] =	ssyncset.done $0x0  }
0xe2: {  	[sflag:s23] =	ssyncadd.s32 $0xFFFF8000  }
.LBB2_6:
0xe3: {  	_ =	sfence.sel $0x180000  }
0xe4: {  	[bflag:$0x0] =	sbarrier.arrive $0xFFFF  }
0xe5: {  	_ =	strace $0x90000062  }
0xe6: {  	s0 =	stileid.u32;
	[bflag:$0x2] =	sbarrier.arrive $0xFFFF  }
0xe7: {  	p0 =	sne.s32 s0, $0x0;
	s0 =	rddreg [dreg:$0x1]  }
0xe8: {  	s0 =	sadd.s32 @!p0 $0x100000, s0  }
0xe9: {  	[sflag:s0] =	ssyncadd.tile.s32 @!p0 $0x1;
	_ =	shalt  }
.Lfunc_end2:
_tile_overlayer_lowered:
.L_overlay_start_2:
0xea: {  	(tag) =	ssettag $0x2  }
0xeb: {  	s0 =	rddreg [dreg:$0x0];
	s2 =	stileid.u32  }
0xec: {  	s1 =	rddreg [dreg:$0x1];
	p0 =	sne.s32 s2, $0x0  }
0xed: {  	s3 =	rddreg [dreg:$0x2];
	[bflag:$0x3] =	sbarrier.arrive $0xFFFF;
	s2 =	simm.s32 @!p0 $0x1C03  }
0xee: {  	[timem:s3], [sflag:s2] =	dma.local @!p0 [hbm:s0], s1  }
0xef: {  	s0 =	simm.s32 @!p0 $0x3  }
0xf0: {  	_ =	swait.ge @!p0 [sflag:s0], s1  }
0xf1: {  	s1 =	ssub.s32 @!p0 $0x0, s1;
	[sflag:s0] =	ssyncset.done @!p0 $0x0  }
0xf2: {  	[sflag:s0] =	ssyncadd.s32 @!p0 s1  }
0xf3: {  	[bflag:$0x3] =	sbarrier.arrive $0xFFFF  }
0xf4: {  	_ =	shalt  }

// kernel: kernel.60.cloned.1.call-start
scs
__scs_entry_jumppad:
0x0: {  	(pc) =	sbr.rel $0x88, $3  }
0x1: {  	(tag) =	ssettag $0x0;
	lr =	simm.s32 $0x1  }
0x2: {  	[smem:$0x3F90] =	sst lr;
	_ =	strace $0xD0000000  }
0x3: {  	_ = 	snop  }
0x4: {  	_ = 	snop  }
0x5: {  	_ = 	snop  }
0x6: {  	_ = 	snop  }
0x7: {  	_ = 	snop  }
__scs_overlays_trampoline_lowered:
0x8: {  	[smem:$0x3F9F] =	sst s0  }
0x9: {  	[smem:$0x3FA0] =	sst s1  }
0xa: {  	[smem:$0x3FA1] =	sst s2  }
0xb: {  	[smem:$0x3FA2] =	sst s3  }
0xc: {  	[smem:$0x3FA3] =	sst s4  }
0xd: {  	[smem:$0x3FA4] =	sst s5  }
0xe: {  	[smem:$0x3FA5] =	sst s6  }
0xf: {  	[smem:$0x3FA6] =	sst s7  }
0x10: {  	[smem:$0x3FA7] =	sst s8  }
0x11: {  	[smem:$0x3FA8] =	sst s9;
	s0 =	simm.s32 @!p0 $0x0  }
0x12: {  	s1 =	sld [smem:$0x3F8E];
	s0 =	simm.s32 @p0 $0x1  }
0x13: {  	[smem:$0x3FA9] =	sst s0;
	s0 =	simm.s32 @!p1 $0x0  }
0x14: {  	s2 =	sld [smem:$0x3F8D];
	s0 =	simm.s32 @p1 $0x1  }
0x15: {  	[smem:$0x3FAA] =	sst s0;
	s0 =	simm.s32 @!p2 $0x0  }
0x16: {  	s3 =	sld [smem:$0x3FDB];
	s0 =	simm.s32 @p2 $0x1  }
0x17: {  	s4 =	simm.s32 $0x1BF5;
	[smem:$0x3FAC] =	sst s0  }
0x18: {  	s0 =	sld [smem:$0x3F8F];
	_ =	swait.ge [sflag:s4], $0x0  }
0x19: {  	s7 =	sld [smem:$0x3F90]  }
0x1a: {  	s8 =	sadd.s32 $0xFFFFE003, lr  }
0x1b: {  	s9 =	sadd.s32 $0xFFFFFEF7, lr;
	s5 =	simm.s32 $0xFFFFFFFF;
	p2 =	slt.u32 s8, $0xFFFFF086  }
0x1c: {  	p1 =	slt.u32 s9, $0xF7A;
	s5 =	simm.s32 @!p2 $0x0  }
0x1d: {  	s5 =	simm.s32 @p1 $0x1;
	p0 =	seq.s32 s7, s2  }
0x1e: {  	s7 =	smul.u32 @!p0 $0xF7A, s2;
	p2 =	seq.s32 @!p0 s5, $0x0  }
0x1f: {  	s9 =	smul.u32 $0xF7A, s1;
	s8 =	simm.s32 @!p0 $0x1BF5;
	p2 =	por !p2, p0  }
0x20: {  	[sflag:s8] =	ssyncset.s32 @!p0 $0xFFFFF086;
	s6 =	sadd.s32 @!p0 s3, s7;
	s7 =	simm.s32 @!p0 $0x108  }
0x21: {  	s3 =	sadd.s32 s3, s9;
	s6 =	sadd.s32 @!p0 $0x88, s6;
	s7 =	simm.s32 @p2 $0x1082  }
0x22: {  	[simem:s7], [sflag:s8] =	dma.local @!p0 [hbm:s6], $0xF7A  }
0x23: {  	s9 =	sor.u32 $0xD0000000, s2;
	s6 =	simm.s32 $0x108;
	_ =	swait.ge @!p0 [sflag:s8], $0x0  }
0x24: {  	s3 =	sadd.s32 $0x88, s3;
	s6 =	simm.s32 @!p1 $0x1082;
	[sflag:s4] =	ssyncset.s32 $0xFFFFF086  }
0x25: {  	[simem:s6], [sflag:s4] =	dma.local [hbm:s3], $0xF7A  }
0x26: {  	[smem:$0x3F90] =	sst s1;
	(tag) =	ssettag s2;
	_ =	strace s9  }
0x27: {  	s1 =	sld [smem:$0x3FA0]  }
0x28: {  	s2 =	sld [smem:$0x3FA1]  }
0x29: {  	s4 =	sld [smem:$0x3FA3]  }
0x2a: {  	p0 =	seq.s32 s5, $0x0;
	s5 =	sld [smem:$0x3FA4]  }
0x2b: {  	s6 =	sld [smem:$0x3FA5]  }
0x2c: {  	s7 =	sld [smem:$0x3FA6]  }
0x2d: {  	s3 =	simm.s32 $0x108;
	s8 =	sld [smem:$0x3FA7]  }
0x2e: {  	s3 =	simm.s32 @!p0 $0x1082;
	s9 =	sld [smem:$0x3FA8]  }
0x2f: {  	lr =	sadd.s32 s0, s3;
	s0 =	sld [smem:$0x3F9F]  }
0x30: {  	s3 =	sld [smem:$0x3FA2]  }
0x31: {  	[smem:$0x3FAB] =	sst s10  }
0x32: {  	s10 =	sld [smem:$0x3FA9];
	_ =	sdelay $0x3  }
0x33: {  	p0 =	seq.s32 s10, $0x1;
	s10 =	sld [smem:$0x3FAB];
	_ =	sdelay $0x3  }
0x34: {  	[smem:$0x3FAB] =	sst s10  }
0x35: {  	s10 =	sld [smem:$0x3FAA];
	_ =	sdelay $0x3  }
0x36: {  	p1 =	seq.s32 s10, $0x1;
	s10 =	sld [smem:$0x3FAB];
	_ =	sdelay $0x3  }
0x37: {  	[smem:$0x3FAB] =	sst s10  }
0x38: {  	s10 =	sld [smem:$0x3FAC]  }
0x39: {  	_ = 	snop;
	(pc) =	sbr.ind lr, $3  }
0x3a: {  	_ = 	snop  }
0x3b: {  	_ = 	snop  }
0x3c: {  	p2 =	seq.s32 s10, $0x1;
	s10 =	sld [smem:$0x3FAB]  }
0x3d: {  	_ =	shalt  }
0x3e: {  	_ =	shalt  }
0x3f: {  	_ =	shalt  }
0x40: {  	_ =	shalt  }
0x41: {  	_ =	shalt  }
0x42: {  	_ =	shalt  }
0x43: {  	_ =	shalt  }
0x44: {  	_ =	shalt  }
0x45: {  	_ =	shalt  }
0x46: {  	_ =	shalt  }
0x47: {  	_ =	shalt  }
0x48: {  	_ =	shalt  }
0x49: {  	_ =	shalt  }
0x4a: {  	_ =	shalt  }
0x4b: {  	_ =	shalt  }
0x4c: {  	_ =	shalt  }
0x4d: {  	_ =	shalt  }
0x4e: {  	_ =	shalt  }
0x4f: {  	_ =	shalt  }
0x50: {  	_ =	shalt  }
0x51: {  	_ =	shalt  }
0x52: {  	_ =	shalt  }
0x53: {  	_ =	shalt  }
0x54: {  	_ =	shalt  }
0x55: {  	_ =	shalt  }
0x56: {  	_ =	shalt  }
0x57: {  	_ =	shalt  }
0x58: {  	_ =	shalt  }
0x59: {  	_ =	shalt  }
0x5a: {  	_ =	shalt  }
0x5b: {  	_ =	shalt  }
0x5c: {  	_ =	shalt  }
0x5d: {  	_ =	shalt  }
0x5e: {  	_ =	shalt  }
0x5f: {  	_ =	shalt  }
0x60: {  	_ =	shalt  }
0x61: {  	_ =	shalt  }
0x62: {  	_ =	shalt  }
0x63: {  	_ =	shalt  }
0x64: {  	_ =	shalt  }
0x65: {  	_ =	shalt  }
0x66: {  	_ =	shalt  }
0x67: {  	_ =	shalt  }
0x68: {  	_ =	shalt  }
0x69: {  	_ =	shalt  }
0x6a: {  	_ =	shalt  }
0x6b: {  	_ =	shalt  }
0x6c: {  	_ =	shalt  }
0x6d: {  	_ =	shalt  }
0x6e: {  	_ =	shalt  }
0x6f: {  	_ =	shalt  }
0x70: {  	_ =	shalt  }
0x71: {  	_ =	shalt  }
0x72: {  	_ =	shalt  }
0x73: {  	_ =	shalt  }
0x74: {  	_ =	shalt  }
0x75: {  	_ =	shalt  }
0x76: {  	_ =	shalt  }
0x77: {  	_ =	shalt  }
0x78: {  	_ =	shalt  }
0x79: {  	_ =	shalt  }
0x7a: {  	_ =	shalt  }
0x7b: {  	_ =	shalt  }
0x7c: {  	_ =	shalt  }
0x7d: {  	_ =	shalt  }
0x7e: {  	_ =	shalt  }
0x7f: {  	_ =	shalt  }
0x80: {  	_ =	shalt  }
0x81: {  	_ =	shalt  }
0x82: {  	_ =	shalt  }
0x83: {  	_ =	shalt  }
0x84: {  	_ =	shalt  }
0x85: {  	_ =	shalt  }
0x86: {  	_ =	shalt  }
0x87: {  	_ =	shalt  }
.Lfunc_end0:
.L_simem_size_0:
called_computation.10_lowered:
.L_overlay_start_0:
0x88: {  	s2 =	sld [smem:$0x3FD9]  }
0x89: {  	s3 =	sld [smem:$0x3FFE];
	_ =	sdelay $0x1  }
0x8a: {  	s1 =	srdreg.scid  }
0x8b: {  	s0 =	sand.u32 $0x1, s1  }
0x8c: {  	s16 =	sshll.u32 s0, $0xA;
	s2 =	sadd.s32 s3, s2  }
0x8d: {  	s2 =	sadd.s32 s2, s16  }
0x8e: {  	[smem:$0x3FB7] =	sst s2  }
0x8f: {  	_ = 	snop  }
0x90: {  	(tm) =	ssettm $0x1  }
0x91: {  	s17 =	sld [smem:$0x3FFB];
	_ =	sdelay $0x3  }
0x92: {  	_ =	strace s17  }
0x93: {  	s2 =	sld [smem:$0x3FFC];
	_ =	sdelay $0x3  }
0x94: {  	_ =	strace s2  }
0x95: {  	s2 =	sld [smem:$0x3FFD];
	_ =	sdelay $0x3  }
0x96: {  	_ =	strace s2  }
0x97: {  	_ =	strace $0x8FFFFFFF  }
0x98: {  	s18 =	sld [smem:$0x3FDB];
	_ =	sdelay $0x1  }
0x99: {  	s19 =	simm.s32 $_scs_section_size  }
0x9a: {  	s4 =	simm.s32 $_size__tile_overlayer_lowered;
	s5 =	simm.s32 $_tile_overlayer_lowered  }
0x9b: {  	s22 =	simm.s32 $0x1BFF;
	s21 =	sshll.u32 s5, $0x1;
	s2 =	sadd.s32 s19, s18  }
0x9c: {  	s6 =	simm.s32 $0x0;
	s20 =	sshll.u32 s4, $0x1;
	s4 =	sadd.s32 s21, s2  }
0x9d: {  	[timem:s6], [sflag:s22] =	dma.local [hbm:s4], s20  }
0x9e: {  	_ =	swait.ge [sflag:s22], s20  }
0x9f: {  	s3 =	ssub.s32 $0x0, s20;
	[sflag:s22] =	ssyncset.done $0x0  }
0xa0: {  	[sflag:s22] =	ssyncadd.s32 s3;
	_ =	sdelay $0x1  }
0xa1: {  	s23 =	simm.s32 $0x1B8B  }
0xa2: {  	_ =	swait.ge [sflag:s23], $0x1  }
0xa3: {  	[sflag:s23] =	ssyncset.done $0x0  }
0xa4: {  	s25 =	simm.s32 $0x1B8E;
	s24 =	sld [smem:$0x3FFE];
	[sflag:s23] =	ssyncadd.s32 $0xFFFFFFFF  }
0xa5: {  	s26 =	simm.s32 $execute0_lowered;
	[smem:$0x3FD2] =	sst s25  }
0xa6: {  	s4 =	sshll.u32 s26, $0x1;
	_ =	strace $0x80000064;
	[dreg:$0x1] =	wrdreg $0xFFFFFFFF  }
0xa7: {  	s28 =	simm.s32 $_size_execute0_lowered;
	s2 =	sadd.s32 s2, s4;
	[dreg:$0x0] =	wrdreg $0x0  }
0xa8: {  	s4 =	sshll.u32 s28, $0x1;
	[dreg:$0x2] =	wrdreg s2  }
0xa9: {  	[dreg:$0x3] =	wrdreg s4  }
0xaa: {  	[dreg:$0x4] =	wrdreg $0xC0  }
0xab: {  	_ =	task [dreg:s6], $0x5FFFF  }
0xac: {  	[dreg:$0x1] =	wrdreg $0xFFFFFFFF  }
0xad: {  	[dreg:$0x0] =	wrdreg $0x60  }
0xae: {  	[dreg:$0x2] =	wrdreg s24  }
0xaf: {  	[dreg:$0x3] =	wrdreg $0x8800  }
0xb0: {  	[dreg:$0x4] =	wrdreg $0x9  }
0xb1: {  	_ =	task.clear_ibuf [dreg:s6], $0x5FFFF;
	_ =	strace $0x90000064  }
0xb2: {  	s29 =	simm.s32 $0x9;
	_ =	strace $0x80000066  }
0xb3: {  	_ =	swait.ge [sflag:s29], $0x1  }
0xb4: {  	[sflag:s29] =	ssyncadd.s32 $0xFFFFFFFF  }
0xb5: {  	_ =	strace $0x90000066  }
0xb6: {  	_ =	sfence  }
0xb7: {  	s30 =	sld [smem:$0x0];
	_ =	sdelay $0x2  }
0xb8: {  	s31 =	sshll.u32 s1, $0xD;
	s1 =	sshrl.u32 s1, $0x2  }
0xb9: {  	s3 =	sand.u32 $0x4000, s31;
	s1 =	sadd.s32 s1, s30  }
0xba: {  	s0 =	sor.u32 s3, s0;
	s1 =	sshll.u32 s1, $0x11  }
0xbb: {  	s0 =	sor.u32 s1, s0  }
0xbc: {  	s0 =	sadd.s32 $0x8F2B, s0  }
0xbd: {  	[sflag:s0] =	ssyncadd.remote.s32 $0x1  }
0xbe: {  	_ =	sfence.sel $0xFFFF  }
0xbf: {  	[dreg:$0x0] =	wrdreg $0xFFFFFFFF;
	(pc) =	sbr.abs _section_cstart, $3  }
0xc0: {  	[dreg:$0x1] =	wrdreg $0xFFFFFFFF  }
0xc1: {  	_ =	task.clear_ibuf [dreg:s6], $0x2FFFF;
	_ =	strace $0x9FFFFFFF  }
0xc2: {  	(tm) =	ssettm $0x7FFFFFFF  }
0xc3: {  	_ =	shalt  }
tec
execute0_lowered:
.L_overlay_start_1:
0x0: {  	(tag) =	ssettag $0x1  }
0x1: {  	s4 =	rddreg [dreg:$0x0]  }
0x2: {  	s1 =	rddreg [dreg:$0x1]  }
0x3: {  	s0 =	rddreg [dreg:$0x2]  }
0x4: {  	s2 =	simm.s32 $0x0;
	s7 =	stileid.u32;
	s3 =	srdreg.scid  }
0x5: {  	[smem:$0x7FF] =	sst s2;
	s5 =	sshll.u32 s7, $0x9;
	s8 =	sand.u32 $0x1, s3  }
0x6: {  	s3 =	sadd.s32 $0x288600, s4;
	s6 =	sshll.u32 s7, $0x5;
	p0 =	sne.s32 s7, $0x0  }
0x7: {  	_ =	strace $0x80000065;
	s9 =	sadd.s32 s5, s4;
	s28 =	smul.u32 $0x5000, s8  }
0x8: {  	s10 =	ssub.s32 $0x2, s8;
	s11 =	sadd.s32 s6, s4;
	s31 =	sshll.u32 s8, $0x8  }
0x9: {  	s8 =	sshll.u32 s8, $0x4;
	s29 =	sshrl.u32 s10, $0x1;
	s9 =	sadd.s32 s31, s9  }
0xa: {  	s8 =	sadd.s32 s8, s11;
	s5 =	sadd.s32 s28, s4;
	s30 =	ssub.s32 s10, s29  }
0xb: {  	s4 =	sshll.u32 s7, $0x1;
	s7 =	sadd.s32 $0x391800, s9;
	s8 =	sadd.s32 $0x283600, s8  }
0xc: {  	s9 =	sshrl.u32 @!p0 s1, $0x3;
	s5 =	sadd.s32 $0x28D600, s5;
	s6 =	smax.u32 s30, $0x1  }
.LBB2_1:
0xd: {  	s10 =	simm.s32 @!p0 $0x1C01  }
0xe: {  	[spmem:s9], [sflag:s10] =	dma.local @!p0 [hbm:s3], $0x5000  }
0xf: {  	s10 =	simm.s32 @!p0 $0x1  }
0x10: {  	_ =	swait.ge @!p0 [sflag:s10], $0x5000  }
0x11: {  	s11 =	sadd.s32 $0x0, s4;
	[sflag:s10] =	ssyncset.done @!p0 $0x0  }
0x12: {  	p1 =	sgt.u32 s11, $0x4E1;
	[sflag:s10] =	ssyncadd.s32 @!p0 $0xFFFFB000  }
0x13: {  	s12 =	simm.s32 @!p1 $0x2;
	s10 =	simm.s32 @!p1 $0x0;
	[bflag:$0x0] =	sbarrier.arrive $0xFFFF  }
0x14: {  	[tilespmem:s10], [sflag:$0x2] =	stream.linear.gather @!p1 [hbm4b:s8+s10], $0x80, $0x38;
	[tilespmem:$0x3080] =	vst v63  }
0x15: {  	_ =	swait.ge @!p1 [sflag:s12], $0x80  }
0x16: {  	[sflag:s12] =	ssyncset.done @!p1 $0x0;
	p1 =	por p1, p1  }
0x17: {  	[sflag:s12] =	ssyncadd.s32 @!p1 $0xFFFFFF80;
	s14 =	simm.s32 @!p1 $0x80  }
0x18: {  	[tilespmem:s14], [sflag:$0x2] =	stream.linear.gather @!p1 [hbm4b:s7+s10], $0x800, $0x38;
	[tilespmem:$0x3080] =	vst v63  }
0x19: {  	_ =	swait.ge @!p1 [sflag:s12], $0x800  }
0x1a: {  	[sflag:s12] =	ssyncset.done @!p1 $0x0  }
0x1b: {  	s31 =	sadd.s32 $0x20, s4;
	s13 =	simm.s32 @!p1 $0x1;
	[sflag:s12] =	ssyncadd.s32 @!p1 $0xFFFFF800  }
0x1c: {  	[spmem:s1] =	stream.indirect.scatter.add.f32 @!p1 [tilespmem:s14], [sflag:$0x1], $0x10, s10, s14, $0xb8;
	[tilespmem:$0x3080] =	vst v63  }
0x1d: {  	s11 =	simm.s32 $0x40;
	p2 =	sgt.u32 s31, $0x4E1;
	_ =	swait.ge @!p1 [sflag:s13], $0x800  }
0x1e: {  	s12 =	sadd.s32 $0x200, s8;
	s10 =	sadd.s32 $0x2000, s7;
	[sflag:s13] =	ssyncset.done @!p1 $0x0  }
.LBB2_2:
0x1f: {  	s14 =	simm.s32 @!p2 $0x0;
	s15 =	simm.s32 @!p2 $0x2;
	[sflag:s13] =	ssyncadd.s32 @!p1 $0xFFFFF800  }
0x20: {  	[tilespmem:s14], [sflag:$0x2] =	stream.linear.gather @!p2 [hbm4b:s12+s14], $0x80, $0x38;
	[tilespmem:$0x3080] =	vst v63  }
0x21: {  	s16 =	smov.u32 s11;
	s11 =	sadd.s32 $0x20, s11;
	_ =	swait.ge @!p2 [sflag:s15], $0x80  }
0x22: {  	p1 =	por p2, p2;
	p3 =	sne.s32 s11, $0x500;
	[sflag:s15] =	ssyncset.done @!p2 $0x0  }
0x23: {  	s17 =	simm.s32 @!p1 $0x80;
	[sflag:s15] =	ssyncadd.s32 @!p1 $0xFFFFFF80  }
0x24: {  	[tilespmem:s17], [sflag:$0x2] =	stream.linear.gather @!p1 [hbm4b:s10+s14], $0x800, $0x38;
	[tilespmem:$0x3080] =	vst v63  }
0x25: {  	_ =	swait.ge @!p1 [sflag:s15], $0x800  }
.Ltmp0:
0x26: {  	[sflag:s15] =	ssyncset.done @!p1 $0x0;
	(pc) =	sbr.rel @p3 .LBB2_2-.Ltmp0, $4  }
0x27: {  	s13 =	simm.s32 @!p1 $0x1;
	[sflag:s15] =	ssyncadd.s32 @!p1 $0xFFFFF800  }
0x28: {  	[spmem:s1] =	stream.indirect.scatter.add.f32 @!p1 [tilespmem:s17], [sflag:$0x1], $0x10, s14, s17, $0xb8;
	[tilespmem:$0x3080] =	vst v63  }
0x29: {  	s12 =	sadd.s32 $0x200, s12;
	s14 =	sadd.s32 s16, s4;
	_ =	swait.ge @!p1 [sflag:s13], $0x800  }
0x2a: {  	s10 =	sadd.s32 $0x2000, s10;
	p2 =	sgt.u32 s14, $0x4E1;
	[sflag:s13] =	ssyncset.done @!p1 $0x0  }
0x2b: {  	s11 =	simm.s32 @!p2 $0x0;
	s14 =	simm.s32 @!p2 $0x2;
	[sflag:s13] =	ssyncadd.s32 @!p1 $0xFFFFF800  }
0x2c: {  	[tilespmem:s11], [sflag:$0x2] =	stream.linear.gather @!p2 [hbm4b:s12+s11], $0x80, $0x38;
	[tilespmem:$0x3080] =	vst v63  }
0x2d: {  	_ =	swait.ge @!p2 [sflag:s14], $0x80  }
0x2e: {  	p1 =	por p2, p2;
	[sflag:s14] =	ssyncset.done @!p2 $0x0  }
0x2f: {  	s12 =	simm.s32 @!p1 $0x80;
	[sflag:s14] =	ssyncadd.s32 @!p1 $0xFFFFFF80  }
0x30: {  	[tilespmem:s12], [sflag:$0x2] =	stream.linear.gather @!p1 [hbm4b:s10+s11], $0x800, $0x38;
	[tilespmem:$0x3080] =	vst v63  }
0x31: {  	_ =	swait.ge @!p1 [sflag:s14], $0x800  }
0x32: {  	[sflag:s14] =	ssyncset.done @!p1 $0x0  }
0x33: {  	s10 =	simm.s32 @!p1 $0x1;
	[sflag:s14] =	ssyncadd.s32 @!p1 $0xFFFFF800  }
0x34: {  	[spmem:s1] =	stream.indirect.scatter.add.f32 @!p1 [tilespmem:s12], [sflag:$0x1], $0x10, s11, s12, $0xb8;
	[tilespmem:$0x3080] =	vst v63  }
0x35: {  	_ =	swait.ge @!p1 [sflag:s10], $0x800  }
0x36: {  	[sflag:s10] =	ssyncset.done @!p1 $0x0  }
0x37: {  	s2 =	sadd.s32 $0x1, s2;
	[sflag:s10] =	ssyncadd.s32 @!p1 $0xFFFFF800  }
0x38: {  	s10 =	simm.s32 @!p0 $0x1C01;
	p1 =	sne.s32 s2, s6;
	[bflag:$0x0] =	sbarrier.arrive $0xFFFF  }
0x39: {  	[hbm:s5], [sflag:s10] =	dma.local @!p0 [spmem:s9], $0x5000  }
.Ltmp1:
0x3a: {  	_ = 	snop;
	(pc) =	sbr.rel @p1 .LBB2_1-.Ltmp1, $4  }
0x3b: {  	s10 =	simm.s32 @!p0 $0x1  }
0x3c: {  	_ =	swait.ge @!p0 [sflag:s10], $0x5000  }
0x3d: {  	[sflag:s10] =	ssyncset.done @!p0 $0x0  }
0x3e: {  	[sflag:s10] =	ssyncadd.s32 @!p0 $0xFFFFB000  }
0x3f: {  	_ =	sfence.sel $0x180000  }
0x40: {  	[bflag:$0x0] =	sbarrier.arrive $0xFFFF  }
0x41: {  	_ =	strace $0x90000065  }
0x42: {  	s0 =	sadd.s32 @!p0 $0x100000, s0;
	[bflag:$0x2] =	sbarrier.arrive $0xFFFF  }
0x43: {  	[sflag:s0] =	ssyncadd.tile.s32 @!p0 $0x1;
	_ =	shalt  }
.Lfunc_end2:
_tile_overlayer_lowered:
.L_overlay_start_2:
0x44: {  	(tag) =	ssettag $0x2  }
0x45: {  	s0 =	rddreg [dreg:$0x0];
	s2 =	stileid.u32  }
0x46: {  	s1 =	rddreg [dreg:$0x1];
	p0 =	sne.s32 s2, $0x0  }
0x47: {  	s3 =	rddreg [dreg:$0x2];
	[bflag:$0x3] =	sbarrier.arrive $0xFFFF;
	s2 =	simm.s32 @!p0 $0x1C01  }
0x48: {  	[timem:s3], [sflag:s2] =	dma.local @!p0 [hbm:s0], s1  }
0x49: {  	s0 =	simm.s32 @!p0 $0x1  }
0x4a: {  	_ =	swait.ge @!p0 [sflag:s0], s1  }
0x4b: {  	s1 =	ssub.s32 @!p0 $0x0, s1;
	[sflag:s0] =	ssyncset.done @!p0 $0x0  }
0x4c: {  	[sflag:s0] =	ssyncadd.s32 @!p0 s1  }
0x4d: {  	[bflag:$0x3] =	sbarrier.arrive $0xFFFF  }
0x4e: {  	_ =	shalt  }

// kernel: kernel.63.cloned.1.call-start
scs
__scs_entry_jumppad:
0x0: {  	(pc) =	sbr.rel $0x88, $3  }
0x1: {  	(tag) =	ssettag $0x0;
	lr =	simm.s32 $0x1  }
0x2: {  	[smem:$0x3F90] =	sst lr;
	_ =	strace $0xD0000000  }
0x3: {  	_ = 	snop  }
0x4: {  	_ = 	snop  }
0x5: {  	_ = 	snop  }
0x6: {  	_ = 	snop  }
0x7: {  	_ = 	snop  }
__scs_overlays_trampoline_lowered:
0x8: {  	[smem:$0x3F9F] =	sst s0  }
0x9: {  	[smem:$0x3FA0] =	sst s1  }
0xa: {  	[smem:$0x3FA1] =	sst s2  }
0xb: {  	[smem:$0x3FA2] =	sst s3  }
0xc: {  	[smem:$0x3FA3] =	sst s4  }
0xd: {  	[smem:$0x3FA4] =	sst s5  }
0xe: {  	[smem:$0x3FA5] =	sst s6  }
0xf: {  	[smem:$0x3FA6] =	sst s7  }
0x10: {  	[smem:$0x3FA7] =	sst s8  }
0x11: {  	[smem:$0x3FA8] =	sst s9;
	s0 =	simm.s32 @!p0 $0x0  }
0x12: {  	s1 =	sld [smem:$0x3F8E];
	s0 =	simm.s32 @p0 $0x1  }
0x13: {  	[smem:$0x3FA9] =	sst s0;
	s0 =	simm.s32 @!p1 $0x0  }
0x14: {  	s2 =	sld [smem:$0x3F8D];
	s0 =	simm.s32 @p1 $0x1  }
0x15: {  	[smem:$0x3FAA] =	sst s0;
	s0 =	simm.s32 @!p2 $0x0  }
0x16: {  	s3 =	sld [smem:$0x3FDB];
	s0 =	simm.s32 @p2 $0x1  }
0x17: {  	s4 =	simm.s32 $0x1BF5;
	[smem:$0x3FAC] =	sst s0  }
0x18: {  	s0 =	sld [smem:$0x3F8F];
	_ =	swait.ge [sflag:s4], $0x0  }
0x19: {  	s7 =	sld [smem:$0x3F90]  }
0x1a: {  	s8 =	sadd.s32 $0xFFFFE003, lr  }
0x1b: {  	s9 =	sadd.s32 $0xFFFFFEF7, lr;
	s5 =	simm.s32 $0xFFFFFFFF;
	p2 =	slt.u32 s8, $0xFFFFF086  }
0x1c: {  	p1 =	slt.u32 s9, $0xF7A;
	s5 =	simm.s32 @!p2 $0x0  }
0x1d: {  	s5 =	simm.s32 @p1 $0x1;
	p0 =	seq.s32 s7, s2  }
0x1e: {  	s7 =	smul.u32 @!p0 $0xF7A, s2;
	p2 =	seq.s32 @!p0 s5, $0x0  }
0x1f: {  	s9 =	smul.u32 $0xF7A, s1;
	s8 =	simm.s32 @!p0 $0x1BF5;
	p2 =	por !p2, p0  }
0x20: {  	[sflag:s8] =	ssyncset.s32 @!p0 $0xFFFFF086;
	s6 =	sadd.s32 @!p0 s3, s7;
	s7 =	simm.s32 @!p0 $0x108  }
0x21: {  	s3 =	sadd.s32 s3, s9;
	s6 =	sadd.s32 @!p0 $0x88, s6;
	s7 =	simm.s32 @p2 $0x1082  }
0x22: {  	[simem:s7], [sflag:s8] =	dma.local @!p0 [hbm:s6], $0xF7A  }
0x23: {  	s9 =	sor.u32 $0xD0000000, s2;
	s6 =	simm.s32 $0x108;
	_ =	swait.ge @!p0 [sflag:s8], $0x0  }
0x24: {  	s3 =	sadd.s32 $0x88, s3;
	s6 =	simm.s32 @!p1 $0x1082;
	[sflag:s4] =	ssyncset.s32 $0xFFFFF086  }
0x25: {  	[simem:s6], [sflag:s4] =	dma.local [hbm:s3], $0xF7A  }
0x26: {  	[smem:$0x3F90] =	sst s1;
	(tag) =	ssettag s2;
	_ =	strace s9  }
0x27: {  	s1 =	sld [smem:$0x3FA0]  }
0x28: {  	s2 =	sld [smem:$0x3FA1]  }
0x29: {  	s4 =	sld [smem:$0x3FA3]  }
0x2a: {  	p0 =	seq.s32 s5, $0x0;
	s5 =	sld [smem:$0x3FA4]  }
0x2b: {  	s6 =	sld [smem:$0x3FA5]  }
0x2c: {  	s7 =	sld [smem:$0x3FA6]  }
0x2d: {  	s3 =	simm.s32 $0x108;
	s8 =	sld [smem:$0x3FA7]  }
0x2e: {  	s3 =	simm.s32 @!p0 $0x1082;
	s9 =	sld [smem:$0x3FA8]  }
0x2f: {  	lr =	sadd.s32 s0, s3;
	s0 =	sld [smem:$0x3F9F]  }
0x30: {  	s3 =	sld [smem:$0x3FA2]  }
0x31: {  	[smem:$0x3FAB] =	sst s10  }
0x32: {  	s10 =	sld [smem:$0x3FA9];
	_ =	sdelay $0x3  }
0x33: {  	p0 =	seq.s32 s10, $0x1;
	s10 =	sld [smem:$0x3FAB];
	_ =	sdelay $0x3  }
0x34: {  	[smem:$0x3FAB] =	sst s10  }
0x35: {  	s10 =	sld [smem:$0x3FAA];
	_ =	sdelay $0x3  }
0x36: {  	p1 =	seq.s32 s10, $0x1;
	s10 =	sld [smem:$0x3FAB];
	_ =	sdelay $0x3  }
0x37: {  	[smem:$0x3FAB] =	sst s10  }
0x38: {  	s10 =	sld [smem:$0x3FAC]  }
0x39: {  	_ = 	snop;
	(pc) =	sbr.ind lr, $3  }
0x3a: {  	_ = 	snop  }
0x3b: {  	_ = 	snop  }
0x3c: {  	p2 =	seq.s32 s10, $0x1;
	s10 =	sld [smem:$0x3FAB]  }
0x3d: {  	_ =	shalt  }
0x3e: {  	_ =	shalt  }
0x3f: {  	_ =	shalt  }
0x40: {  	_ =	shalt  }
0x41: {  	_ =	shalt  }
0x42: {  	_ =	shalt  }
0x43: {  	_ =	shalt  }
0x44: {  	_ =	shalt  }
0x45: {  	_ =	shalt  }
0x46: {  	_ =	shalt  }
0x47: {  	_ =	shalt  }
0x48: {  	_ =	shalt  }
0x49: {  	_ =	shalt  }
0x4a: {  	_ =	shalt  }
0x4b: {  	_ =	shalt  }
0x4c: {  	_ =	shalt  }
0x4d: {  	_ =	shalt  }
0x4e: {  	_ =	shalt  }
0x4f: {  	_ =	shalt  }
0x50: {  	_ =	shalt  }
0x51: {  	_ =	shalt  }
0x52: {  	_ =	shalt  }
0x53: {  	_ =	shalt  }
0x54: {  	_ =	shalt  }
0x55: {  	_ =	shalt  }
0x56: {  	_ =	shalt  }
0x57: {  	_ =	shalt  }
0x58: {  	_ =	shalt  }
0x59: {  	_ =	shalt  }
0x5a: {  	_ =	shalt  }
0x5b: {  	_ =	shalt  }
0x5c: {  	_ =	shalt  }
0x5d: {  	_ =	shalt  }
0x5e: {  	_ =	shalt  }
0x5f: {  	_ =	shalt  }
0x60: {  	_ =	shalt  }
0x61: {  	_ =	shalt  }
0x62: {  	_ =	shalt  }
0x63: {  	_ =	shalt  }
0x64: {  	_ =	shalt  }
0x65: {  	_ =	shalt  }
0x66: {  	_ =	shalt  }
0x67: {  	_ =	shalt  }
0x68: {  	_ =	shalt  }
0x69: {  	_ =	shalt  }
0x6a: {  	_ =	shalt  }
0x6b: {  	_ =	shalt  }
0x6c: {  	_ =	shalt  }
0x6d: {  	_ =	shalt  }
0x6e: {  	_ =	shalt  }
0x6f: {  	_ =	shalt  }
0x70: {  	_ =	shalt  }
0x71: {  	_ =	shalt  }
0x72: {  	_ =	shalt  }
0x73: {  	_ =	shalt  }
0x74: {  	_ =	shalt  }
0x75: {  	_ =	shalt  }
0x76: {  	_ =	shalt  }
0x77: {  	_ =	shalt  }
0x78: {  	_ =	shalt  }
0x79: {  	_ =	shalt  }
0x7a: {  	_ =	shalt  }
0x7b: {  	_ =	shalt  }
0x7c: {  	_ =	shalt  }
0x7d: {  	_ =	shalt  }
0x7e: {  	_ =	shalt  }
0x7f: {  	_ =	shalt  }
0x80: {  	_ =	shalt  }
0x81: {  	_ =	shalt  }
0x82: {  	_ =	shalt  }
0x83: {  	_ =	shalt  }
0x84: {  	_ =	shalt  }
0x85: {  	_ =	shalt  }
0x86: {  	_ =	shalt  }
0x87: {  	_ =	shalt  }
.Lfunc_end0:
.L_simem_size_0:
called_computation.11_lowered:
.L_overlay_start_0:
0x88: {  	s2 =	sld [smem:$0x3FD9]  }
0x89: {  	s3 =	sld [smem:$0x3FFE];
	_ =	sdelay $0x1  }
0x8a: {  	s1 =	srdreg.scid  }
0x8b: {  	s0 =	sand.u32 $0x1, s1  }
0x8c: {  	s16 =	sshll.u32 s0, $0xA;
	s2 =	sadd.s32 s3, s2  }
0x8d: {  	s2 =	sadd.s32 s2, s16  }
0x8e: {  	[smem:$0x3FB7] =	sst s2  }
0x8f: {  	_ = 	snop  }
0x90: {  	(tm) =	ssettm $0x1  }
0x91: {  	s17 =	sld [smem:$0x3FFB];
	_ =	sdelay $0x3  }
0x92: {  	_ =	strace s17  }
0x93: {  	s2 =	sld [smem:$0x3FFC];
	_ =	sdelay $0x3  }
0x94: {  	_ =	strace s2  }
0x95: {  	s2 =	sld [smem:$0x3FFD];
	_ =	sdelay $0x3  }
0x96: {  	_ =	strace s2  }
0x97: {  	_ =	strace $0x8FFFFFFF  }
0x98: {  	s18 =	sld [smem:$0x3FDB];
	_ =	sdelay $0x1  }
0x99: {  	s19 =	simm.s32 $_scs_section_size  }
0x9a: {  	s4 =	simm.s32 $_size__tile_overlayer_lowered;
	s5 =	simm.s32 $_tile_overlayer_lowered  }
0x9b: {  	s22 =	simm.s32 $0x1BFF;
	s21 =	sshll.u32 s5, $0x1;
	s2 =	sadd.s32 s19, s18  }
0x9c: {  	s6 =	simm.s32 $0x0;
	s20 =	sshll.u32 s4, $0x1;
	s4 =	sadd.s32 s21, s2  }
0x9d: {  	[timem:s6], [sflag:s22] =	dma.local [hbm:s4], s20  }
0x9e: {  	_ =	swait.ge [sflag:s22], s20  }
0x9f: {  	s3 =	ssub.s32 $0x0, s20;
	[sflag:s22] =	ssyncset.done $0x0  }
0xa0: {  	[sflag:s22] =	ssyncadd.s32 s3;
	_ =	sdelay $0x1  }
0xa1: {  	s23 =	simm.s32 $0x1B8B  }
0xa2: {  	_ =	swait.ge [sflag:s23], $0x1  }
0xa3: {  	[sflag:s23] =	ssyncset.done $0x0  }
0xa4: {  	s25 =	simm.s32 $0x1B8E;
	s24 =	sld [smem:$0x3FFE];
	[sflag:s23] =	ssyncadd.s32 $0xFFFFFFFF  }
0xa5: {  	s26 =	simm.s32 $execute0_lowered;
	[smem:$0x3FD2] =	sst s25  }
0xa6: {  	s4 =	sshll.u32 s26, $0x1;
	_ =	strace $0x80000067;
	[dreg:$0x1] =	wrdreg $0xFFFFFFFF  }
0xa7: {  	s28 =	simm.s32 $_size_execute0_lowered;
	s2 =	sadd.s32 s2, s4;
	[dreg:$0x0] =	wrdreg $0x0  }
0xa8: {  	s4 =	sshll.u32 s28, $0x1;
	[dreg:$0x2] =	wrdreg s2  }
0xa9: {  	[dreg:$0x3] =	wrdreg s4  }
0xaa: {  	[dreg:$0x4] =	wrdreg $0xC0  }
0xab: {  	_ =	task [dreg:s6], $0x5FFFF  }
0xac: {  	[dreg:$0x1] =	wrdreg $0xFFFFFFFF  }
0xad: {  	[dreg:$0x0] =	wrdreg $0x60  }
0xae: {  	[dreg:$0x2] =	wrdreg s24  }
0xaf: {  	[dreg:$0x3] =	wrdreg $0x9  }
0xb0: {  	_ =	task.clear_ibuf [dreg:s6], $0x4FFFF;
	_ =	strace $0x90000067  }
0xb1: {  	s29 =	simm.s32 $0x9;
	_ =	strace $0x80000069  }
0xb2: {  	_ =	swait.ge [sflag:s29], $0x1  }
0xb3: {  	[sflag:s29] =	ssyncadd.s32 $0xFFFFFFFF  }
0xb4: {  	_ =	strace $0x90000069  }
0xb5: {  	_ =	sfence  }
0xb6: {  	s30 =	sld [smem:$0x0];
	_ =	sdelay $0x2  }
0xb7: {  	s31 =	sshll.u32 s1, $0xD;
	s1 =	sshrl.u32 s1, $0x2  }
0xb8: {  	s3 =	sand.u32 $0x4000, s31;
	s1 =	sadd.s32 s1, s30  }
0xb9: {  	s0 =	sor.u32 s3, s0;
	s1 =	sshll.u32 s1, $0x11  }
0xba: {  	s0 =	sor.u32 s1, s0  }
0xbb: {  	s0 =	sadd.s32 $0x8F2B, s0  }
0xbc: {  	[sflag:s0] =	ssyncadd.remote.s32 $0x1  }
0xbd: {  	_ =	sfence.sel $0xFFFF  }
0xbe: {  	[dreg:$0x0] =	wrdreg $0xFFFFFFFF;
	(pc) =	sbr.abs _section_cstart, $3  }
0xbf: {  	[dreg:$0x1] =	wrdreg $0xFFFFFFFF  }
0xc0: {  	_ =	task.clear_ibuf [dreg:s6], $0x2FFFF;
	_ =	strace $0x9FFFFFFF  }
0xc1: {  	(tm) =	ssettm $0x7FFFFFFF  }
tec
execute0_lowered:
.L_overlay_start_1:
0x0: {  	(tag) =	ssettag $0x1  }
0x1: {  	s0 =	rddreg [dreg:$0x0];
	s2 =	simm.s32 $0x0  }
0x2: {  	s9 =	stileid.u32;
	s1 =	srdreg.scid;
	s11 =	simm.s32 $0x4  }
0x3: {  	s13 =	simm.s32 $0x100;
	s30 =	simm.s32 $0x8100;
	s10 =	simm.s32 $0xB900  }
0x4: {  	s12 =	simm.s32 $0xC100;
	s14 =	simm.s32 $0xC900;
	s15 =	simm.s32 $0xD100  }
0x5: {  	s16 =	simm.s32 $0xD900;
	s17 =	simm.s32 $0xE100;
	s18 =	simm.s32 $0xE900  }
0x6: {  	s19 =	simm.s32 $0xF100;
	s20 =	simm.s32 $0xF900;
	s21 =	simm.s32 $0x1  }
0x7: {  	s22 =	simm.s32 $0x2;
	s23 =	simm.s32 $0x3;
	[smem:$0x7FF] =	sst s2  }
0x8: {  	s31 =	simm.s32 $0x80;
	s3 =	sadd.s32 $0x38D800, s0;
	s4 =	sadd.s32 $0x431800, s0  }
0x9: {  	s5 =	sshll.u32 s9, $0x5;
	s1 =	sand.u32 $0x1, s1;
	s6 =	sshll.u32 s9, $0xD  }
0xa: {  	s26 =	sshll.u32 s9, $0x1;
	s9 =	simm.s32 $0xB100;
	_ =	strace $0x80000068  }
0xb: {  	s5 =	sadd.s32 s5, s0;
	s7 =	ssub.s32 $0x2, s1;
	s0 =	sadd.s32 s6, s0  }
0xc: {  	s8 =	sshll.u32 s1, $0x4;
	s1 =	sshll.u32 s1, $0xC;
	[dreg:$0x2] =	wrdreg s26  }
0xd: {  	s25 =	sshrl.u32 s7, $0x1;
	s5 =	sadd.s32 s8, s5;
	s0 =	sadd.s32 s1, s0  }
.Ltmp0:
0xe: {  	s1 =	simm.s32 $0x9900;
	s6 =	sadd.s32 $0x283600, s5;
	(pc) =	sbr.rel .LBB2_1-.Ltmp0, $4  }
0xf: {  	s7 =	ssub.s32 s7, s25;
	s8 =	sadd.s32 $0x27E600, s5;
	s29 =	sadd.s32 $0x963800, s0  }
0x10: {  	v2 =	vlaneseq.u32;
	s0 =	sadd.s32 $0x481800, s0;
	s5 =	simm.s32 $0xA100;
	[dreg:$0x4] =	wrdreg s29  }
0x11: {  	vm0 =	vmmov $0xffff;
	v1 =	vshrl.u32 v2, $0x3;
	s25 =	simm.s32 $0x0;
	s28 =	smax.u32 s7, $0x1;
	[dreg:$0x5] =	wrdreg s0  }
0x12: {  	v0 =	vand.u32 $0x7, v2;
	v2 =	vor.u32 $0x8, v2;
	v1 =	vmul.u32 $0x8, v1;
	s0 =	simm.s32 $0x9100;
	s7 =	simm.s32 $0xA900;
	[dreg:$0x3] =	wrdreg s28  }
.LBB2_5:
0x13: {  	s25 =	rddreg [dreg:$0x6]  }
0x14: {  	s24 =	rddreg [dreg:$0x3];
	s25 =	sadd.s32 $0x1, s25  }
0x15: {  	p0 =	sne.s32 s25, s24  }
.Ltmp1:
0x16: {  	_ = 	snop;
	(pc) =	sbr.rel @!p0 .LBB2_6-.Ltmp1, $1  }
0x17: {  	_ =	sdelay $0x3  }
.LBB2_1:
.Ltmp2:
0x18: {  	(pc) =	sbr.rel .LBB2_2-.Ltmp2, $4  }
0x19: {  	[dreg:$0x6] =	wrdreg s25  }
0x1a: {  	s24 =	rddreg [dreg:$0x2]  }
0x1b: {  	s25 =	rddreg [dreg:$0x5]  }
0x1c: {  	s26 =	rddreg [dreg:$0x4];
	s28 =	simm.s32 $0x0  }
.LBB2_4:
0x1d: {  	s28 =	sadd.s32 $0x200, s28  }
0x1e: {  	p0 =	sne.s32 s28, $0x5000  }
.Ltmp3:
0x1f: {  	_ = 	snop;
	(pc) =	sbr.rel @!p0 .LBB2_5-.Ltmp3, $2  }
0x20: {  	_ =	sdelay $0x2  }
0x21: {  	s26 =	sadd.s32 $0x20000, s26;
	s25 =	sadd.s32 $0x20000, s25;
	s24 =	sadd.s32 $0x20, s24  }
.LBB2_2:
0x22: {  	p0 =	sgt.u32 s24, $0x4E1  }
.Ltmp4:
0x23: {  	_ = 	snop;
	(pc) =	sbr.rel @p0 .LBB2_4-.Ltmp4, $1  }
0x24: {  	_ =	sdelay $0x3  }
0x25: {  	s29 =	sadd.s32 s28, s8  }
0x26: {  	[tilespmem:s2], [sflag:$0x4] =	stream.linear.gather [hbm4b:s29+s2], $0x80, $0x38;
	[tilespmem:$0x10100] =	vst v63  }
0x27: {  	_ =	swait.ge [sflag:s11], $0x80  }
0x28: {  	[sflag:s11] =	ssyncset.done $0x0  }
0x29: {  	s29 =	sadd.s32 s28, s6;
	[sflag:s11] =	ssyncadd.s32 $0xFFFFFF80  }
0x2a: {  	[tilespmem:s31], [sflag:$0x4] =	stream.linear.gather [hbm4b:s29+s2], $0x80, $0x38;
	[tilespmem:$0x10100] =	vst v63  }
0x2b: {  	_ =	swait.ge [sflag:s11], $0x80  }
0x2c: {  	[sflag:s11] =	ssyncset.done $0x0  }
0x2d: {  	[sflag:s11] =	ssyncadd.s32 $0xFFFFFF80  }
0x2e: {  	v3 =	vld [tilespmem:$0x0];
	_ =	sdelay $0x4  }
0x2f: {  	v4 =	vshll.u32 v3, $0x1  }
0x30: {  	v3 =	vand.u32 $0x7, v3;
	v4 =	vand.u32 $0xFFFFFFF0, v4  }
0x31: {  	v3 =	vor.u32 v3, v4  }
0x32: {  	v4 =	vperm.xlane v3, v0;
	_ =	sdelay $0x1  }
0x33: {  	v3 =	vperm.xlane v3, v2;
	v4 =	vadd.s32 v1, v4;
	_ =	sdelay $0x1  }
0x34: {  	v3 =	vadd.s32 v1, v3;
	_ =	sdelay $0x2  }
0x35: {  	[tilespmem:s13], [sflag:$0x1] =	stream.indirect_vreg.gather [hbm4b:s3+s2], $0x80, v4, vm0, $0xb8;
	[tilespmem:$0x10100] =	vst v63  }
0x36: {  	s29 =	simm.s32 $0x900  }
0x37: {  	[tilespmem:s29], [sflag:$0x1] =	stream.indirect_vreg.gather [hbm4b:s3+s2], $0x80, v3, vm0, $0xb8;
	[tilespmem:$0x10100] =	vst v63  }
0x38: {  	v3 =	vld [tilespmem:$0x10];
	_ =	sdelay $0x4  }
0x39: {  	v49 =	vshll.u32 v3, $0x1  }
0x3a: {  	v3 =	vand.u32 $0x7, v3;
	v4 =	vand.u32 $0xFFFFFFF0, v49  }
0x3b: {  	v3 =	vor.u32 v3, v4  }
0x3c: {  	v4 =	vperm.xlane v3, v0;
	_ =	sdelay $0x1  }
0x3d: {  	v3 =	vperm.xlane v3, v2;
	v4 =	vadd.s32 v1, v4;
	_ =	sdelay $0x1  }
0x3e: {  	v3 =	vadd.s32 v1, v3;
	_ =	sdelay $0x1  }
0x3f: {  	s29 =	simm.s32 $0x1100  }
0x40: {  	[tilespmem:s29], [sflag:$0x1] =	stream.indirect_vreg.gather [hbm4b:s3+s2], $0x80, v4, vm0, $0xb8;
	[tilespmem:$0x10100] =	vst v63  }
0x41: {  	s29 =	simm.s32 $0x1900  }
0x42: {  	[tilespmem:s29], [sflag:$0x1] =	stream.indirect_vreg.gather [hbm4b:s3+s2], $0x80, v3, vm0, $0xb8;
	[tilespmem:$0x10100] =	vst v63  }
0x43: {  	v3 =	vld [tilespmem:$0x20];
	_ =	sdelay $0x4  }
0x44: {  	v50 =	vshll.u32 v3, $0x1  }
0x45: {  	v3 =	vand.u32 $0x7, v3;
	v4 =	vand.u32 $0xFFFFFFF0, v50  }
0x46: {  	v3 =	vor.u32 v3, v4  }
0x47: {  	v4 =	vperm.xlane v3, v0;
	_ =	sdelay $0x1  }
0x48: {  	v3 =	vperm.xlane v3, v2;
	v4 =	vadd.s32 v1, v4;
	_ =	sdelay $0x1  }
0x49: {  	v3 =	vadd.s32 v1, v3;
	_ =	sdelay $0x1  }
0x4a: {  	s29 =	simm.s32 $0x2100  }
0x4b: {  	[tilespmem:s29], [sflag:$0x1] =	stream.indirect_vreg.gather [hbm4b:s3+s2], $0x80, v4, vm0, $0xb8;
	[tilespmem:$0x10100] =	vst v63  }
0x4c: {  	s29 =	simm.s32 $0x2900  }
0x4d: {  	[tilespmem:s29], [sflag:$0x1] =	stream.indirect_vreg.gather [hbm4b:s3+s2], $0x80, v3, vm0, $0xb8;
	[tilespmem:$0x10100] =	vst v63  }
0x4e: {  	v3 =	vld [tilespmem:$0x30];
	_ =	sdelay $0x4  }
0x4f: {  	v51 =	vshll.u32 v3, $0x1  }
0x50: {  	v3 =	vand.u32 $0x7, v3;
	v4 =	vand.u32 $0xFFFFFFF0, v51  }
0x51: {  	v3 =	vor.u32 v3, v4  }
0x52: {  	v4 =	vperm.xlane v3, v0;
	_ =	sdelay $0x1  }
0x53: {  	v3 =	vperm.xlane v3, v2;
	v4 =	vadd.s32 v1, v4;
	_ =	sdelay $0x1  }
0x54: {  	v3 =	vadd.s32 v1, v3;
	_ =	sdelay $0x1  }
0x55: {  	s29 =	simm.s32 $0x3100  }
0x56: {  	[tilespmem:s29], [sflag:$0x1] =	stream.indirect_vreg.gather [hbm4b:s3+s2], $0x80, v4, vm0, $0xb8;
	[tilespmem:$0x10100] =	vst v63  }
0x57: {  	s29 =	simm.s32 $0x3900  }
0x58: {  	[tilespmem:s29], [sflag:$0x1] =	stream.indirect_vreg.gather [hbm4b:s3+s2], $0x80, v3, vm0, $0xb8;
	[tilespmem:$0x10100] =	vst v63  }
0x59: {  	v3 =	vld [tilespmem:$0x40];
	_ =	sdelay $0x4  }
0x5a: {  	v52 =	vshll.u32 v3, $0x1  }
0x5b: {  	v3 =	vand.u32 $0x7, v3;
	v4 =	vand.u32 $0xFFFFFFF0, v52  }
0x5c: {  	v3 =	vor.u32 v3, v4  }
0x5d: {  	v4 =	vperm.xlane v3, v0;
	_ =	sdelay $0x1  }
0x5e: {  	v3 =	vperm.xlane v3, v2;
	v4 =	vadd.s32 v1, v4;
	_ =	sdelay $0x1  }
0x5f: {  	v3 =	vadd.s32 v1, v3;
	_ =	sdelay $0x1  }
0x60: {  	s29 =	simm.s32 $0x4100  }
0x61: {  	[tilespmem:s29], [sflag:$0x1] =	stream.indirect_vreg.gather [hbm4b:s3+s2], $0x80, v4, vm0, $0xb8;
	[tilespmem:$0x10100] =	vst v63  }
0x62: {  	s29 =	simm.s32 $0x4900  }
0x63: {  	[tilespmem:s29], [sflag:$0x1] =	stream.indirect_vreg.gather [hbm4b:s3+s2], $0x80, v3, vm0, $0xb8;
	[tilespmem:$0x10100] =	vst v63  }
0x64: {  	v3 =	vld [tilespmem:$0x50];
	_ =	sdelay $0x4  }
0x65: {  	v53 =	vshll.u32 v3, $0x1  }
0x66: {  	v3 =	vand.u32 $0x7, v3;
	v4 =	vand.u32 $0xFFFFFFF0, v53  }
0x67: {  	v3 =	vor.u32 v3, v4  }
0x68: {  	v4 =	vperm.xlane v3, v0;
	_ =	sdelay $0x1  }
0x69: {  	v3 =	vperm.xlane v3, v2;
	v4 =	vadd.s32 v1, v4;
	_ =	sdelay $0x1  }
0x6a: {  	v3 =	vadd.s32 v1, v3;
	_ =	sdelay $0x1  }
0x6b: {  	s29 =	simm.s32 $0x5100  }
0x6c: {  	[tilespmem:s29], [sflag:$0x1] =	stream.indirect_vreg.gather [hbm4b:s3+s2], $0x80, v4, vm0, $0xb8;
	[tilespmem:$0x10100] =	vst v63  }
0x6d: {  	s29 =	simm.s32 $0x5900  }
0x6e: {  	[tilespmem:s29], [sflag:$0x1] =	stream.indirect_vreg.gather [hbm4b:s3+s2], $0x80, v3, vm0, $0xb8;
	[tilespmem:$0x10100] =	vst v63  }
0x6f: {  	v3 =	vld [tilespmem:$0x60];
	_ =	sdelay $0x4  }
0x70: {  	v54 =	vshll.u32 v3, $0x1  }
0x71: {  	v3 =	vand.u32 $0x7, v3;
	v4 =	vand.u32 $0xFFFFFFF0, v54  }
0x72: {  	v3 =	vor.u32 v3, v4  }
0x73: {  	v4 =	vperm.xlane v3, v0;
	_ =	sdelay $0x1  }
0x74: {  	v3 =	vperm.xlane v3, v2;
	v4 =	vadd.s32 v1, v4;
	_ =	sdelay $0x1  }
0x75: {  	v3 =	vadd.s32 v1, v3;
	_ =	sdelay $0x1  }
0x76: {  	s29 =	simm.s32 $0x6100  }
0x77: {  	[tilespmem:s29], [sflag:$0x1] =	stream.indirect_vreg.gather [hbm4b:s3+s2], $0x80, v4, vm0, $0xb8;
	[tilespmem:$0x10100] =	vst v63  }
0x78: {  	s29 =	simm.s32 $0x6900  }
0x79: {  	[tilespmem:s29], [sflag:$0x1] =	stream.indirect_vreg.gather [hbm4b:s3+s2], $0x80, v3, vm0, $0xb8;
	[tilespmem:$0x10100] =	vst v63  }
0x7a: {  	v3 =	vld [tilespmem:$0x70];
	_ =	sdelay $0x4  }
0x7b: {  	v55 =	vshll.u32 v3, $0x1  }
0x7c: {  	v3 =	vand.u32 $0x7, v3;
	v4 =	vand.u32 $0xFFFFFFF0, v55  }
0x7d: {  	v3 =	vor.u32 v3, v4  }
0x7e: {  	v4 =	vperm.xlane v3, v0;
	_ =	sdelay $0x1  }
0x7f: {  	v3 =	vperm.xlane v3, v2;
	v4 =	vadd.s32 v1, v4;
	_ =	sdelay $0x1  }
0x80: {  	v3 =	vadd.s32 v1, v3;
	_ =	sdelay $0x1  }
0x81: {  	s29 =	simm.s32 $0x7100  }
0x82: {  	[tilespmem:s29], [sflag:$0x1] =	stream.indirect_vreg.gather [hbm4b:s3+s2], $0x80, v4, vm0, $0xb8;
	[tilespmem:$0x10100] =	vst v63  }
0x83: {  	s29 =	simm.s32 $0x7900  }
0x84: {  	[tilespmem:s29], [sflag:$0x1] =	stream.indirect_vreg.gather [hbm4b:s3+s2], $0x80, v3, vm0, $0xb8;
	[tilespmem:$0x10100] =	vst v63  }
0x85: {  	v3 =	vld [tilespmem:$0x80];
	_ =	sdelay $0x4  }
0x86: {  	v56 =	vshll.u32 v3, $0x1  }
0x87: {  	v3 =	vand.u32 $0x7, v3;
	v4 =	vand.u32 $0xFFFFFFF0, v56  }
0x88: {  	v3 =	vor.u32 v3, v4  }
0x89: {  	v4 =	vperm.xlane v3, v0;
	_ =	sdelay $0x1  }
0x8a: {  	v3 =	vperm.xlane v3, v2;
	v4 =	vadd.s32 v1, v4;
	_ =	sdelay $0x1  }
0x8b: {  	v3 =	vadd.s32 v1, v3;
	_ =	sdelay $0x2  }
0x8c: {  	[tilespmem:s30], [sflag:$0x2] =	stream.indirect_vreg.gather [hbm4b:s4+s2], $0x80, v4, vm0, $0xb8;
	[tilespmem:$0x10100] =	vst v63  }
0x8d: {  	s29 =	simm.s32 $0x8900  }
0x8e: {  	[tilespmem:s29], [sflag:$0x2] =	stream.indirect_vreg.gather [hbm4b:s4+s2], $0x80, v3, vm0, $0xb8;
	[tilespmem:$0x10100] =	vst v63  }
0x8f: {  	v3 =	vld [tilespmem:$0x90];
	_ =	sdelay $0x4  }
0x90: {  	v57 =	vshll.u32 v3, $0x1  }
0x91: {  	v3 =	vand.u32 $0x7, v3;
	v4 =	vand.u32 $0xFFFFFFF0, v57  }
0x92: {  	v3 =	vor.u32 v3, v4  }
0x93: {  	v4 =	vperm.xlane v3, v0;
	_ =	sdelay $0x1  }
0x94: {  	v3 =	vperm.xlane v3, v2;
	v4 =	vadd.s32 v1, v4;
	_ =	sdelay $0x1  }
0x95: {  	v3 =	vadd.s32 v1, v3;
	_ =	sdelay $0x2  }
0x96: {  	[tilespmem:s0], [sflag:$0x2] =	stream.indirect_vreg.gather [hbm4b:s4+s2], $0x80, v4, vm0, $0xb8;
	[tilespmem:$0x10100] =	vst v63  }
0x97: {  	_ = 	snop  }
0x98: {  	[tilespmem:s1], [sflag:$0x2] =	stream.indirect_vreg.gather [hbm4b:s4+s2], $0x80, v3, vm0, $0xb8;
	[tilespmem:$0x10100] =	vst v63  }
0x99: {  	v3 =	vld [tilespmem:$0xA0];
	_ =	sdelay $0x4  }
0x9a: {  	v58 =	vshll.u32 v3, $0x1  }
0x9b: {  	v3 =	vand.u32 $0x7, v3;
	v4 =	vand.u32 $0xFFFFFFF0, v58  }
0x9c: {  	v3 =	vor.u32 v3, v4  }
0x9d: {  	v4 =	vperm.xlane v3, v0;
	_ =	sdelay $0x1  }
0x9e: {  	v3 =	vperm.xlane v3, v2;
	v4 =	vadd.s32 v1, v4;
	_ =	sdelay $0x1  }
0x9f: {  	v3 =	vadd.s32 v1, v3;
	_ =	sdelay $0x2  }
0xa0: {  	[tilespmem:s5], [sflag:$0x2] =	stream.indirect_vreg.gather [hbm4b:s4+s2], $0x80, v4, vm0, $0xb8;
	[tilespmem:$0x10100] =	vst v63  }
0xa1: {  	_ = 	snop  }
0xa2: {  	[tilespmem:s7], [sflag:$0x2] =	stream.indirect_vreg.gather [hbm4b:s4+s2], $0x80, v3, vm0, $0xb8;
	[tilespmem:$0x10100] =	vst v63  }
0xa3: {  	v3 =	vld [tilespmem:$0xB0];
	_ =	sdelay $0x4  }
0xa4: {  	v59 =	vshll.u32 v3, $0x1  }
0xa5: {  	v3 =	vand.u32 $0x7, v3;
	v4 =	vand.u32 $0xFFFFFFF0, v59  }
0xa6: {  	v3 =	vor.u32 v3, v4  }
0xa7: {  	v4 =	vperm.xlane v3, v0;
	_ =	sdelay $0x1  }
0xa8: {  	v3 =	vperm.xlane v3, v2;
	v4 =	vadd.s32 v1, v4;
	_ =	sdelay $0x1  }
0xa9: {  	v3 =	vadd.s32 v1, v3;
	_ =	sdelay $0x2  }
0xaa: {  	[tilespmem:s9], [sflag:$0x2] =	stream.indirect_vreg.gather [hbm4b:s4+s2], $0x80, v4, vm0, $0xb8;
	[tilespmem:$0x10100] =	vst v63  }
0xab: {  	_ = 	snop  }
0xac: {  	[tilespmem:s10], [sflag:$0x2] =	stream.indirect_vreg.gather [hbm4b:s4+s2], $0x80, v3, vm0, $0xb8;
	[tilespmem:$0x10100] =	vst v63  }
0xad: {  	v3 =	vld [tilespmem:$0xC0];
	_ =	sdelay $0x4  }
0xae: {  	v60 =	vshll.u32 v3, $0x1  }
0xaf: {  	v3 =	vand.u32 $0x7, v3;
	v4 =	vand.u32 $0xFFFFFFF0, v60  }
0xb0: {  	v3 =	vor.u32 v3, v4  }
0xb1: {  	v4 =	vperm.xlane v3, v0;
	_ =	sdelay $0x1  }
0xb2: {  	v3 =	vperm.xlane v3, v2;
	v4 =	vadd.s32 v1, v4;
	_ =	sdelay $0x1  }
0xb3: {  	v3 =	vadd.s32 v1, v3;
	_ =	sdelay $0x2  }
0xb4: {  	[tilespmem:s12], [sflag:$0x2] =	stream.indirect_vreg.gather [hbm4b:s4+s2], $0x80, v4, vm0, $0xb8;
	[tilespmem:$0x10100] =	vst v63  }
0xb5: {  	_ = 	snop  }
0xb6: {  	[tilespmem:s14], [sflag:$0x2] =	stream.indirect_vreg.gather [hbm4b:s4+s2], $0x80, v3, vm0, $0xb8;
	[tilespmem:$0x10100] =	vst v63  }
0xb7: {  	v3 =	vld [tilespmem:$0xD0];
	_ =	sdelay $0x4  }
0xb8: {  	v61 =	vshll.u32 v3, $0x1  }
0xb9: {  	v3 =	vand.u32 $0x7, v3;
	v4 =	vand.u32 $0xFFFFFFF0, v61  }
0xba: {  	v3 =	vor.u32 v3, v4  }
0xbb: {  	v4 =	vperm.xlane v3, v0;
	_ =	sdelay $0x1  }
0xbc: {  	v3 =	vperm.xlane v3, v2;
	v4 =	vadd.s32 v1, v4;
	_ =	sdelay $0x1  }
0xbd: {  	v3 =	vadd.s32 v1, v3;
	_ =	sdelay $0x2  }
0xbe: {  	[tilespmem:s15], [sflag:$0x2] =	stream.indirect_vreg.gather [hbm4b:s4+s2], $0x80, v4, vm0, $0xb8;
	[tilespmem:$0x10100] =	vst v63  }
0xbf: {  	_ = 	snop  }
0xc0: {  	[tilespmem:s16], [sflag:$0x2] =	stream.indirect_vreg.gather [hbm4b:s4+s2], $0x80, v3, vm0, $0xb8;
	[tilespmem:$0x10100] =	vst v63  }
0xc1: {  	v3 =	vld [tilespmem:$0xE0];
	_ =	sdelay $0x4  }
0xc2: {  	v62 =	vshll.u32 v3, $0x1  }
0xc3: {  	v3 =	vand.u32 $0x7, v3;
	v4 =	vand.u32 $0xFFFFFFF0, v62  }
0xc4: {  	v3 =	vor.u32 v3, v4  }
0xc5: {  	v4 =	vperm.xlane v3, v0;
	_ =	sdelay $0x1  }
0xc6: {  	v3 =	vperm.xlane v3, v2;
	v4 =	vadd.s32 v1, v4;
	_ =	sdelay $0x1  }
0xc7: {  	v3 =	vadd.s32 v1, v3;
	_ =	sdelay $0x2  }
0xc8: {  	[tilespmem:s17], [sflag:$0x2] =	stream.indirect_vreg.gather [hbm4b:s4+s2], $0x80, v4, vm0, $0xb8;
	[tilespmem:$0x10100] =	vst v63  }
0xc9: {  	_ = 	snop  }
0xca: {  	[tilespmem:s18], [sflag:$0x2] =	stream.indirect_vreg.gather [hbm4b:s4+s2], $0x80, v3, vm0, $0xb8;
	[tilespmem:$0x10100] =	vst v63  }
0xcb: {  	v3 =	vld [tilespmem:$0xF0];
	_ =	sdelay $0x4  }
0xcc: {  	v63 =	vshll.u32 v3, $0x1  }
0xcd: {  	v3 =	vand.u32 $0x7, v3;
	v4 =	vand.u32 $0xFFFFFFF0, v63  }
0xce: {  	v3 =	vor.u32 v3, v4  }
0xcf: {  	v4 =	vperm.xlane v3, v0;
	_ =	sdelay $0x1  }
0xd0: {  	v3 =	vperm.xlane v3, v2;
	v4 =	vadd.s32 v1, v4;
	_ =	sdelay $0x1  }
0xd1: {  	v3 =	vadd.s32 v1, v3;
	_ =	sdelay $0x2  }
0xd2: {  	[tilespmem:s19], [sflag:$0x2] =	stream.indirect_vreg.gather [hbm4b:s4+s2], $0x80, v4, vm0, $0xb8;
	[tilespmem:$0x10100] =	vst v63  }
0xd3: {  	_ = 	snop  }
0xd4: {  	[tilespmem:s20], [sflag:$0x2] =	stream.indirect_vreg.gather [hbm4b:s4+s2], $0x80, v3, vm0, $0xb8;
	[tilespmem:$0x10100] =	vst v63  }
0xd5: {  	_ =	swait.ge [sflag:s21], $0x8000  }
0xd6: {  	[sflag:s21] =	ssyncset.done $0x0  }
0xd7: {  	[sflag:s21] =	ssyncadd.s32 $0xFFFF8000  }
0xd8: {  	_ =	swait.ge [sflag:s22], $0x8000  }
0xd9: {  	[sflag:s22] =	ssyncset.done $0x0  }
0xda: {  	[sflag:s22] =	ssyncadd.s32 $0xFFFF8000  }
0xdb: {  	[hbm4b:s25+s2] =	stream.linear.scatter [tilespmem:s13], [sflag:$0x4], $0x8000, $0x38;
	[tilespmem:$0x10100] =	vst v63  }
0xdc: {  	_ =	swait.ge [sflag:s11], $0x8000  }
0xdd: {  	[sflag:s11] =	ssyncset.done $0x0  }
.Ltmp5:
0xde: {  	[sflag:s11] =	ssyncadd.s32 $0xFFFF8000;
	(pc) =	sbr.rel .LBB2_4-.Ltmp5, $4  }
0xdf: {  	[hbm4b:s26+s2] =	stream.linear.scatter [tilespmem:s30], [sflag:$0x3], $0x8000, $0x38;
	[tilespmem:$0x10100] =	vst v63  }
0xe0: {  	_ =	swait.ge [sflag:s23], $0x8000  }
0xe1: {  	[sflag:s23] =	ssyncset.done $0x0  }
0xe2: {  	[sflag:s23] =	ssyncadd.s32 $0xFFFF8000  }
.LBB2_6:
0xe3: {  	_ =	sfence.sel $0x180000  }
0xe4: {  	[bflag:$0x0] =	sbarrier.arrive $0xFFFF  }
0xe5: {  	_ =	strace $0x90000068  }
0xe6: {  	s0 =	stileid.u32;
	[bflag:$0x2] =	sbarrier.arrive $0xFFFF  }
0xe7: {  	p0 =	sne.s32 s0, $0x0;
	s0 =	rddreg [dreg:$0x1]  }
0xe8: {  	s0 =	sadd.s32 @!p0 $0x100000, s0  }
0xe9: {  	[sflag:s0] =	ssyncadd.tile.s32 @!p0 $0x1;
	_ =	shalt  }
.Lfunc_end2:
_tile_overlayer_lowered:
.L_overlay_start_2:
0xea: {  	(tag) =	ssettag $0x2  }
0xeb: {  	s0 =	rddreg [dreg:$0x0];
	s2 =	stileid.u32  }
0xec: {  	s1 =	rddreg [dreg:$0x1];
	p0 =	sne.s32 s2, $0x0  }
0xed: {  	s3 =	rddreg [dreg:$0x2];
	[bflag:$0x3] =	sbarrier.arrive $0xFFFF;
	s2 =	simm.s32 @!p0 $0x1C03  }
0xee: {  	[timem:s3], [sflag:s2] =	dma.local @!p0 [hbm:s0], s1  }
0xef: {  	s0 =	simm.s32 @!p0 $0x3  }
0xf0: {  	_ =	swait.ge @!p0 [sflag:s0], s1  }
0xf1: {  	s1 =	ssub.s32 @!p0 $0x0, s1;
	[sflag:s0] =	ssyncset.done @!p0 $0x0  }
0xf2: {  	[sflag:s0] =	ssyncadd.s32 @!p0 s1  }
0xf3: {  	[bflag:$0x3] =	sbarrier.arrive $0xFFFF  }
0xf4: {  	_ =	shalt  }

// kernel: kernel.66.cloned.1.call-start
scs
__scs_entry_jumppad:
0x0: {  	(pc) =	sbr.rel $0x88, $3  }
0x1: {  	(tag) =	ssettag $0x0;
	lr =	simm.s32 $0x1  }
0x2: {  	[smem:$0x3F90] =	sst lr;
	_ =	strace $0xD0000000  }
0x3: {  	_ = 	snop  }
0x4: {  	_ = 	snop  }
0x5: {  	_ = 	snop  }
0x6: {  	_ = 	snop  }
0x7: {  	_ = 	snop  }
__scs_overlays_trampoline_lowered:
0x8: {  	[smem:$0x3F9F] =	sst s0  }
0x9: {  	[smem:$0x3FA0] =	sst s1  }
0xa: {  	[smem:$0x3FA1] =	sst s2  }
0xb: {  	[smem:$0x3FA2] =	sst s3  }
0xc: {  	[smem:$0x3FA3] =	sst s4  }
0xd: {  	[smem:$0x3FA4] =	sst s5  }
0xe: {  	[smem:$0x3FA5] =	sst s6  }
0xf: {  	[smem:$0x3FA6] =	sst s7  }
0x10: {  	[smem:$0x3FA7] =	sst s8  }
0x11: {  	[smem:$0x3FA8] =	sst s9;
	s0 =	simm.s32 @!p0 $0x0  }
0x12: {  	s1 =	sld [smem:$0x3F8E];
	s0 =	simm.s32 @p0 $0x1  }
0x13: {  	[smem:$0x3FA9] =	sst s0;
	s0 =	simm.s32 @!p1 $0x0  }
0x14: {  	s2 =	sld [smem:$0x3F8D];
	s0 =	simm.s32 @p1 $0x1  }
0x15: {  	[smem:$0x3FAA] =	sst s0;
	s0 =	simm.s32 @!p2 $0x0  }
0x16: {  	s3 =	sld [smem:$0x3FDB];
	s0 =	simm.s32 @p2 $0x1  }
0x17: {  	s4 =	simm.s32 $0x1BF5;
	[smem:$0x3FAC] =	sst s0  }
0x18: {  	s0 =	sld [smem:$0x3F8F];
	_ =	swait.ge [sflag:s4], $0x0  }
0x19: {  	s7 =	sld [smem:$0x3F90]  }
0x1a: {  	s8 =	sadd.s32 $0xFFFFE003, lr  }
0x1b: {  	s9 =	sadd.s32 $0xFFFFFEF7, lr;
	s5 =	simm.s32 $0xFFFFFFFF;
	p2 =	slt.u32 s8, $0xFFFFF086  }
0x1c: {  	p1 =	slt.u32 s9, $0xF7A;
	s5 =	simm.s32 @!p2 $0x0  }
0x1d: {  	s5 =	simm.s32 @p1 $0x1;
	p0 =	seq.s32 s7, s2  }
0x1e: {  	s7 =	smul.u32 @!p0 $0xF7A, s2;
	p2 =	seq.s32 @!p0 s5, $0x0  }
0x1f: {  	s9 =	smul.u32 $0xF7A, s1;
	s8 =	simm.s32 @!p0 $0x1BF5;
	p2 =	por !p2, p0  }
0x20: {  	[sflag:s8] =	ssyncset.s32 @!p0 $0xFFFFF086;
	s6 =	sadd.s32 @!p0 s3, s7;
	s7 =	simm.s32 @!p0 $0x108  }
0x21: {  	s3 =	sadd.s32 s3, s9;
	s6 =	sadd.s32 @!p0 $0x88, s6;
	s7 =	simm.s32 @p2 $0x1082  }
0x22: {  	[simem:s7], [sflag:s8] =	dma.local @!p0 [hbm:s6], $0xF7A  }
0x23: {  	s9 =	sor.u32 $0xD0000000, s2;
	s6 =	simm.s32 $0x108;
	_ =	swait.ge @!p0 [sflag:s8], $0x0  }
0x24: {  	s3 =	sadd.s32 $0x88, s3;
	s6 =	simm.s32 @!p1 $0x1082;
	[sflag:s4] =	ssyncset.s32 $0xFFFFF086  }
0x25: {  	[simem:s6], [sflag:s4] =	dma.local [hbm:s3], $0xF7A  }
0x26: {  	[smem:$0x3F90] =	sst s1;
	(tag) =	ssettag s2;
	_ =	strace s9  }
0x27: {  	s1 =	sld [smem:$0x3FA0]  }
0x28: {  	s2 =	sld [smem:$0x3FA1]  }
0x29: {  	s4 =	sld [smem:$0x3FA3]  }
0x2a: {  	p0 =	seq.s32 s5, $0x0;
	s5 =	sld [smem:$0x3FA4]  }
0x2b: {  	s6 =	sld [smem:$0x3FA5]  }
0x2c: {  	s7 =	sld [smem:$0x3FA6]  }
0x2d: {  	s3 =	simm.s32 $0x108;
	s8 =	sld [smem:$0x3FA7]  }
0x2e: {  	s3 =	simm.s32 @!p0 $0x1082;
	s9 =	sld [smem:$0x3FA8]  }
0x2f: {  	lr =	sadd.s32 s0, s3;
	s0 =	sld [smem:$0x3F9F]  }
0x30: {  	s3 =	sld [smem:$0x3FA2]  }
0x31: {  	[smem:$0x3FAB] =	sst s10  }
0x32: {  	s10 =	sld [smem:$0x3FA9];
	_ =	sdelay $0x3  }
0x33: {  	p0 =	seq.s32 s10, $0x1;
	s10 =	sld [smem:$0x3FAB];
	_ =	sdelay $0x3  }
0x34: {  	[smem:$0x3FAB] =	sst s10  }
0x35: {  	s10 =	sld [smem:$0x3FAA];
	_ =	sdelay $0x3  }
0x36: {  	p1 =	seq.s32 s10, $0x1;
	s10 =	sld [smem:$0x3FAB];
	_ =	sdelay $0x3  }
0x37: {  	[smem:$0x3FAB] =	sst s10  }
0x38: {  	s10 =	sld [smem:$0x3FAC]  }
0x39: {  	_ = 	snop;
	(pc) =	sbr.ind lr, $3  }
0x3a: {  	_ = 	snop  }
0x3b: {  	_ = 	snop  }
0x3c: {  	p2 =	seq.s32 s10, $0x1;
	s10 =	sld [smem:$0x3FAB]  }
0x3d: {  	_ =	shalt  }
0x3e: {  	_ =	shalt  }
0x3f: {  	_ =	shalt  }
0x40: {  	_ =	shalt  }
0x41: {  	_ =	shalt  }
0x42: {  	_ =	shalt  }
0x43: {  	_ =	shalt  }
0x44: {  	_ =	shalt  }
0x45: {  	_ =	shalt  }
0x46: {  	_ =	shalt  }
0x47: {  	_ =	shalt  }
0x48: {  	_ =	shalt  }
0x49: {  	_ =	shalt  }
0x4a: {  	_ =	shalt  }
0x4b: {  	_ =	shalt  }
0x4c: {  	_ =	shalt  }
0x4d: {  	_ =	shalt  }
0x4e: {  	_ =	shalt  }
0x4f: {  	_ =	shalt  }
0x50: {  	_ =	shalt  }
0x51: {  	_ =	shalt  }
0x52: {  	_ =	shalt  }
0x53: {  	_ =	shalt  }
0x54: {  	_ =	shalt  }
0x55: {  	_ =	shalt  }
0x56: {  	_ =	shalt  }
0x57: {  	_ =	shalt  }
0x58: {  	_ =	shalt  }
0x59: {  	_ =	shalt  }
0x5a: {  	_ =	shalt  }
0x5b: {  	_ =	shalt  }
0x5c: {  	_ =	shalt  }
0x5d: {  	_ =	shalt  }
0x5e: {  	_ =	shalt  }
0x5f: {  	_ =	shalt  }
0x60: {  	_ =	shalt  }
0x61: {  	_ =	shalt  }
0x62: {  	_ =	shalt  }
0x63: {  	_ =	shalt  }
0x64: {  	_ =	shalt  }
0x65: {  	_ =	shalt  }
0x66: {  	_ =	shalt  }
0x67: {  	_ =	shalt  }
0x68: {  	_ =	shalt  }
0x69: {  	_ =	shalt  }
0x6a: {  	_ =	shalt  }
0x6b: {  	_ =	shalt  }
0x6c: {  	_ =	shalt  }
0x6d: {  	_ =	shalt  }
0x6e: {  	_ =	shalt  }
0x6f: {  	_ =	shalt  }
0x70: {  	_ =	shalt  }
0x71: {  	_ =	shalt  }
0x72: {  	_ =	shalt  }
0x73: {  	_ =	shalt  }
0x74: {  	_ =	shalt  }
0x75: {  	_ =	shalt  }
0x76: {  	_ =	shalt  }
0x77: {  	_ =	shalt  }
0x78: {  	_ =	shalt  }
0x79: {  	_ =	shalt  }
0x7a: {  	_ =	shalt  }
0x7b: {  	_ =	shalt  }
0x7c: {  	_ =	shalt  }
0x7d: {  	_ =	shalt  }
0x7e: {  	_ =	shalt  }
0x7f: {  	_ =	shalt  }
0x80: {  	_ =	shalt  }
0x81: {  	_ =	shalt  }
0x82: {  	_ =	shalt  }
0x83: {  	_ =	shalt  }
0x84: {  	_ =	shalt  }
0x85: {  	_ =	shalt  }
0x86: {  	_ =	shalt  }
0x87: {  	_ =	shalt  }
.Lfunc_end0:
.L_simem_size_0:
called_computation.12_lowered:
.L_overlay_start_0:
0x88: {  	s2 =	sld [smem:$0x3FD9]  }
0x89: {  	s3 =	sld [smem:$0x3FFE];
	_ =	sdelay $0x1  }
0x8a: {  	s1 =	srdreg.scid  }
0x8b: {  	s0 =	sand.u32 $0x1, s1  }
0x8c: {  	s16 =	sshll.u32 s0, $0xA;
	s2 =	sadd.s32 s3, s2  }
0x8d: {  	s2 =	sadd.s32 s2, s16  }
0x8e: {  	[smem:$0x3FB7] =	sst s2  }
0x8f: {  	_ = 	snop  }
0x90: {  	(tm) =	ssettm $0x1  }
0x91: {  	s17 =	sld [smem:$0x3FFB];
	_ =	sdelay $0x3  }
0x92: {  	_ =	strace s17  }
0x93: {  	s2 =	sld [smem:$0x3FFC];
	_ =	sdelay $0x3  }
0x94: {  	_ =	strace s2  }
0x95: {  	s2 =	sld [smem:$0x3FFD];
	_ =	sdelay $0x3  }
0x96: {  	_ =	strace s2  }
0x97: {  	_ =	strace $0x8FFFFFFF  }
0x98: {  	s18 =	sld [smem:$0x3FDB];
	_ =	sdelay $0x1  }
0x99: {  	s19 =	simm.s32 $_scs_section_size  }
0x9a: {  	s4 =	simm.s32 $_size__tile_overlayer_lowered;
	s5 =	simm.s32 $_tile_overlayer_lowered  }
0x9b: {  	s22 =	simm.s32 $0x1BFF;
	s21 =	sshll.u32 s5, $0x1;
	s2 =	sadd.s32 s19, s18  }
0x9c: {  	s6 =	simm.s32 $0x0;
	s20 =	sshll.u32 s4, $0x1;
	s4 =	sadd.s32 s21, s2  }
0x9d: {  	[timem:s6], [sflag:s22] =	dma.local [hbm:s4], s20  }
0x9e: {  	_ =	swait.ge [sflag:s22], s20  }
0x9f: {  	s3 =	ssub.s32 $0x0, s20;
	[sflag:s22] =	ssyncset.done $0x0  }
0xa0: {  	[sflag:s22] =	ssyncadd.s32 s3;
	_ =	sdelay $0x1  }
0xa1: {  	s23 =	simm.s32 $0x1B8B  }
0xa2: {  	_ =	swait.ge [sflag:s23], $0x1  }
0xa3: {  	[sflag:s23] =	ssyncset.done $0x0  }
0xa4: {  	s25 =	simm.s32 $0x1B8E;
	s24 =	sld [smem:$0x3FFE];
	[sflag:s23] =	ssyncadd.s32 $0xFFFFFFFF  }
0xa5: {  	s26 =	simm.s32 $execute0_lowered;
	[smem:$0x3FD2] =	sst s25  }
0xa6: {  	s4 =	sshll.u32 s26, $0x1;
	_ =	strace $0x8000006A;
	[dreg:$0x1] =	wrdreg $0xFFFFFFFF  }
0xa7: {  	s28 =	simm.s32 $_size_execute0_lowered;
	s2 =	sadd.s32 s2, s4;
	[dreg:$0x0] =	wrdreg $0x0  }
0xa8: {  	s4 =	sshll.u32 s28, $0x1;
	[dreg:$0x2] =	wrdreg s2  }
0xa9: {  	[dreg:$0x3] =	wrdreg s4  }
0xaa: {  	[dreg:$0x4] =	wrdreg $0xC0  }
0xab: {  	_ =	task [dreg:s6], $0x5FFFF  }
0xac: {  	[dreg:$0x1] =	wrdreg $0xFFFFFFFF  }
0xad: {  	[dreg:$0x0] =	wrdreg $0x60  }
0xae: {  	[dreg:$0x2] =	wrdreg s24  }
0xaf: {  	[dreg:$0x3] =	wrdreg $0x8800  }
0xb0: {  	[dreg:$0x4] =	wrdreg $0x9  }
0xb1: {  	_ =	task.clear_ibuf [dreg:s6], $0x5FFFF;
	_ =	strace $0x9000006A  }
0xb2: {  	s29 =	simm.s32 $0x9;
	_ =	strace $0x8000006C  }
0xb3: {  	_ =	swait.ge [sflag:s29], $0x1  }
0xb4: {  	[sflag:s29] =	ssyncadd.s32 $0xFFFFFFFF  }
0xb5: {  	_ =	strace $0x9000006C  }
0xb6: {  	_ =	sfence  }
0xb7: {  	s30 =	sld [smem:$0x0];
	_ =	sdelay $0x2  }
0xb8: {  	s31 =	sshll.u32 s1, $0xD;
	s1 =	sshrl.u32 s1, $0x2  }
0xb9: {  	s3 =	sand.u32 $0x4000, s31;
	s1 =	sadd.s32 s1, s30  }
0xba: {  	s0 =	sor.u32 s3, s0;
	s1 =	sshll.u32 s1, $0x11  }
0xbb: {  	s0 =	sor.u32 s1, s0  }
0xbc: {  	s0 =	sadd.s32 $0x8F2B, s0  }
0xbd: {  	[sflag:s0] =	ssyncadd.remote.s32 $0x1  }
0xbe: {  	_ =	sfence.sel $0xFFFF  }
0xbf: {  	[dreg:$0x0] =	wrdreg $0xFFFFFFFF;
	(pc) =	sbr.abs _section_cstart, $3  }
0xc0: {  	[dreg:$0x1] =	wrdreg $0xFFFFFFFF  }
0xc1: {  	_ =	task.clear_ibuf [dreg:s6], $0x2FFFF;
	_ =	strace $0x9FFFFFFF  }
0xc2: {  	(tm) =	ssettm $0x7FFFFFFF  }
0xc3: {  	_ =	shalt  }
tec
execute0_lowered:
.L_overlay_start_1:
0x0: {  	(tag) =	ssettag $0x1  }
0x1: {  	s4 =	rddreg [dreg:$0x0]  }
0x2: {  	s1 =	rddreg [dreg:$0x1]  }
0x3: {  	s0 =	rddreg [dreg:$0x2]  }
0x4: {  	s2 =	simm.s32 $0x0;
	s7 =	stileid.u32;
	s3 =	srdreg.scid  }
0x5: {  	[smem:$0x7FF] =	sst s2;
	s5 =	sshll.u32 s7, $0x9;
	s8 =	sand.u32 $0x1, s3  }
0x6: {  	s3 =	sadd.s32 $0x288600, s4;
	s6 =	sshll.u32 s7, $0x5;
	p0 =	sne.s32 s7, $0x0  }
0x7: {  	_ =	strace $0x8000006B;
	s9 =	sadd.s32 s5, s4;
	s28 =	smul.u32 $0x5000, s8  }
0x8: {  	s10 =	ssub.s32 $0x2, s8;
	s11 =	sadd.s32 s6, s4;
	s31 =	sshll.u32 s8, $0x8  }
0x9: {  	s8 =	sshll.u32 s8, $0x4;
	s29 =	sshrl.u32 s10, $0x1;
	s9 =	sadd.s32 s31, s9  }
0xa: {  	s8 =	sadd.s32 s8, s11;
	s5 =	sadd.s32 s28, s4;
	s30 =	ssub.s32 s10, s29  }
0xb: {  	s4 =	sshll.u32 s7, $0x1;
	s7 =	sadd.s32 $0x38D800, s9;
	s8 =	sadd.s32 $0x283600, s8  }
0xc: {  	s9 =	sshrl.u32 @!p0 s1, $0x3;
	s5 =	sadd.s32 $0x28D600, s5;
	s6 =	smax.u32 s30, $0x1  }
.LBB2_1:
0xd: {  	s10 =	simm.s32 @!p0 $0x1C01  }
0xe: {  	[spmem:s9], [sflag:s10] =	dma.local @!p0 [hbm:s3], $0x5000  }
0xf: {  	s10 =	simm.s32 @!p0 $0x1  }
0x10: {  	_ =	swait.ge @!p0 [sflag:s10], $0x5000  }
0x11: {  	s11 =	sadd.s32 $0x0, s4;
	[sflag:s10] =	ssyncset.done @!p0 $0x0  }
0x12: {  	p1 =	sgt.u32 s11, $0x4E1;
	[sflag:s10] =	ssyncadd.s32 @!p0 $0xFFFFB000  }
0x13: {  	s12 =	simm.s32 @!p1 $0x2;
	s10 =	simm.s32 @!p1 $0x0;
	[bflag:$0x0] =	sbarrier.arrive $0xFFFF  }
0x14: {  	[tilespmem:s10], [sflag:$0x2] =	stream.linear.gather @!p1 [hbm4b:s8+s10], $0x80, $0x38;
	[tilespmem:$0x3080] =	vst v63  }
0x15: {  	_ =	swait.ge @!p1 [sflag:s12], $0x80  }
0x16: {  	[sflag:s12] =	ssyncset.done @!p1 $0x0;
	p1 =	por p1, p1  }
0x17: {  	[sflag:s12] =	ssyncadd.s32 @!p1 $0xFFFFFF80;
	s14 =	simm.s32 @!p1 $0x80  }
0x18: {  	[tilespmem:s14], [sflag:$0x2] =	stream.linear.gather @!p1 [hbm4b:s7+s10], $0x800, $0x38;
	[tilespmem:$0x3080] =	vst v63  }
0x19: {  	_ =	swait.ge @!p1 [sflag:s12], $0x800  }
0x1a: {  	[sflag:s12] =	ssyncset.done @!p1 $0x0  }
0x1b: {  	s31 =	sadd.s32 $0x20, s4;
	s13 =	simm.s32 @!p1 $0x1;
	[sflag:s12] =	ssyncadd.s32 @!p1 $0xFFFFF800  }
0x1c: {  	[spmem:s1] =	stream.indirect.scatter.add.f32 @!p1 [tilespmem:s14], [sflag:$0x1], $0x10, s10, s14, $0xb8;
	[tilespmem:$0x3080] =	vst v63  }
0x1d: {  	s11 =	simm.s32 $0x40;
	p2 =	sgt.u32 s31, $0x4E1;
	_ =	swait.ge @!p1 [sflag:s13], $0x800  }
0x1e: {  	s12 =	sadd.s32 $0x200, s8;
	s10 =	sadd.s32 $0x2000, s7;
	[sflag:s13] =	ssyncset.done @!p1 $0x0  }
.LBB2_2:
0x1f: {  	s14 =	simm.s32 @!p2 $0x0;
	s15 =	simm.s32 @!p2 $0x2;
	[sflag:s13] =	ssyncadd.s32 @!p1 $0xFFFFF800  }
0x20: {  	[tilespmem:s14], [sflag:$0x2] =	stream.linear.gather @!p2 [hbm4b:s12+s14], $0x80, $0x38;
	[tilespmem:$0x3080] =	vst v63  }
0x21: {  	s16 =	smov.u32 s11;
	s11 =	sadd.s32 $0x20, s11;
	_ =	swait.ge @!p2 [sflag:s15], $0x80  }
0x22: {  	p1 =	por p2, p2;
	p3 =	sne.s32 s11, $0x500;
	[sflag:s15] =	ssyncset.done @!p2 $0x0  }
0x23: {  	s17 =	simm.s32 @!p1 $0x80;
	[sflag:s15] =	ssyncadd.s32 @!p1 $0xFFFFFF80  }
0x24: {  	[tilespmem:s17], [sflag:$0x2] =	stream.linear.gather @!p1 [hbm4b:s10+s14], $0x800, $0x38;
	[tilespmem:$0x3080] =	vst v63  }
0x25: {  	_ =	swait.ge @!p1 [sflag:s15], $0x800  }
.Ltmp0:
0x26: {  	[sflag:s15] =	ssyncset.done @!p1 $0x0;
	(pc) =	sbr.rel @p3 .LBB2_2-.Ltmp0, $4  }
0x27: {  	s13 =	simm.s32 @!p1 $0x1;
	[sflag:s15] =	ssyncadd.s32 @!p1 $0xFFFFF800  }
0x28: {  	[spmem:s1] =	stream.indirect.scatter.add.f32 @!p1 [tilespmem:s17], [sflag:$0x1], $0x10, s14, s17, $0xb8;
	[tilespmem:$0x3080] =	vst v63  }
0x29: {  	s12 =	sadd.s32 $0x200, s12;
	s14 =	sadd.s32 s16, s4;
	_ =	swait.ge @!p1 [sflag:s13], $0x800  }
0x2a: {  	s10 =	sadd.s32 $0x2000, s10;
	p2 =	sgt.u32 s14, $0x4E1;
	[sflag:s13] =	ssyncset.done @!p1 $0x0  }
0x2b: {  	s11 =	simm.s32 @!p2 $0x0;
	s14 =	simm.s32 @!p2 $0x2;
	[sflag:s13] =	ssyncadd.s32 @!p1 $0xFFFFF800  }
0x2c: {  	[tilespmem:s11], [sflag:$0x2] =	stream.linear.gather @!p2 [hbm4b:s12+s11], $0x80, $0x38;
	[tilespmem:$0x3080] =	vst v63  }
0x2d: {  	_ =	swait.ge @!p2 [sflag:s14], $0x80  }
0x2e: {  	p1 =	por p2, p2;
	[sflag:s14] =	ssyncset.done @!p2 $0x0  }
0x2f: {  	s12 =	simm.s32 @!p1 $0x80;
	[sflag:s14] =	ssyncadd.s32 @!p1 $0xFFFFFF80  }
0x30: {  	[tilespmem:s12], [sflag:$0x2] =	stream.linear.gather @!p1 [hbm4b:s10+s11], $0x800, $0x38;
	[tilespmem:$0x3080] =	vst v63  }
0x31: {  	_ =	swait.ge @!p1 [sflag:s14], $0x800  }
0x32: {  	[sflag:s14] =	ssyncset.done @!p1 $0x0  }
0x33: {  	s10 =	simm.s32 @!p1 $0x1;
	[sflag:s14] =	ssyncadd.s32 @!p1 $0xFFFFF800  }
0x34: {  	[spmem:s1] =	stream.indirect.scatter.add.f32 @!p1 [tilespmem:s12], [sflag:$0x1], $0x10, s11, s12, $0xb8;
	[tilespmem:$0x3080] =	vst v63  }
0x35: {  	_ =	swait.ge @!p1 [sflag:s10], $0x800  }
0x36: {  	[sflag:s10] =	ssyncset.done @!p1 $0x0  }
0x37: {  	s2 =	sadd.s32 $0x1, s2;
	[sflag:s10] =	ssyncadd.s32 @!p1 $0xFFFFF800  }
0x38: {  	s10 =	simm.s32 @!p0 $0x1C01;
	p1 =	sne.s32 s2, s6;
	[bflag:$0x0] =	sbarrier.arrive $0xFFFF  }
0x39: {  	[hbm:s5], [sflag:s10] =	dma.local @!p0 [spmem:s9], $0x5000  }
.Ltmp1:
0x3a: {  	_ = 	snop;
	(pc) =	sbr.rel @p1 .LBB2_1-.Ltmp1, $4  }
0x3b: {  	s10 =	simm.s32 @!p0 $0x1  }
0x3c: {  	_ =	swait.ge @!p0 [sflag:s10], $0x5000  }
0x3d: {  	[sflag:s10] =	ssyncset.done @!p0 $0x0  }
0x3e: {  	[sflag:s10] =	ssyncadd.s32 @!p0 $0xFFFFB000  }
0x3f: {  	_ =	sfence.sel $0x180000  }
0x40: {  	[bflag:$0x0] =	sbarrier.arrive $0xFFFF  }
0x41: {  	_ =	strace $0x9000006B  }
0x42: {  	s0 =	sadd.s32 @!p0 $0x100000, s0;
	[bflag:$0x2] =	sbarrier.arrive $0xFFFF  }
0x43: {  	[sflag:s0] =	ssyncadd.tile.s32 @!p0 $0x1;
	_ =	shalt  }
.Lfunc_end2:
_tile_overlayer_lowered:
.L_overlay_start_2:
0x44: {  	(tag) =	ssettag $0x2  }
0x45: {  	s0 =	rddreg [dreg:$0x0];
	s2 =	stileid.u32  }
0x46: {  	s1 =	rddreg [dreg:$0x1];
	p0 =	sne.s32 s2, $0x0  }
0x47: {  	s3 =	rddreg [dreg:$0x2];
	[bflag:$0x3] =	sbarrier.arrive $0xFFFF;
	s2 =	simm.s32 @!p0 $0x1C01  }
0x48: {  	[timem:s3], [sflag:s2] =	dma.local @!p0 [hbm:s0], s1  }
0x49: {  	s0 =	simm.s32 @!p0 $0x1  }
0x4a: {  	_ =	swait.ge @!p0 [sflag:s0], s1  }
0x4b: {  	s1 =	ssub.s32 @!p0 $0x0, s1;
	[sflag:s0] =	ssyncset.done @!p0 $0x0  }
0x4c: {  	[sflag:s0] =	ssyncadd.s32 @!p0 s1  }
0x4d: {  	[bflag:$0x3] =	sbarrier.arrive $0xFFFF  }
0x4e: {  	_ =	shalt  }

</sc_bundles>
